<compile_context>
chip_gen: v7x
topology: tpu7x:2x2x1
jax: 0.10.2.dev20260603
libtpu: 0.0.44.dev20260713+nightly
codegen_flags: <defaults>
</compile_context>

<pallas_src>
import functools

import jax
import jax.numpy as jnp
from jax import lax
from jax.experimental import pallas as pl
from jax.experimental.pallas import tpu as pltpu
from jax.experimental.pallas import tpu_sc as plsc

N = 10000
D = 128
E = 320000
NP = 10240
EP = 323584
CH = 4096
CPB = 4
PW = EP // 32

_f32 = jnp.float32
_mesh = plsc.VectorSubcoreMesh(core_axis_name="c", subcore_axis_name="s")
_ncl = pltpu.CompilerParams(needs_layout_passes=False)


def _worker_id():
    return lax.axis_index("c") * 16 + lax.axis_index("s")


@functools.partial(
    pl.kernel,
    out_type=jax.ShapeDtypeStruct((32, NP), _f32),
    mesh=_mesh,
    compiler_params=_ncl,
    scratch_types=[
        pltpu.VMEM((PW,), jnp.int32),
        pltpu.VMEM((NP,), _f32),
    ],
)
def _sc_deg(dst_hbm, out_hbm, didx_v, hist_v):
    wid = _worker_id()
    zero16 = jnp.zeros((16,), _f32)
    one16 = jnp.full((16,), 1.0, _f32)

    def zbody(i, _):
        hist_v[pl.ds(i * 16, 16)] = zero16
        return 0

    lax.fori_loop(0, NP // 16, zbody, 0)
    pltpu.sync_copy(dst_hbm.at[pl.ds(wid * PW, PW)], didx_v)

    def gbody(g, _):
        d16 = didx_v[pl.ds(g * 16, 16)]
        plsc.addupdate_scatter(hist_v, [d16], one16)
        return 0

    lax.fori_loop(0, PW // 16, gbody, 0)
    pltpu.sync_copy(hist_v, out_hbm.at[wid])


@functools.partial(
    pl.kernel,
    out_type=jax.ShapeDtypeStruct((32, NP), _f32),
    mesh=_mesh,
    compiler_params=_ncl,
    scratch_types=[
        pltpu.VMEM((PW,), jnp.int32),
        pltpu.VMEM((PW,), _f32),
        pltpu.VMEM((NP,), _f32),
    ],
)
def _sc_denom(ex_hbm, dst_hbm, out_hbm, didx_v, exs_v, hist_v):
    wid = _worker_id()
    zero16 = jnp.zeros((16,), _f32)

    def zbody(i, _):
        hist_v[pl.ds(i * 16, 16)] = zero16
        return 0

    lax.fori_loop(0, NP // 16, zbody, 0)
    pltpu.sync_copy(dst_hbm.at[pl.ds(wid * PW, PW)], didx_v)
    pltpu.sync_copy(ex_hbm.at[pl.ds(wid * PW, PW)], exs_v)

    def gbody(g, _):
        d16 = didx_v[pl.ds(g * 16, 16)]
        ex16 = exs_v[pl.ds(g * 16, 16)]
        plsc.addupdate_scatter(hist_v, [d16], ex16)
        return 0

    lax.fori_loop(0, PW // 16, gbody, 0)
    pltpu.sync_copy(hist_v, out_hbm.at[wid])


@functools.partial(
    pl.kernel,
    out_type=jax.ShapeDtypeStruct((D, NP), _f32),
    mesh=_mesh,
    compiler_params=_ncl,
    scratch_types=[
        pltpu.VMEM((CH,), jnp.int32),
        pltpu.VMEM((CH,), jnp.int32),
        pltpu.VMEM((CPB, NP), _f32),
        pltpu.VMEM((CPB, NP), _f32),
        pltpu.SemaphoreType.DMA,
    ],
)
def _sc_segsum(gT_hbm, src_hbm, dst_hbm, out_hbm, sidx_v, didx_v, tab_v,
               acc_v, sem):
    wid = _worker_id()
    zero16 = jnp.zeros((16,), _f32)
    pltpu.async_copy(gT_hbm.at[pl.ds(wid * CPB, CPB)], acc_v, sem).wait()

    def lbody(i, _):
        sl = pl.ds(i * 16, 16)
        for k in range(CPB):
            tab_v[k, sl] = acc_v[k, sl]
            acc_v[k, sl] = zero16
        return 0

    lax.fori_loop(0, NP // 16, lbody, 0)
    kidx = [jnp.full((16,), k, jnp.int32) for k in range(CPB)]

    def obody(o, _):
        base = o * CH
        pltpu.sync_copy(src_hbm.at[pl.ds(base, CH)], sidx_v)
        pltpu.sync_copy(dst_hbm.at[pl.ds(base, CH)], didx_v)

        @plsc.parallel_loop(0, CH // 16, unroll=8)
        def gbody(g):
            s16 = sidx_v[pl.ds(g * 16, 16)]
            d16 = didx_v[pl.ds(g * 16, 16)]
            for k in range(CPB):
                v = plsc.load_gather(tab_v, [kidx[k], s16])
                plsc.addupdate_scatter(acc_v, [kidx[k], d16], v)
        return 0

    lax.fori_loop(0, EP // CH, obody, 0)
    pltpu.sync_copy(acc_v, out_hbm.at[pl.ds(wid * CPB, CPB)])


@functools.partial(
    pl.kernel,
    out_type=jax.ShapeDtypeStruct((D, NP), _f32),
    mesh=_mesh,
    compiler_params=_ncl,
    scratch_types=[
        pltpu.VMEM((CH,), jnp.int32),
        pltpu.VMEM((CH,), jnp.int32),
        pltpu.VMEM((CH,), _f32),
        pltpu.VMEM((CPB, NP), _f32),
        pltpu.VMEM((CPB, NP), _f32),
        pltpu.SemaphoreType.DMA,
    ],
)
def _sc_aggregate(fsT_hbm, ex_hbm, src_hbm, dst_hbm, out_hbm, sidx_v, didx_v,
                  exs_v, tab_v, acc_v, sem):
    wid = _worker_id()
    zero16 = jnp.zeros((16,), _f32)
    pltpu.async_copy(fsT_hbm.at[pl.ds(wid * CPB, CPB)], acc_v, sem).wait()

    def lbody(i, _):
        sl = pl.ds(i * 16, 16)
        for k in range(CPB):
            tab_v[k, sl] = acc_v[k, sl]
            acc_v[k, sl] = zero16
        return 0

    lax.fori_loop(0, NP // 16, lbody, 0)
    kidx = [jnp.full((16,), k, jnp.int32) for k in range(CPB)]

    def obody(o, _):
        base = o * CH
        pltpu.sync_copy(src_hbm.at[pl.ds(base, CH)], sidx_v)
        pltpu.sync_copy(dst_hbm.at[pl.ds(base, CH)], didx_v)
        pltpu.sync_copy(ex_hbm.at[pl.ds(base, CH)], exs_v)

        @plsc.parallel_loop(0, CH // 16, unroll=8)
        def gbody(g):
            s16 = sidx_v[pl.ds(g * 16, 16)]
            d16 = didx_v[pl.ds(g * 16, 16)]
            ex16 = exs_v[pl.ds(g * 16, 16)]
            for k in range(CPB):
                v = plsc.load_gather(tab_v, [kidx[k], s16]) * ex16
                plsc.addupdate_scatter(acc_v, [kidx[k], d16], v)
        return 0

    lax.fori_loop(0, EP // CH, obody, 0)
    pltpu.sync_copy(acc_v, out_hbm.at[pl.ds(wid * CPB, CPB)])


ECH = 128
EOUT = 256


@functools.partial(
    pl.kernel,
    out_type=jax.ShapeDtypeStruct((EP, D), _f32),
    mesh=_mesh,
    scratch_types=[
        pltpu.VMEM((ECH,), jnp.int32),
        pltpu.VMEM((ECH,), jnp.int32),
        pltpu.VMEM((ECH, D), _f32),
        pltpu.VMEM((ECH, D), _f32),
        pltpu.VMEM((D,), _f32),
        pltpu.SemaphoreType.DMA,
        pltpu.SemaphoreType.DMA,
    ],
)
def _sc_edge_w(fs_hbm, fd_hbm, src_hbm, dst_hbm, attn_hbm, w_hbm,
               sidx_v, didx_v, fsr_v, fdr_v, attn_v, sem1, sem2):
    wid = _worker_id()
    pltpu.sync_copy(attn_hbm, attn_v)
    a1 = [attn_v[pl.ds(t * 16, 16)] * 0.6 for t in range(D // 16)]
    a2 = [attn_v[pl.ds(t * 16, 16)] * 0.4 for t in range(D // 16)]

    def body(i, _):
        base = wid * PW + i * ECH
        pltpu.sync_copy(src_hbm.at[pl.ds(base, ECH)], sidx_v)
        pltpu.sync_copy(dst_hbm.at[pl.ds(base, ECH)], didx_v)
        cp1 = pltpu.async_copy(fs_hbm.at[sidx_v], fsr_v, sem1)
        cp2 = pltpu.async_copy(fd_hbm.at[didx_v], fdr_v, sem2)
        cp1.wait()
        cp2.wait()

        @plsc.parallel_loop(0, ECH, unroll=2)
        def ebody(j):
            for t in range(D // 16):
                sl = pl.ds(t * 16, 16)
                zz = fsr_v[j, sl] + fdr_v[j, sl]
                fsr_v[j, sl] = zz * a1[t] + jnp.abs(zz) * a2[t]
        pltpu.sync_copy(fsr_v, w_hbm.at[pl.ds(base, ECH)])
        return 0

    lax.fori_loop(0, PW // ECH, body, 0)


_R = 512
_GRID = NP // _R


def _dis_of(deg_ref):
    deg = jnp.sum(deg_ref[...], axis=0)[:, None]
    return lax.rsqrt(jnp.maximum(deg, 1.0))


def _leaky(x, slope):
    return jnp.where(x >= 0, x, slope * x)


def _tc_scale_body(deg_ref, f_ref, o_ref):
    o_ref[...] = (f_ref[...] * _dis_of(deg_ref)).T


def _tc_x1_body(rec_ref, s_ref, f_ref, deg_ref, x1_ref, g_ref):
    re = rec_ref[0, 0]
    dis = _dis_of(deg_ref)
    htil = s_ref[...].T * dis
    x1 = htil * (-re) + f_ref[...] * (re - 1.0)
    x1_ref[...] = x1
    g_ref[...] = (x1 * dis).T


def _cheb_h(rec_ref, s_ref, x1_ref, f_ref, deg_ref, wc_ref, bc_ref):
    re = rec_ref[0, 0]
    dis = _dis_of(deg_ref)
    htil = s_ref[...].T * dis
    x1 = x1_ref[...]
    f = f_ref[...]
    x2 = htil * (-2.0 * re) + x1 * (2.0 * re - 1.0) - f
    xt = jnp.concatenate([f, x1, x2], axis=1)
    hh = jnp.dot(xt, wc_ref[...], preferred_element_type=_f32) + bc_ref[...]
    return _leaky(hh, 0.01), dis


def _tc_cheb_body(rec_ref, s_ref, x1_ref, f_ref, deg_ref, wc_ref, bc_ref,
                  h_ref, g_ref):
    h, dis = _cheb_h(rec_ref, s_ref, x1_ref, f_ref, deg_ref, wc_ref, bc_ref)
    h_ref[...] = h
    g_ref[...] = (h * dis).T


def _tc_gat_body(rec_ref, s_ref, x1_ref, f_ref, deg_ref, wc_ref, bc_ref,
                 ws_ref, bs_ref, wd_ref, bd_ref, fs_ref, fd_ref, fst_ref):
    h, _ = _cheb_h(rec_ref, s_ref, x1_ref, f_ref, deg_ref, wc_ref, bc_ref)
    fs = jnp.dot(h, ws_ref[...], preferred_element_type=_f32) + bs_ref[...]
    fs_ref[...] = fs
    fd_ref[...] = jnp.dot(h, wd_ref[...], preferred_element_type=_f32) + bd_ref[...]
    fst_ref[...] = fs.T


def _tc_exb_body(w_ref, o_ref):
    e = jnp.sum(w_ref[...], axis=1)
    o_ref[...] = jnp.exp(e).reshape(o_ref.shape)


def _tc_out_body(ft_ref, dn_ref, o_ref):
    v = ft_ref[...].T
    den = jnp.sum(dn_ref[...], axis=0)[:, None]
    invd = jnp.where(den > 0.0, 1.0 / den, 0.0)
    o_ref[...] = _leaky(v * invd, 0.01)


def _bs_rows(width):
    return pl.BlockSpec((_R, width), lambda i: (i, 0))


_bs_T = pl.BlockSpec((D, _R), lambda i: (0, i))
_bs_deg = pl.BlockSpec((32, _R), lambda i: (0, i))
_bs_smem = pl.BlockSpec(memory_space=pltpu.MemorySpace.SMEM)


def _bs_full(shape):
    nd = len(shape)
    return pl.BlockSpec(shape, lambda i, _nd=nd: (0,) * nd)


def _tc_scale(deg, f):
    return pl.pallas_call(
        _tc_scale_body,
        grid=(_GRID,),
        in_specs=[_bs_deg, _bs_rows(D)],
        out_specs=_bs_T,
        out_shape=jax.ShapeDtypeStruct((D, NP), _f32),
    )(deg, f)


def _tc_x1(rec, sT, f, deg):
    return pl.pallas_call(
        _tc_x1_body,
        grid=(_GRID,),
        in_specs=[_bs_smem, _bs_T, _bs_rows(D), _bs_deg],
        out_specs=[_bs_rows(D), _bs_T],
        out_shape=[jax.ShapeDtypeStruct((NP, D), _f32),
                   jax.ShapeDtypeStruct((D, NP), _f32)],
    )(rec, sT, f, deg)


def _tc_cheb(rec, sT, x1, f, deg, wc, bc):
    return pl.pallas_call(
        _tc_cheb_body,
        grid=(_GRID,),
        in_specs=[_bs_smem, _bs_T, _bs_rows(D), _bs_rows(D), _bs_deg,
                  _bs_full((3 * D, D)), _bs_full((1, D))],
        out_specs=[_bs_rows(D), _bs_T],
        out_shape=[jax.ShapeDtypeStruct((NP, D), _f32),
                   jax.ShapeDtypeStruct((D, NP), _f32)],
    )(rec, sT, x1, f, deg, wc, bc)


def _tc_gat(rec, sT, x1, f, deg, wc, bc, ws, bs, wd, bd):
    return pl.pallas_call(
        _tc_gat_body,
        grid=(_GRID,),
        in_specs=[_bs_smem, _bs_T, _bs_rows(D), _bs_rows(D), _bs_deg,
                  _bs_full((3 * D, D)), _bs_full((1, D)),
                  _bs_full((D, D)), _bs_full((1, D)),
                  _bs_full((D, D)), _bs_full((1, D))],
        out_specs=[_bs_rows(D), _bs_rows(D), _bs_T],
        out_shape=[jax.ShapeDtypeStruct((NP, D), _f32),
                   jax.ShapeDtypeStruct((NP, D), _f32),
                   jax.ShapeDtypeStruct((D, NP), _f32)],
    )(rec, sT, x1, f, deg, wc, bc, ws, bs, wd, bd)


_RE = 2048


def _tc_exb(w):
    return pl.pallas_call(
        _tc_exb_body,
        grid=(EP // _RE,),
        in_specs=[pl.BlockSpec((_RE, D), lambda i: (i, 0))],
        out_specs=pl.BlockSpec((_RE // 128, 128), lambda i: (i, 0)),
        out_shape=jax.ShapeDtypeStruct((EP // 128, 128), _f32),
    )(w)


def _tc_out(ftT, dn):
    return pl.pallas_call(
        _tc_out_body,
        grid=(_GRID,),
        in_specs=[_bs_T, _bs_deg],
        out_specs=_bs_rows(D),
        out_shape=jax.ShapeDtypeStruct((NP, D), _f32),
    )(ftT, dn)


def kernel(embedding, laplacian_lambda_max, edge_index, W_cheb, b_cheb,
           W_src, b_src, W_dst, b_dst, attn):
    src = edge_index[0]
    dst = edge_index[1]
    pad = jnp.full((EP - E,), N, jnp.int32)
    srcp = jnp.concatenate([src, pad])
    dstp = jnp.concatenate([dst, pad])
    embp = jnp.pad(embedding, ((0, NP - N), (0, 0)))
    rec = jnp.reshape(2.0 / laplacian_lambda_max[0], (1, 1))
    bc = jnp.reshape(b_cheb, (1, D))
    bs = jnp.reshape(b_src, (1, D))
    bd = jnp.reshape(b_dst, (1, D))
    attn_flat = jnp.reshape(attn, (D,))

    deg = _sc_deg(dstp)
    g0T = _tc_scale(deg, embp)
    s0T = _sc_segsum(g0T, srcp, dstp)
    x1, g1T = _tc_x1(rec, s0T, embp, deg)
    s1T = _sc_segsum(g1T, srcp, dstp)
    h1, g0bT = _tc_cheb(rec, s1T, x1, embp, deg, W_cheb, bc)
    s0bT = _sc_segsum(g0bT, srcp, dstp)
    x1b, g1bT = _tc_x1(rec, s0bT, h1, deg)
    s1bT = _sc_segsum(g1bT, srcp, dstp)
    fs, fd, fsT = _tc_gat(rec, s1bT, x1b, h1, deg, W_cheb, bc,
                          W_src, bs, W_dst, bd)
    w = _sc_edge_w(fs, fd, srcp, dstp, attn_flat)
    ex = jnp.reshape(_tc_exb(w), (EP,))
    ftT = _sc_aggregate(fsT, ex, srcp, dstp)
    dn = _sc_denom(ex, dstp)
    rst = _tc_out(ftT, dn)
    return rst[:N]

# --- scband reference (transcript-rebuilt; emitter-appended) ---
"""Pipeline reference for scband-spectral-attention-layer-9216999817728 (READ-ONLY COPY).

The authoritative reference and input builder live on the scoring server;
editing this copy changes nothing except your own understanding.
"""

import jax, jax.numpy as jnp
import numpy as np

N = 10000
E = 320000
D = 128
K = 3
H = 1


def leaky(x, slope):
    return jnp.where(x >= 0, x, slope * x)


def setup_inputs(seed: int = 0):
    key = jax.random.key(seed)
    ks = jax.random.split(key, 8)
    embedding = jax.random.normal(ks[0], (N, D), dtype=jnp.float32)
    edge_index = jax.random.randint(ks[1], (2, E), 0, N, dtype=jnp.int32)
    laplacian_lambda_max = jnp.ones((1,), dtype=jnp.float32)
    s = 1.0 / np.sqrt(D)
    W_cheb = jax.random.normal(ks[2], (K * D, D), dtype=jnp.float32) / np.sqrt(K * D)
    b_cheb = jnp.zeros((D,), dtype=jnp.float32)
    W_src = jax.random.normal(ks[3], (D, H * D), dtype=jnp.float32) * s
    b_src = jnp.zeros((H * D,), dtype=jnp.float32)
    W_dst = jax.random.normal(ks[4], (D, H * D), dtype=jnp.float32) * s
    b_dst = jnp.zeros((H * D,), dtype=jnp.float32)
    attn = jax.random.normal(ks[5], (1, H, D), dtype=jnp.float32) * s
    return {"embedding": embedding, "laplacian_lambda_max": laplacian_lambda_max,
            "edge_index": edge_index, "W_cheb": W_cheb, "b_cheb": b_cheb,
            "W_src": W_src, "b_src": b_src, "W_dst": W_dst, "b_dst": b_dst,
            "attn": attn}


def reference(embedding, laplacian_lambda_max, edge_index, W_cheb, b_cheb,
              W_src, b_src, W_dst, b_dst, attn):
    src = edge_index[0]
    dst = edge_index[1]
    n = embedding.shape[0]
    # in-degrees (DGL ChebConv uses in_degrees clamped to 1)
    deg = jax.ops.segment_sum(jnp.ones_like(dst, dtype=jnp.float32), dst, num_segments=n)
    deg = jnp.clip(deg, 1.0, None)
    d_invsqrt = (deg ** -0.5)[:, None]
    lam = laplacian_lambda_max[0]
    re = 2.0 / lam

    def unnL(f):
        # Feat * D^-1/2 A D^-1/2 via copy_u -> sum on dst
        h = jax.ops.segment_sum((f * d_invsqrt)[src], dst, num_segments=n)
        return h * d_invsqrt

    def cheb(f):
        X0 = f
        h = unnL(X0)
        X1 = -re * h + X0 * (re - 1.0)
        h = unnL(X1)
        X2 = -2.0 * re * h + X1 * (2.0 * re - 1.0) - X0
        Xt = jnp.concatenate([X0, X1, X2], axis=1)
        out = Xt @ W_cheb + b_cheb
        return leaky(out, 0.01)

    h = cheb(embedding).reshape(-1, D)
    h = cheb(h).reshape(-1, D)

    # GATv2Conv
    fs = (h @ W_src + b_src).reshape(n, H, D)
    fd = (h @ W_dst + b_dst).reshape(n, H, D)
    e = leaky(fs[src] + fd[dst], 0.2)          # (E, H, D)
    e = jnp.sum(e * attn, axis=-1)              # (E, H)
    emax = jax.ops.segment_max(e, dst, num_segments=n)
    ex = jnp.exp(e - emax[dst])
    denom = jax.ops.segment_sum(ex, dst, num_segments=n)
    a = ex / denom[dst]                          # (E, H)
    m = fs[src] * a[:, :, None]                  # (E, H, D)
    ft = jax.ops.segment_sum(m, dst, num_segments=n)  # (N, H, D)
    rst = leaky(ft, 0.01)
    return rst.reshape(-1, D)

if __name__ == "__main__":
    import jax
    _d = setup_inputs()
    print(jax.jit(kernel)(*tuple(_d.values())))

</pallas_src>

<mosaic_0001>
#map = affine_map<(d0, d1) -> (0)>
#map1 = affine_map<(d0, d1) -> (0, 0)>
module attributes {stable_mosaic.version = 14 : i64} {
  func.func @_sc_deg(%arg0: i32, %arg1: i32, %arg2: memref<323584xi32, #tpu.memory_space<hbm>>, %arg3: memref<32x10240xf32, #tpu.memory_space<hbm>>, %arg4: memref<10112xi32, #tpu.memory_space<vmem>>, %arg5: memref<10240xf32, #tpu.memory_space<vmem>>) attributes {dimension_semantics = [#tpu.dimension_semantics<core_parallel>, #tpu.dimension_semantics<subcore_parallel>], iteration_bounds = array<i64: 2, 16>, scalar_prefetch = 0 : i64, scratch_operands = 2 : i64, tpu.core_type = #tpu.core_type<sc_vector_subcore>, window_params = [{transform_indices = #map}, {transform_indices = #map1}]} {
    %mul3A = arith.constant 16 : i32
    %mul3A_0 = arith.muli %arg0, %mul3A : i32
    %add3A = arith.addi %mul3A_0, %arg1 : i32
    %broadcast_in_dim3A = arith.constant 0.000000e+00 : f32
    %broadcast_in_dim3A_1 = vector.broadcast %broadcast_in_dim3A : f32 to vector<16xf32>
    %broadcast_in_dim3A_2 = arith.constant 1.000000e+00 : f32
    %broadcast_in_dim3A_3 = vector.broadcast %broadcast_in_dim3A_2 : f32 to vector<16xf32>
    %scan3A = arith.constant 0 : i32
    %scan3A_4 = arith.constant 0 : i32
    %scan3A_5 = arith.constant 640 : i32
    %scan3A_6 = arith.addi %scan3A_4, %scan3A_5 : i32
    %scan3A_7 = arith.constant 1 : i32
    %scan3A_8 = scf.for %scan3A_19 = %scan3A_4 to %scan3A_6 step %scan3A_7 iter_args(%scan3A_20 = %scan3A) -> (i32)  : i32 {
      %mul3A_21 = arith.constant 16 : i32
      %mul3A_22 = arith.muli %scan3A_19, %mul3A_21 : i32
      %swap3A = arith.index_cast %mul3A_22 : i32 to index
      %swap3A_23 = tpu.vector_load %arg5[%swap3A] {strides = array<i32>} : memref<10240xf32, #tpu.memory_space<vmem>>, vector<16xf32>,
      tpu.vector_store %arg5[%swap3A], %broadcast_in_dim3A_1 {strides = array<i32>} : memref<10240xf32, #tpu.memory_space<vmem>>, vector<16xf32>,
      %scan3A_24 = arith.constant 0 : i32
      scf.yield %scan3A_24 : i32
    }
    %scan3A_9 = arith.constant 640 : i32
    %mul3A_10 = arith.constant 10112 : i32
    %mul3A_11 = arith.muli %add3A, %mul3A_10 : i32
    "tpu.region"() ({
      %run_scoped3A = tpu.sem_alloc : memref<!tpu.dma_semaphore, #tpu.memory_space<semaphore_mem>>
      %dma_start3A = tpu.memref_slice %arg2[%mul3A_11] : memref<323584xi32, #tpu.memory_space<hbm>> -> memref<10112xi32, #tpu.memory_space<hbm>>
      %dma_start3A_19 = tpu.memref_slice %arg2[%mul3A_11] : memref<323584xi32, #tpu.memory_space<hbm>> -> memref<10112xi32, #tpu.memory_space<hbm>>
      tpu.enqueue_dma source(%dma_start3A_19 : memref<10112xi32, #tpu.memory_space<hbm>>) target(%arg4 : memref<10112xi32, #tpu.memory_space<vmem>>) target_semaphore(%run_scoped3A : memref<!tpu.dma_semaphore, #tpu.memory_space<semaphore_mem>>)
      %dma_wait3A = tpu.memref_slice %arg2[%mul3A_11] : memref<323584xi32, #tpu.memory_space<hbm>> -> memref<10112xi32, #tpu.memory_space<hbm>>
      %dma_wait3A_20 = tpu.memref_slice %arg2[%mul3A_11] : memref<323584xi32, #tpu.memory_space<hbm>> -> memref<10112xi32, #tpu.memory_space<hbm>>
      tpu.wait_dma2 semaphore(%run_scoped3A : memref<!tpu.dma_semaphore, #tpu.memory_space<semaphore_mem>>) src(%dma_wait3A_20 : memref<10112xi32, #tpu.memory_space<hbm>>) dst(%arg4 : memref<10112xi32, #tpu.memory_space<vmem>>)
      tpu.yield
    }) : () -> ()
    %scan3A_12 = arith.constant 0 : i32
    %scan3A_13 = arith.constant 0 : i32
    %scan3A_14 = arith.constant 632 : i32
    %scan3A_15 = arith.addi %scan3A_13, %scan3A_14 : i32
    %scan3A_16 = arith.constant 1 : i32
    %scan3A_17 = scf.for %scan3A_19 = %scan3A_13 to %scan3A_15 step %scan3A_16 iter_args(%scan3A_20 = %scan3A_12) -> (i32)  : i32 {
      %mul3A_21 = arith.constant 16 : i32
      %mul3A_22 = arith.muli %scan3A_19, %mul3A_21 : i32
      %get3A = arith.index_cast %mul3A_22 : i32 to index
      %get3A_23 = tpu.vector_load %arg4[%get3A] {strides = array<i32>} : memref<10112xi32, #tpu.memory_space<vmem>>, vector<16xi32>,
      tpu.vector_store_idx %arg5[%get3A_23], %broadcast_in_dim3A_3 {add = true} : memref<10240xf32, #tpu.memory_space<vmem>>[vector<16xi32>], vector<16xf32>,
      %scan3A_24 = arith.constant 0 : i32
      scf.yield %scan3A_24 : i32
    }
    %scan3A_18 = arith.constant 632 : i32
    "tpu.region"() ({
      %run_scoped3A = tpu.sem_alloc : memref<!tpu.dma_semaphore, #tpu.memory_space<semaphore_mem>>
      %dma_start3A = arith.constant 0 : i32
      %dma_start3A_19 = tpu.memref_slice %arg3[%add3A, %dma_start3A] : memref<32x10240xf32, #tpu.memory_space<hbm>> -> memref<1x10240xf32, #tpu.memory_space<hbm>>
      %dma_start3A_20 = tpu.memref_squeeze %dma_start3A_19 : memref<1x10240xf32, #tpu.memory_space<hbm>> -> memref<10240xf32, #tpu.memory_space<hbm>>
      %dma_start3A_21 = arith.constant 0 : i32
      %dma_start3A_22 = tpu.memref_slice %arg3[%add3A, %dma_start3A_21] : memref<32x10240xf32, #tpu.memory_space<hbm>> -> memref<1x10240xf32, #tpu.memory_space<hbm>>
      %dma_start3A_23 = tpu.memref_squeeze %dma_start3A_22 : memref<1x10240xf32, #tpu.memory_space<hbm>> -> memref<10240xf32, #tpu.memory_space<hbm>>
      tpu.enqueue_dma source(%arg5 : memref<10240xf32, #tpu.memory_space<vmem>>) target(%dma_start3A_23 : memref<10240xf32, #tpu.memory_space<hbm>>) target_semaphore(%run_scoped3A : memref<!tpu.dma_semaphore, #tpu.memory_space<semaphore_mem>>)
      %dma_wait3A = arith.constant 0 : i32
      %dma_wait3A_24 = tpu.memref_slice %arg3[%add3A, %dma_wait3A] : memref<32x10240xf32, #tpu.memory_space<hbm>> -> memref<1x10240xf32, #tpu.memory_space<hbm>>
      %dma_wait3A_25 = tpu.memref_squeeze %dma_wait3A_24 : memref<1x10240xf32, #tpu.memory_space<hbm>> -> memref<10240xf32, #tpu.memory_space<hbm>>
      %dma_wait3A_26 = arith.constant 0 : i32
      %dma_wait3A_27 = tpu.memref_slice %arg3[%add3A, %dma_wait3A_26] : memref<32x10240xf32, #tpu.memory_space<hbm>> -> memref<1x10240xf32, #tpu.memory_space<hbm>>
      %dma_wait3A_28 = tpu.memref_squeeze %dma_wait3A_27 : memref<1x10240xf32, #tpu.memory_space<hbm>> -> memref<10240xf32, #tpu.memory_space<hbm>>
      tpu.wait_dma2 semaphore(%run_scoped3A : memref<!tpu.dma_semaphore, #tpu.memory_space<semaphore_mem>>) src(%arg5 : memref<10240xf32, #tpu.memory_space<vmem>>) dst(%dma_wait3A_28 : memref<10240xf32, #tpu.memory_space<hbm>>)
      tpu.yield
    }) : () -> ()
    return
  }
}

#map = affine_map<(d0, d1) -> (0, 0)>
#map1 = affine_map<(d0, d1) -> (0)>
module attributes {stable_mosaic.version = 14 : i64} {
  func.func @_sc_segsum(%arg0: i32, %arg1: i32, %arg2: memref<128x10240xf32, #tpu.memory_space<hbm>>, %arg3: memref<323584xi32, #tpu.memory_space<hbm>>, %arg4: memref<323584xi32, #tpu.memory_space<hbm>>, %arg5: memref<128x10240xf32, #tpu.memory_space<hbm>>, %arg6: memref<4096xi32, #tpu.memory_space<vmem>>, %arg7: memref<4096xi32, #tpu.memory_space<vmem>>, %arg8: memref<4x10240xf32, #tpu.memory_space<vmem>>, %arg9: memref<4x10240xf32, #tpu.memory_space<vmem>>, %arg10: memref<!tpu.dma_semaphore, #tpu.memory_space<semaphore_mem>>) attributes {dimension_semantics = [#tpu.dimension_semantics<core_parallel>, #tpu.dimension_semantics<subcore_parallel>], iteration_bounds = array<i64: 2, 16>, scalar_prefetch = 0 : i64, scratch_operands = 5 : i64, tpu.core_type = #tpu.core_type<sc_vector_subcore>, window_params = [{transform_indices = #map}, {transform_indices = #map1}, {transform_indices = #map1}, {transform_indices = #map}]} {
    %mul3A = arith.constant 16 : i32
    %mul3A_0 = arith.muli %arg0, %mul3A : i32
    %add3A = arith.addi %mul3A_0, %arg1 : i32
    %broadcast_in_dim3A = arith.constant 0.000000e+00 : f32
    %broadcast_in_dim3A_1 = vector.broadcast %broadcast_in_dim3A : f32 to vector<16xf32>
    %mul3A_2 = arith.constant 4 : i32
    %mul3A_3 = arith.muli %add3A, %mul3A_2 : i32
    %dma_start3A = arith.constant 0 : i32
    %dma_start3A_4 = tpu.memref_slice %arg2[%mul3A_3, %dma_start3A] : memref<128x10240xf32, #tpu.memory_space<hbm>> -> memref<4x10240xf32, #tpu.memory_space<hbm>>
    %dma_start3A_5 = arith.constant 0 : i32
    %dma_start3A_6 = tpu.memref_slice %arg2[%mul3A_3, %dma_start3A_5] : memref<128x10240xf32, #tpu.memory_space<hbm>> -> memref<4x10240xf32, #tpu.memory_space<hbm>>
    tpu.enqueue_dma source(%dma_start3A_6 : memref<4x10240xf32, #tpu.memory_space<hbm>>) target(%arg9 : memref<4x10240xf32, #tpu.memory_space<vmem>>) target_semaphore(%arg10 : memref<!tpu.dma_semaphore, #tpu.memory_space<semaphore_mem>>)
    %dma_wait3A = arith.constant 0 : i32
    %dma_wait3A_7 = tpu.memref_slice %arg2[%mul3A_3, %dma_wait3A] : memref<128x10240xf32, #tpu.memory_space<hbm>> -> memref<4x10240xf32, #tpu.memory_space<hbm>>
    %dma_wait3A_8 = arith.constant 0 : i32
    %dma_wait3A_9 = tpu.memref_slice %arg2[%mul3A_3, %dma_wait3A_8] : memref<128x10240xf32, #tpu.memory_space<hbm>> -> memref<4x10240xf32, #tpu.memory_space<hbm>>
    tpu.wait_dma2 semaphore(%arg10 : memref<!tpu.dma_semaphore, #tpu.memory_space<semaphore_mem>>) src(%dma_wait3A_9 : memref<4x10240xf32, #tpu.memory_space<hbm>>) dst(%arg9 : memref<4x10240xf32, #tpu.memory_space<vmem>>)
    %scan3A = arith.constant 0 : i32
    %scan3A_10 = arith.constant 0 : i32
    %scan3A_11 = arith.constant 640 : i32
    %scan3A_12 = arith.addi %scan3A_10, %scan3A_11 : i32
    %scan3A_13 = arith.constant 1 : i32
    %scan3A_14 = scf.for %scan3A_33 = %scan3A_10 to %scan3A_12 step %scan3A_13 iter_args(%scan3A_34 = %scan3A) -> (i32)  : i32 {
      %mul3A_35 = arith.constant 16 : i32
      %mul3A_36 = arith.muli %scan3A_33, %mul3A_35 : i32
      %get3A = arith.constant 0 : i32
      %get3A_37 = arith.index_cast %get3A : i32 to index
      %get3A_38 = arith.index_cast %mul3A_36 : i32 to index
      %get3A_39 = tpu.vector_load %arg9[%get3A_37, %get3A_38] {strides = array<i32>} : memref<4x10240xf32, #tpu.memory_space<vmem>>, vector<16xf32>,
      %swap3A = arith.constant 0 : i32
      %swap3A_40 = arith.index_cast %swap3A : i32 to index
      %swap3A_41 = arith.index_cast %mul3A_36 : i32 to index
      %swap3A_42 = tpu.vector_load %arg8[%swap3A_40, %swap3A_41] {strides = array<i32>} : memref<4x10240xf32, #tpu.memory_space<vmem>>, vector<16xf32>,
      tpu.vector_store %arg8[%swap3A_40, %swap3A_41], %get3A_39 {strides = array<i32>} : memref<4x10240xf32, #tpu.memory_space<vmem>>, vector<16xf32>,
      %swap3A_43 = arith.constant 0 : i32
      %swap3A_44 = arith.index_cast %swap3A_43 : i32 to index
      %swap3A_45 = arith.index_cast %mul3A_36 : i32 to index
      %swap3A_46 = tpu.vector_load %arg9[%swap3A_44, %swap3A_45] {strides = array<i32>} : memref<4x10240xf32, #tpu.memory_space<vmem>>, vector<16xf32>,
      tpu.vector_store %arg9[%swap3A_44, %swap3A_45], %broadcast_in_dim3A_1 {strides = array<i32>} : memref<4x10240xf32, #tpu.memory_space<vmem>>, vector<16xf32>,
      %get3A_47 = arith.constant 1 : i32
      %get3A_48 = arith.index_cast %get3A_47 : i32 to index
      %get3A_49 = arith.index_cast %mul3A_36 : i32 to index
      %get3A_50 = tpu.vector_load %arg9[%get3A_48, %get3A_49] {strides = array<i32>} : memref<4x10240xf32, #tpu.memory_space<vmem>>, vector<16xf32>,
      %swap3A_51 = arith.constant 1 : i32
      %swap3A_52 = arith.index_cast %swap3A_51 : i32 to index
      %swap3A_53 = arith.index_cast %mul3A_36 : i32 to index
      %swap3A_54 = tpu.vector_load %arg8[%swap3A_52, %swap3A_53] {strides = array<i32>} : memref<4x10240xf32, #tpu.memory_space<vmem>>, vector<16xf32>,
      tpu.vector_store %arg8[%swap3A_52, %swap3A_53], %get3A_50 {strides = array<i32>} : memref<4x10240xf32, #tpu.memory_space<vmem>>, vector<16xf32>,
      %swap3A_55 = arith.constant 1 : i32
      %swap3A_56 = arith.index_cast %swap3A_55 : i32 to index
      %swap3A_57 = arith.index_cast %mul3A_36 : i32 to index
      %swap3A_58 = tpu.vector_load %arg9[%swap3A_56, %swap3A_57] {strides = array<i32>} : memref<4x10240xf32, #tpu.memory_space<vmem>>, vector<16xf32>,
      tpu.vector_store %arg9[%swap3A_56, %swap3A_57], %broadcast_in_dim3A_1 {strides = array<i32>} : memref<4x10240xf32, #tpu.memory_space<vmem>>, vector<16xf32>,
      %get3A_59 = arith.constant 2 : i32
      %get3A_60 = arith.index_cast %get3A_59 : i32 to index
      %get3A_61 = arith.index_cast %mul3A_36 : i32 to index
      %get3A_62 = tpu.vector_load %arg9[%get3A_60, %get3A_61] {strides = array<i32>} : memref<4x10240xf32, #tpu.memory_space<vmem>>, vector<16xf32>,
      %swap3A_63 = arith.constant 2 : i32
      %swap3A_64 = arith.index_cast %swap3A_63 : i32 to index
      %swap3A_65 = arith.index_cast %mul3A_36 : i32 to index
      %swap3A_66 = tpu.vector_load %arg8[%swap3A_64, %swap3A_65] {strides = array<i32>} : memref<4x10240xf32, #tpu.memory_space<vmem>>, vector<16xf32>,
      tpu.vector_store %arg8[%swap3A_64, %swap3A_65], %get3A_62 {strides = array<i32>} : memref<4x10240xf32, #tpu.memory_space<vmem>>, vector<16xf32>,
      %swap3A_67 = arith.constant 2 : i32
      %swap3A_68 = arith.index_cast %swap3A_67 : i32 to index
      %swap3A_69 = arith.index_cast %mul3A_36 : i32 to index
      %swap3A_70 = tpu.vector_load %arg9[%swap3A_68, %swap3A_69] {strides = array<i32>} : memref<4x10240xf32, #tpu.memory_space<vmem>>, vector<16xf32>,
      tpu.vector_store %arg9[%swap3A_68, %swap3A_69], %broadcast_in_dim3A_1 {strides = array<i32>} : memref<4x10240xf32, #tpu.memory_space<vmem>>, vector<16xf32>,
      %get3A_71 = arith.constant 3 : i32
      %get3A_72 = arith.index_cast %get3A_71 : i32 to index
      %get3A_73 = arith.index_cast %mul3A_36 : i32 to index
      %get3A_74 = tpu.vector_load %arg9[%get3A_72, %get3A_73] {strides = array<i32>} : memref<4x10240xf32, #tpu.memory_space<vmem>>, vector<16xf32>,
      %swap3A_75 = arith.constant 3 : i32
      %swap3A_76 = arith.index_cast %swap3A_75 : i32 to index
      %swap3A_77 = arith.index_cast %mul3A_36 : i32 to index
      %swap3A_78 = tpu.vector_load %arg8[%swap3A_76, %swap3A_77] {strides = array<i32>} : memref<4x10240xf32, #tpu.memory_space<vmem>>, vector<16xf32>,
      tpu.vector_store %arg8[%swap3A_76, %swap3A_77], %get3A_74 {strides = array<i32>} : memref<4x10240xf32, #tpu.memory_space<vmem>>, vector<16xf32>,
      %swap3A_79 = arith.constant 3 : i32
      %swap3A_80 = arith.index_cast %swap3A_79 : i32 to index
      %swap3A_81 = arith.index_cast %mul3A_36 : i32 to index
      %swap3A_82 = tpu.vector_load %arg9[%swap3A_80, %swap3A_81] {strides = array<i32>} : memref<4x10240xf32, #tpu.memory_space<vmem>>, vector<16xf32>,
      tpu.vector_store %arg9[%swap3A_80, %swap3A_81], %broadcast_in_dim3A_1 {strides = array<i32>} : memref<4x10240xf32, #tpu.memory_space<vmem>>, vector<16xf32>,
      %scan3A_83 = arith.constant 0 : i32
      scf.yield %scan3A_83 : i32
    }
    %scan3A_15 = arith.constant 640 : i32
    %broadcast_in_dim3A_16 = arith.constant 0 : i32
    %broadcast_in_dim3A_17 = vector.broadcast %broadcast_in_dim3A_16 : i32 to vector<16xi32>
    %broadcast_in_dim3A_18 = arith.constant 1 : i32
    %broadcast_in_dim3A_19 = vector.broadcast %broadcast_in_dim3A_18 : i32 to vector<16xi32>
    %broadcast_in_dim3A_20 = arith.constant 2 : i32
    %broadcast_in_dim3A_21 = vector.broadcast %broadcast_in_dim3A_20 : i32 to vector<16xi32>
    %broadcast_in_dim3A_22 = arith.constant 3 : i32
    %broadcast_in_dim3A_23 = vector.broadcast %broadcast_in_dim3A_22 : i32 to vector<16xi32>
    %scan3A_24 = arith.constant 0 : i32
    %scan3A_25 = arith.constant 0 : i32
    %scan3A_26 = arith.constant 79 : i32
    %scan3A_27 = arith.addi %scan3A_25, %scan3A_26 : i32
    %scan3A_28 = arith.constant 1 : i32
    %scan3A_29 = scf.for %scan3A_33 = %scan3A_25 to %scan3A_27 step %scan3A_28 iter_args(%scan3A_34 = %scan3A_24) -> (i32)  : i32 {
      %mul3A_35 = arith.constant 4096 : i32
      %mul3A_36 = arith.muli %scan3A_33, %mul3A_35 : i32
      "tpu.region"() ({
        %run_scoped3A = tpu.sem_alloc : memref<!tpu.dma_semaphore, #tpu.memory_space<semaphore_mem>>
        %dma_start3A_40 = tpu.memref_slice %arg3[%mul3A_36] : memref<323584xi32, #tpu.memory_space<hbm>> -> memref<4096xi32, #tpu.memory_space<hbm>>
        %dma_start3A_41 = tpu.memref_slice %arg3[%mul3A_36] : memref<323584xi32, #tpu.memory_space<hbm>> -> memref<4096xi32, #tpu.memory_space<hbm>>
        tpu.enqueue_dma source(%dma_start3A_41 : memref<4096xi32, #tpu.memory_space<hbm>>) target(%arg6 : memref<4096xi32, #tpu.memory_space<vmem>>) target_semaphore(%run_scoped3A : memref<!tpu.dma_semaphore, #tpu.memory_space<semaphore_mem>>)
        %dma_wait3A_42 = tpu.memref_slice %arg3[%mul3A_36] : memref<323584xi32, #tpu.memory_space<hbm>> -> memref<4096xi32, #tpu.memory_space<hbm>>
        %dma_wait3A_43 = tpu.memref_slice %arg3[%mul3A_36] : memref<323584xi32, #tpu.memory_space<hbm>> -> memref<4096xi32, #tpu.memory_space<hbm>>
        tpu.wait_dma2 semaphore(%run_scoped3A : memref<!tpu.dma_semaphore, #tpu.memory_space<semaphore_mem>>) src(%dma_wait3A_43 : memref<4096xi32, #tpu.memory_space<hbm>>) dst(%arg6 : memref<4096xi32, #tpu.memory_space<vmem>>)
        tpu.yield
      }) : () -> ()
      "tpu.region"() ({
        %run_scoped3A = tpu.sem_alloc : memref<!tpu.dma_semaphore, #tpu.memory_space<semaphore_mem>>
        %dma_start3A_40 = tpu.memref_slice %arg4[%mul3A_36] : memref<323584xi32, #tpu.memory_space<hbm>> -> memref<4096xi32, #tpu.memory_space<hbm>>
        %dma_start3A_41 = tpu.memref_slice %arg4[%mul3A_36] : memref<323584xi32, #tpu.memory_space<hbm>> -> memref<4096xi32, #tpu.memory_space<hbm>>
        tpu.enqueue_dma source(%dma_start3A_41 : memref<4096xi32, #tpu.memory_space<hbm>>) target(%arg7 : memref<4096xi32, #tpu.memory_space<vmem>>) target_semaphore(%run_scoped3A : memref<!tpu.dma_semaphore, #tpu.memory_space<semaphore_mem>>)
        %dma_wait3A_42 = tpu.memref_slice %arg4[%mul3A_36] : memref<323584xi32, #tpu.memory_space<hbm>> -> memref<4096xi32, #tpu.memory_space<hbm>>
        %dma_wait3A_43 = tpu.memref_slice %arg4[%mul3A_36] : memref<323584xi32, #tpu.memory_space<hbm>> -> memref<4096xi32, #tpu.memory_space<hbm>>
        tpu.wait_dma2 semaphore(%run_scoped3A : memref<!tpu.dma_semaphore, #tpu.memory_space<semaphore_mem>>) src(%dma_wait3A_43 : memref<4096xi32, #tpu.memory_space<hbm>>) dst(%arg7 : memref<4096xi32, #tpu.memory_space<vmem>>)
        tpu.yield
      }) : () -> ()
      %parallel_loop3A = arith.constant 0 : i32
      %parallel_loop3A_37 = arith.constant 256 : i32
      %parallel_loop3A_38 = arith.constant 1 : i32
      scf.for %parallel_loop3A_40 = %parallel_loop3A to %parallel_loop3A_37 step %parallel_loop3A_38  : i32 {
        %parallel_loop3A_41 = arith.constant 16 : i32
        %parallel_loop3A_42 = arith.muli %parallel_loop3A_40, %parallel_loop3A_41 : i32
        %parallel_loop3A_43 = arith.index_cast %parallel_loop3A_42 : i32 to index
        %parallel_loop3A_44 = tpu.vector_load %arg6[%parallel_loop3A_43] {strides = array<i32>} : memref<4096xi32, #tpu.memory_space<vmem>>, vector<16xi32>,
        %parallel_loop3A_45 = arith.constant 16 : i32
        %parallel_loop3A_46 = arith.muli %parallel_loop3A_40, %parallel_loop3A_45 : i32
        %parallel_loop3A_47 = arith.index_cast %parallel_loop3A_46 : i32 to index
        %parallel_loop3A_48 = tpu.vector_load %arg7[%parallel_loop3A_47] {strides = array<i32>} : memref<4096xi32, #tpu.memory_space<vmem>>, vector<16xi32>,
        %parallel_loop3A_49 = tpu.vector_load_idx %arg8[%broadcast_in_dim3A_17, %parallel_loop3A_44] : memref<4x10240xf32, #tpu.memory_space<vmem>>[vector<16xi32>, vector<16xi32>], vector<16xf32>,
        tpu.vector_store_idx %arg9[%broadcast_in_dim3A_17, %parallel_loop3A_48], %parallel_loop3A_49 {add = true} : memref<4x10240xf32, #tpu.memory_space<vmem>>[vector<16xi32>, vector<16xi32>], vector<16xf32>,
        %parallel_loop3A_50 = tpu.vector_load_idx %arg8[%broadcast_in_dim3A_19, %parallel_loop3A_44] : memref<4x10240xf32, #tpu.memory_space<vmem>>[vector<16xi32>, vector<16xi32>], vector<16xf32>,
        tpu.vector_store_idx %arg9[%broadcast_in_dim3A_19, %parallel_loop3A_48], %parallel_loop3A_50 {add = true} : memref<4x10240xf32, #tpu.memory_space<vmem>>[vector<16xi32>, vector<16xi32>], vector<16xf32>,
        %parallel_loop3A_51 = tpu.vector_load_idx %arg8[%broadcast_in_dim3A_21, %parallel_loop3A_44] : memref<4x10240xf32, #tpu.memory_space<vmem>>[vector<16xi32>, vector<16xi32>], vector<16xf32>,
        tpu.vector_store_idx %arg9[%broadcast_in_dim3A_21, %parallel_loop3A_48], %parallel_loop3A_51 {add = true} : memref<4x10240xf32, #tpu.memory_space<vmem>>[vector<16xi32>, vector<16xi32>], vector<16xf32>,
        %parallel_loop3A_52 = tpu.vector_load_idx %arg8[%broadcast_in_dim3A_23, %parallel_loop3A_44] : memref<4x10240xf32, #tpu.memory_space<vmem>>[vector<16xi32>, vector<16xi32>], vector<16xf32>,
        tpu.vector_store_idx %arg9[%broadcast_in_dim3A_23, %parallel_loop3A_48], %parallel_loop3A_52 {add = true} : memref<4x10240xf32, #tpu.memory_space<vmem>>[vector<16xi32>, vector<16xi32>], vector<16xf32>,
      } {sc.loop_unroll_factor = 8 : i64, sc.parallel_access}
      %scan3A_39 = arith.constant 0 : i32
      scf.yield %scan3A_39 : i32
    }
    %scan3A_30 = arith.constant 79 : i32
    %mul3A_31 = arith.constant 4 : i32
    %mul3A_32 = arith.muli %add3A, %mul3A_31 : i32
    "tpu.region"() ({
      %run_scoped3A = tpu.sem_alloc : memref<!tpu.dma_semaphore, #tpu.memory_space<semaphore_mem>>
      %dma_start3A_33 = arith.constant 0 : i32
      %dma_start3A_34 = tpu.memref_slice %arg5[%mul3A_32, %dma_start3A_33] : memref<128x10240xf32, #tpu.memory_space<hbm>> -> memref<4x10240xf32, #tpu.memory_space<hbm>>
      %dma_start3A_35 = arith.constant 0 : i32
      %dma_start3A_36 = tpu.memref_slice %arg5[%mul3A_32, %dma_start3A_35] : memref<128x10240xf32, #tpu.memory_space<hbm>> -> memref<4x10240xf32, #tpu.memory_space<hbm>>
      tpu.enqueue_dma source(%arg9 : memref<4x10240xf32, #tpu.memory_space<vmem>>) target(%dma_start3A_36 : memref<4x10240xf32, #tpu.memory_space<hbm>>) target_semaphore(%run_scoped3A : memref<!tpu.dma_semaphore, #tpu.memory_space<semaphore_mem>>)
      %dma_wait3A_37 = arith.constant 0 : i32
      %dma_wait3A_38 = tpu.memref_slice %arg5[%mul3A_32, %dma_wait3A_37] : memref<128x10240xf32, #tpu.memory_space<hbm>> -> memref<4x10240xf32, #tpu.memory_space<hbm>>
      %dma_wait3A_39 = arith.constant 0 : i32
      %dma_wait3A_40 = tpu.memref_slice %arg5[%mul3A_32, %dma_wait3A_39] : memref<128x10240xf32, #tpu.memory_space<hbm>> -> memref<4x10240xf32, #tpu.memory_space<hbm>>
      tpu.wait_dma2 semaphore(%run_scoped3A : memref<!tpu.dma_semaphore, #tpu.memory_space<semaphore_mem>>) src(%arg9 : memref<4x10240xf32, #tpu.memory_space<vmem>>) dst(%dma_wait3A_40 : memref<4x10240xf32, #tpu.memory_space<hbm>>)
      tpu.yield
    }) : () -> ()
    return
  }
}

#map = affine_map<(d0, d1) -> (0, 0)>
#map1 = affine_map<(d0, d1) -> (0)>
module attributes {stable_mosaic.version = 14 : i64} {
  func.func @_sc_segsum(%arg0: i32, %arg1: i32, %arg2: memref<128x10240xf32, #tpu.memory_space<hbm>>, %arg3: memref<323584xi32, #tpu.memory_space<hbm>>, %arg4: memref<323584xi32, #tpu.memory_space<hbm>>, %arg5: memref<128x10240xf32, #tpu.memory_space<hbm>>, %arg6: memref<4096xi32, #tpu.memory_space<vmem>>, %arg7: memref<4096xi32, #tpu.memory_space<vmem>>, %arg8: memref<4x10240xf32, #tpu.memory_space<vmem>>, %arg9: memref<4x10240xf32, #tpu.memory_space<vmem>>, %arg10: memref<!tpu.dma_semaphore, #tpu.memory_space<semaphore_mem>>) attributes {dimension_semantics = [#tpu.dimension_semantics<core_parallel>, #tpu.dimension_semantics<subcore_parallel>], iteration_bounds = array<i64: 2, 16>, scalar_prefetch = 0 : i64, scratch_operands = 5 : i64, tpu.core_type = #tpu.core_type<sc_vector_subcore>, window_params = [{transform_indices = #map}, {transform_indices = #map1}, {transform_indices = #map1}, {transform_indices = #map}]} {
    %mul3A = arith.constant 16 : i32
    %mul3A_0 = arith.muli %arg0, %mul3A : i32
    %add3A = arith.addi %mul3A_0, %arg1 : i32
    %broadcast_in_dim3A = arith.constant 0.000000e+00 : f32
    %broadcast_in_dim3A_1 = vector.broadcast %broadcast_in_dim3A : f32 to vector<16xf32>
    %mul3A_2 = arith.constant 4 : i32
    %mul3A_3 = arith.muli %add3A, %mul3A_2 : i32
    %dma_start3A = arith.constant 0 : i32
    %dma_start3A_4 = tpu.memref_slice %arg2[%mul3A_3, %dma_start3A] : memref<128x10240xf32, #tpu.memory_space<hbm>> -> memref<4x10240xf32, #tpu.memory_space<hbm>>
    %dma_start3A_5 = arith.constant 0 : i32
    %dma_start3A_6 = tpu.memref_slice %arg2[%mul3A_3, %dma_start3A_5] : memref<128x10240xf32, #tpu.memory_space<hbm>> -> memref<4x10240xf32, #tpu.memory_space<hbm>>
    tpu.enqueue_dma source(%dma_start3A_6 : memref<4x10240xf32, #tpu.memory_space<hbm>>) target(%arg9 : memref<4x10240xf32, #tpu.memory_space<vmem>>) target_semaphore(%arg10 : memref<!tpu.dma_semaphore, #tpu.memory_space<semaphore_mem>>)
    %dma_wait3A = arith.constant 0 : i32
    %dma_wait3A_7 = tpu.memref_slice %arg2[%mul3A_3, %dma_wait3A] : memref<128x10240xf32, #tpu.memory_space<hbm>> -> memref<4x10240xf32, #tpu.memory_space<hbm>>
    %dma_wait3A_8 = arith.constant 0 : i32
    %dma_wait3A_9 = tpu.memref_slice %arg2[%mul3A_3, %dma_wait3A_8] : memref<128x10240xf32, #tpu.memory_space<hbm>> -> memref<4x10240xf32, #tpu.memory_space<hbm>>
    tpu.wait_dma2 semaphore(%arg10 : memref<!tpu.dma_semaphore, #tpu.memory_space<semaphore_mem>>) src(%dma_wait3A_9 : memref<4x10240xf32, #tpu.memory_space<hbm>>) dst(%arg9 : memref<4x10240xf32, #tpu.memory_space<vmem>>)
    %scan3A = arith.constant 0 : i32
    %scan3A_10 = arith.constant 0 : i32
    %scan3A_11 = arith.constant 640 : i32
    %scan3A_12 = arith.addi %scan3A_10, %scan3A_11 : i32
    %scan3A_13 = arith.constant 1 : i32
    %scan3A_14 = scf.for %scan3A_33 = %scan3A_10 to %scan3A_12 step %scan3A_13 iter_args(%scan3A_34 = %scan3A) -> (i32)  : i32 {
      %mul3A_35 = arith.constant 16 : i32
      %mul3A_36 = arith.muli %scan3A_33, %mul3A_35 : i32
      %get3A = arith.constant 0 : i32
      %get3A_37 = arith.index_cast %get3A : i32 to index
      %get3A_38 = arith.index_cast %mul3A_36 : i32 to index
      %get3A_39 = tpu.vector_load %arg9[%get3A_37, %get3A_38] {strides = array<i32>} : memref<4x10240xf32, #tpu.memory_space<vmem>>, vector<16xf32>,
      %swap3A = arith.constant 0 : i32
      %swap3A_40 = arith.index_cast %swap3A : i32 to index
      %swap3A_41 = arith.index_cast %mul3A_36 : i32 to index
      %swap3A_42 = tpu.vector_load %arg8[%swap3A_40, %swap3A_41] {strides = array<i32>} : memref<4x10240xf32, #tpu.memory_space<vmem>>, vector<16xf32>,
      tpu.vector_store %arg8[%swap3A_40, %swap3A_41], %get3A_39 {strides = array<i32>} : memref<4x10240xf32, #tpu.memory_space<vmem>>, vector<16xf32>,
      %swap3A_43 = arith.constant 0 : i32
      %swap3A_44 = arith.index_cast %swap3A_43 : i32 to index
      %swap3A_45 = arith.index_cast %mul3A_36 : i32 to index
      %swap3A_46 = tpu.vector_load %arg9[%swap3A_44, %swap3A_45] {strides = array<i32>} : memref<4x10240xf32, #tpu.memory_space<vmem>>, vector<16xf32>,
      tpu.vector_store %arg9[%swap3A_44, %swap3A_45], %broadcast_in_dim3A_1 {strides = array<i32>} : memref<4x10240xf32, #tpu.memory_space<vmem>>, vector<16xf32>,
      %get3A_47 = arith.constant 1 : i32
      %get3A_48 = arith.index_cast %get3A_47 : i32 to index
      %get3A_49 = arith.index_cast %mul3A_36 : i32 to index
      %get3A_50 = tpu.vector_load %arg9[%get3A_48, %get3A_49] {strides = array<i32>} : memref<4x10240xf32, #tpu.memory_space<vmem>>, vector<16xf32>,
      %swap3A_51 = arith.constant 1 : i32
      %swap3A_52 = arith.index_cast %swap3A_51 : i32 to index
      %swap3A_53 = arith.index_cast %mul3A_36 : i32 to index
      %swap3A_54 = tpu.vector_load %arg8[%swap3A_52, %swap3A_53] {strides = array<i32>} : memref<4x10240xf32, #tpu.memory_space<vmem>>, vector<16xf32>,
      tpu.vector_store %arg8[%swap3A_52, %swap3A_53], %get3A_50 {strides = array<i32>} : memref<4x10240xf32, #tpu.memory_space<vmem>>, vector<16xf32>,
      %swap3A_55 = arith.constant 1 : i32
      %swap3A_56 = arith.index_cast %swap3A_55 : i32 to index
      %swap3A_57 = arith.index_cast %mul3A_36 : i32 to index
      %swap3A_58 = tpu.vector_load %arg9[%swap3A_56, %swap3A_57] {strides = array<i32>} : memref<4x10240xf32, #tpu.memory_space<vmem>>, vector<16xf32>,
      tpu.vector_store %arg9[%swap3A_56, %swap3A_57], %broadcast_in_dim3A_1 {strides = array<i32>} : memref<4x10240xf32, #tpu.memory_space<vmem>>, vector<16xf32>,
      %get3A_59 = arith.constant 2 : i32
      %get3A_60 = arith.index_cast %get3A_59 : i32 to index
      %get3A_61 = arith.index_cast %mul3A_36 : i32 to index
      %get3A_62 = tpu.vector_load %arg9[%get3A_60, %get3A_61] {strides = array<i32>} : memref<4x10240xf32, #tpu.memory_space<vmem>>, vector<16xf32>,
      %swap3A_63 = arith.constant 2 : i32
      %swap3A_64 = arith.index_cast %swap3A_63 : i32 to index
      %swap3A_65 = arith.index_cast %mul3A_36 : i32 to index
      %swap3A_66 = tpu.vector_load %arg8[%swap3A_64, %swap3A_65] {strides = array<i32>} : memref<4x10240xf32, #tpu.memory_space<vmem>>, vector<16xf32>,
      tpu.vector_store %arg8[%swap3A_64, %swap3A_65], %get3A_62 {strides = array<i32>} : memref<4x10240xf32, #tpu.memory_space<vmem>>, vector<16xf32>,
      %swap3A_67 = arith.constant 2 : i32
      %swap3A_68 = arith.index_cast %swap3A_67 : i32 to index
      %swap3A_69 = arith.index_cast %mul3A_36 : i32 to index
      %swap3A_70 = tpu.vector_load %arg9[%swap3A_68, %swap3A_69] {strides = array<i32>} : memref<4x10240xf32, #tpu.memory_space<vmem>>, vector<16xf32>,
      tpu.vector_store %arg9[%swap3A_68, %swap3A_69], %broadcast_in_dim3A_1 {strides = array<i32>} : memref<4x10240xf32, #tpu.memory_space<vmem>>, vector<16xf32>,
      %get3A_71 = arith.constant 3 : i32
      %get3A_72 = arith.index_cast %get3A_71 : i32 to index
      %get3A_73 = arith.index_cast %mul3A_36 : i32 to index
      %get3A_74 = tpu.vector_load %arg9[%get3A_72, %get3A_73] {strides = array<i32>} : memref<4x10240xf32, #tpu.memory_space<vmem>>, vector<16xf32>,
      %swap3A_75 = arith.constant 3 : i32
      %swap3A_76 = arith.index_cast %swap3A_75 : i32 to index
      %swap3A_77 = arith.index_cast %mul3A_36 : i32 to index
      %swap3A_78 = tpu.vector_load %arg8[%swap3A_76, %swap3A_77] {strides = array<i32>} : memref<4x10240xf32, #tpu.memory_space<vmem>>, vector<16xf32>,
      tpu.vector_store %arg8[%swap3A_76, %swap3A_77], %get3A_74 {strides = array<i32>} : memref<4x10240xf32, #tpu.memory_space<vmem>>, vector<16xf32>,
      %swap3A_79 = arith.constant 3 : i32
      %swap3A_80 = arith.index_cast %swap3A_79 : i32 to index
      %swap3A_81 = arith.index_cast %mul3A_36 : i32 to index
      %swap3A_82 = tpu.vector_load %arg9[%swap3A_80, %swap3A_81] {strides = array<i32>} : memref<4x10240xf32, #tpu.memory_space<vmem>>, vector<16xf32>,
      tpu.vector_store %arg9[%swap3A_80, %swap3A_81], %broadcast_in_dim3A_1 {strides = array<i32>} : memref<4x10240xf32, #tpu.memory_space<vmem>>, vector<16xf32>,
      %scan3A_83 = arith.constant 0 : i32
      scf.yield %scan3A_83 : i32
    }
    %scan3A_15 = arith.constant 640 : i32
    %broadcast_in_dim3A_16 = arith.constant 0 : i32
    %broadcast_in_dim3A_17 = vector.broadcast %broadcast_in_dim3A_16 : i32 to vector<16xi32>
    %broadcast_in_dim3A_18 = arith.constant 1 : i32
    %broadcast_in_dim3A_19 = vector.broadcast %broadcast_in_dim3A_18 : i32 to vector<16xi32>
    %broadcast_in_dim3A_20 = arith.constant 2 : i32
    %broadcast_in_dim3A_21 = vector.broadcast %broadcast_in_dim3A_20 : i32 to vector<16xi32>
    %broadcast_in_dim3A_22 = arith.constant 3 : i32
    %broadcast_in_dim3A_23 = vector.broadcast %broadcast_in_dim3A_22 : i32 to vector<16xi32>
    %scan3A_24 = arith.constant 0 : i32
    %scan3A_25 = arith.constant 0 : i32
    %scan3A_26 = arith.constant 79 : i32
    %scan3A_27 = arith.addi %scan3A_25, %scan3A_26 : i32
    %scan3A_28 = arith.constant 1 : i32
    %scan3A_29 = scf.for %scan3A_33 = %scan3A_25 to %scan3A_27 step %scan3A_28 iter_args(%scan3A_34 = %scan3A_24) -> (i32)  : i32 {
      %mul3A_35 = arith.constant 4096 : i32
      %mul3A_36 = arith.muli %scan3A_33, %mul3A_35 : i32
      "tpu.region"() ({
        %run_scoped3A = tpu.sem_alloc : memref<!tpu.dma_semaphore, #tpu.memory_space<semaphore_mem>>
        %dma_start3A_40 = tpu.memref_slice %arg3[%mul3A_36] : memref<323584xi32, #tpu.memory_space<hbm>> -> memref<4096xi32, #tpu.memory_space<hbm>>
        %dma_start3A_41 = tpu.memref_slice %arg3[%mul3A_36] : memref<323584xi32, #tpu.memory_space<hbm>> -> memref<4096xi32, #tpu.memory_space<hbm>>
        tpu.enqueue_dma source(%dma_start3A_41 : memref<4096xi32, #tpu.memory_space<hbm>>) target(%arg6 : memref<4096xi32, #tpu.memory_space<vmem>>) target_semaphore(%run_scoped3A : memref<!tpu.dma_semaphore, #tpu.memory_space<semaphore_mem>>)
        %dma_wait3A_42 = tpu.memref_slice %arg3[%mul3A_36] : memref<323584xi32, #tpu.memory_space<hbm>> -> memref<4096xi32, #tpu.memory_space<hbm>>
        %dma_wait3A_43 = tpu.memref_slice %arg3[%mul3A_36] : memref<323584xi32, #tpu.memory_space<hbm>> -> memref<4096xi32, #tpu.memory_space<hbm>>
        tpu.wait_dma2 semaphore(%run_scoped3A : memref<!tpu.dma_semaphore, #tpu.memory_space<semaphore_mem>>) src(%dma_wait3A_43 : memref<4096xi32, #tpu.memory_space<hbm>>) dst(%arg6 : memref<4096xi32, #tpu.memory_space<vmem>>)
        tpu.yield
      }) : () -> ()
      "tpu.region"() ({
        %run_scoped3A = tpu.sem_alloc : memref<!tpu.dma_semaphore, #tpu.memory_space<semaphore_mem>>
        %dma_start3A_40 = tpu.memref_slice %arg4[%mul3A_36] : memref<323584xi32, #tpu.memory_space<hbm>> -> memref<4096xi32, #tpu.memory_space<hbm>>
        %dma_start3A_41 = tpu.memref_slice %arg4[%mul3A_36] : memref<323584xi32, #tpu.memory_space<hbm>> -> memref<4096xi32, #tpu.memory_space<hbm>>
        tpu.enqueue_dma source(%dma_start3A_41 : memref<4096xi32, #tpu.memory_space<hbm>>) target(%arg7 : memref<4096xi32, #tpu.memory_space<vmem>>) target_semaphore(%run_scoped3A : memref<!tpu.dma_semaphore, #tpu.memory_space<semaphore_mem>>)
        %dma_wait3A_42 = tpu.memref_slice %arg4[%mul3A_36] : memref<323584xi32, #tpu.memory_space<hbm>> -> memref<4096xi32, #tpu.memory_space<hbm>>
        %dma_wait3A_43 = tpu.memref_slice %arg4[%mul3A_36] : memref<323584xi32, #tpu.memory_space<hbm>> -> memref<4096xi32, #tpu.memory_space<hbm>>
        tpu.wait_dma2 semaphore(%run_scoped3A : memref<!tpu.dma_semaphore, #tpu.memory_space<semaphore_mem>>) src(%dma_wait3A_43 : memref<4096xi32, #tpu.memory_space<hbm>>) dst(%arg7 : memref<4096xi32, #tpu.memory_space<vmem>>)
        tpu.yield
      }) : () -> ()
      %parallel_loop3A = arith.constant 0 : i32
      %parallel_loop3A_37 = arith.constant 256 : i32
      %parallel_loop3A_38 = arith.constant 1 : i32
      scf.for %parallel_loop3A_40 = %parallel_loop3A to %parallel_loop3A_37 step %parallel_loop3A_38  : i32 {
        %parallel_loop3A_41 = arith.constant 16 : i32
        %parallel_loop3A_42 = arith.muli %parallel_loop3A_40, %parallel_loop3A_41 : i32
        %parallel_loop3A_43 = arith.index_cast %parallel_loop3A_42 : i32 to index
        %parallel_loop3A_44 = tpu.vector_load %arg6[%parallel_loop3A_43] {strides = array<i32>} : memref<4096xi32, #tpu.memory_space<vmem>>, vector<16xi32>,
        %parallel_loop3A_45 = arith.constant 16 : i32
        %parallel_loop3A_46 = arith.muli %parallel_loop3A_40, %parallel_loop3A_45 : i32
        %parallel_loop3A_47 = arith.index_cast %parallel_loop3A_46 : i32 to index
        %parallel_loop3A_48 = tpu.vector_load %arg7[%parallel_loop3A_47] {strides = array<i32>} : memref<4096xi32, #tpu.memory_space<vmem>>, vector<16xi32>,
        %parallel_loop3A_49 = tpu.vector_load_idx %arg8[%broadcast_in_dim3A_17, %parallel_loop3A_44] : memref<4x10240xf32, #tpu.memory_space<vmem>>[vector<16xi32>, vector<16xi32>], vector<16xf32>,
        tpu.vector_store_idx %arg9[%broadcast_in_dim3A_17, %parallel_loop3A_48], %parallel_loop3A_49 {add = true} : memref<4x10240xf32, #tpu.memory_space<vmem>>[vector<16xi32>, vector<16xi32>], vector<16xf32>,
        %parallel_loop3A_50 = tpu.vector_load_idx %arg8[%broadcast_in_dim3A_19, %parallel_loop3A_44] : memref<4x10240xf32, #tpu.memory_space<vmem>>[vector<16xi32>, vector<16xi32>], vector<16xf32>,
        tpu.vector_store_idx %arg9[%broadcast_in_dim3A_19, %parallel_loop3A_48], %parallel_loop3A_50 {add = true} : memref<4x10240xf32, #tpu.memory_space<vmem>>[vector<16xi32>, vector<16xi32>], vector<16xf32>,
        %parallel_loop3A_51 = tpu.vector_load_idx %arg8[%broadcast_in_dim3A_21, %parallel_loop3A_44] : memref<4x10240xf32, #tpu.memory_space<vmem>>[vector<16xi32>, vector<16xi32>], vector<16xf32>,
        tpu.vector_store_idx %arg9[%broadcast_in_dim3A_21, %parallel_loop3A_48], %parallel_loop3A_51 {add = true} : memref<4x10240xf32, #tpu.memory_space<vmem>>[vector<16xi32>, vector<16xi32>], vector<16xf32>,
        %parallel_loop3A_52 = tpu.vector_load_idx %arg8[%broadcast_in_dim3A_23, %parallel_loop3A_44] : memref<4x10240xf32, #tpu.memory_space<vmem>>[vector<16xi32>, vector<16xi32>], vector<16xf32>,
        tpu.vector_store_idx %arg9[%broadcast_in_dim3A_23, %parallel_loop3A_48], %parallel_loop3A_52 {add = true} : memref<4x10240xf32, #tpu.memory_space<vmem>>[vector<16xi32>, vector<16xi32>], vector<16xf32>,
      } {sc.loop_unroll_factor = 8 : i64, sc.parallel_access}
      %scan3A_39 = arith.constant 0 : i32
      scf.yield %scan3A_39 : i32
    }
    %scan3A_30 = arith.constant 79 : i32
    %mul3A_31 = arith.constant 4 : i32
    %mul3A_32 = arith.muli %add3A, %mul3A_31 : i32
    "tpu.region"() ({
      %run_scoped3A = tpu.sem_alloc : memref<!tpu.dma_semaphore, #tpu.memory_space<semaphore_mem>>
      %dma_start3A_33 = arith.constant 0 : i32
      %dma_start3A_34 = tpu.memref_slice %arg5[%mul3A_32, %dma_start3A_33] : memref<128x10240xf32, #tpu.memory_space<hbm>> -> memref<4x10240xf32, #tpu.memory_space<hbm>>
      %dma_start3A_35 = arith.constant 0 : i32
      %dma_start3A_36 = tpu.memref_slice %arg5[%mul3A_32, %dma_start3A_35] : memref<128x10240xf32, #tpu.memory_space<hbm>> -> memref<4x10240xf32, #tpu.memory_space<hbm>>
      tpu.enqueue_dma source(%arg9 : memref<4x10240xf32, #tpu.memory_space<vmem>>) target(%dma_start3A_36 : memref<4x10240xf32, #tpu.memory_space<hbm>>) target_semaphore(%run_scoped3A : memref<!tpu.dma_semaphore, #tpu.memory_space<semaphore_mem>>)
      %dma_wait3A_37 = arith.constant 0 : i32
      %dma_wait3A_38 = tpu.memref_slice %arg5[%mul3A_32, %dma_wait3A_37] : memref<128x10240xf32, #tpu.memory_space<hbm>> -> memref<4x10240xf32, #tpu.memory_space<hbm>>
      %dma_wait3A_39 = arith.constant 0 : i32
      %dma_wait3A_40 = tpu.memref_slice %arg5[%mul3A_32, %dma_wait3A_39] : memref<128x10240xf32, #tpu.memory_space<hbm>> -> memref<4x10240xf32, #tpu.memory_space<hbm>>
      tpu.wait_dma2 semaphore(%run_scoped3A : memref<!tpu.dma_semaphore, #tpu.memory_space<semaphore_mem>>) src(%arg9 : memref<4x10240xf32, #tpu.memory_space<vmem>>) dst(%dma_wait3A_40 : memref<4x10240xf32, #tpu.memory_space<hbm>>)
      tpu.yield
    }) : () -> ()
    return
  }
}

#map = affine_map<(d0, d1) -> (0, 0)>
#map1 = affine_map<(d0, d1) -> (0)>
module attributes {stable_mosaic.version = 14 : i64} {
  func.func @_sc_segsum(%arg0: i32, %arg1: i32, %arg2: memref<128x10240xf32, #tpu.memory_space<hbm>>, %arg3: memref<323584xi32, #tpu.memory_space<hbm>>, %arg4: memref<323584xi32, #tpu.memory_space<hbm>>, %arg5: memref<128x10240xf32, #tpu.memory_space<hbm>>, %arg6: memref<4096xi32, #tpu.memory_space<vmem>>, %arg7: memref<4096xi32, #tpu.memory_space<vmem>>, %arg8: memref<4x10240xf32, #tpu.memory_space<vmem>>, %arg9: memref<4x10240xf32, #tpu.memory_space<vmem>>, %arg10: memref<!tpu.dma_semaphore, #tpu.memory_space<semaphore_mem>>) attributes {dimension_semantics = [#tpu.dimension_semantics<core_parallel>, #tpu.dimension_semantics<subcore_parallel>], iteration_bounds = array<i64: 2, 16>, scalar_prefetch = 0 : i64, scratch_operands = 5 : i64, tpu.core_type = #tpu.core_type<sc_vector_subcore>, window_params = [{transform_indices = #map}, {transform_indices = #map1}, {transform_indices = #map1}, {transform_indices = #map}]} {
    %mul3A = arith.constant 16 : i32
    %mul3A_0 = arith.muli %arg0, %mul3A : i32
    %add3A = arith.addi %mul3A_0, %arg1 : i32
    %broadcast_in_dim3A = arith.constant 0.000000e+00 : f32
    %broadcast_in_dim3A_1 = vector.broadcast %broadcast_in_dim3A : f32 to vector<16xf32>
    %mul3A_2 = arith.constant 4 : i32
    %mul3A_3 = arith.muli %add3A, %mul3A_2 : i32
    %dma_start3A = arith.constant 0 : i32
    %dma_start3A_4 = tpu.memref_slice %arg2[%mul3A_3, %dma_start3A] : memref<128x10240xf32, #tpu.memory_space<hbm>> -> memref<4x10240xf32, #tpu.memory_space<hbm>>
    %dma_start3A_5 = arith.constant 0 : i32
    %dma_start3A_6 = tpu.memref_slice %arg2[%mul3A_3, %dma_start3A_5] : memref<128x10240xf32, #tpu.memory_space<hbm>> -> memref<4x10240xf32, #tpu.memory_space<hbm>>
    tpu.enqueue_dma source(%dma_start3A_6 : memref<4x10240xf32, #tpu.memory_space<hbm>>) target(%arg9 : memref<4x10240xf32, #tpu.memory_space<vmem>>) target_semaphore(%arg10 : memref<!tpu.dma_semaphore, #tpu.memory_space<semaphore_mem>>)
    %dma_wait3A = arith.constant 0 : i32
    %dma_wait3A_7 = tpu.memref_slice %arg2[%mul3A_3, %dma_wait3A] : memref<128x10240xf32, #tpu.memory_space<hbm>> -> memref<4x10240xf32, #tpu.memory_space<hbm>>
    %dma_wait3A_8 = arith.constant 0 : i32
    %dma_wait3A_9 = tpu.memref_slice %arg2[%mul3A_3, %dma_wait3A_8] : memref<128x10240xf32, #tpu.memory_space<hbm>> -> memref<4x10240xf32, #tpu.memory_space<hbm>>
    tpu.wait_dma2 semaphore(%arg10 : memref<!tpu.dma_semaphore, #tpu.memory_space<semaphore_mem>>) src(%dma_wait3A_9 : memref<4x10240xf32, #tpu.memory_space<hbm>>) dst(%arg9 : memref<4x10240xf32, #tpu.memory_space<vmem>>)
    %scan3A = arith.constant 0 : i32
    %scan3A_10 = arith.constant 0 : i32
    %scan3A_11 = arith.constant 640 : i32
    %scan3A_12 = arith.addi %scan3A_10, %scan3A_11 : i32
    %scan3A_13 = arith.constant 1 : i32
    %scan3A_14 = scf.for %scan3A_33 = %scan3A_10 to %scan3A_12 step %scan3A_13 iter_args(%scan3A_34 = %scan3A) -> (i32)  : i32 {
      %mul3A_35 = arith.constant 16 : i32
      %mul3A_36 = arith.muli %scan3A_33, %mul3A_35 : i32
      %get3A = arith.constant 0 : i32
      %get3A_37 = arith.index_cast %get3A : i32 to index
      %get3A_38 = arith.index_cast %mul3A_36 : i32 to index
      %get3A_39 = tpu.vector_load %arg9[%get3A_37, %get3A_38] {strides = array<i32>} : memref<4x10240xf32, #tpu.memory_space<vmem>>, vector<16xf32>,
      %swap3A = arith.constant 0 : i32
      %swap3A_40 = arith.index_cast %swap3A : i32 to index
      %swap3A_41 = arith.index_cast %mul3A_36 : i32 to index
      %swap3A_42 = tpu.vector_load %arg8[%swap3A_40, %swap3A_41] {strides = array<i32>} : memref<4x10240xf32, #tpu.memory_space<vmem>>, vector<16xf32>,
      tpu.vector_store %arg8[%swap3A_40, %swap3A_41], %get3A_39 {strides = array<i32>} : memref<4x10240xf32, #tpu.memory_space<vmem>>, vector<16xf32>,
      %swap3A_43 = arith.constant 0 : i32
      %swap3A_44 = arith.index_cast %swap3A_43 : i32 to index
      %swap3A_45 = arith.index_cast %mul3A_36 : i32 to index
      %swap3A_46 = tpu.vector_load %arg9[%swap3A_44, %swap3A_45] {strides = array<i32>} : memref<4x10240xf32, #tpu.memory_space<vmem>>, vector<16xf32>,
      tpu.vector_store %arg9[%swap3A_44, %swap3A_45], %broadcast_in_dim3A_1 {strides = array<i32>} : memref<4x10240xf32, #tpu.memory_space<vmem>>, vector<16xf32>,
      %get3A_47 = arith.constant 1 : i32
      %get3A_48 = arith.index_cast %get3A_47 : i32 to index
      %get3A_49 = arith.index_cast %mul3A_36 : i32 to index
      %get3A_50 = tpu.vector_load %arg9[%get3A_48, %get3A_49] {strides = array<i32>} : memref<4x10240xf32, #tpu.memory_space<vmem>>, vector<16xf32>,
      %swap3A_51 = arith.constant 1 : i32
      %swap3A_52 = arith.index_cast %swap3A_51 : i32 to index
      %swap3A_53 = arith.index_cast %mul3A_36 : i32 to index
      %swap3A_54 = tpu.vector_load %arg8[%swap3A_52, %swap3A_53] {strides = array<i32>} : memref<4x10240xf32, #tpu.memory_space<vmem>>, vector<16xf32>,
      tpu.vector_store %arg8[%swap3A_52, %swap3A_53], %get3A_50 {strides = array<i32>} : memref<4x10240xf32, #tpu.memory_space<vmem>>, vector<16xf32>,
      %swap3A_55 = arith.constant 1 : i32
      %swap3A_56 = arith.index_cast %swap3A_55 : i32 to index
      %swap3A_57 = arith.index_cast %mul3A_36 : i32 to index
      %swap3A_58 = tpu.vector_load %arg9[%swap3A_56, %swap3A_57] {strides = array<i32>} : memref<4x10240xf32, #tpu.memory_space<vmem>>, vector<16xf32>,
      tpu.vector_store %arg9[%swap3A_56, %swap3A_57], %broadcast_in_dim3A_1 {strides = array<i32>} : memref<4x10240xf32, #tpu.memory_space<vmem>>, vector<16xf32>,
      %get3A_59 = arith.constant 2 : i32
      %get3A_60 = arith.index_cast %get3A_59 : i32 to index
      %get3A_61 = arith.index_cast %mul3A_36 : i32 to index
      %get3A_62 = tpu.vector_load %arg9[%get3A_60, %get3A_61] {strides = array<i32>} : memref<4x10240xf32, #tpu.memory_space<vmem>>, vector<16xf32>,
      %swap3A_63 = arith.constant 2 : i32
      %swap3A_64 = arith.index_cast %swap3A_63 : i32 to index
      %swap3A_65 = arith.index_cast %mul3A_36 : i32 to index
      %swap3A_66 = tpu.vector_load %arg8[%swap3A_64, %swap3A_65] {strides = array<i32>} : memref<4x10240xf32, #tpu.memory_space<vmem>>, vector<16xf32>,
      tpu.vector_store %arg8[%swap3A_64, %swap3A_65], %get3A_62 {strides = array<i32>} : memref<4x10240xf32, #tpu.memory_space<vmem>>, vector<16xf32>,
      %swap3A_67 = arith.constant 2 : i32
      %swap3A_68 = arith.index_cast %swap3A_67 : i32 to index
      %swap3A_69 = arith.index_cast %mul3A_36 : i32 to index
      %swap3A_70 = tpu.vector_load %arg9[%swap3A_68, %swap3A_69] {strides = array<i32>} : memref<4x10240xf32, #tpu.memory_space<vmem>>, vector<16xf32>,
      tpu.vector_store %arg9[%swap3A_68, %swap3A_69], %broadcast_in_dim3A_1 {strides = array<i32>} : memref<4x10240xf32, #tpu.memory_space<vmem>>, vector<16xf32>,
      %get3A_71 = arith.constant 3 : i32
      %get3A_72 = arith.index_cast %get3A_71 : i32 to index
      %get3A_73 = arith.index_cast %mul3A_36 : i32 to index
      %get3A_74 = tpu.vector_load %arg9[%get3A_72, %get3A_73] {strides = array<i32>} : memref<4x10240xf32, #tpu.memory_space<vmem>>, vector<16xf32>,
      %swap3A_75 = arith.constant 3 : i32
      %swap3A_76 = arith.index_cast %swap3A_75 : i32 to index
      %swap3A_77 = arith.index_cast %mul3A_36 : i32 to index
      %swap3A_78 = tpu.vector_load %arg8[%swap3A_76, %swap3A_77] {strides = array<i32>} : memref<4x10240xf32, #tpu.memory_space<vmem>>, vector<16xf32>,
      tpu.vector_store %arg8[%swap3A_76, %swap3A_77], %get3A_74 {strides = array<i32>} : memref<4x10240xf32, #tpu.memory_space<vmem>>, vector<16xf32>,
      %swap3A_79 = arith.constant 3 : i32
      %swap3A_80 = arith.index_cast %swap3A_79 : i32 to index
      %swap3A_81 = arith.index_cast %mul3A_36 : i32 to index
      %swap3A_82 = tpu.vector_load %arg9[%swap3A_80, %swap3A_81] {strides = array<i32>} : memref<4x10240xf32, #tpu.memory_space<vmem>>, vector<16xf32>,
      tpu.vector_store %arg9[%swap3A_80, %swap3A_81], %broadcast_in_dim3A_1 {strides = array<i32>} : memref<4x10240xf32, #tpu.memory_space<vmem>>, vector<16xf32>,
      %scan3A_83 = arith.constant 0 : i32
      scf.yield %scan3A_83 : i32
    }
    %scan3A_15 = arith.constant 640 : i32
    %broadcast_in_dim3A_16 = arith.constant 0 : i32
    %broadcast_in_dim3A_17 = vector.broadcast %broadcast_in_dim3A_16 : i32 to vector<16xi32>
    %broadcast_in_dim3A_18 = arith.constant 1 : i32
    %broadcast_in_dim3A_19 = vector.broadcast %broadcast_in_dim3A_18 : i32 to vector<16xi32>
    %broadcast_in_dim3A_20 = arith.constant 2 : i32
    %broadcast_in_dim3A_21 = vector.broadcast %broadcast_in_dim3A_20 : i32 to vector<16xi32>
    %broadcast_in_dim3A_22 = arith.constant 3 : i32
    %broadcast_in_dim3A_23 = vector.broadcast %broadcast_in_dim3A_22 : i32 to vector<16xi32>
    %scan3A_24 = arith.constant 0 : i32
    %scan3A_25 = arith.constant 0 : i32
    %scan3A_26 = arith.constant 79 : i32
    %scan3A_27 = arith.addi %scan3A_25, %scan3A_26 : i32
    %scan3A_28 = arith.constant 1 : i32
    %scan3A_29 = scf.for %scan3A_33 = %scan3A_25 to %scan3A_27 step %scan3A_28 iter_args(%scan3A_34 = %scan3A_24) -> (i32)  : i32 {
      %mul3A_35 = arith.constant 4096 : i32
      %mul3A_36 = arith.muli %scan3A_33, %mul3A_35 : i32
      "tpu.region"() ({
        %run_scoped3A = tpu.sem_alloc : memref<!tpu.dma_semaphore, #tpu.memory_space<semaphore_mem>>
        %dma_start3A_40 = tpu.memref_slice %arg3[%mul3A_36] : memref<323584xi32, #tpu.memory_space<hbm>> -> memref<4096xi32, #tpu.memory_space<hbm>>
        %dma_start3A_41 = tpu.memref_slice %arg3[%mul3A_36] : memref<323584xi32, #tpu.memory_space<hbm>> -> memref<4096xi32, #tpu.memory_space<hbm>>
        tpu.enqueue_dma source(%dma_start3A_41 : memref<4096xi32, #tpu.memory_space<hbm>>) target(%arg6 : memref<4096xi32, #tpu.memory_space<vmem>>) target_semaphore(%run_scoped3A : memref<!tpu.dma_semaphore, #tpu.memory_space<semaphore_mem>>)
        %dma_wait3A_42 = tpu.memref_slice %arg3[%mul3A_36] : memref<323584xi32, #tpu.memory_space<hbm>> -> memref<4096xi32, #tpu.memory_space<hbm>>
        %dma_wait3A_43 = tpu.memref_slice %arg3[%mul3A_36] : memref<323584xi32, #tpu.memory_space<hbm>> -> memref<4096xi32, #tpu.memory_space<hbm>>
        tpu.wait_dma2 semaphore(%run_scoped3A : memref<!tpu.dma_semaphore, #tpu.memory_space<semaphore_mem>>) src(%dma_wait3A_43 : memref<4096xi32, #tpu.memory_space<hbm>>) dst(%arg6 : memref<4096xi32, #tpu.memory_space<vmem>>)
        tpu.yield
      }) : () -> ()
      "tpu.region"() ({
        %run_scoped3A = tpu.sem_alloc : memref<!tpu.dma_semaphore, #tpu.memory_space<semaphore_mem>>
        %dma_start3A_40 = tpu.memref_slice %arg4[%mul3A_36] : memref<323584xi32, #tpu.memory_space<hbm>> -> memref<4096xi32, #tpu.memory_space<hbm>>
        %dma_start3A_41 = tpu.memref_slice %arg4[%mul3A_36] : memref<323584xi32, #tpu.memory_space<hbm>> -> memref<4096xi32, #tpu.memory_space<hbm>>
        tpu.enqueue_dma source(%dma_start3A_41 : memref<4096xi32, #tpu.memory_space<hbm>>) target(%arg7 : memref<4096xi32, #tpu.memory_space<vmem>>) target_semaphore(%run_scoped3A : memref<!tpu.dma_semaphore, #tpu.memory_space<semaphore_mem>>)
        %dma_wait3A_42 = tpu.memref_slice %arg4[%mul3A_36] : memref<323584xi32, #tpu.memory_space<hbm>> -> memref<4096xi32, #tpu.memory_space<hbm>>
        %dma_wait3A_43 = tpu.memref_slice %arg4[%mul3A_36] : memref<323584xi32, #tpu.memory_space<hbm>> -> memref<4096xi32, #tpu.memory_space<hbm>>
        tpu.wait_dma2 semaphore(%run_scoped3A : memref<!tpu.dma_semaphore, #tpu.memory_space<semaphore_mem>>) src(%dma_wait3A_43 : memref<4096xi32, #tpu.memory_space<hbm>>) dst(%arg7 : memref<4096xi32, #tpu.memory_space<vmem>>)
        tpu.yield
      }) : () -> ()
      %parallel_loop3A = arith.constant 0 : i32
      %parallel_loop3A_37 = arith.constant 256 : i32
      %parallel_loop3A_38 = arith.constant 1 : i32
      scf.for %parallel_loop3A_40 = %parallel_loop3A to %parallel_loop3A_37 step %parallel_loop3A_38  : i32 {
        %parallel_loop3A_41 = arith.constant 16 : i32
        %parallel_loop3A_42 = arith.muli %parallel_loop3A_40, %parallel_loop3A_41 : i32
        %parallel_loop3A_43 = arith.index_cast %parallel_loop3A_42 : i32 to index
        %parallel_loop3A_44 = tpu.vector_load %arg6[%parallel_loop3A_43] {strides = array<i32>} : memref<4096xi32, #tpu.memory_space<vmem>>, vector<16xi32>,
        %parallel_loop3A_45 = arith.constant 16 : i32
        %parallel_loop3A_46 = arith.muli %parallel_loop3A_40, %parallel_loop3A_45 : i32
        %parallel_loop3A_47 = arith.index_cast %parallel_loop3A_46 : i32 to index
        %parallel_loop3A_48 = tpu.vector_load %arg7[%parallel_loop3A_47] {strides = array<i32>} : memref<4096xi32, #tpu.memory_space<vmem>>, vector<16xi32>,
        %parallel_loop3A_49 = tpu.vector_load_idx %arg8[%broadcast_in_dim3A_17, %parallel_loop3A_44] : memref<4x10240xf32, #tpu.memory_space<vmem>>[vector<16xi32>, vector<16xi32>], vector<16xf32>,
        tpu.vector_store_idx %arg9[%broadcast_in_dim3A_17, %parallel_loop3A_48], %parallel_loop3A_49 {add = true} : memref<4x10240xf32, #tpu.memory_space<vmem>>[vector<16xi32>, vector<16xi32>], vector<16xf32>,
        %parallel_loop3A_50 = tpu.vector_load_idx %arg8[%broadcast_in_dim3A_19, %parallel_loop3A_44] : memref<4x10240xf32, #tpu.memory_space<vmem>>[vector<16xi32>, vector<16xi32>], vector<16xf32>,
        tpu.vector_store_idx %arg9[%broadcast_in_dim3A_19, %parallel_loop3A_48], %parallel_loop3A_50 {add = true} : memref<4x10240xf32, #tpu.memory_space<vmem>>[vector<16xi32>, vector<16xi32>], vector<16xf32>,
        %parallel_loop3A_51 = tpu.vector_load_idx %arg8[%broadcast_in_dim3A_21, %parallel_loop3A_44] : memref<4x10240xf32, #tpu.memory_space<vmem>>[vector<16xi32>, vector<16xi32>], vector<16xf32>,
        tpu.vector_store_idx %arg9[%broadcast_in_dim3A_21, %parallel_loop3A_48], %parallel_loop3A_51 {add = true} : memref<4x10240xf32, #tpu.memory_space<vmem>>[vector<16xi32>, vector<16xi32>], vector<16xf32>,
        %parallel_loop3A_52 = tpu.vector_load_idx %arg8[%broadcast_in_dim3A_23, %parallel_loop3A_44] : memref<4x10240xf32, #tpu.memory_space<vmem>>[vector<16xi32>, vector<16xi32>], vector<16xf32>,
        tpu.vector_store_idx %arg9[%broadcast_in_dim3A_23, %parallel_loop3A_48], %parallel_loop3A_52 {add = true} : memref<4x10240xf32, #tpu.memory_space<vmem>>[vector<16xi32>, vector<16xi32>], vector<16xf32>,
      } {sc.loop_unroll_factor = 8 : i64, sc.parallel_access}
      %scan3A_39 = arith.constant 0 : i32
      scf.yield %scan3A_39 : i32
    }
    %scan3A_30 = arith.constant 79 : i32
    %mul3A_31 = arith.constant 4 : i32
    %mul3A_32 = arith.muli %add3A, %mul3A_31 : i32
    "tpu.region"() ({
      %run_scoped3A = tpu.sem_alloc : memref<!tpu.dma_semaphore, #tpu.memory_space<semaphore_mem>>
      %dma_start3A_33 = arith.constant 0 : i32
      %dma_start3A_34 = tpu.memref_slice %arg5[%mul3A_32, %dma_start3A_33] : memref<128x10240xf32, #tpu.memory_space<hbm>> -> memref<4x10240xf32, #tpu.memory_space<hbm>>
      %dma_start3A_35 = arith.constant 0 : i32
      %dma_start3A_36 = tpu.memref_slice %arg5[%mul3A_32, %dma_start3A_35] : memref<128x10240xf32, #tpu.memory_space<hbm>> -> memref<4x10240xf32, #tpu.memory_space<hbm>>
      tpu.enqueue_dma source(%arg9 : memref<4x10240xf32, #tpu.memory_space<vmem>>) target(%dma_start3A_36 : memref<4x10240xf32, #tpu.memory_space<hbm>>) target_semaphore(%run_scoped3A : memref<!tpu.dma_semaphore, #tpu.memory_space<semaphore_mem>>)
      %dma_wait3A_37 = arith.constant 0 : i32
      %dma_wait3A_38 = tpu.memref_slice %arg5[%mul3A_32, %dma_wait3A_37] : memref<128x10240xf32, #tpu.memory_space<hbm>> -> memref<4x10240xf32, #tpu.memory_space<hbm>>
      %dma_wait3A_39 = arith.constant 0 : i32
      %dma_wait3A_40 = tpu.memref_slice %arg5[%mul3A_32, %dma_wait3A_39] : memref<128x10240xf32, #tpu.memory_space<hbm>> -> memref<4x10240xf32, #tpu.memory_space<hbm>>
      tpu.wait_dma2 semaphore(%run_scoped3A : memref<!tpu.dma_semaphore, #tpu.memory_space<semaphore_mem>>) src(%arg9 : memref<4x10240xf32, #tpu.memory_space<vmem>>) dst(%dma_wait3A_40 : memref<4x10240xf32, #tpu.memory_space<hbm>>)
      tpu.yield
    }) : () -> ()
    return
  }
}

#map = affine_map<(d0, d1) -> (0, 0)>
#map1 = affine_map<(d0, d1) -> (0)>
module attributes {stable_mosaic.version = 14 : i64} {
  func.func @_sc_segsum(%arg0: i32, %arg1: i32, %arg2: memref<128x10240xf32, #tpu.memory_space<hbm>>, %arg3: memref<323584xi32, #tpu.memory_space<hbm>>, %arg4: memref<323584xi32, #tpu.memory_space<hbm>>, %arg5: memref<128x10240xf32, #tpu.memory_space<hbm>>, %arg6: memref<4096xi32, #tpu.memory_space<vmem>>, %arg7: memref<4096xi32, #tpu.memory_space<vmem>>, %arg8: memref<4x10240xf32, #tpu.memory_space<vmem>>, %arg9: memref<4x10240xf32, #tpu.memory_space<vmem>>, %arg10: memref<!tpu.dma_semaphore, #tpu.memory_space<semaphore_mem>>) attributes {dimension_semantics = [#tpu.dimension_semantics<core_parallel>, #tpu.dimension_semantics<subcore_parallel>], iteration_bounds = array<i64: 2, 16>, scalar_prefetch = 0 : i64, scratch_operands = 5 : i64, tpu.core_type = #tpu.core_type<sc_vector_subcore>, window_params = [{transform_indices = #map}, {transform_indices = #map1}, {transform_indices = #map1}, {transform_indices = #map}]} {
    %mul3A = arith.constant 16 : i32
    %mul3A_0 = arith.muli %arg0, %mul3A : i32
    %add3A = arith.addi %mul3A_0, %arg1 : i32
    %broadcast_in_dim3A = arith.constant 0.000000e+00 : f32
    %broadcast_in_dim3A_1 = vector.broadcast %broadcast_in_dim3A : f32 to vector<16xf32>
    %mul3A_2 = arith.constant 4 : i32
    %mul3A_3 = arith.muli %add3A, %mul3A_2 : i32
    %dma_start3A = arith.constant 0 : i32
    %dma_start3A_4 = tpu.memref_slice %arg2[%mul3A_3, %dma_start3A] : memref<128x10240xf32, #tpu.memory_space<hbm>> -> memref<4x10240xf32, #tpu.memory_space<hbm>>
    %dma_start3A_5 = arith.constant 0 : i32
    %dma_start3A_6 = tpu.memref_slice %arg2[%mul3A_3, %dma_start3A_5] : memref<128x10240xf32, #tpu.memory_space<hbm>> -> memref<4x10240xf32, #tpu.memory_space<hbm>>
    tpu.enqueue_dma source(%dma_start3A_6 : memref<4x10240xf32, #tpu.memory_space<hbm>>) target(%arg9 : memref<4x10240xf32, #tpu.memory_space<vmem>>) target_semaphore(%arg10 : memref<!tpu.dma_semaphore, #tpu.memory_space<semaphore_mem>>)
    %dma_wait3A = arith.constant 0 : i32
    %dma_wait3A_7 = tpu.memref_slice %arg2[%mul3A_3, %dma_wait3A] : memref<128x10240xf32, #tpu.memory_space<hbm>> -> memref<4x10240xf32, #tpu.memory_space<hbm>>
    %dma_wait3A_8 = arith.constant 0 : i32
    %dma_wait3A_9 = tpu.memref_slice %arg2[%mul3A_3, %dma_wait3A_8] : memref<128x10240xf32, #tpu.memory_space<hbm>> -> memref<4x10240xf32, #tpu.memory_space<hbm>>
    tpu.wait_dma2 semaphore(%arg10 : memref<!tpu.dma_semaphore, #tpu.memory_space<semaphore_mem>>) src(%dma_wait3A_9 : memref<4x10240xf32, #tpu.memory_space<hbm>>) dst(%arg9 : memref<4x10240xf32, #tpu.memory_space<vmem>>)
    %scan3A = arith.constant 0 : i32
    %scan3A_10 = arith.constant 0 : i32
    %scan3A_11 = arith.constant 640 : i32
    %scan3A_12 = arith.addi %scan3A_10, %scan3A_11 : i32
    %scan3A_13 = arith.constant 1 : i32
    %scan3A_14 = scf.for %scan3A_33 = %scan3A_10 to %scan3A_12 step %scan3A_13 iter_args(%scan3A_34 = %scan3A) -> (i32)  : i32 {
      %mul3A_35 = arith.constant 16 : i32
      %mul3A_36 = arith.muli %scan3A_33, %mul3A_35 : i32
      %get3A = arith.constant 0 : i32
      %get3A_37 = arith.index_cast %get3A : i32 to index
      %get3A_38 = arith.index_cast %mul3A_36 : i32 to index
      %get3A_39 = tpu.vector_load %arg9[%get3A_37, %get3A_38] {strides = array<i32>} : memref<4x10240xf32, #tpu.memory_space<vmem>>, vector<16xf32>,
      %swap3A = arith.constant 0 : i32
      %swap3A_40 = arith.index_cast %swap3A : i32 to index
      %swap3A_41 = arith.index_cast %mul3A_36 : i32 to index
      %swap3A_42 = tpu.vector_load %arg8[%swap3A_40, %swap3A_41] {strides = array<i32>} : memref<4x10240xf32, #tpu.memory_space<vmem>>, vector<16xf32>,
      tpu.vector_store %arg8[%swap3A_40, %swap3A_41], %get3A_39 {strides = array<i32>} : memref<4x10240xf32, #tpu.memory_space<vmem>>, vector<16xf32>,
      %swap3A_43 = arith.constant 0 : i32
      %swap3A_44 = arith.index_cast %swap3A_43 : i32 to index
      %swap3A_45 = arith.index_cast %mul3A_36 : i32 to index
      %swap3A_46 = tpu.vector_load %arg9[%swap3A_44, %swap3A_45] {strides = array<i32>} : memref<4x10240xf32, #tpu.memory_space<vmem>>, vector<16xf32>,
      tpu.vector_store %arg9[%swap3A_44, %swap3A_45], %broadcast_in_dim3A_1 {strides = array<i32>} : memref<4x10240xf32, #tpu.memory_space<vmem>>, vector<16xf32>,
      %get3A_47 = arith.constant 1 : i32
      %get3A_48 = arith.index_cast %get3A_47 : i32 to index
      %get3A_49 = arith.index_cast %mul3A_36 : i32 to index
      %get3A_50 = tpu.vector_load %arg9[%get3A_48, %get3A_49] {strides = array<i32>} : memref<4x10240xf32, #tpu.memory_space<vmem>>, vector<16xf32>,
      %swap3A_51 = arith.constant 1 : i32
      %swap3A_52 = arith.index_cast %swap3A_51 : i32 to index
      %swap3A_53 = arith.index_cast %mul3A_36 : i32 to index
      %swap3A_54 = tpu.vector_load %arg8[%swap3A_52, %swap3A_53] {strides = array<i32>} : memref<4x10240xf32, #tpu.memory_space<vmem>>, vector<16xf32>,
      tpu.vector_store %arg8[%swap3A_52, %swap3A_53], %get3A_50 {strides = array<i32>} : memref<4x10240xf32, #tpu.memory_space<vmem>>, vector<16xf32>,
      %swap3A_55 = arith.constant 1 : i32
      %swap3A_56 = arith.index_cast %swap3A_55 : i32 to index
      %swap3A_57 = arith.index_cast %mul3A_36 : i32 to index
      %swap3A_58 = tpu.vector_load %arg9[%swap3A_56, %swap3A_57] {strides = array<i32>} : memref<4x10240xf32, #tpu.memory_space<vmem>>, vector<16xf32>,
      tpu.vector_store %arg9[%swap3A_56, %swap3A_57], %broadcast_in_dim3A_1 {strides = array<i32>} : memref<4x10240xf32, #tpu.memory_space<vmem>>, vector<16xf32>,
      %get3A_59 = arith.constant 2 : i32
      %get3A_60 = arith.index_cast %get3A_59 : i32 to index
      %get3A_61 = arith.index_cast %mul3A_36 : i32 to index
      %get3A_62 = tpu.vector_load %arg9[%get3A_60, %get3A_61] {strides = array<i32>} : memref<4x10240xf32, #tpu.memory_space<vmem>>, vector<16xf32>,
      %swap3A_63 = arith.constant 2 : i32
      %swap3A_64 = arith.index_cast %swap3A_63 : i32 to index
      %swap3A_65 = arith.index_cast %mul3A_36 : i32 to index
      %swap3A_66 = tpu.vector_load %arg8[%swap3A_64, %swap3A_65] {strides = array<i32>} : memref<4x10240xf32, #tpu.memory_space<vmem>>, vector<16xf32>,
      tpu.vector_store %arg8[%swap3A_64, %swap3A_65], %get3A_62 {strides = array<i32>} : memref<4x10240xf32, #tpu.memory_space<vmem>>, vector<16xf32>,
      %swap3A_67 = arith.constant 2 : i32
      %swap3A_68 = arith.index_cast %swap3A_67 : i32 to index
      %swap3A_69 = arith.index_cast %mul3A_36 : i32 to index
      %swap3A_70 = tpu.vector_load %arg9[%swap3A_68, %swap3A_69] {strides = array<i32>} : memref<4x10240xf32, #tpu.memory_space<vmem>>, vector<16xf32>,
      tpu.vector_store %arg9[%swap3A_68, %swap3A_69], %broadcast_in_dim3A_1 {strides = array<i32>} : memref<4x10240xf32, #tpu.memory_space<vmem>>, vector<16xf32>,
      %get3A_71 = arith.constant 3 : i32
      %get3A_72 = arith.index_cast %get3A_71 : i32 to index
      %get3A_73 = arith.index_cast %mul3A_36 : i32 to index
      %get3A_74 = tpu.vector_load %arg9[%get3A_72, %get3A_73] {strides = array<i32>} : memref<4x10240xf32, #tpu.memory_space<vmem>>, vector<16xf32>,
      %swap3A_75 = arith.constant 3 : i32
      %swap3A_76 = arith.index_cast %swap3A_75 : i32 to index
      %swap3A_77 = arith.index_cast %mul3A_36 : i32 to index
      %swap3A_78 = tpu.vector_load %arg8[%swap3A_76, %swap3A_77] {strides = array<i32>} : memref<4x10240xf32, #tpu.memory_space<vmem>>, vector<16xf32>,
      tpu.vector_store %arg8[%swap3A_76, %swap3A_77], %get3A_74 {strides = array<i32>} : memref<4x10240xf32, #tpu.memory_space<vmem>>, vector<16xf32>,
      %swap3A_79 = arith.constant 3 : i32
      %swap3A_80 = arith.index_cast %swap3A_79 : i32 to index
      %swap3A_81 = arith.index_cast %mul3A_36 : i32 to index
      %swap3A_82 = tpu.vector_load %arg9[%swap3A_80, %swap3A_81] {strides = array<i32>} : memref<4x10240xf32, #tpu.memory_space<vmem>>, vector<16xf32>,
      tpu.vector_store %arg9[%swap3A_80, %swap3A_81], %broadcast_in_dim3A_1 {strides = array<i32>} : memref<4x10240xf32, #tpu.memory_space<vmem>>, vector<16xf32>,
      %scan3A_83 = arith.constant 0 : i32
      scf.yield %scan3A_83 : i32
    }
    %scan3A_15 = arith.constant 640 : i32
    %broadcast_in_dim3A_16 = arith.constant 0 : i32
    %broadcast_in_dim3A_17 = vector.broadcast %broadcast_in_dim3A_16 : i32 to vector<16xi32>
    %broadcast_in_dim3A_18 = arith.constant 1 : i32
    %broadcast_in_dim3A_19 = vector.broadcast %broadcast_in_dim3A_18 : i32 to vector<16xi32>
    %broadcast_in_dim3A_20 = arith.constant 2 : i32
    %broadcast_in_dim3A_21 = vector.broadcast %broadcast_in_dim3A_20 : i32 to vector<16xi32>
    %broadcast_in_dim3A_22 = arith.constant 3 : i32
    %broadcast_in_dim3A_23 = vector.broadcast %broadcast_in_dim3A_22 : i32 to vector<16xi32>
    %scan3A_24 = arith.constant 0 : i32
    %scan3A_25 = arith.constant 0 : i32
    %scan3A_26 = arith.constant 79 : i32
    %scan3A_27 = arith.addi %scan3A_25, %scan3A_26 : i32
    %scan3A_28 = arith.constant 1 : i32
    %scan3A_29 = scf.for %scan3A_33 = %scan3A_25 to %scan3A_27 step %scan3A_28 iter_args(%scan3A_34 = %scan3A_24) -> (i32)  : i32 {
      %mul3A_35 = arith.constant 4096 : i32
      %mul3A_36 = arith.muli %scan3A_33, %mul3A_35 : i32
      "tpu.region"() ({
        %run_scoped3A = tpu.sem_alloc : memref<!tpu.dma_semaphore, #tpu.memory_space<semaphore_mem>>
        %dma_start3A_40 = tpu.memref_slice %arg3[%mul3A_36] : memref<323584xi32, #tpu.memory_space<hbm>> -> memref<4096xi32, #tpu.memory_space<hbm>>
        %dma_start3A_41 = tpu.memref_slice %arg3[%mul3A_36] : memref<323584xi32, #tpu.memory_space<hbm>> -> memref<4096xi32, #tpu.memory_space<hbm>>
        tpu.enqueue_dma source(%dma_start3A_41 : memref<4096xi32, #tpu.memory_space<hbm>>) target(%arg6 : memref<4096xi32, #tpu.memory_space<vmem>>) target_semaphore(%run_scoped3A : memref<!tpu.dma_semaphore, #tpu.memory_space<semaphore_mem>>)
        %dma_wait3A_42 = tpu.memref_slice %arg3[%mul3A_36] : memref<323584xi32, #tpu.memory_space<hbm>> -> memref<4096xi32, #tpu.memory_space<hbm>>
        %dma_wait3A_43 = tpu.memref_slice %arg3[%mul3A_36] : memref<323584xi32, #tpu.memory_space<hbm>> -> memref<4096xi32, #tpu.memory_space<hbm>>
        tpu.wait_dma2 semaphore(%run_scoped3A : memref<!tpu.dma_semaphore, #tpu.memory_space<semaphore_mem>>) src(%dma_wait3A_43 : memref<4096xi32, #tpu.memory_space<hbm>>) dst(%arg6 : memref<4096xi32, #tpu.memory_space<vmem>>)
        tpu.yield
      }) : () -> ()
      "tpu.region"() ({
        %run_scoped3A = tpu.sem_alloc : memref<!tpu.dma_semaphore, #tpu.memory_space<semaphore_mem>>
        %dma_start3A_40 = tpu.memref_slice %arg4[%mul3A_36] : memref<323584xi32, #tpu.memory_space<hbm>> -> memref<4096xi32, #tpu.memory_space<hbm>>
        %dma_start3A_41 = tpu.memref_slice %arg4[%mul3A_36] : memref<323584xi32, #tpu.memory_space<hbm>> -> memref<4096xi32, #tpu.memory_space<hbm>>
        tpu.enqueue_dma source(%dma_start3A_41 : memref<4096xi32, #tpu.memory_space<hbm>>) target(%arg7 : memref<4096xi32, #tpu.memory_space<vmem>>) target_semaphore(%run_scoped3A : memref<!tpu.dma_semaphore, #tpu.memory_space<semaphore_mem>>)
        %dma_wait3A_42 = tpu.memref_slice %arg4[%mul3A_36] : memref<323584xi32, #tpu.memory_space<hbm>> -> memref<4096xi32, #tpu.memory_space<hbm>>
        %dma_wait3A_43 = tpu.memref_slice %arg4[%mul3A_36] : memref<323584xi32, #tpu.memory_space<hbm>> -> memref<4096xi32, #tpu.memory_space<hbm>>
        tpu.wait_dma2 semaphore(%run_scoped3A : memref<!tpu.dma_semaphore, #tpu.memory_space<semaphore_mem>>) src(%dma_wait3A_43 : memref<4096xi32, #tpu.memory_space<hbm>>) dst(%arg7 : memref<4096xi32, #tpu.memory_space<vmem>>)
        tpu.yield
      }) : () -> ()
      %parallel_loop3A = arith.constant 0 : i32
      %parallel_loop3A_37 = arith.constant 256 : i32
      %parallel_loop3A_38 = arith.constant 1 : i32
      scf.for %parallel_loop3A_40 = %parallel_loop3A to %parallel_loop3A_37 step %parallel_loop3A_38  : i32 {
        %parallel_loop3A_41 = arith.constant 16 : i32
        %parallel_loop3A_42 = arith.muli %parallel_loop3A_40, %parallel_loop3A_41 : i32
        %parallel_loop3A_43 = arith.index_cast %parallel_loop3A_42 : i32 to index
        %parallel_loop3A_44 = tpu.vector_load %arg6[%parallel_loop3A_43] {strides = array<i32>} : memref<4096xi32, #tpu.memory_space<vmem>>, vector<16xi32>,
        %parallel_loop3A_45 = arith.constant 16 : i32
        %parallel_loop3A_46 = arith.muli %parallel_loop3A_40, %parallel_loop3A_45 : i32
        %parallel_loop3A_47 = arith.index_cast %parallel_loop3A_46 : i32 to index
        %parallel_loop3A_48 = tpu.vector_load %arg7[%parallel_loop3A_47] {strides = array<i32>} : memref<4096xi32, #tpu.memory_space<vmem>>, vector<16xi32>,
        %parallel_loop3A_49 = tpu.vector_load_idx %arg8[%broadcast_in_dim3A_17, %parallel_loop3A_44] : memref<4x10240xf32, #tpu.memory_space<vmem>>[vector<16xi32>, vector<16xi32>], vector<16xf32>,
        tpu.vector_store_idx %arg9[%broadcast_in_dim3A_17, %parallel_loop3A_48], %parallel_loop3A_49 {add = true} : memref<4x10240xf32, #tpu.memory_space<vmem>>[vector<16xi32>, vector<16xi32>], vector<16xf32>,
        %parallel_loop3A_50 = tpu.vector_load_idx %arg8[%broadcast_in_dim3A_19, %parallel_loop3A_44] : memref<4x10240xf32, #tpu.memory_space<vmem>>[vector<16xi32>, vector<16xi32>], vector<16xf32>,
        tpu.vector_store_idx %arg9[%broadcast_in_dim3A_19, %parallel_loop3A_48], %parallel_loop3A_50 {add = true} : memref<4x10240xf32, #tpu.memory_space<vmem>>[vector<16xi32>, vector<16xi32>], vector<16xf32>,
        %parallel_loop3A_51 = tpu.vector_load_idx %arg8[%broadcast_in_dim3A_21, %parallel_loop3A_44] : memref<4x10240xf32, #tpu.memory_space<vmem>>[vector<16xi32>, vector<16xi32>], vector<16xf32>,
        tpu.vector_store_idx %arg9[%broadcast_in_dim3A_21, %parallel_loop3A_48], %parallel_loop3A_51 {add = true} : memref<4x10240xf32, #tpu.memory_space<vmem>>[vector<16xi32>, vector<16xi32>], vector<16xf32>,
        %parallel_loop3A_52 = tpu.vector_load_idx %arg8[%broadcast_in_dim3A_23, %parallel_loop3A_44] : memref<4x10240xf32, #tpu.memory_space<vmem>>[vector<16xi32>, vector<16xi32>], vector<16xf32>,
        tpu.vector_store_idx %arg9[%broadcast_in_dim3A_23, %parallel_loop3A_48], %parallel_loop3A_52 {add = true} : memref<4x10240xf32, #tpu.memory_space<vmem>>[vector<16xi32>, vector<16xi32>], vector<16xf32>,
      } {sc.loop_unroll_factor = 8 : i64, sc.parallel_access}
      %scan3A_39 = arith.constant 0 : i32
      scf.yield %scan3A_39 : i32
    }
    %scan3A_30 = arith.constant 79 : i32
    %mul3A_31 = arith.constant 4 : i32
    %mul3A_32 = arith.muli %add3A, %mul3A_31 : i32
    "tpu.region"() ({
      %run_scoped3A = tpu.sem_alloc : memref<!tpu.dma_semaphore, #tpu.memory_space<semaphore_mem>>
      %dma_start3A_33 = arith.constant 0 : i32
      %dma_start3A_34 = tpu.memref_slice %arg5[%mul3A_32, %dma_start3A_33] : memref<128x10240xf32, #tpu.memory_space<hbm>> -> memref<4x10240xf32, #tpu.memory_space<hbm>>
      %dma_start3A_35 = arith.constant 0 : i32
      %dma_start3A_36 = tpu.memref_slice %arg5[%mul3A_32, %dma_start3A_35] : memref<128x10240xf32, #tpu.memory_space<hbm>> -> memref<4x10240xf32, #tpu.memory_space<hbm>>
      tpu.enqueue_dma source(%arg9 : memref<4x10240xf32, #tpu.memory_space<vmem>>) target(%dma_start3A_36 : memref<4x10240xf32, #tpu.memory_space<hbm>>) target_semaphore(%run_scoped3A : memref<!tpu.dma_semaphore, #tpu.memory_space<semaphore_mem>>)
      %dma_wait3A_37 = arith.constant 0 : i32
      %dma_wait3A_38 = tpu.memref_slice %arg5[%mul3A_32, %dma_wait3A_37] : memref<128x10240xf32, #tpu.memory_space<hbm>> -> memref<4x10240xf32, #tpu.memory_space<hbm>>
      %dma_wait3A_39 = arith.constant 0 : i32
      %dma_wait3A_40 = tpu.memref_slice %arg5[%mul3A_32, %dma_wait3A_39] : memref<128x10240xf32, #tpu.memory_space<hbm>> -> memref<4x10240xf32, #tpu.memory_space<hbm>>
      tpu.wait_dma2 semaphore(%run_scoped3A : memref<!tpu.dma_semaphore, #tpu.memory_space<semaphore_mem>>) src(%arg9 : memref<4x10240xf32, #tpu.memory_space<vmem>>) dst(%dma_wait3A_40 : memref<4x10240xf32, #tpu.memory_space<hbm>>)
      tpu.yield
    }) : () -> ()
    return
  }
}

#map = affine_map<(d0, d1) -> (0)>
#map1 = affine_map<(d0, d1) -> (0, 0)>
module attributes {stable_mosaic.version = 14 : i64} {
  func.func @_sc_denom(%arg0: i32, %arg1: i32, %arg2: memref<323584xf32, #tpu.memory_space<hbm>>, %arg3: memref<323584xi32, #tpu.memory_space<hbm>>, %arg4: memref<32x10240xf32, #tpu.memory_space<hbm>>, %arg5: memref<10112xi32, #tpu.memory_space<vmem>>, %arg6: memref<10112xf32, #tpu.memory_space<vmem>>, %arg7: memref<10240xf32, #tpu.memory_space<vmem>>) attributes {dimension_semantics = [#tpu.dimension_semantics<core_parallel>, #tpu.dimension_semantics<subcore_parallel>], iteration_bounds = array<i64: 2, 16>, scalar_prefetch = 0 : i64, scratch_operands = 3 : i64, tpu.core_type = #tpu.core_type<sc_vector_subcore>, window_params = [{transform_indices = #map}, {transform_indices = #map}, {transform_indices = #map1}]} {
    %mul3A = arith.constant 16 : i32
    %mul3A_0 = arith.muli %arg0, %mul3A : i32
    %add3A = arith.addi %mul3A_0, %arg1 : i32
    %broadcast_in_dim3A = arith.constant 0.000000e+00 : f32
    %broadcast_in_dim3A_1 = vector.broadcast %broadcast_in_dim3A : f32 to vector<16xf32>
    %scan3A = arith.constant 0 : i32
    %scan3A_2 = arith.constant 0 : i32
    %scan3A_3 = arith.constant 640 : i32
    %scan3A_4 = arith.addi %scan3A_2, %scan3A_3 : i32
    %scan3A_5 = arith.constant 1 : i32
    %scan3A_6 = scf.for %scan3A_19 = %scan3A_2 to %scan3A_4 step %scan3A_5 iter_args(%scan3A_20 = %scan3A) -> (i32)  : i32 {
      %mul3A_21 = arith.constant 16 : i32
      %mul3A_22 = arith.muli %scan3A_19, %mul3A_21 : i32
      %swap3A = arith.index_cast %mul3A_22 : i32 to index
      %swap3A_23 = tpu.vector_load %arg7[%swap3A] {strides = array<i32>} : memref<10240xf32, #tpu.memory_space<vmem>>, vector<16xf32>,
      tpu.vector_store %arg7[%swap3A], %broadcast_in_dim3A_1 {strides = array<i32>} : memref<10240xf32, #tpu.memory_space<vmem>>, vector<16xf32>,
      %scan3A_24 = arith.constant 0 : i32
      scf.yield %scan3A_24 : i32
    }
    %scan3A_7 = arith.constant 640 : i32
    %mul3A_8 = arith.constant 10112 : i32
    %mul3A_9 = arith.muli %add3A, %mul3A_8 : i32
    "tpu.region"() ({
      %run_scoped3A = tpu.sem_alloc : memref<!tpu.dma_semaphore, #tpu.memory_space<semaphore_mem>>
      %dma_start3A = tpu.memref_slice %arg3[%mul3A_9] : memref<323584xi32, #tpu.memory_space<hbm>> -> memref<10112xi32, #tpu.memory_space<hbm>>
      %dma_start3A_19 = tpu.memref_slice %arg3[%mul3A_9] : memref<323584xi32, #tpu.memory_space<hbm>> -> memref<10112xi32, #tpu.memory_space<hbm>>
      tpu.enqueue_dma source(%dma_start3A_19 : memref<10112xi32, #tpu.memory_space<hbm>>) target(%arg5 : memref<10112xi32, #tpu.memory_space<vmem>>) target_semaphore(%run_scoped3A : memref<!tpu.dma_semaphore, #tpu.memory_space<semaphore_mem>>)
      %dma_wait3A = tpu.memref_slice %arg3[%mul3A_9] : memref<323584xi32, #tpu.memory_space<hbm>> -> memref<10112xi32, #tpu.memory_space<hbm>>
      %dma_wait3A_20 = tpu.memref_slice %arg3[%mul3A_9] : memref<323584xi32, #tpu.memory_space<hbm>> -> memref<10112xi32, #tpu.memory_space<hbm>>
      tpu.wait_dma2 semaphore(%run_scoped3A : memref<!tpu.dma_semaphore, #tpu.memory_space<semaphore_mem>>) src(%dma_wait3A_20 : memref<10112xi32, #tpu.memory_space<hbm>>) dst(%arg5 : memref<10112xi32, #tpu.memory_space<vmem>>)
      tpu.yield
    }) : () -> ()
    %mul3A_10 = arith.constant 10112 : i32
    %mul3A_11 = arith.muli %add3A, %mul3A_10 : i32
    "tpu.region"() ({
      %run_scoped3A = tpu.sem_alloc : memref<!tpu.dma_semaphore, #tpu.memory_space<semaphore_mem>>
      %dma_start3A = tpu.memref_slice %arg2[%mul3A_11] : memref<323584xf32, #tpu.memory_space<hbm>> -> memref<10112xf32, #tpu.memory_space<hbm>>
      %dma_start3A_19 = tpu.memref_slice %arg2[%mul3A_11] : memref<323584xf32, #tpu.memory_space<hbm>> -> memref<10112xf32, #tpu.memory_space<hbm>>
      tpu.enqueue_dma source(%dma_start3A_19 : memref<10112xf32, #tpu.memory_space<hbm>>) target(%arg6 : memref<10112xf32, #tpu.memory_space<vmem>>) target_semaphore(%run_scoped3A : memref<!tpu.dma_semaphore, #tpu.memory_space<semaphore_mem>>)
      %dma_wait3A = tpu.memref_slice %arg2[%mul3A_11] : memref<323584xf32, #tpu.memory_space<hbm>> -> memref<10112xf32, #tpu.memory_space<hbm>>
      %dma_wait3A_20 = tpu.memref_slice %arg2[%mul3A_11] : memref<323584xf32, #tpu.memory_space<hbm>> -> memref<10112xf32, #tpu.memory_space<hbm>>
      tpu.wait_dma2 semaphore(%run_scoped3A : memref<!tpu.dma_semaphore, #tpu.memory_space<semaphore_mem>>) src(%dma_wait3A_20 : memref<10112xf32, #tpu.memory_space<hbm>>) dst(%arg6 : memref<10112xf32, #tpu.memory_space<vmem>>)
      tpu.yield
    }) : () -> ()
    %scan3A_12 = arith.constant 0 : i32
    %scan3A_13 = arith.constant 0 : i32
    %scan3A_14 = arith.constant 632 : i32
    %scan3A_15 = arith.addi %scan3A_13, %scan3A_14 : i32
    %scan3A_16 = arith.constant 1 : i32
    %scan3A_17 = scf.for %scan3A_19 = %scan3A_13 to %scan3A_15 step %scan3A_16 iter_args(%scan3A_20 = %scan3A_12) -> (i32)  : i32 {
      %mul3A_21 = arith.constant 16 : i32
      %mul3A_22 = arith.muli %scan3A_19, %mul3A_21 : i32
      %get3A = arith.index_cast %mul3A_22 : i32 to index
      %get3A_23 = tpu.vector_load %arg5[%get3A] {strides = array<i32>} : memref<10112xi32, #tpu.memory_space<vmem>>, vector<16xi32>,
      %mul3A_24 = arith.constant 16 : i32
      %mul3A_25 = arith.muli %scan3A_19, %mul3A_24 : i32
      %get3A_26 = arith.index_cast %mul3A_25 : i32 to index
      %get3A_27 = tpu.vector_load %arg6[%get3A_26] {strides = array<i32>} : memref<10112xf32, #tpu.memory_space<vmem>>, vector<16xf32>,
      tpu.vector_store_idx %arg7[%get3A_23], %get3A_27 {add = true} : memref<10240xf32, #tpu.memory_space<vmem>>[vector<16xi32>], vector<16xf32>,
      %scan3A_28 = arith.constant 0 : i32
      scf.yield %scan3A_28 : i32
    }
    %scan3A_18 = arith.constant 632 : i32
    "tpu.region"() ({
      %run_scoped3A = tpu.sem_alloc : memref<!tpu.dma_semaphore, #tpu.memory_space<semaphore_mem>>
      %dma_start3A = arith.constant 0 : i32
      %dma_start3A_19 = tpu.memref_slice %arg4[%add3A, %dma_start3A] : memref<32x10240xf32, #tpu.memory_space<hbm>> -> memref<1x10240xf32, #tpu.memory_space<hbm>>
      %dma_start3A_20 = tpu.memref_squeeze %dma_start3A_19 : memref<1x10240xf32, #tpu.memory_space<hbm>> -> memref<10240xf32, #tpu.memory_space<hbm>>
      %dma_start3A_21 = arith.constant 0 : i32
      %dma_start3A_22 = tpu.memref_slice %arg4[%add3A, %dma_start3A_21] : memref<32x10240xf32, #tpu.memory_space<hbm>> -> memref<1x10240xf32, #tpu.memory_space<hbm>>
      %dma_start3A_23 = tpu.memref_squeeze %dma_start3A_22 : memref<1x10240xf32, #tpu.memory_space<hbm>> -> memref<10240xf32, #tpu.memory_space<hbm>>
      tpu.enqueue_dma source(%arg7 : memref<10240xf32, #tpu.memory_space<vmem>>) target(%dma_start3A_23 : memref<10240xf32, #tpu.memory_space<hbm>>) target_semaphore(%run_scoped3A : memref<!tpu.dma_semaphore, #tpu.memory_space<semaphore_mem>>)
      %dma_wait3A = arith.constant 0 : i32
      %dma_wait3A_24 = tpu.memref_slice %arg4[%add3A, %dma_wait3A] : memref<32x10240xf32, #tpu.memory_space<hbm>> -> memref<1x10240xf32, #tpu.memory_space<hbm>>
      %dma_wait3A_25 = tpu.memref_squeeze %dma_wait3A_24 : memref<1x10240xf32, #tpu.memory_space<hbm>> -> memref<10240xf32, #tpu.memory_space<hbm>>
      %dma_wait3A_26 = arith.constant 0 : i32
      %dma_wait3A_27 = tpu.memref_slice %arg4[%add3A, %dma_wait3A_26] : memref<32x10240xf32, #tpu.memory_space<hbm>> -> memref<1x10240xf32, #tpu.memory_space<hbm>>
      %dma_wait3A_28 = tpu.memref_squeeze %dma_wait3A_27 : memref<1x10240xf32, #tpu.memory_space<hbm>> -> memref<10240xf32, #tpu.memory_space<hbm>>
      tpu.wait_dma2 semaphore(%run_scoped3A : memref<!tpu.dma_semaphore, #tpu.memory_space<semaphore_mem>>) src(%arg7 : memref<10240xf32, #tpu.memory_space<vmem>>) dst(%dma_wait3A_28 : memref<10240xf32, #tpu.memory_space<hbm>>)
      tpu.yield
    }) : () -> ()
    return
  }
}

#map = affine_map<(d0, d1) -> (0, 0)>
#map1 = affine_map<(d0, d1) -> (0)>
module attributes {stable_mosaic.version = 14 : i64} {
  func.func @_sc_edge_w(%arg0: i32, %arg1: i32, %arg2: memref<10240x128xf32, #tpu.memory_space<hbm>>, %arg3: memref<10240x128xf32, #tpu.memory_space<hbm>>, %arg4: memref<323584xi32, #tpu.memory_space<hbm>>, %arg5: memref<323584xi32, #tpu.memory_space<hbm>>, %arg6: memref<128xf32, #tpu.memory_space<hbm>>, %arg7: memref<323584x128xf32, #tpu.memory_space<hbm>>, %arg8: memref<128xi32, #tpu.memory_space<vmem>>, %arg9: memref<128xi32, #tpu.memory_space<vmem>>, %arg10: memref<128x128xf32, #tpu.memory_space<vmem>>, %arg11: memref<128x128xf32, #tpu.memory_space<vmem>>, %arg12: memref<128xf32, #tpu.memory_space<vmem>>, %arg13: memref<!tpu.dma_semaphore, #tpu.memory_space<semaphore_mem>>, %arg14: memref<!tpu.dma_semaphore, #tpu.memory_space<semaphore_mem>>) attributes {dimension_semantics = [#tpu.dimension_semantics<core_parallel>, #tpu.dimension_semantics<subcore_parallel>], iteration_bounds = array<i64: 2, 16>, scalar_prefetch = 0 : i64, scratch_operands = 7 : i64, tpu.core_type = #tpu.core_type<sc_vector_subcore>, window_params = [{transform_indices = #map}, {transform_indices = #map}, {transform_indices = #map1}, {transform_indices = #map1}, {transform_indices = #map1}, {transform_indices = #map}]} {
    %mul3A = arith.constant 16 : i32
    %mul3A_0 = arith.muli %arg0, %mul3A : i32
    %add3A = arith.addi %mul3A_0, %arg1 : i32
    "tpu.region"() ({
      %run_scoped3A = tpu.sem_alloc : memref<!tpu.dma_semaphore, #tpu.memory_space<semaphore_mem>>
      tpu.enqueue_dma source(%arg6 : memref<128xf32, #tpu.memory_space<hbm>>) target(%arg12 : memref<128xf32, #tpu.memory_space<vmem>>) target_semaphore(%run_scoped3A : memref<!tpu.dma_semaphore, #tpu.memory_space<semaphore_mem>>)
      tpu.wait_dma2 semaphore(%run_scoped3A : memref<!tpu.dma_semaphore, #tpu.memory_space<semaphore_mem>>) src(%arg6 : memref<128xf32, #tpu.memory_space<hbm>>) dst(%arg12 : memref<128xf32, #tpu.memory_space<vmem>>)
      tpu.yield
    }) : () -> ()
    %get3A = arith.constant 0 : index
    %get3A_1 = tpu.vector_load %arg12[%get3A] {strides = array<i32>} : memref<128xf32, #tpu.memory_space<vmem>>, vector<16xf32>,
    %get3A_2 = vector.shape_cast %get3A_1 : vector<16xf32> to vector<16xf32>
    %mul3A_3 = arith.constant 6.000000e-01 : f32
    %mul3A_4 = vector.broadcast %mul3A_3 : f32 to vector<16xf32>
    %mul3A_5 = arith.mulf %get3A_2, %mul3A_4 : vector<16xf32>
    %get3A_6 = arith.constant 16 : index
    %get3A_7 = tpu.vector_load %arg12[%get3A_6] {strides = array<i32>} : memref<128xf32, #tpu.memory_space<vmem>>, vector<16xf32>,
    %get3A_8 = vector.shape_cast %get3A_7 : vector<16xf32> to vector<16xf32>
    %mul3A_9 = arith.constant 6.000000e-01 : f32
    %mul3A_10 = vector.broadcast %mul3A_9 : f32 to vector<16xf32>
    %mul3A_11 = arith.mulf %get3A_8, %mul3A_10 : vector<16xf32>
    %get3A_12 = arith.constant 32 : index
    %get3A_13 = tpu.vector_load %arg12[%get3A_12] {strides = array<i32>} : memref<128xf32, #tpu.memory_space<vmem>>, vector<16xf32>,
    %get3A_14 = vector.shape_cast %get3A_13 : vector<16xf32> to vector<16xf32>
    %mul3A_15 = arith.constant 6.000000e-01 : f32
    %mul3A_16 = vector.broadcast %mul3A_15 : f32 to vector<16xf32>
    %mul3A_17 = arith.mulf %get3A_14, %mul3A_16 : vector<16xf32>
    %get3A_18 = arith.constant 48 : index
    %get3A_19 = tpu.vector_load %arg12[%get3A_18] {strides = array<i32>} : memref<128xf32, #tpu.memory_space<vmem>>, vector<16xf32>,
    %get3A_20 = vector.shape_cast %get3A_19 : vector<16xf32> to vector<16xf32>
    %mul3A_21 = arith.constant 6.000000e-01 : f32
    %mul3A_22 = vector.broadcast %mul3A_21 : f32 to vector<16xf32>
    %mul3A_23 = arith.mulf %get3A_20, %mul3A_22 : vector<16xf32>
    %get3A_24 = arith.constant 64 : index
    %get3A_25 = tpu.vector_load %arg12[%get3A_24] {strides = array<i32>} : memref<128xf32, #tpu.memory_space<vmem>>, vector<16xf32>,
    %get3A_26 = vector.shape_cast %get3A_25 : vector<16xf32> to vector<16xf32>
    %mul3A_27 = arith.constant 6.000000e-01 : f32
    %mul3A_28 = vector.broadcast %mul3A_27 : f32 to vector<16xf32>
    %mul3A_29 = arith.mulf %get3A_26, %mul3A_28 : vector<16xf32>
    %get3A_30 = arith.constant 80 : index
    %get3A_31 = tpu.vector_load %arg12[%get3A_30] {strides = array<i32>} : memref<128xf32, #tpu.memory_space<vmem>>, vector<16xf32>,
    %get3A_32 = vector.shape_cast %get3A_31 : vector<16xf32> to vector<16xf32>
    %mul3A_33 = arith.constant 6.000000e-01 : f32
    %mul3A_34 = vector.broadcast %mul3A_33 : f32 to vector<16xf32>
    %mul3A_35 = arith.mulf %get3A_32, %mul3A_34 : vector<16xf32>
    %get3A_36 = arith.constant 96 : index
    %get3A_37 = tpu.vector_load %arg12[%get3A_36] {strides = array<i32>} : memref<128xf32, #tpu.memory_space<vmem>>, vector<16xf32>,
    %get3A_38 = vector.shape_cast %get3A_37 : vector<16xf32> to vector<16xf32>
    %mul3A_39 = arith.constant 6.000000e-01 : f32
    %mul3A_40 = vector.broadcast %mul3A_39 : f32 to vector<16xf32>
    %mul3A_41 = arith.mulf %get3A_38, %mul3A_40 : vector<16xf32>
    %get3A_42 = arith.constant 112 : index
    %get3A_43 = tpu.vector_load %arg12[%get3A_42] {strides = array<i32>} : memref<128xf32, #tpu.memory_space<vmem>>, vector<16xf32>,
    %get3A_44 = vector.shape_cast %get3A_43 : vector<16xf32> to vector<16xf32>
    %mul3A_45 = arith.constant 6.000000e-01 : f32
    %mul3A_46 = vector.broadcast %mul3A_45 : f32 to vector<16xf32>
    %mul3A_47 = arith.mulf %get3A_44, %mul3A_46 : vector<16xf32>
    %get3A_48 = arith.constant 0 : index
    %get3A_49 = tpu.vector_load %arg12[%get3A_48] {strides = array<i32>} : memref<128xf32, #tpu.memory_space<vmem>>, vector<16xf32>,
    %get3A_50 = vector.shape_cast %get3A_49 : vector<16xf32> to vector<16xf32>
    %mul3A_51 = arith.constant 4.000000e-01 : f32
    %mul3A_52 = vector.broadcast %mul3A_51 : f32 to vector<16xf32>
    %mul3A_53 = arith.mulf %get3A_50, %mul3A_52 : vector<16xf32>
    %get3A_54 = arith.constant 16 : index
    %get3A_55 = tpu.vector_load %arg12[%get3A_54] {strides = array<i32>} : memref<128xf32, #tpu.memory_space<vmem>>, vector<16xf32>,
    %get3A_56 = vector.shape_cast %get3A_55 : vector<16xf32> to vector<16xf32>
    %mul3A_57 = arith.constant 4.000000e-01 : f32
    %mul3A_58 = vector.broadcast %mul3A_57 : f32 to vector<16xf32>
    %mul3A_59 = arith.mulf %get3A_56, %mul3A_58 : vector<16xf32>
    %get3A_60 = arith.constant 32 : index
    %get3A_61 = tpu.vector_load %arg12[%get3A_60] {strides = array<i32>} : memref<128xf32, #tpu.memory_space<vmem>>, vector<16xf32>,
    %get3A_62 = vector.shape_cast %get3A_61 : vector<16xf32> to vector<16xf32>
    %mul3A_63 = arith.constant 4.000000e-01 : f32
    %mul3A_64 = vector.broadcast %mul3A_63 : f32 to vector<16xf32>
    %mul3A_65 = arith.mulf %get3A_62, %mul3A_64 : vector<16xf32>
    %get3A_66 = arith.constant 48 : index
    %get3A_67 = tpu.vector_load %arg12[%get3A_66] {strides = array<i32>} : memref<128xf32, #tpu.memory_space<vmem>>, vector<16xf32>,
    %get3A_68 = vector.shape_cast %get3A_67 : vector<16xf32> to vector<16xf32>
    %mul3A_69 = arith.constant 4.000000e-01 : f32
    %mul3A_70 = vector.broadcast %mul3A_69 : f32 to vector<16xf32>
    %mul3A_71 = arith.mulf %get3A_68, %mul3A_70 : vector<16xf32>
    %get3A_72 = arith.constant 64 : index
    %get3A_73 = tpu.vector_load %arg12[%get3A_72] {strides = array<i32>} : memref<128xf32, #tpu.memory_space<vmem>>, vector<16xf32>,
    %get3A_74 = vector.shape_cast %get3A_73 : vector<16xf32> to vector<16xf32>
    %mul3A_75 = arith.constant 4.000000e-01 : f32
    %mul3A_76 = vector.broadcast %mul3A_75 : f32 to vector<16xf32>
    %mul3A_77 = arith.mulf %get3A_74, %mul3A_76 : vector<16xf32>
    %get3A_78 = arith.constant 80 : index
    %get3A_79 = tpu.vector_load %arg12[%get3A_78] {strides = array<i32>} : memref<128xf32, #tpu.memory_space<vmem>>, vector<16xf32>,
    %get3A_80 = vector.shape_cast %get3A_79 : vector<16xf32> to vector<16xf32>
    %mul3A_81 = arith.constant 4.000000e-01 : f32
    %mul3A_82 = vector.broadcast %mul3A_81 : f32 to vector<16xf32>
    %mul3A_83 = arith.mulf %get3A_80, %mul3A_82 : vector<16xf32>
    %get3A_84 = arith.constant 96 : index
    %get3A_85 = tpu.vector_load %arg12[%get3A_84] {strides = array<i32>} : memref<128xf32, #tpu.memory_space<vmem>>, vector<16xf32>,
    %get3A_86 = vector.shape_cast %get3A_85 : vector<16xf32> to vector<16xf32>
    %mul3A_87 = arith.constant 4.000000e-01 : f32
    %mul3A_88 = vector.broadcast %mul3A_87 : f32 to vector<16xf32>
    %mul3A_89 = arith.mulf %get3A_86, %mul3A_88 : vector<16xf32>
    %get3A_90 = arith.constant 112 : index
    %get3A_91 = tpu.vector_load %arg12[%get3A_90] {strides = array<i32>} : memref<128xf32, #tpu.memory_space<vmem>>, vector<16xf32>,
    %get3A_92 = vector.shape_cast %get3A_91 : vector<16xf32> to vector<16xf32>
    %mul3A_93 = arith.constant 4.000000e-01 : f32
    %mul3A_94 = vector.broadcast %mul3A_93 : f32 to vector<16xf32>
    %mul3A_95 = arith.mulf %get3A_92, %mul3A_94 : vector<16xf32>
    %scan3A = arith.constant 0 : i32
    %scan3A_96 = arith.constant 0 : i32
    %scan3A_97 = arith.constant 79 : i32
    %scan3A_98 = arith.addi %scan3A_96, %scan3A_97 : i32
    %scan3A_99 = arith.constant 1 : i32
    %scan3A_100 = scf.for %scan3A_102 = %scan3A_96 to %scan3A_98 step %scan3A_99 iter_args(%scan3A_103 = %scan3A) -> (i32)  : i32 {
      %mul3A_104 = arith.constant 10112 : i32
      %mul3A_105 = arith.muli %add3A, %mul3A_104 : i32
      %mul3A_106 = arith.constant 128 : i32
      %mul3A_107 = arith.muli %scan3A_102, %mul3A_106 : i32
      %add3A_108 = arith.addi %mul3A_105, %mul3A_107 : i32
      "tpu.region"() ({
        %run_scoped3A = tpu.sem_alloc : memref<!tpu.dma_semaphore, #tpu.memory_space<semaphore_mem>>
        %dma_start3A_122 = tpu.memref_slice %arg4[%add3A_108] : memref<323584xi32, #tpu.memory_space<hbm>> -> memref<128xi32, #tpu.memory_space<hbm>>
        %dma_start3A_123 = tpu.memref_slice %arg4[%add3A_108] : memref<323584xi32, #tpu.memory_space<hbm>> -> memref<128xi32, #tpu.memory_space<hbm>>
        tpu.enqueue_dma source(%dma_start3A_123 : memref<128xi32, #tpu.memory_space<hbm>>) target(%arg8 : memref<128xi32, #tpu.memory_space<vmem>>) target_semaphore(%run_scoped3A : memref<!tpu.dma_semaphore, #tpu.memory_space<semaphore_mem>>)
        %dma_wait3A_124 = tpu.memref_slice %arg4[%add3A_108] : memref<323584xi32, #tpu.memory_space<hbm>> -> memref<128xi32, #tpu.memory_space<hbm>>
        %dma_wait3A_125 = tpu.memref_slice %arg4[%add3A_108] : memref<323584xi32, #tpu.memory_space<hbm>> -> memref<128xi32, #tpu.memory_space<hbm>>
        tpu.wait_dma2 semaphore(%run_scoped3A : memref<!tpu.dma_semaphore, #tpu.memory_space<semaphore_mem>>) src(%dma_wait3A_125 : memref<128xi32, #tpu.memory_space<hbm>>) dst(%arg8 : memref<128xi32, #tpu.memory_space<vmem>>)
        tpu.yield
      }) : () -> ()
      "tpu.region"() ({
        %run_scoped3A = tpu.sem_alloc : memref<!tpu.dma_semaphore, #tpu.memory_space<semaphore_mem>>
        %dma_start3A_122 = tpu.memref_slice %arg5[%add3A_108] : memref<323584xi32, #tpu.memory_space<hbm>> -> memref<128xi32, #tpu.memory_space<hbm>>
        %dma_start3A_123 = tpu.memref_slice %arg5[%add3A_108] : memref<323584xi32, #tpu.memory_space<hbm>> -> memref<128xi32, #tpu.memory_space<hbm>>
        tpu.enqueue_dma source(%dma_start3A_123 : memref<128xi32, #tpu.memory_space<hbm>>) target(%arg9 : memref<128xi32, #tpu.memory_space<vmem>>) target_semaphore(%run_scoped3A : memref<!tpu.dma_semaphore, #tpu.memory_space<semaphore_mem>>)
        %dma_wait3A_124 = tpu.memref_slice %arg5[%add3A_108] : memref<323584xi32, #tpu.memory_space<hbm>> -> memref<128xi32, #tpu.memory_space<hbm>>
        %dma_wait3A_125 = tpu.memref_slice %arg5[%add3A_108] : memref<323584xi32, #tpu.memory_space<hbm>> -> memref<128xi32, #tpu.memory_space<hbm>>
        tpu.wait_dma2 semaphore(%run_scoped3A : memref<!tpu.dma_semaphore, #tpu.memory_space<semaphore_mem>>) src(%dma_wait3A_125 : memref<128xi32, #tpu.memory_space<hbm>>) dst(%arg9 : memref<128xi32, #tpu.memory_space<vmem>>)
        tpu.yield
      }) : () -> ()
      %dma_start3A = arith.constant 0 : i32
      %dma_start3A_109 = arith.constant 0 : i32
      %dma_start3A_110 = tpu.memref_slice %arg2[%dma_start3A, %dma_start3A_109] : memref<10240x128xf32, #tpu.memory_space<hbm>> -> memref<10240x128xf32, #tpu.memory_space<hbm>>
      tpu.enqueue_indirect_dma source(%dma_start3A_110 : memref<10240x128xf32, #tpu.memory_space<hbm>>) target(%arg10 : memref<128x128xf32, #tpu.memory_space<vmem>>) offsets(%arg8 : memref<128xi32, #tpu.memory_space<vmem>>) semaphore(%arg13 : memref<!tpu.dma_semaphore, #tpu.memory_space<semaphore_mem>>)
      %dma_start3A_111 = arith.constant 0 : i32
      %dma_start3A_112 = arith.constant 0 : i32
      %dma_start3A_113 = tpu.memref_slice %arg3[%dma_start3A_111, %dma_start3A_112] : memref<10240x128xf32, #tpu.memory_space<hbm>> -> memref<10240x128xf32, #tpu.memory_space<hbm>>
      tpu.enqueue_indirect_dma source(%dma_start3A_113 : memref<10240x128xf32, #tpu.memory_space<hbm>>) target(%arg11 : memref<128x128xf32, #tpu.memory_space<vmem>>) offsets(%arg9 : memref<128xi32, #tpu.memory_space<vmem>>) semaphore(%arg14 : memref<!tpu.dma_semaphore, #tpu.memory_space<semaphore_mem>>)
      %dma_wait3A = arith.constant 0 : i32
      %dma_wait3A_114 = arith.constant 0 : i32
      %dma_wait3A_115 = tpu.memref_slice %arg2[%dma_wait3A, %dma_wait3A_114] : memref<10240x128xf32, #tpu.memory_space<hbm>> -> memref<10240x128xf32, #tpu.memory_space<hbm>>
      tpu.wait_indirect_dma semaphore(%arg13 : memref<!tpu.dma_semaphore, #tpu.memory_space<semaphore_mem>>) src(%dma_wait3A_115 : memref<10240x128xf32, #tpu.memory_space<hbm>>) dst(%arg10 : memref<128x128xf32, #tpu.memory_space<vmem>>)
      %dma_wait3A_116 = arith.constant 0 : i32
      %dma_wait3A_117 = arith.constant 0 : i32
      %dma_wait3A_118 = tpu.memref_slice %arg3[%dma_wait3A_116, %dma_wait3A_117] : memref<10240x128xf32, #tpu.memory_space<hbm>> -> memref<10240x128xf32, #tpu.memory_space<hbm>>
      tpu.wait_indirect_dma semaphore(%arg14 : memref<!tpu.dma_semaphore, #tpu.memory_space<semaphore_mem>>) src(%dma_wait3A_118 : memref<10240x128xf32, #tpu.memory_space<hbm>>) dst(%arg11 : memref<128x128xf32, #tpu.memory_space<vmem>>)
      %parallel_loop3A = arith.constant 0 : i32
      %parallel_loop3A_119 = arith.constant 128 : i32
      %parallel_loop3A_120 = arith.constant 1 : i32
      scf.for %parallel_loop3A_122 = %parallel_loop3A to %parallel_loop3A_119 step %parallel_loop3A_120  : i32 {
        %parallel_loop3A_123 = arith.index_cast %parallel_loop3A_122 : i32 to index
        %parallel_loop3A_124 = arith.constant 0 : index
        %parallel_loop3A_125 = tpu.vector_load %arg10[%parallel_loop3A_123, %parallel_loop3A_124] {strides = array<i32>} : memref<128x128xf32, #tpu.memory_space<vmem>>, vector<1x16xf32>,
        %parallel_loop3A_126 = vector.shape_cast %parallel_loop3A_125 : vector<1x16xf32> to vector<16xf32>
        %parallel_loop3A_127 = arith.index_cast %parallel_loop3A_122 : i32 to index
        %parallel_loop3A_128 = arith.constant 0 : index
        %parallel_loop3A_129 = tpu.vector_load %arg11[%parallel_loop3A_127, %parallel_loop3A_128] {strides = array<i32>} : memref<128x128xf32, #tpu.memory_space<vmem>>, vector<1x16xf32>,
        %parallel_loop3A_130 = vector.shape_cast %parallel_loop3A_129 : vector<1x16xf32> to vector<16xf32>
        %parallel_loop3A_131 = arith.addf %parallel_loop3A_126, %parallel_loop3A_130 : vector<16xf32>
        %parallel_loop3A_132 = arith.mulf %parallel_loop3A_131, %mul3A_5 : vector<16xf32>
        %parallel_loop3A_133 = math.absf %parallel_loop3A_131 : vector<16xf32>
        %parallel_loop3A_134 = arith.mulf %parallel_loop3A_133, %mul3A_53 : vector<16xf32>
        %parallel_loop3A_135 = arith.addf %parallel_loop3A_132, %parallel_loop3A_134 : vector<16xf32>
        %parallel_loop3A_136 = arith.index_cast %parallel_loop3A_122 : i32 to index
        %parallel_loop3A_137 = arith.constant 0 : index
        %parallel_loop3A_138 = tpu.vector_load %arg10[%parallel_loop3A_136, %parallel_loop3A_137] {strides = array<i32>} : memref<128x128xf32, #tpu.memory_space<vmem>>, vector<1x16xf32>,
        %parallel_loop3A_139 = vector.shape_cast %parallel_loop3A_138 : vector<1x16xf32> to vector<16xf32>
        %parallel_loop3A_140 = vector.shape_cast %parallel_loop3A_135 : vector<16xf32> to vector<1x16xf32>
        tpu.vector_store %arg10[%parallel_loop3A_136, %parallel_loop3A_137], %parallel_loop3A_140 {strides = array<i32>} : memref<128x128xf32, #tpu.memory_space<vmem>>, vector<1x16xf32>,
        %parallel_loop3A_141 = arith.index_cast %parallel_loop3A_122 : i32 to index
        %parallel_loop3A_142 = arith.constant 16 : index
        %parallel_loop3A_143 = tpu.vector_load %arg10[%parallel_loop3A_141, %parallel_loop3A_142] {strides = array<i32>} : memref<128x128xf32, #tpu.memory_space<vmem>>, vector<1x16xf32>,
        %parallel_loop3A_144 = vector.shape_cast %parallel_loop3A_143 : vector<1x16xf32> to vector<16xf32>
        %parallel_loop3A_145 = arith.index_cast %parallel_loop3A_122 : i32 to index
        %parallel_loop3A_146 = arith.constant 16 : index
        %parallel_loop3A_147 = tpu.vector_load %arg11[%parallel_loop3A_145, %parallel_loop3A_146] {strides = array<i32>} : memref<128x128xf32, #tpu.memory_space<vmem>>, vector<1x16xf32>,
        %parallel_loop3A_148 = vector.shape_cast %parallel_loop3A_147 : vector<1x16xf32> to vector<16xf32>
        %parallel_loop3A_149 = arith.addf %parallel_loop3A_144, %parallel_loop3A_148 : vector<16xf32>
        %parallel_loop3A_150 = arith.mulf %parallel_loop3A_149, %mul3A_11 : vector<16xf32>
        %parallel_loop3A_151 = math.absf %parallel_loop3A_149 : vector<16xf32>
        %parallel_loop3A_152 = arith.mulf %parallel_loop3A_151, %mul3A_59 : vector<16xf32>
        %parallel_loop3A_153 = arith.addf %parallel_loop3A_150, %parallel_loop3A_152 : vector<16xf32>
        %parallel_loop3A_154 = arith.index_cast %parallel_loop3A_122 : i32 to index
        %parallel_loop3A_155 = arith.constant 16 : index
        %parallel_loop3A_156 = tpu.vector_load %arg10[%parallel_loop3A_154, %parallel_loop3A_155] {strides = array<i32>} : memref<128x128xf32, #tpu.memory_space<vmem>>, vector<1x16xf32>,
        %parallel_loop3A_157 = vector.shape_cast %parallel_loop3A_156 : vector<1x16xf32> to vector<16xf32>
        %parallel_loop3A_158 = vector.shape_cast %parallel_loop3A_153 : vector<16xf32> to vector<1x16xf32>
        tpu.vector_store %arg10[%parallel_loop3A_154, %parallel_loop3A_155], %parallel_loop3A_158 {strides = array<i32>} : memref<128x128xf32, #tpu.memory_space<vmem>>, vector<1x16xf32>,
        %parallel_loop3A_159 = arith.index_cast %parallel_loop3A_122 : i32 to index
        %parallel_loop3A_160 = arith.constant 32 : index
        %parallel_loop3A_161 = tpu.vector_load %arg10[%parallel_loop3A_159, %parallel_loop3A_160] {strides = array<i32>} : memref<128x128xf32, #tpu.memory_space<vmem>>, vector<1x16xf32>,
        %parallel_loop3A_162 = vector.shape_cast %parallel_loop3A_161 : vector<1x16xf32> to vector<16xf32>
        %parallel_loop3A_163 = arith.index_cast %parallel_loop3A_122 : i32 to index
        %parallel_loop3A_164 = arith.constant 32 : index
        %parallel_loop3A_165 = tpu.vector_load %arg11[%parallel_loop3A_163, %parallel_loop3A_164] {strides = array<i32>} : memref<128x128xf32, #tpu.memory_space<vmem>>, vector<1x16xf32>,
        %parallel_loop3A_166 = vector.shape_cast %parallel_loop3A_165 : vector<1x16xf32> to vector<16xf32>
        %parallel_loop3A_167 = arith.addf %parallel_loop3A_162, %parallel_loop3A_166 : vector<16xf32>
        %parallel_loop3A_168 = arith.mulf %parallel_loop3A_167, %mul3A_17 : vector<16xf32>
        %parallel_loop3A_169 = math.absf %parallel_loop3A_167 : vector<16xf32>
        %parallel_loop3A_170 = arith.mulf %parallel_loop3A_169, %mul3A_65 : vector<16xf32>
        %parallel_loop3A_171 = arith.addf %parallel_loop3A_168, %parallel_loop3A_170 : vector<16xf32>
        %parallel_loop3A_172 = arith.index_cast %parallel_loop3A_122 : i32 to index
        %parallel_loop3A_173 = arith.constant 32 : index
        %parallel_loop3A_174 = tpu.vector_load %arg10[%parallel_loop3A_172, %parallel_loop3A_173] {strides = array<i32>} : memref<128x128xf32, #tpu.memory_space<vmem>>, vector<1x16xf32>,
        %parallel_loop3A_175 = vector.shape_cast %parallel_loop3A_174 : vector<1x16xf32> to vector<16xf32>
        %parallel_loop3A_176 = vector.shape_cast %parallel_loop3A_171 : vector<16xf32> to vector<1x16xf32>
        tpu.vector_store %arg10[%parallel_loop3A_172, %parallel_loop3A_173], %parallel_loop3A_176 {strides = array<i32>} : memref<128x128xf32, #tpu.memory_space<vmem>>, vector<1x16xf32>,
        %parallel_loop3A_177 = arith.index_cast %parallel_loop3A_122 : i32 to index
        %parallel_loop3A_178 = arith.constant 48 : index
        %parallel_loop3A_179 = tpu.vector_load %arg10[%parallel_loop3A_177, %parallel_loop3A_178] {strides = array<i32>} : memref<128x128xf32, #tpu.memory_space<vmem>>, vector<1x16xf32>,
        %parallel_loop3A_180 = vector.shape_cast %parallel_loop3A_179 : vector<1x16xf32> to vector<16xf32>
        %parallel_loop3A_181 = arith.index_cast %parallel_loop3A_122 : i32 to index
        %parallel_loop3A_182 = arith.constant 48 : index
        %parallel_loop3A_183 = tpu.vector_load %arg11[%parallel_loop3A_181, %parallel_loop3A_182] {strides = array<i32>} : memref<128x128xf32, #tpu.memory_space<vmem>>, vector<1x16xf32>,
        %parallel_loop3A_184 = vector.shape_cast %parallel_loop3A_183 : vector<1x16xf32> to vector<16xf32>
        %parallel_loop3A_185 = arith.addf %parallel_loop3A_180, %parallel_loop3A_184 : vector<16xf32>
        %parallel_loop3A_186 = arith.mulf %parallel_loop3A_185, %mul3A_23 : vector<16xf32>
        %parallel_loop3A_187 = math.absf %parallel_loop3A_185 : vector<16xf32>
        %parallel_loop3A_188 = arith.mulf %parallel_loop3A_187, %mul3A_71 : vector<16xf32>
        %parallel_loop3A_189 = arith.addf %parallel_loop3A_186, %parallel_loop3A_188 : vector<16xf32>
        %parallel_loop3A_190 = arith.index_cast %parallel_loop3A_122 : i32 to index
        %parallel_loop3A_191 = arith.constant 48 : index
        %parallel_loop3A_192 = tpu.vector_load %arg10[%parallel_loop3A_190, %parallel_loop3A_191] {strides = array<i32>} : memref<128x128xf32, #tpu.memory_space<vmem>>, vector<1x16xf32>,
        %parallel_loop3A_193 = vector.shape_cast %parallel_loop3A_192 : vector<1x16xf32> to vector<16xf32>
        %parallel_loop3A_194 = vector.shape_cast %parallel_loop3A_189 : vector<16xf32> to vector<1x16xf32>
        tpu.vector_store %arg10[%parallel_loop3A_190, %parallel_loop3A_191], %parallel_loop3A_194 {strides = array<i32>} : memref<128x128xf32, #tpu.memory_space<vmem>>, vector<1x16xf32>,
        %parallel_loop3A_195 = arith.index_cast %parallel_loop3A_122 : i32 to index
        %parallel_loop3A_196 = arith.constant 64 : index
        %parallel_loop3A_197 = tpu.vector_load %arg10[%parallel_loop3A_195, %parallel_loop3A_196] {strides = array<i32>} : memref<128x128xf32, #tpu.memory_space<vmem>>, vector<1x16xf32>,
        %parallel_loop3A_198 = vector.shape_cast %parallel_loop3A_197 : vector<1x16xf32> to vector<16xf32>
        %parallel_loop3A_199 = arith.index_cast %parallel_loop3A_122 : i32 to index
        %parallel_loop3A_200 = arith.constant 64 : index
        %parallel_loop3A_201 = tpu.vector_load %arg11[%parallel_loop3A_199, %parallel_loop3A_200] {strides = array<i32>} : memref<128x128xf32, #tpu.memory_space<vmem>>, vector<1x16xf32>,
        %parallel_loop3A_202 = vector.shape_cast %parallel_loop3A_201 : vector<1x16xf32> to vector<16xf32>
        %parallel_loop3A_203 = arith.addf %parallel_loop3A_198, %parallel_loop3A_202 : vector<16xf32>
        %parallel_loop3A_204 = arith.mulf %parallel_loop3A_203, %mul3A_29 : vector<16xf32>
        %parallel_loop3A_205 = math.absf %parallel_loop3A_203 : vector<16xf32>
        %parallel_loop3A_206 = arith.mulf %parallel_loop3A_205, %mul3A_77 : vector<16xf32>
        %parallel_loop3A_207 = arith.addf %parallel_loop3A_204, %parallel_loop3A_206 : vector<16xf32>
        %parallel_loop3A_208 = arith.index_cast %parallel_loop3A_122 : i32 to index
        %parallel_loop3A_209 = arith.constant 64 : index
        %parallel_loop3A_210 = tpu.vector_load %arg10[%parallel_loop3A_208, %parallel_loop3A_209] {strides = array<i32>} : memref<128x128xf32, #tpu.memory_space<vmem>>, vector<1x16xf32>,
        %parallel_loop3A_211 = vector.shape_cast %parallel_loop3A_210 : vector<1x16xf32> to vector<16xf32>
        %parallel_loop3A_212 = vector.shape_cast %parallel_loop3A_207 : vector<16xf32> to vector<1x16xf32>
        tpu.vector_store %arg10[%parallel_loop3A_208, %parallel_loop3A_209], %parallel_loop3A_212 {strides = array<i32>} : memref<128x128xf32, #tpu.memory_space<vmem>>, vector<1x16xf32>,
        %parallel_loop3A_213 = arith.index_cast %parallel_loop3A_122 : i32 to index
        %parallel_loop3A_214 = arith.constant 80 : index
        %parallel_loop3A_215 = tpu.vector_load %arg10[%parallel_loop3A_213, %parallel_loop3A_214] {strides = array<i32>} : memref<128x128xf32, #tpu.memory_space<vmem>>, vector<1x16xf32>,
        %parallel_loop3A_216 = vector.shape_cast %parallel_loop3A_215 : vector<1x16xf32> to vector<16xf32>
        %parallel_loop3A_217 = arith.index_cast %parallel_loop3A_122 : i32 to index
        %parallel_loop3A_218 = arith.constant 80 : index
        %parallel_loop3A_219 = tpu.vector_load %arg11[%parallel_loop3A_217, %parallel_loop3A_218] {strides = array<i32>} : memref<128x128xf32, #tpu.memory_space<vmem>>, vector<1x16xf32>,
        %parallel_loop3A_220 = vector.shape_cast %parallel_loop3A_219 : vector<1x16xf32> to vector<16xf32>
        %parallel_loop3A_221 = arith.addf %parallel_loop3A_216, %parallel_loop3A_220 : vector<16xf32>
        %parallel_loop3A_222 = arith.mulf %parallel_loop3A_221, %mul3A_35 : vector<16xf32>
        %parallel_loop3A_223 = math.absf %parallel_loop3A_221 : vector<16xf32>
        %parallel_loop3A_224 = arith.mulf %parallel_loop3A_223, %mul3A_83 : vector<16xf32>
        %parallel_loop3A_225 = arith.addf %parallel_loop3A_222, %parallel_loop3A_224 : vector<16xf32>
        %parallel_loop3A_226 = arith.index_cast %parallel_loop3A_122 : i32 to index
        %parallel_loop3A_227 = arith.constant 80 : index
        %parallel_loop3A_228 = tpu.vector_load %arg10[%parallel_loop3A_226, %parallel_loop3A_227] {strides = array<i32>} : memref<128x128xf32, #tpu.memory_space<vmem>>, vector<1x16xf32>,
        %parallel_loop3A_229 = vector.shape_cast %parallel_loop3A_228 : vector<1x16xf32> to vector<16xf32>
        %parallel_loop3A_230 = vector.shape_cast %parallel_loop3A_225 : vector<16xf32> to vector<1x16xf32>
        tpu.vector_store %arg10[%parallel_loop3A_226, %parallel_loop3A_227], %parallel_loop3A_230 {strides = array<i32>} : memref<128x128xf32, #tpu.memory_space<vmem>>, vector<1x16xf32>,
        %parallel_loop3A_231 = arith.index_cast %parallel_loop3A_122 : i32 to index
        %parallel_loop3A_232 = arith.constant 96 : index
        %parallel_loop3A_233 = tpu.vector_load %arg10[%parallel_loop3A_231, %parallel_loop3A_232] {strides = array<i32>} : memref<128x128xf32, #tpu.memory_space<vmem>>, vector<1x16xf32>,
        %parallel_loop3A_234 = vector.shape_cast %parallel_loop3A_233 : vector<1x16xf32> to vector<16xf32>
        %parallel_loop3A_235 = arith.index_cast %parallel_loop3A_122 : i32 to index
        %parallel_loop3A_236 = arith.constant 96 : index
        %parallel_loop3A_237 = tpu.vector_load %arg11[%parallel_loop3A_235, %parallel_loop3A_236] {strides = array<i32>} : memref<128x128xf32, #tpu.memory_space<vmem>>, vector<1x16xf32>,
        %parallel_loop3A_238 = vector.shape_cast %parallel_loop3A_237 : vector<1x16xf32> to vector<16xf32>
        %parallel_loop3A_239 = arith.addf %parallel_loop3A_234, %parallel_loop3A_238 : vector<16xf32>
        %parallel_loop3A_240 = arith.mulf %parallel_loop3A_239, %mul3A_41 : vector<16xf32>
        %parallel_loop3A_241 = math.absf %parallel_loop3A_239 : vector<16xf32>
        %parallel_loop3A_242 = arith.mulf %parallel_loop3A_241, %mul3A_89 : vector<16xf32>
        %parallel_loop3A_243 = arith.addf %parallel_loop3A_240, %parallel_loop3A_242 : vector<16xf32>
        %parallel_loop3A_244 = arith.index_cast %parallel_loop3A_122 : i32 to index
        %parallel_loop3A_245 = arith.constant 96 : index
        %parallel_loop3A_246 = tpu.vector_load %arg10[%parallel_loop3A_244, %parallel_loop3A_245] {strides = array<i32>} : memref<128x128xf32, #tpu.memory_space<vmem>>, vector<1x16xf32>,
        %parallel_loop3A_247 = vector.shape_cast %parallel_loop3A_246 : vector<1x16xf32> to vector<16xf32>
        %parallel_loop3A_248 = vector.shape_cast %parallel_loop3A_243 : vector<16xf32> to vector<1x16xf32>
        tpu.vector_store %arg10[%parallel_loop3A_244, %parallel_loop3A_245], %parallel_loop3A_248 {strides = array<i32>} : memref<128x128xf32, #tpu.memory_space<vmem>>, vector<1x16xf32>,
        %parallel_loop3A_249 = arith.index_cast %parallel_loop3A_122 : i32 to index
        %parallel_loop3A_250 = arith.constant 112 : index
        %parallel_loop3A_251 = tpu.vector_load %arg10[%parallel_loop3A_249, %parallel_loop3A_250] {strides = array<i32>} : memref<128x128xf32, #tpu.memory_space<vmem>>, vector<1x16xf32>,
        %parallel_loop3A_252 = vector.shape_cast %parallel_loop3A_251 : vector<1x16xf32> to vector<16xf32>
        %parallel_loop3A_253 = arith.index_cast %parallel_loop3A_122 : i32 to index
        %parallel_loop3A_254 = arith.constant 112 : index
        %parallel_loop3A_255 = tpu.vector_load %arg11[%parallel_loop3A_253, %parallel_loop3A_254] {strides = array<i32>} : memref<128x128xf32, #tpu.memory_space<vmem>>, vector<1x16xf32>,
        %parallel_loop3A_256 = vector.shape_cast %parallel_loop3A_255 : vector<1x16xf32> to vector<16xf32>
        %parallel_loop3A_257 = arith.addf %parallel_loop3A_252, %parallel_loop3A_256 : vector<16xf32>
        %parallel_loop3A_258 = arith.mulf %parallel_loop3A_257, %mul3A_47 : vector<16xf32>
        %parallel_loop3A_259 = math.absf %parallel_loop3A_257 : vector<16xf32>
        %parallel_loop3A_260 = arith.mulf %parallel_loop3A_259, %mul3A_95 : vector<16xf32>
        %parallel_loop3A_261 = arith.addf %parallel_loop3A_258, %parallel_loop3A_260 : vector<16xf32>
        %parallel_loop3A_262 = arith.index_cast %parallel_loop3A_122 : i32 to index
        %parallel_loop3A_263 = arith.constant 112 : index
        %parallel_loop3A_264 = tpu.vector_load %arg10[%parallel_loop3A_262, %parallel_loop3A_263] {strides = array<i32>} : memref<128x128xf32, #tpu.memory_space<vmem>>, vector<1x16xf32>,
        %parallel_loop3A_265 = vector.shape_cast %parallel_loop3A_264 : vector<1x16xf32> to vector<16xf32>
        %parallel_loop3A_266 = vector.shape_cast %parallel_loop3A_261 : vector<16xf32> to vector<1x16xf32>
        tpu.vector_store %arg10[%parallel_loop3A_262, %parallel_loop3A_263], %parallel_loop3A_266 {strides = array<i32>} : memref<128x128xf32, #tpu.memory_space<vmem>>, vector<1x16xf32>,
      } {sc.loop_unroll_factor = 2 : i64, sc.parallel_access}
      "tpu.region"() ({
        %run_scoped3A = tpu.sem_alloc : memref<!tpu.dma_semaphore, #tpu.memory_space<semaphore_mem>>
        %dma_start3A_122 = arith.constant 0 : i32
        %dma_start3A_123 = tpu.memref_slice %arg7[%add3A_108, %dma_start3A_122] : memref<323584x128xf32, #tpu.memory_space<hbm>> -> memref<128x128xf32, #tpu.memory_space<hbm>>
        %dma_start3A_124 = arith.constant 0 : i32
        %dma_start3A_125 = tpu.memref_slice %arg7[%add3A_108, %dma_start3A_124] : memref<323584x128xf32, #tpu.memory_space<hbm>> -> memref<128x128xf32, #tpu.memory_space<hbm>>
        tpu.enqueue_dma source(%arg10 : memref<128x128xf32, #tpu.memory_space<vmem>>) target(%dma_start3A_125 : memref<128x128xf32, #tpu.memory_space<hbm>>) target_semaphore(%run_scoped3A : memref<!tpu.dma_semaphore, #tpu.memory_space<semaphore_mem>>)
        %dma_wait3A_126 = arith.constant 0 : i32
        %dma_wait3A_127 = tpu.memref_slice %arg7[%add3A_108, %dma_wait3A_126] : memref<323584x128xf32, #tpu.memory_space<hbm>> -> memref<128x128xf32, #tpu.memory_space<hbm>>
        %dma_wait3A_128 = arith.constant 0 : i32
        %dma_wait3A_129 = tpu.memref_slice %arg7[%add3A_108, %dma_wait3A_128] : memref<323584x128xf32, #tpu.memory_space<hbm>> -> memref<128x128xf32, #tpu.memory_space<hbm>>
        tpu.wait_dma2 semaphore(%run_scoped3A : memref<!tpu.dma_semaphore, #tpu.memory_space<semaphore_mem>>) src(%arg10 : memref<128x128xf32, #tpu.memory_space<vmem>>) dst(%dma_wait3A_129 : memref<128x128xf32, #tpu.memory_space<hbm>>)
        tpu.yield
      }) : () -> ()
      %scan3A_121 = arith.constant 0 : i32
      scf.yield %scan3A_121 : i32
    }
    %scan3A_101 = arith.constant 79 : i32
    return
  }
}

#map = affine_map<(d0, d1) -> (0, 0)>
#map1 = affine_map<(d0, d1) -> (0)>
module attributes {stable_mosaic.version = 14 : i64} {
  func.func @_sc_aggregate(%arg0: i32, %arg1: i32, %arg2: memref<128x10240xf32, #tpu.memory_space<hbm>>, %arg3: memref<323584xf32, #tpu.memory_space<hbm>>, %arg4: memref<323584xi32, #tpu.memory_space<hbm>>, %arg5: memref<323584xi32, #tpu.memory_space<hbm>>, %arg6: memref<128x10240xf32, #tpu.memory_space<hbm>>, %arg7: memref<4096xi32, #tpu.memory_space<vmem>>, %arg8: memref<4096xi32, #tpu.memory_space<vmem>>, %arg9: memref<4096xf32, #tpu.memory_space<vmem>>, %arg10: memref<4x10240xf32, #tpu.memory_space<vmem>>, %arg11: memref<4x10240xf32, #tpu.memory_space<vmem>>, %arg12: memref<!tpu.dma_semaphore, #tpu.memory_space<semaphore_mem>>) attributes {dimension_semantics = [#tpu.dimension_semantics<core_parallel>, #tpu.dimension_semantics<subcore_parallel>], iteration_bounds = array<i64: 2, 16>, scalar_prefetch = 0 : i64, scratch_operands = 6 : i64, tpu.core_type = #tpu.core_type<sc_vector_subcore>, window_params = [{transform_indices = #map}, {transform_indices = #map1}, {transform_indices = #map1}, {transform_indices = #map1}, {transform_indices = #map}]} {
    %mul3A = arith.constant 16 : i32
    %mul3A_0 = arith.muli %arg0, %mul3A : i32
    %add3A = arith.addi %mul3A_0, %arg1 : i32
    %broadcast_in_dim3A = arith.constant 0.000000e+00 : f32
    %broadcast_in_dim3A_1 = vector.broadcast %broadcast_in_dim3A : f32 to vector<16xf32>
    %mul3A_2 = arith.constant 4 : i32
    %mul3A_3 = arith.muli %add3A, %mul3A_2 : i32
    %dma_start3A = arith.constant 0 : i32
    %dma_start3A_4 = tpu.memref_slice %arg2[%mul3A_3, %dma_start3A] : memref<128x10240xf32, #tpu.memory_space<hbm>> -> memref<4x10240xf32, #tpu.memory_space<hbm>>
    %dma_start3A_5 = arith.constant 0 : i32
    %dma_start3A_6 = tpu.memref_slice %arg2[%mul3A_3, %dma_start3A_5] : memref<128x10240xf32, #tpu.memory_space<hbm>> -> memref<4x10240xf32, #tpu.memory_space<hbm>>
    tpu.enqueue_dma source(%dma_start3A_6 : memref<4x10240xf32, #tpu.memory_space<hbm>>) target(%arg11 : memref<4x10240xf32, #tpu.memory_space<vmem>>) target_semaphore(%arg12 : memref<!tpu.dma_semaphore, #tpu.memory_space<semaphore_mem>>)
    %dma_wait3A = arith.constant 0 : i32
    %dma_wait3A_7 = tpu.memref_slice %arg2[%mul3A_3, %dma_wait3A] : memref<128x10240xf32, #tpu.memory_space<hbm>> -> memref<4x10240xf32, #tpu.memory_space<hbm>>
    %dma_wait3A_8 = arith.constant 0 : i32
    %dma_wait3A_9 = tpu.memref_slice %arg2[%mul3A_3, %dma_wait3A_8] : memref<128x10240xf32, #tpu.memory_space<hbm>> -> memref<4x10240xf32, #tpu.memory_space<hbm>>
    tpu.wait_dma2 semaphore(%arg12 : memref<!tpu.dma_semaphore, #tpu.memory_space<semaphore_mem>>) src(%dma_wait3A_9 : memref<4x10240xf32, #tpu.memory_space<hbm>>) dst(%arg11 : memref<4x10240xf32, #tpu.memory_space<vmem>>)
    %scan3A = arith.constant 0 : i32
    %scan3A_10 = arith.constant 0 : i32
    %scan3A_11 = arith.constant 640 : i32
    %scan3A_12 = arith.addi %scan3A_10, %scan3A_11 : i32
    %scan3A_13 = arith.constant 1 : i32
    %scan3A_14 = scf.for %scan3A_33 = %scan3A_10 to %scan3A_12 step %scan3A_13 iter_args(%scan3A_34 = %scan3A) -> (i32)  : i32 {
      %mul3A_35 = arith.constant 16 : i32
      %mul3A_36 = arith.muli %scan3A_33, %mul3A_35 : i32
      %get3A = arith.constant 0 : i32
      %get3A_37 = arith.index_cast %get3A : i32 to index
      %get3A_38 = arith.index_cast %mul3A_36 : i32 to index
      %get3A_39 = tpu.vector_load %arg11[%get3A_37, %get3A_38] {strides = array<i32>} : memref<4x10240xf32, #tpu.memory_space<vmem>>, vector<16xf32>,
      %swap3A = arith.constant 0 : i32
      %swap3A_40 = arith.index_cast %swap3A : i32 to index
      %swap3A_41 = arith.index_cast %mul3A_36 : i32 to index
      %swap3A_42 = tpu.vector_load %arg10[%swap3A_40, %swap3A_41] {strides = array<i32>} : memref<4x10240xf32, #tpu.memory_space<vmem>>, vector<16xf32>,
      tpu.vector_store %arg10[%swap3A_40, %swap3A_41], %get3A_39 {strides = array<i32>} : memref<4x10240xf32, #tpu.memory_space<vmem>>, vector<16xf32>,
      %swap3A_43 = arith.constant 0 : i32
      %swap3A_44 = arith.index_cast %swap3A_43 : i32 to index
      %swap3A_45 = arith.index_cast %mul3A_36 : i32 to index
      %swap3A_46 = tpu.vector_load %arg11[%swap3A_44, %swap3A_45] {strides = array<i32>} : memref<4x10240xf32, #tpu.memory_space<vmem>>, vector<16xf32>,
      tpu.vector_store %arg11[%swap3A_44, %swap3A_45], %broadcast_in_dim3A_1 {strides = array<i32>} : memref<4x10240xf32, #tpu.memory_space<vmem>>, vector<16xf32>,
      %get3A_47 = arith.constant 1 : i32
      %get3A_48 = arith.index_cast %get3A_47 : i32 to index
      %get3A_49 = arith.index_cast %mul3A_36 : i32 to index
      %get3A_50 = tpu.vector_load %arg11[%get3A_48, %get3A_49] {strides = array<i32>} : memref<4x10240xf32, #tpu.memory_space<vmem>>, vector<16xf32>,
      %swap3A_51 = arith.constant 1 : i32
      %swap3A_52 = arith.index_cast %swap3A_51 : i32 to index
      %swap3A_53 = arith.index_cast %mul3A_36 : i32 to index
      %swap3A_54 = tpu.vector_load %arg10[%swap3A_52, %swap3A_53] {strides = array<i32>} : memref<4x10240xf32, #tpu.memory_space<vmem>>, vector<16xf32>,
      tpu.vector_store %arg10[%swap3A_52, %swap3A_53], %get3A_50 {strides = array<i32>} : memref<4x10240xf32, #tpu.memory_space<vmem>>, vector<16xf32>,
      %swap3A_55 = arith.constant 1 : i32
      %swap3A_56 = arith.index_cast %swap3A_55 : i32 to index
      %swap3A_57 = arith.index_cast %mul3A_36 : i32 to index
      %swap3A_58 = tpu.vector_load %arg11[%swap3A_56, %swap3A_57] {strides = array<i32>} : memref<4x10240xf32, #tpu.memory_space<vmem>>, vector<16xf32>,
      tpu.vector_store %arg11[%swap3A_56, %swap3A_57], %broadcast_in_dim3A_1 {strides = array<i32>} : memref<4x10240xf32, #tpu.memory_space<vmem>>, vector<16xf32>,
      %get3A_59 = arith.constant 2 : i32
      %get3A_60 = arith.index_cast %get3A_59 : i32 to index
      %get3A_61 = arith.index_cast %mul3A_36 : i32 to index
      %get3A_62 = tpu.vector_load %arg11[%get3A_60, %get3A_61] {strides = array<i32>} : memref<4x10240xf32, #tpu.memory_space<vmem>>, vector<16xf32>,
      %swap3A_63 = arith.constant 2 : i32
      %swap3A_64 = arith.index_cast %swap3A_63 : i32 to index
      %swap3A_65 = arith.index_cast %mul3A_36 : i32 to index
      %swap3A_66 = tpu.vector_load %arg10[%swap3A_64, %swap3A_65] {strides = array<i32>} : memref<4x10240xf32, #tpu.memory_space<vmem>>, vector<16xf32>,
      tpu.vector_store %arg10[%swap3A_64, %swap3A_65], %get3A_62 {strides = array<i32>} : memref<4x10240xf32, #tpu.memory_space<vmem>>, vector<16xf32>,
      %swap3A_67 = arith.constant 2 : i32
      %swap3A_68 = arith.index_cast %swap3A_67 : i32 to index
      %swap3A_69 = arith.index_cast %mul3A_36 : i32 to index
      %swap3A_70 = tpu.vector_load %arg11[%swap3A_68, %swap3A_69] {strides = array<i32>} : memref<4x10240xf32, #tpu.memory_space<vmem>>, vector<16xf32>,
      tpu.vector_store %arg11[%swap3A_68, %swap3A_69], %broadcast_in_dim3A_1 {strides = array<i32>} : memref<4x10240xf32, #tpu.memory_space<vmem>>, vector<16xf32>,
      %get3A_71 = arith.constant 3 : i32
      %get3A_72 = arith.index_cast %get3A_71 : i32 to index
      %get3A_73 = arith.index_cast %mul3A_36 : i32 to index
      %get3A_74 = tpu.vector_load %arg11[%get3A_72, %get3A_73] {strides = array<i32>} : memref<4x10240xf32, #tpu.memory_space<vmem>>, vector<16xf32>,
      %swap3A_75 = arith.constant 3 : i32
      %swap3A_76 = arith.index_cast %swap3A_75 : i32 to index
      %swap3A_77 = arith.index_cast %mul3A_36 : i32 to index
      %swap3A_78 = tpu.vector_load %arg10[%swap3A_76, %swap3A_77] {strides = array<i32>} : memref<4x10240xf32, #tpu.memory_space<vmem>>, vector<16xf32>,
      tpu.vector_store %arg10[%swap3A_76, %swap3A_77], %get3A_74 {strides = array<i32>} : memref<4x10240xf32, #tpu.memory_space<vmem>>, vector<16xf32>,
      %swap3A_79 = arith.constant 3 : i32
      %swap3A_80 = arith.index_cast %swap3A_79 : i32 to index
      %swap3A_81 = arith.index_cast %mul3A_36 : i32 to index
      %swap3A_82 = tpu.vector_load %arg11[%swap3A_80, %swap3A_81] {strides = array<i32>} : memref<4x10240xf32, #tpu.memory_space<vmem>>, vector<16xf32>,
      tpu.vector_store %arg11[%swap3A_80, %swap3A_81], %broadcast_in_dim3A_1 {strides = array<i32>} : memref<4x10240xf32, #tpu.memory_space<vmem>>, vector<16xf32>,
      %scan3A_83 = arith.constant 0 : i32
      scf.yield %scan3A_83 : i32
    }
    %scan3A_15 = arith.constant 640 : i32
    %broadcast_in_dim3A_16 = arith.constant 0 : i32
    %broadcast_in_dim3A_17 = vector.broadcast %broadcast_in_dim3A_16 : i32 to vector<16xi32>
    %broadcast_in_dim3A_18 = arith.constant 1 : i32
    %broadcast_in_dim3A_19 = vector.broadcast %broadcast_in_dim3A_18 : i32 to vector<16xi32>
    %broadcast_in_dim3A_20 = arith.constant 2 : i32
    %broadcast_in_dim3A_21 = vector.broadcast %broadcast_in_dim3A_20 : i32 to vector<16xi32>
    %broadcast_in_dim3A_22 = arith.constant 3 : i32
    %broadcast_in_dim3A_23 = vector.broadcast %broadcast_in_dim3A_22 : i32 to vector<16xi32>
    %scan3A_24 = arith.constant 0 : i32
    %scan3A_25 = arith.constant 0 : i32
    %scan3A_26 = arith.constant 79 : i32
    %scan3A_27 = arith.addi %scan3A_25, %scan3A_26 : i32
    %scan3A_28 = arith.constant 1 : i32
    %scan3A_29 = scf.for %scan3A_33 = %scan3A_25 to %scan3A_27 step %scan3A_28 iter_args(%scan3A_34 = %scan3A_24) -> (i32)  : i32 {
      %mul3A_35 = arith.constant 4096 : i32
      %mul3A_36 = arith.muli %scan3A_33, %mul3A_35 : i32
      "tpu.region"() ({
        %run_scoped3A = tpu.sem_alloc : memref<!tpu.dma_semaphore, #tpu.memory_space<semaphore_mem>>
        %dma_start3A_40 = tpu.memref_slice %arg4[%mul3A_36] : memref<323584xi32, #tpu.memory_space<hbm>> -> memref<4096xi32, #tpu.memory_space<hbm>>
        %dma_start3A_41 = tpu.memref_slice %arg4[%mul3A_36] : memref<323584xi32, #tpu.memory_space<hbm>> -> memref<4096xi32, #tpu.memory_space<hbm>>
        tpu.enqueue_dma source(%dma_start3A_41 : memref<4096xi32, #tpu.memory_space<hbm>>) target(%arg7 : memref<4096xi32, #tpu.memory_space<vmem>>) target_semaphore(%run_scoped3A : memref<!tpu.dma_semaphore, #tpu.memory_space<semaphore_mem>>)
        %dma_wait3A_42 = tpu.memref_slice %arg4[%mul3A_36] : memref<323584xi32, #tpu.memory_space<hbm>> -> memref<4096xi32, #tpu.memory_space<hbm>>
        %dma_wait3A_43 = tpu.memref_slice %arg4[%mul3A_36] : memref<323584xi32, #tpu.memory_space<hbm>> -> memref<4096xi32, #tpu.memory_space<hbm>>
        tpu.wait_dma2 semaphore(%run_scoped3A : memref<!tpu.dma_semaphore, #tpu.memory_space<semaphore_mem>>) src(%dma_wait3A_43 : memref<4096xi32, #tpu.memory_space<hbm>>) dst(%arg7 : memref<4096xi32, #tpu.memory_space<vmem>>)
        tpu.yield
      }) : () -> ()
      "tpu.region"() ({
        %run_scoped3A = tpu.sem_alloc : memref<!tpu.dma_semaphore, #tpu.memory_space<semaphore_mem>>
        %dma_start3A_40 = tpu.memref_slice %arg5[%mul3A_36] : memref<323584xi32, #tpu.memory_space<hbm>> -> memref<4096xi32, #tpu.memory_space<hbm>>
        %dma_start3A_41 = tpu.memref_slice %arg5[%mul3A_36] : memref<323584xi32, #tpu.memory_space<hbm>> -> memref<4096xi32, #tpu.memory_space<hbm>>
        tpu.enqueue_dma source(%dma_start3A_41 : memref<4096xi32, #tpu.memory_space<hbm>>) target(%arg8 : memref<4096xi32, #tpu.memory_space<vmem>>) target_semaphore(%run_scoped3A : memref<!tpu.dma_semaphore, #tpu.memory_space<semaphore_mem>>)
        %dma_wait3A_42 = tpu.memref_slice %arg5[%mul3A_36] : memref<323584xi32, #tpu.memory_space<hbm>> -> memref<4096xi32, #tpu.memory_space<hbm>>
        %dma_wait3A_43 = tpu.memref_slice %arg5[%mul3A_36] : memref<323584xi32, #tpu.memory_space<hbm>> -> memref<4096xi32, #tpu.memory_space<hbm>>
        tpu.wait_dma2 semaphore(%run_scoped3A : memref<!tpu.dma_semaphore, #tpu.memory_space<semaphore_mem>>) src(%dma_wait3A_43 : memref<4096xi32, #tpu.memory_space<hbm>>) dst(%arg8 : memref<4096xi32, #tpu.memory_space<vmem>>)
        tpu.yield
      }) : () -> ()
      "tpu.region"() ({
        %run_scoped3A = tpu.sem_alloc : memref<!tpu.dma_semaphore, #tpu.memory_space<semaphore_mem>>
        %dma_start3A_40 = tpu.memref_slice %arg3[%mul3A_36] : memref<323584xf32, #tpu.memory_space<hbm>> -> memref<4096xf32, #tpu.memory_space<hbm>>
        %dma_start3A_41 = tpu.memref_slice %arg3[%mul3A_36] : memref<323584xf32, #tpu.memory_space<hbm>> -> memref<4096xf32, #tpu.memory_space<hbm>>
        tpu.enqueue_dma source(%dma_start3A_41 : memref<4096xf32, #tpu.memory_space<hbm>>) target(%arg9 : memref<4096xf32, #tpu.memory_space<vmem>>) target_semaphore(%run_scoped3A : memref<!tpu.dma_semaphore, #tpu.memory_space<semaphore_mem>>)
        %dma_wait3A_42 = tpu.memref_slice %arg3[%mul3A_36] : memref<323584xf32, #tpu.memory_space<hbm>> -> memref<4096xf32, #tpu.memory_space<hbm>>
        %dma_wait3A_43 = tpu.memref_slice %arg3[%mul3A_36] : memref<323584xf32, #tpu.memory_space<hbm>> -> memref<4096xf32, #tpu.memory_space<hbm>>
        tpu.wait_dma2 semaphore(%run_scoped3A : memref<!tpu.dma_semaphore, #tpu.memory_space<semaphore_mem>>) src(%dma_wait3A_43 : memref<4096xf32, #tpu.memory_space<hbm>>) dst(%arg9 : memref<4096xf32, #tpu.memory_space<vmem>>)
        tpu.yield
      }) : () -> ()
      %parallel_loop3A = arith.constant 0 : i32
      %parallel_loop3A_37 = arith.constant 256 : i32
      %parallel_loop3A_38 = arith.constant 1 : i32
      scf.for %parallel_loop3A_40 = %parallel_loop3A to %parallel_loop3A_37 step %parallel_loop3A_38  : i32 {
        %parallel_loop3A_41 = arith.constant 16 : i32
        %parallel_loop3A_42 = arith.muli %parallel_loop3A_40, %parallel_loop3A_41 : i32
        %parallel_loop3A_43 = arith.index_cast %parallel_loop3A_42 : i32 to index
        %parallel_loop3A_44 = tpu.vector_load %arg7[%parallel_loop3A_43] {strides = array<i32>} : memref<4096xi32, #tpu.memory_space<vmem>>, vector<16xi32>,
        %parallel_loop3A_45 = arith.constant 16 : i32
        %parallel_loop3A_46 = arith.muli %parallel_loop3A_40, %parallel_loop3A_45 : i32
        %parallel_loop3A_47 = arith.index_cast %parallel_loop3A_46 : i32 to index
        %parallel_loop3A_48 = tpu.vector_load %arg8[%parallel_loop3A_47] {strides = array<i32>} : memref<4096xi32, #tpu.memory_space<vmem>>, vector<16xi32>,
        %parallel_loop3A_49 = arith.constant 16 : i32
        %parallel_loop3A_50 = arith.muli %parallel_loop3A_40, %parallel_loop3A_49 : i32
        %parallel_loop3A_51 = arith.index_cast %parallel_loop3A_50 : i32 to index
        %parallel_loop3A_52 = tpu.vector_load %arg9[%parallel_loop3A_51] {strides = array<i32>} : memref<4096xf32, #tpu.memory_space<vmem>>, vector<16xf32>,
        %parallel_loop3A_53 = tpu.vector_load_idx %arg10[%broadcast_in_dim3A_17, %parallel_loop3A_44] : memref<4x10240xf32, #tpu.memory_space<vmem>>[vector<16xi32>, vector<16xi32>], vector<16xf32>,
        %parallel_loop3A_54 = arith.mulf %parallel_loop3A_53, %parallel_loop3A_52 : vector<16xf32>
        tpu.vector_store_idx %arg11[%broadcast_in_dim3A_17, %parallel_loop3A_48], %parallel_loop3A_54 {add = true} : memref<4x10240xf32, #tpu.memory_space<vmem>>[vector<16xi32>, vector<16xi32>], vector<16xf32>,
        %parallel_loop3A_55 = tpu.vector_load_idx %arg10[%broadcast_in_dim3A_19, %parallel_loop3A_44] : memref<4x10240xf32, #tpu.memory_space<vmem>>[vector<16xi32>, vector<16xi32>], vector<16xf32>,
        %parallel_loop3A_56 = arith.mulf %parallel_loop3A_55, %parallel_loop3A_52 : vector<16xf32>
        tpu.vector_store_idx %arg11[%broadcast_in_dim3A_19, %parallel_loop3A_48], %parallel_loop3A_56 {add = true} : memref<4x10240xf32, #tpu.memory_space<vmem>>[vector<16xi32>, vector<16xi32>], vector<16xf32>,
        %parallel_loop3A_57 = tpu.vector_load_idx %arg10[%broadcast_in_dim3A_21, %parallel_loop3A_44] : memref<4x10240xf32, #tpu.memory_space<vmem>>[vector<16xi32>, vector<16xi32>], vector<16xf32>,
        %parallel_loop3A_58 = arith.mulf %parallel_loop3A_57, %parallel_loop3A_52 : vector<16xf32>
        tpu.vector_store_idx %arg11[%broadcast_in_dim3A_21, %parallel_loop3A_48], %parallel_loop3A_58 {add = true} : memref<4x10240xf32, #tpu.memory_space<vmem>>[vector<16xi32>, vector<16xi32>], vector<16xf32>,
        %parallel_loop3A_59 = tpu.vector_load_idx %arg10[%broadcast_in_dim3A_23, %parallel_loop3A_44] : memref<4x10240xf32, #tpu.memory_space<vmem>>[vector<16xi32>, vector<16xi32>], vector<16xf32>,
        %parallel_loop3A_60 = arith.mulf %parallel_loop3A_59, %parallel_loop3A_52 : vector<16xf32>
        tpu.vector_store_idx %arg11[%broadcast_in_dim3A_23, %parallel_loop3A_48], %parallel_loop3A_60 {add = true} : memref<4x10240xf32, #tpu.memory_space<vmem>>[vector<16xi32>, vector<16xi32>], vector<16xf32>,
      } {sc.loop_unroll_factor = 8 : i64, sc.parallel_access}
      %scan3A_39 = arith.constant 0 : i32
      scf.yield %scan3A_39 : i32
    }
    %scan3A_30 = arith.constant 79 : i32
    %mul3A_31 = arith.constant 4 : i32
    %mul3A_32 = arith.muli %add3A, %mul3A_31 : i32
    "tpu.region"() ({
      %run_scoped3A = tpu.sem_alloc : memref<!tpu.dma_semaphore, #tpu.memory_space<semaphore_mem>>
      %dma_start3A_33 = arith.constant 0 : i32
      %dma_start3A_34 = tpu.memref_slice %arg6[%mul3A_32, %dma_start3A_33] : memref<128x10240xf32, #tpu.memory_space<hbm>> -> memref<4x10240xf32, #tpu.memory_space<hbm>>
      %dma_start3A_35 = arith.constant 0 : i32
      %dma_start3A_36 = tpu.memref_slice %arg6[%mul3A_32, %dma_start3A_35] : memref<128x10240xf32, #tpu.memory_space<hbm>> -> memref<4x10240xf32, #tpu.memory_space<hbm>>
      tpu.enqueue_dma source(%arg11 : memref<4x10240xf32, #tpu.memory_space<vmem>>) target(%dma_start3A_36 : memref<4x10240xf32, #tpu.memory_space<hbm>>) target_semaphore(%run_scoped3A : memref<!tpu.dma_semaphore, #tpu.memory_space<semaphore_mem>>)
      %dma_wait3A_37 = arith.constant 0 : i32
      %dma_wait3A_38 = tpu.memref_slice %arg6[%mul3A_32, %dma_wait3A_37] : memref<128x10240xf32, #tpu.memory_space<hbm>> -> memref<4x10240xf32, #tpu.memory_space<hbm>>
      %dma_wait3A_39 = arith.constant 0 : i32
      %dma_wait3A_40 = tpu.memref_slice %arg6[%mul3A_32, %dma_wait3A_39] : memref<128x10240xf32, #tpu.memory_space<hbm>> -> memref<4x10240xf32, #tpu.memory_space<hbm>>
      tpu.wait_dma2 semaphore(%run_scoped3A : memref<!tpu.dma_semaphore, #tpu.memory_space<semaphore_mem>>) src(%arg11 : memref<4x10240xf32, #tpu.memory_space<vmem>>) dst(%dma_wait3A_40 : memref<4x10240xf32, #tpu.memory_space<hbm>>)
      tpu.yield
    }) : () -> ()
    return
  }
}

module attributes {stable_mosaic.version = 14 : i64} {
  func.func @_tc_scale_body(%arg0: i32, %arg1: memref<32x512xf32, #tpu.memory_space<vmem>>, %arg2: memref<512x128xf32, #tpu.memory_space<vmem>>, %arg3: memref<128x512xf32, #tpu.memory_space<vmem>>) attributes {dimension_semantics = [#tpu.dimension_semantics<arbitrary>], iteration_bounds = array<i64: 20>, scalar_prefetch = 0 : i64, scratch_operands = 0 : i64, tpu.core_type = #tpu.core_type<tc>, window_params = [{transform_indices = @transform_0, window_bounds = array<i64: 32, 512>}, {transform_indices = @transform_1, window_bounds = array<i64: 512, 128>}, {transform_indices = @transform_2, window_bounds = array<i64: 128, 512>}]} {
    %get3A = arith.constant 0 : index
    %get3A_0 = arith.constant 0 : index
    %get3A_1 = vector.load %arg2[%get3A, %get3A_0] : memref<512x128xf32, #tpu.memory_space<vmem>>, vector<512x128xf32>
    %get3A_2 = arith.constant 0 : index
    %get3A_3 = arith.constant 0 : index
    %get3A_4 = vector.load %arg1[%get3A_2, %get3A_3] : memref<32x512xf32, #tpu.memory_space<vmem>>, vector<32x512xf32>
    %reduce_sum3A = arith.constant dense<0.000000e+00> : vector<512xf32>
    %reduce_sum3A_5 = vector.multi_reduction <add>, %get3A_4, %reduce_sum3A [0] : vector<32x512xf32> to vector<512xf32>
    %broadcast_in_dim3A = vector.shape_cast %reduce_sum3A_5 : vector<512xf32> to vector<512x1xf32>
    %max3A = arith.constant 1.000000e+00 : f32
    %max3A_6 = vector.broadcast %max3A : f32 to vector<512x1xf32>
    %max3A_7 = arith.maximumf %broadcast_in_dim3A, %max3A_6 : vector<512x1xf32>
    %rsqrt3A = math.rsqrt %max3A_7 : vector<512x1xf32>
    %mul3A = vector.broadcast %rsqrt3A : vector<512x1xf32> to vector<512x128xf32>
    %mul3A_8 = arith.mulf %get3A_1, %mul3A : vector<512x128xf32>
    %transpose3A = tpu.transpose %mul3A_8, [1, 0] : vector<512x128xf32> -> vector<128x512xf32>
    %swap3A = arith.constant 0 : index
    %swap3A_9 = arith.constant 0 : index
    %swap3A_10 = vector.load %arg3[%swap3A, %swap3A_9] : memref<128x512xf32, #tpu.memory_space<vmem>>, vector<128x512xf32>
    tpu.vector_store %arg3[%swap3A, %swap3A_9], %transpose3A {strides = array<i32>} : memref<128x512xf32, #tpu.memory_space<vmem>>, vector<128x512xf32>,
    return
  }
  func.func @transform_0(%arg0: i32) -> (i32, i32) {
    %c0_i32 = arith.constant 0 : i32
    %c0_i32_0 = arith.constant 0 : i32
    return %c0_i32, %arg0 : i32, i32
  }
  func.func @transform_1(%arg0: i32) -> (i32, i32) {
    %c0_i32 = arith.constant 0 : i32
    %c0_i32_0 = arith.constant 0 : i32
    return %arg0, %c0_i32 : i32, i32
  }
  func.func @transform_2(%arg0: i32) -> (i32, i32) {
    %c0_i32 = arith.constant 0 : i32
    %c0_i32_0 = arith.constant 0 : i32
    return %c0_i32, %arg0 : i32, i32
  }
}

module attributes {stable_mosaic.version = 14 : i64} {
  func.func @_tc_x1_body(%arg0: i32, %arg1: memref<1x1xf32, #tpu.memory_space<smem>>, %arg2: memref<128x512xf32, #tpu.memory_space<vmem>>, %arg3: memref<512x128xf32, #tpu.memory_space<vmem>>, %arg4: memref<32x512xf32, #tpu.memory_space<vmem>>, %arg5: memref<512x128xf32, #tpu.memory_space<vmem>>, %arg6: memref<128x512xf32, #tpu.memory_space<vmem>>) attributes {dimension_semantics = [#tpu.dimension_semantics<arbitrary>], iteration_bounds = array<i64: 20>, scalar_prefetch = 0 : i64, scratch_operands = 0 : i64, tpu.core_type = #tpu.core_type<tc>, window_params = [{transform_indices = @transform_0, window_bounds = array<i64: 1, 1>}, {transform_indices = @transform_1, window_bounds = array<i64: 128, 512>}, {transform_indices = @transform_2, window_bounds = array<i64: 512, 128>}, {transform_indices = @transform_3, window_bounds = array<i64: 32, 512>}, {transform_indices = @transform_4, window_bounds = array<i64: 512, 128>}, {transform_indices = @transform_5, window_bounds = array<i64: 128, 512>}]} {
    %get3A = arith.constant 0 : index
    %get3A_0 = arith.constant 0 : index
    %get3A_1 = memref.load %arg1[%get3A, %get3A_0] : memref<1x1xf32, #tpu.memory_space<smem>>
    %get3A_2 = arith.constant 0 : index
    %get3A_3 = arith.constant 0 : index
    %get3A_4 = vector.load %arg4[%get3A_2, %get3A_3] : memref<32x512xf32, #tpu.memory_space<vmem>>, vector<32x512xf32>
    %reduce_sum3A = arith.constant dense<0.000000e+00> : vector<512xf32>
    %reduce_sum3A_5 = vector.multi_reduction <add>, %get3A_4, %reduce_sum3A [0] : vector<32x512xf32> to vector<512xf32>
    %broadcast_in_dim3A = vector.shape_cast %reduce_sum3A_5 : vector<512xf32> to vector<512x1xf32>
    %max3A = arith.constant 1.000000e+00 : f32
    %max3A_6 = vector.broadcast %max3A : f32 to vector<512x1xf32>
    %max3A_7 = arith.maximumf %broadcast_in_dim3A, %max3A_6 : vector<512x1xf32>
    %rsqrt3A = math.rsqrt %max3A_7 : vector<512x1xf32>
    %get3A_8 = arith.constant 0 : index
    %get3A_9 = arith.constant 0 : index
    %get3A_10 = vector.load %arg2[%get3A_8, %get3A_9] : memref<128x512xf32, #tpu.memory_space<vmem>>, vector<128x512xf32>
    %transpose3A = tpu.transpose %get3A_10, [1, 0] : vector<128x512xf32> -> vector<512x128xf32>
    %mul3A = vector.broadcast %rsqrt3A : vector<512x1xf32> to vector<512x128xf32>
    %mul3A_11 = arith.mulf %transpose3A, %mul3A : vector<512x128xf32>
    %neg3A = arith.constant 0.000000e+00 : f32
    %neg3A_12 = arith.subf %neg3A, %get3A_1 : f32
    %mul3A_13 = vector.broadcast %neg3A_12 : f32 to vector<512x128xf32>
    %mul3A_14 = arith.mulf %mul3A_11, %mul3A_13 : vector<512x128xf32>
    %get3A_15 = arith.constant 0 : index
    %get3A_16 = arith.constant 0 : index
    %get3A_17 = vector.load %arg3[%get3A_15, %get3A_16] : memref<512x128xf32, #tpu.memory_space<vmem>>, vector<512x128xf32>
    %sub3A = arith.constant 1.000000e+00 : f32
    %sub3A_18 = arith.subf %get3A_1, %sub3A : f32
    %mul3A_19 = vector.broadcast %sub3A_18 : f32 to vector<512x128xf32>
    %mul3A_20 = arith.mulf %get3A_17, %mul3A_19 : vector<512x128xf32>
    %add3A = arith.addf %mul3A_14, %mul3A_20 : vector<512x128xf32>
    %swap3A = arith.constant 0 : index
    %swap3A_21 = arith.constant 0 : index
    %swap3A_22 = vector.load %arg5[%swap3A, %swap3A_21] : memref<512x128xf32, #tpu.memory_space<vmem>>, vector<512x128xf32>
    tpu.vector_store %arg5[%swap3A, %swap3A_21], %add3A {strides = array<i32>} : memref<512x128xf32, #tpu.memory_space<vmem>>, vector<512x128xf32>,
    %mul3A_23 = vector.broadcast %rsqrt3A : vector<512x1xf32> to vector<512x128xf32>
    %mul3A_24 = arith.mulf %add3A, %mul3A_23 : vector<512x128xf32>
    %transpose3A_25 = tpu.transpose %mul3A_24, [1, 0] : vector<512x128xf32> -> vector<128x512xf32>
    %swap3A_26 = arith.constant 0 : index
    %swap3A_27 = arith.constant 0 : index
    %swap3A_28 = vector.load %arg6[%swap3A_26, %swap3A_27] : memref<128x512xf32, #tpu.memory_space<vmem>>, vector<128x512xf32>
    tpu.vector_store %arg6[%swap3A_26, %swap3A_27], %transpose3A_25 {strides = array<i32>} : memref<128x512xf32, #tpu.memory_space<vmem>>, vector<128x512xf32>,
    return
  }
  func.func @transform_0(%arg0: i32) -> (i32, i32) {
    %c0_i32 = arith.constant 0 : i32
    %c0_i32_0 = arith.constant 0 : i32
    %c0_i32_1 = arith.constant 0 : i32
    return %c0_i32, %c0_i32_0 : i32, i32
  }
  func.func @transform_1(%arg0: i32) -> (i32, i32) {
    %c0_i32 = arith.constant 0 : i32
    %c0_i32_0 = arith.constant 0 : i32
    return %c0_i32, %arg0 : i32, i32
  }
  func.func @transform_2(%arg0: i32) -> (i32, i32) {
    %c0_i32 = arith.constant 0 : i32
    %c0_i32_0 = arith.constant 0 : i32
    return %arg0, %c0_i32 : i32, i32
  }
  func.func @transform_3(%arg0: i32) -> (i32, i32) {
    %c0_i32 = arith.constant 0 : i32
    %c0_i32_0 = arith.constant 0 : i32
    return %c0_i32, %arg0 : i32, i32
  }
  func.func @transform_4(%arg0: i32) -> (i32, i32) {
    %c0_i32 = arith.constant 0 : i32
    %c0_i32_0 = arith.constant 0 : i32
    return %arg0, %c0_i32 : i32, i32
  }
  func.func @transform_5(%arg0: i32) -> (i32, i32) {
    %c0_i32 = arith.constant 0 : i32
    %c0_i32_0 = arith.constant 0 : i32
    return %c0_i32, %arg0 : i32, i32
  }
}

module attributes {stable_mosaic.version = 14 : i64} {
  func.func @_tc_gat_body(%arg0: i32, %arg1: memref<1x1xf32, #tpu.memory_space<smem>>, %arg2: memref<128x512xf32, #tpu.memory_space<vmem>>, %arg3: memref<512x128xf32, #tpu.memory_space<vmem>>, %arg4: memref<512x128xf32, #tpu.memory_space<vmem>>, %arg5: memref<32x512xf32, #tpu.memory_space<vmem>>, %arg6: memref<384x128xf32, #tpu.memory_space<vmem>>, %arg7: memref<1x128xf32, #tpu.memory_space<vmem>>, %arg8: memref<128x128xf32, #tpu.memory_space<vmem>>, %arg9: memref<1x128xf32, #tpu.memory_space<vmem>>, %arg10: memref<128x128xf32, #tpu.memory_space<vmem>>, %arg11: memref<1x128xf32, #tpu.memory_space<vmem>>, %arg12: memref<512x128xf32, #tpu.memory_space<vmem>>, %arg13: memref<512x128xf32, #tpu.memory_space<vmem>>, %arg14: memref<128x512xf32, #tpu.memory_space<vmem>>) attributes {dimension_semantics = [#tpu.dimension_semantics<arbitrary>], iteration_bounds = array<i64: 20>, scalar_prefetch = 0 : i64, scratch_operands = 0 : i64, tpu.core_type = #tpu.core_type<tc>, window_params = [{transform_indices = @transform_0, window_bounds = array<i64: 1, 1>}, {transform_indices = @transform_1, window_bounds = array<i64: 128, 512>}, {transform_indices = @transform_2, window_bounds = array<i64: 512, 128>}, {transform_indices = @transform_3, window_bounds = array<i64: 512, 128>}, {transform_indices = @transform_4, window_bounds = array<i64: 32, 512>}, {pipeline_mode = #tpu.pipeline_mode<synchronous>, transform_indices = @transform_5, window_bounds = array<i64: 384, 128>}, {pipeline_mode = #tpu.pipeline_mode<synchronous>, transform_indices = @transform_6, window_bounds = array<i64: 1, 128>}, {pipeline_mode = #tpu.pipeline_mode<synchronous>, transform_indices = @transform_7, window_bounds = array<i64: 128, 128>}, {pipeline_mode = #tpu.pipeline_mode<synchronous>, transform_indices = @transform_8, window_bounds = array<i64: 1, 128>}, {pipeline_mode = #tpu.pipeline_mode<synchronous>, transform_indices = @transform_9, window_bounds = array<i64: 128, 128>}, {pipeline_mode = #tpu.pipeline_mode<synchronous>, transform_indices = @transform_10, window_bounds = array<i64: 1, 128>}, {transform_indices = @transform_11, window_bounds = array<i64: 512, 128>}, {transform_indices = @transform_12, window_bounds = array<i64: 512, 128>}, {transform_indices = @transform_13, window_bounds = array<i64: 128, 512>}]} {
    %get3A = arith.constant 0 : index
    %get3A_0 = arith.constant 0 : index
    %get3A_1 = memref.load %arg1[%get3A, %get3A_0] : memref<1x1xf32, #tpu.memory_space<smem>>
    %get3A_2 = arith.constant 0 : index
    %get3A_3 = arith.constant 0 : index
    %get3A_4 = vector.load %arg5[%get3A_2, %get3A_3] : memref<32x512xf32, #tpu.memory_space<vmem>>, vector<32x512xf32>
    %reduce_sum3A = arith.constant dense<0.000000e+00> : vector<512xf32>
    %reduce_sum3A_5 = vector.multi_reduction <add>, %get3A_4, %reduce_sum3A [0] : vector<32x512xf32> to vector<512xf32>
    %broadcast_in_dim3A = vector.shape_cast %reduce_sum3A_5 : vector<512xf32> to vector<512x1xf32>
    %max3A = arith.constant 1.000000e+00 : f32
    %max3A_6 = vector.broadcast %max3A : f32 to vector<512x1xf32>
    %max3A_7 = arith.maximumf %broadcast_in_dim3A, %max3A_6 : vector<512x1xf32>
    %rsqrt3A = math.rsqrt %max3A_7 : vector<512x1xf32>
    %get3A_8 = arith.constant 0 : index
    %get3A_9 = arith.constant 0 : index
    %get3A_10 = vector.load %arg2[%get3A_8, %get3A_9] : memref<128x512xf32, #tpu.memory_space<vmem>>, vector<128x512xf32>
    %transpose3A = tpu.transpose %get3A_10, [1, 0] : vector<128x512xf32> -> vector<512x128xf32>
    %mul3A = vector.broadcast %rsqrt3A : vector<512x1xf32> to vector<512x128xf32>
    %mul3A_11 = arith.mulf %transpose3A, %mul3A : vector<512x128xf32>
    %get3A_12 = arith.constant 0 : index
    %get3A_13 = arith.constant 0 : index
    %get3A_14 = vector.load %arg3[%get3A_12, %get3A_13] : memref<512x128xf32, #tpu.memory_space<vmem>>, vector<512x128xf32>
    %get3A_15 = arith.constant 0 : index
    %get3A_16 = arith.constant 0 : index
    %get3A_17 = vector.load %arg4[%get3A_15, %get3A_16] : memref<512x128xf32, #tpu.memory_space<vmem>>, vector<512x128xf32>
    %mul3A_18 = arith.constant -2.000000e+00 : f32
    %mul3A_19 = arith.mulf %mul3A_18, %get3A_1 : f32
    %mul3A_20 = vector.broadcast %mul3A_19 : f32 to vector<512x128xf32>
    %mul3A_21 = arith.mulf %mul3A_11, %mul3A_20 : vector<512x128xf32>
    %mul3A_22 = arith.constant 2.000000e+00 : f32
    %mul3A_23 = arith.mulf %mul3A_22, %get3A_1 : f32
    %sub3A = arith.constant 1.000000e+00 : f32
    %sub3A_24 = arith.subf %mul3A_23, %sub3A : f32
    %mul3A_25 = vector.broadcast %sub3A_24 : f32 to vector<512x128xf32>
    %mul3A_26 = arith.mulf %get3A_14, %mul3A_25 : vector<512x128xf32>
    %add3A = arith.addf %mul3A_21, %mul3A_26 : vector<512x128xf32>
    %sub3A_27 = arith.subf %add3A, %get3A_17 : vector<512x128xf32>
    %concatenate3A = tpu.concatenate %get3A_17, %get3A_14, %sub3A_27 in 1 : vector<512x128xf32>, vector<512x128xf32>, vector<512x128xf32> -> vector<512x384xf32>
    %get3A_28 = arith.constant 0 : index
    %get3A_29 = arith.constant 0 : index
    %get3A_30 = vector.load %arg6[%get3A_28, %get3A_29] : memref<384x128xf32, #tpu.memory_space<vmem>>, vector<384x128xf32>
    %dot_general3A = arith.constant dense<0.000000e+00> : vector<512x128xf32>
    %dot_general3A_31 = tpu.matmul %concatenate3A, %get3A_30, %dot_general3A {dimension_numbers = #tpu.dot_dimension_numbers<[1], [0], [0], [1], [0, 0, 1, 1], [], []>, transpose_lhs_hint = false} : vector<512x384xf32>, vector<384x128xf32>, vector<512x128xf32> -> vector<512x128xf32>
    %get3A_32 = arith.constant 0 : index
    %get3A_33 = arith.constant 0 : index
    %get3A_34 = vector.load %arg7[%get3A_32, %get3A_33] : memref<1x128xf32, #tpu.memory_space<vmem>>, vector<1x128xf32>
    %add3A_35 = vector.broadcast %get3A_34 : vector<1x128xf32> to vector<512x128xf32>
    %add3A_36 = arith.addf %dot_general3A_31, %add3A_35 : vector<512x128xf32>
    %ge3A = arith.constant 0.000000e+00 : f32
    %ge3A_37 = vector.broadcast %ge3A : f32 to vector<512x128xf32>
    %ge3A_38 = arith.cmpf oge, %add3A_36, %ge3A_37 : vector<512x128xf32>
    %mul3A_39 = arith.constant 0.00999999977 : f32
    %mul3A_40 = vector.broadcast %mul3A_39 : f32 to vector<512x128xf32>
    %mul3A_41 = arith.mulf %mul3A_40, %add3A_36 : vector<512x128xf32>
    %select_n3A = arith.select %ge3A_38, %add3A_36, %mul3A_41 : vector<512x128xi1>, vector<512x128xf32>
    %get3A_42 = arith.constant 0 : index
    %get3A_43 = arith.constant 0 : index
    %get3A_44 = vector.load %arg8[%get3A_42, %get3A_43] : memref<128x128xf32, #tpu.memory_space<vmem>>, vector<128x128xf32>
    %dot_general3A_45 = arith.constant dense<0.000000e+00> : vector<512x128xf32>
    %dot_general3A_46 = tpu.matmul %select_n3A, %get3A_44, %dot_general3A_45 {dimension_numbers = #tpu.dot_dimension_numbers<[1], [0], [0], [1], [0, 0, 1, 1], [], []>, transpose_lhs_hint = false} : vector<512x128xf32>, vector<128x128xf32>, vector<512x128xf32> -> vector<512x128xf32>
    %get3A_47 = arith.constant 0 : index
    %get3A_48 = arith.constant 0 : index
    %get3A_49 = vector.load %arg9[%get3A_47, %get3A_48] : memref<1x128xf32, #tpu.memory_space<vmem>>, vector<1x128xf32>
    %add3A_50 = vector.broadcast %get3A_49 : vector<1x128xf32> to vector<512x128xf32>
    %add3A_51 = arith.addf %dot_general3A_46, %add3A_50 : vector<512x128xf32>
    %swap3A = arith.constant 0 : index
    %swap3A_52 = arith.constant 0 : index
    %swap3A_53 = vector.load %arg12[%swap3A, %swap3A_52] : memref<512x128xf32, #tpu.memory_space<vmem>>, vector<512x128xf32>
    tpu.vector_store %arg12[%swap3A, %swap3A_52], %add3A_51 {strides = array<i32>} : memref<512x128xf32, #tpu.memory_space<vmem>>, vector<512x128xf32>,
    %get3A_54 = arith.constant 0 : index
    %get3A_55 = arith.constant 0 : index
    %get3A_56 = vector.load %arg10[%get3A_54, %get3A_55] : memref<128x128xf32, #tpu.memory_space<vmem>>, vector<128x128xf32>
    %dot_general3A_57 = arith.constant dense<0.000000e+00> : vector<512x128xf32>
    %dot_general3A_58 = tpu.matmul %select_n3A, %get3A_56, %dot_general3A_57 {dimension_numbers = #tpu.dot_dimension_numbers<[1], [0], [0], [1], [0, 0, 1, 1], [], []>, transpose_lhs_hint = false} : vector<512x128xf32>, vector<128x128xf32>, vector<512x128xf32> -> vector<512x128xf32>
    %get3A_59 = arith.constant 0 : index
    %get3A_60 = arith.constant 0 : index
    %get3A_61 = vector.load %arg11[%get3A_59, %get3A_60] : memref<1x128xf32, #tpu.memory_space<vmem>>, vector<1x128xf32>
    %add3A_62 = vector.broadcast %get3A_61 : vector<1x128xf32> to vector<512x128xf32>
    %add3A_63 = arith.addf %dot_general3A_58, %add3A_62 : vector<512x128xf32>
    %swap3A_64 = arith.constant 0 : index
    %swap3A_65 = arith.constant 0 : index
    %swap3A_66 = vector.load %arg13[%swap3A_64, %swap3A_65] : memref<512x128xf32, #tpu.memory_space<vmem>>, vector<512x128xf32>
    tpu.vector_store %arg13[%swap3A_64, %swap3A_65], %add3A_63 {strides = array<i32>} : memref<512x128xf32, #tpu.memory_space<vmem>>, vector<512x128xf32>,
    %transpose3A_67 = tpu.transpose %add3A_51, [1, 0] : vector<512x128xf32> -> vector<128x512xf32>
    %swap3A_68 = arith.constant 0 : index
    %swap3A_69 = arith.constant 0 : index
    %swap3A_70 = vector.load %arg14[%swap3A_68, %swap3A_69] : memref<128x512xf32, #tpu.memory_space<vmem>>, vector<128x512xf32>
    tpu.vector_store %arg14[%swap3A_68, %swap3A_69], %transpose3A_67 {strides = array<i32>} : memref<128x512xf32, #tpu.memory_space<vmem>>, vector<128x512xf32>,
    return
  }
  func.func @transform_0(%arg0: i32) -> (i32, i32) {
    %c0_i32 = arith.constant 0 : i32
    %c0_i32_0 = arith.constant 0 : i32
    %c0_i32_1 = arith.constant 0 : i32
    return %c0_i32, %c0_i32_0 : i32, i32
  }
  func.func @transform_1(%arg0: i32) -> (i32, i32) {
    %c0_i32 = arith.constant 0 : i32
    %c0_i32_0 = arith.constant 0 : i32
    return %c0_i32, %arg0 : i32, i32
  }
  func.func @transform_2(%arg0: i32) -> (i32, i32) {
    %c0_i32 = arith.constant 0 : i32
    %c0_i32_0 = arith.constant 0 : i32
    return %arg0, %c0_i32 : i32, i32
  }
  func.func @transform_3(%arg0: i32) -> (i32, i32) {
    %c0_i32 = arith.constant 0 : i32
    %c0_i32_0 = arith.constant 0 : i32
    return %arg0, %c0_i32 : i32, i32
  }
  func.func @transform_4(%arg0: i32) -> (i32, i32) {
    %c0_i32 = arith.constant 0 : i32
    %c0_i32_0 = arith.constant 0 : i32
    return %c0_i32, %arg0 : i32, i32
  }
  func.func @transform_5(%arg0: i32) -> (i32, i32) {
    %c0_i32 = arith.constant 0 : i32
    %c0_i32_0 = arith.constant 0 : i32
    %c0_i32_1 = arith.constant 0 : i32
    return %c0_i32, %c0_i32_0 : i32, i32
  }
  func.func @transform_6(%arg0: i32) -> (i32, i32) {
    %c0_i32 = arith.constant 0 : i32
    %c0_i32_0 = arith.constant 0 : i32
    %c0_i32_1 = arith.constant 0 : i32
    return %c0_i32, %c0_i32_0 : i32, i32
  }
  func.func @transform_7(%arg0: i32) -> (i32, i32) {
    %c0_i32 = arith.constant 0 : i32
    %c0_i32_0 = arith.constant 0 : i32
    %c0_i32_1 = arith.constant 0 : i32
    return %c0_i32, %c0_i32_0 : i32, i32
  }
  func.func @transform_8(%arg0: i32) -> (i32, i32) {
    %c0_i32 = arith.constant 0 : i32
    %c0_i32_0 = arith.constant 0 : i32
    %c0_i32_1 = arith.constant 0 : i32
    return %c0_i32, %c0_i32_0 : i32, i32
  }
  func.func @transform_9(%arg0: i32) -> (i32, i32) {
    %c0_i32 = arith.constant 0 : i32
    %c0_i32_0 = arith.constant 0 : i32
    %c0_i32_1 = arith.constant 0 : i32
    return %c0_i32, %c0_i32_0 : i32, i32
  }
  func.func @transform_10(%arg0: i32) -> (i32, i32) {
    %c0_i32 = arith.constant 0 : i32
    %c0_i32_0 = arith.constant 0 : i32
    %c0_i32_1 = arith.constant 0 : i32
    return %c0_i32, %c0_i32_0 : i32, i32
  }
  func.func @transform_11(%arg0: i32) -> (i32, i32) {
    %c0_i32 = arith.constant 0 : i32
    %c0_i32_0 = arith.constant 0 : i32
    return %arg0, %c0_i32 : i32, i32
  }
  func.func @transform_12(%arg0: i32) -> (i32, i32) {
    %c0_i32 = arith.constant 0 : i32
    %c0_i32_0 = arith.constant 0 : i32
    return %arg0, %c0_i32 : i32, i32
  }
  func.func @transform_13(%arg0: i32) -> (i32, i32) {
    %c0_i32 = arith.constant 0 : i32
    %c0_i32_0 = arith.constant 0 : i32
    return %c0_i32, %arg0 : i32, i32
  }
}

module attributes {stable_mosaic.version = 14 : i64} {
  func.func @_tc_cheb_body(%arg0: i32, %arg1: memref<1x1xf32, #tpu.memory_space<smem>>, %arg2: memref<128x512xf32, #tpu.memory_space<vmem>>, %arg3: memref<512x128xf32, #tpu.memory_space<vmem>>, %arg4: memref<512x128xf32, #tpu.memory_space<vmem>>, %arg5: memref<32x512xf32, #tpu.memory_space<vmem>>, %arg6: memref<384x128xf32, #tpu.memory_space<vmem>>, %arg7: memref<1x128xf32, #tpu.memory_space<vmem>>, %arg8: memref<512x128xf32, #tpu.memory_space<vmem>>, %arg9: memref<128x512xf32, #tpu.memory_space<vmem>>) attributes {dimension_semantics = [#tpu.dimension_semantics<arbitrary>], iteration_bounds = array<i64: 20>, scalar_prefetch = 0 : i64, scratch_operands = 0 : i64, tpu.core_type = #tpu.core_type<tc>, window_params = [{transform_indices = @transform_0, window_bounds = array<i64: 1, 1>}, {transform_indices = @transform_1, window_bounds = array<i64: 128, 512>}, {transform_indices = @transform_2, window_bounds = array<i64: 512, 128>}, {transform_indices = @transform_3, window_bounds = array<i64: 512, 128>}, {transform_indices = @transform_4, window_bounds = array<i64: 32, 512>}, {pipeline_mode = #tpu.pipeline_mode<synchronous>, transform_indices = @transform_5, window_bounds = array<i64: 384, 128>}, {pipeline_mode = #tpu.pipeline_mode<synchronous>, transform_indices = @transform_6, window_bounds = array<i64: 1, 128>}, {transform_indices = @transform_7, window_bounds = array<i64: 512, 128>}, {transform_indices = @transform_8, window_bounds = array<i64: 128, 512>}]} {
    %get3A = arith.constant 0 : index
    %get3A_0 = arith.constant 0 : index
    %get3A_1 = memref.load %arg1[%get3A, %get3A_0] : memref<1x1xf32, #tpu.memory_space<smem>>
    %get3A_2 = arith.constant 0 : index
    %get3A_3 = arith.constant 0 : index
    %get3A_4 = vector.load %arg5[%get3A_2, %get3A_3] : memref<32x512xf32, #tpu.memory_space<vmem>>, vector<32x512xf32>
    %reduce_sum3A = arith.constant dense<0.000000e+00> : vector<512xf32>
    %reduce_sum3A_5 = vector.multi_reduction <add>, %get3A_4, %reduce_sum3A [0] : vector<32x512xf32> to vector<512xf32>
    %broadcast_in_dim3A = vector.shape_cast %reduce_sum3A_5 : vector<512xf32> to vector<512x1xf32>
    %max3A = arith.constant 1.000000e+00 : f32
    %max3A_6 = vector.broadcast %max3A : f32 to vector<512x1xf32>
    %max3A_7 = arith.maximumf %broadcast_in_dim3A, %max3A_6 : vector<512x1xf32>
    %rsqrt3A = math.rsqrt %max3A_7 : vector<512x1xf32>
    %get3A_8 = arith.constant 0 : index
    %get3A_9 = arith.constant 0 : index
    %get3A_10 = vector.load %arg2[%get3A_8, %get3A_9] : memref<128x512xf32, #tpu.memory_space<vmem>>, vector<128x512xf32>
    %transpose3A = tpu.transpose %get3A_10, [1, 0] : vector<128x512xf32> -> vector<512x128xf32>
    %mul3A = vector.broadcast %rsqrt3A : vector<512x1xf32> to vector<512x128xf32>
    %mul3A_11 = arith.mulf %transpose3A, %mul3A : vector<512x128xf32>
    %get3A_12 = arith.constant 0 : index
    %get3A_13 = arith.constant 0 : index
    %get3A_14 = vector.load %arg3[%get3A_12, %get3A_13] : memref<512x128xf32, #tpu.memory_space<vmem>>, vector<512x128xf32>
    %get3A_15 = arith.constant 0 : index
    %get3A_16 = arith.constant 0 : index
    %get3A_17 = vector.load %arg4[%get3A_15, %get3A_16] : memref<512x128xf32, #tpu.memory_space<vmem>>, vector<512x128xf32>
    %mul3A_18 = arith.constant -2.000000e+00 : f32
    %mul3A_19 = arith.mulf %mul3A_18, %get3A_1 : f32
    %mul3A_20 = vector.broadcast %mul3A_19 : f32 to vector<512x128xf32>
    %mul3A_21 = arith.mulf %mul3A_11, %mul3A_20 : vector<512x128xf32>
    %mul3A_22 = arith.constant 2.000000e+00 : f32
    %mul3A_23 = arith.mulf %mul3A_22, %get3A_1 : f32
    %sub3A = arith.constant 1.000000e+00 : f32
    %sub3A_24 = arith.subf %mul3A_23, %sub3A : f32
    %mul3A_25 = vector.broadcast %sub3A_24 : f32 to vector<512x128xf32>
    %mul3A_26 = arith.mulf %get3A_14, %mul3A_25 : vector<512x128xf32>
    %add3A = arith.addf %mul3A_21, %mul3A_26 : vector<512x128xf32>
    %sub3A_27 = arith.subf %add3A, %get3A_17 : vector<512x128xf32>
    %concatenate3A = tpu.concatenate %get3A_17, %get3A_14, %sub3A_27 in 1 : vector<512x128xf32>, vector<512x128xf32>, vector<512x128xf32> -> vector<512x384xf32>
    %get3A_28 = arith.constant 0 : index
    %get3A_29 = arith.constant 0 : index
    %get3A_30 = vector.load %arg6[%get3A_28, %get3A_29] : memref<384x128xf32, #tpu.memory_space<vmem>>, vector<384x128xf32>
    %dot_general3A = arith.constant dense<0.000000e+00> : vector<512x128xf32>
    %dot_general3A_31 = tpu.matmul %concatenate3A, %get3A_30, %dot_general3A {dimension_numbers = #tpu.dot_dimension_numbers<[1], [0], [0], [1], [0, 0, 1, 1], [], []>, transpose_lhs_hint = false} : vector<512x384xf32>, vector<384x128xf32>, vector<512x128xf32> -> vector<512x128xf32>
    %get3A_32 = arith.constant 0 : index
    %get3A_33 = arith.constant 0 : index
    %get3A_34 = vector.load %arg7[%get3A_32, %get3A_33] : memref<1x128xf32, #tpu.memory_space<vmem>>, vector<1x128xf32>
    %add3A_35 = vector.broadcast %get3A_34 : vector<1x128xf32> to vector<512x128xf32>
    %add3A_36 = arith.addf %dot_general3A_31, %add3A_35 : vector<512x128xf32>
    %ge3A = arith.constant 0.000000e+00 : f32
    %ge3A_37 = vector.broadcast %ge3A : f32 to vector<512x128xf32>
    %ge3A_38 = arith.cmpf oge, %add3A_36, %ge3A_37 : vector<512x128xf32>
    %mul3A_39 = arith.constant 0.00999999977 : f32
    %mul3A_40 = vector.broadcast %mul3A_39 : f32 to vector<512x128xf32>
    %mul3A_41 = arith.mulf %mul3A_40, %add3A_36 : vector<512x128xf32>
    %select_n3A = arith.select %ge3A_38, %add3A_36, %mul3A_41 : vector<512x128xi1>, vector<512x128xf32>
    %swap3A = arith.constant 0 : index
    %swap3A_42 = arith.constant 0 : index
    %swap3A_43 = vector.load %arg8[%swap3A, %swap3A_42] : memref<512x128xf32, #tpu.memory_space<vmem>>, vector<512x128xf32>
    tpu.vector_store %arg8[%swap3A, %swap3A_42], %select_n3A {strides = array<i32>} : memref<512x128xf32, #tpu.memory_space<vmem>>, vector<512x128xf32>,
    %mul3A_44 = vector.broadcast %rsqrt3A : vector<512x1xf32> to vector<512x128xf32>
    %mul3A_45 = arith.mulf %select_n3A, %mul3A_44 : vector<512x128xf32>
    %transpose3A_46 = tpu.transpose %mul3A_45, [1, 0] : vector<512x128xf32> -> vector<128x512xf32>
    %swap3A_47 = arith.constant 0 : index
    %swap3A_48 = arith.constant 0 : index
    %swap3A_49 = vector.load %arg9[%swap3A_47, %swap3A_48] : memref<128x512xf32, #tpu.memory_space<vmem>>, vector<128x512xf32>
    tpu.vector_store %arg9[%swap3A_47, %swap3A_48], %transpose3A_46 {strides = array<i32>} : memref<128x512xf32, #tpu.memory_space<vmem>>, vector<128x512xf32>,
    return
  }
  func.func @transform_0(%arg0: i32) -> (i32, i32) {
    %c0_i32 = arith.constant 0 : i32
    %c0_i32_0 = arith.constant 0 : i32
    %c0_i32_1 = arith.constant 0 : i32
    return %c0_i32, %c0_i32_0 : i32, i32
  }
  func.func @transform_1(%arg0: i32) -> (i32, i32) {
    %c0_i32 = arith.constant 0 : i32
    %c0_i32_0 = arith.constant 0 : i32
    return %c0_i32, %arg0 : i32, i32
  }
  func.func @transform_2(%arg0: i32) -> (i32, i32) {
    %c0_i32 = arith.constant 0 : i32
    %c0_i32_0 = arith.constant 0 : i32
    return %arg0, %c0_i32 : i32, i32
  }
  func.func @transform_3(%arg0: i32) -> (i32, i32) {
    %c0_i32 = arith.constant 0 : i32
    %c0_i32_0 = arith.constant 0 : i32
    return %arg0, %c0_i32 : i32, i32
  }
  func.func @transform_4(%arg0: i32) -> (i32, i32) {
    %c0_i32 = arith.constant 0 : i32
    %c0_i32_0 = arith.constant 0 : i32
    return %c0_i32, %arg0 : i32, i32
  }
  func.func @transform_5(%arg0: i32) -> (i32, i32) {
    %c0_i32 = arith.constant 0 : i32
    %c0_i32_0 = arith.constant 0 : i32
    %c0_i32_1 = arith.constant 0 : i32
    return %c0_i32, %c0_i32_0 : i32, i32
  }
  func.func @transform_6(%arg0: i32) -> (i32, i32) {
    %c0_i32 = arith.constant 0 : i32
    %c0_i32_0 = arith.constant 0 : i32
    %c0_i32_1 = arith.constant 0 : i32
    return %c0_i32, %c0_i32_0 : i32, i32
  }
  func.func @transform_7(%arg0: i32) -> (i32, i32) {
    %c0_i32 = arith.constant 0 : i32
    %c0_i32_0 = arith.constant 0 : i32
    return %arg0, %c0_i32 : i32, i32
  }
  func.func @transform_8(%arg0: i32) -> (i32, i32) {
    %c0_i32 = arith.constant 0 : i32
    %c0_i32_0 = arith.constant 0 : i32
    return %c0_i32, %arg0 : i32, i32
  }
}

module attributes {stable_mosaic.version = 14 : i64} {
  func.func @_tc_exb_body(%arg0: i32, %arg1: memref<2048x128xf32, #tpu.memory_space<vmem>>, %arg2: memref<16x128xf32, #tpu.memory_space<vmem>>) attributes {dimension_semantics = [#tpu.dimension_semantics<arbitrary>], iteration_bounds = array<i64: 158>, scalar_prefetch = 0 : i64, scratch_operands = 0 : i64, tpu.core_type = #tpu.core_type<tc>, window_params = [{transform_indices = @transform_0, window_bounds = array<i64: 2048, 128>}, {transform_indices = @transform_1, window_bounds = array<i64: 16, 128>}]} {
    %get3A = arith.constant 0 : index
    %get3A_0 = arith.constant 0 : index
    %get3A_1 = vector.load %arg1[%get3A, %get3A_0] : memref<2048x128xf32, #tpu.memory_space<vmem>>, vector<2048x128xf32>
    %reduce_sum3A = arith.constant dense<0.000000e+00> : vector<2048xf32>
    %reduce_sum3A_2 = vector.multi_reduction <add>, %get3A_1, %reduce_sum3A [1] : vector<2048x128xf32> to vector<2048xf32>
    %exp3A = math.exp %reduce_sum3A_2 : vector<2048xf32>
    %reshape3A = vector.shape_cast %exp3A : vector<2048xf32> to vector<16x128xf32>
    %swap3A = arith.constant 0 : index
    %swap3A_3 = arith.constant 0 : index
    %swap3A_4 = vector.load %arg2[%swap3A, %swap3A_3] : memref<16x128xf32, #tpu.memory_space<vmem>>, vector<16x128xf32>
    tpu.vector_store %arg2[%swap3A, %swap3A_3], %reshape3A {strides = array<i32>} : memref<16x128xf32, #tpu.memory_space<vmem>>, vector<16x128xf32>,
    return
  }
  func.func @transform_0(%arg0: i32) -> (i32, i32) {
    %c0_i32 = arith.constant 0 : i32
    %c0_i32_0 = arith.constant 0 : i32
    return %arg0, %c0_i32 : i32, i32
  }
  func.func @transform_1(%arg0: i32) -> (i32, i32) {
    %c0_i32 = arith.constant 0 : i32
    %c0_i32_0 = arith.constant 0 : i32
    return %arg0, %c0_i32 : i32, i32
  }
}

module attributes {stable_mosaic.version = 14 : i64} {
  func.func @_tc_out_body(%arg0: i32, %arg1: memref<128x512xf32, #tpu.memory_space<vmem>>, %arg2: memref<32x512xf32, #tpu.memory_space<vmem>>, %arg3: memref<512x128xf32, #tpu.memory_space<vmem>>) attributes {dimension_semantics = [#tpu.dimension_semantics<arbitrary>], iteration_bounds = array<i64: 20>, scalar_prefetch = 0 : i64, scratch_operands = 0 : i64, tpu.core_type = #tpu.core_type<tc>, window_params = [{transform_indices = @transform_0, window_bounds = array<i64: 128, 512>}, {transform_indices = @transform_1, window_bounds = array<i64: 32, 512>}, {transform_indices = @transform_2, window_bounds = array<i64: 512, 128>}]} {
    %get3A = arith.constant 0 : index
    %get3A_0 = arith.constant 0 : index
    %get3A_1 = vector.load %arg1[%get3A, %get3A_0] : memref<128x512xf32, #tpu.memory_space<vmem>>, vector<128x512xf32>
    %transpose3A = tpu.transpose %get3A_1, [1, 0] : vector<128x512xf32> -> vector<512x128xf32>
    %get3A_2 = arith.constant 0 : index
    %get3A_3 = arith.constant 0 : index
    %get3A_4 = vector.load %arg2[%get3A_2, %get3A_3] : memref<32x512xf32, #tpu.memory_space<vmem>>, vector<32x512xf32>
    %reduce_sum3A = arith.constant dense<0.000000e+00> : vector<512xf32>
    %reduce_sum3A_5 = vector.multi_reduction <add>, %get3A_4, %reduce_sum3A [0] : vector<32x512xf32> to vector<512xf32>
    %broadcast_in_dim3A = vector.shape_cast %reduce_sum3A_5 : vector<512xf32> to vector<512x1xf32>
    %gt3A = arith.constant 0.000000e+00 : f32
    %gt3A_6 = vector.broadcast %gt3A : f32 to vector<512x1xf32>
    %gt3A_7 = arith.cmpf ogt, %broadcast_in_dim3A, %gt3A_6 : vector<512x1xf32>
    %div3A = arith.constant 1.000000e+00 : f32
    %div3A_8 = vector.broadcast %div3A : f32 to vector<512x1xf32>
    %div3A_9 = arith.divf %div3A_8, %broadcast_in_dim3A : vector<512x1xf32>
    %jit3A = arith.constant 0.000000e+00 : f32
    %broadcast_in_dim3A_10 = vector.broadcast %jit3A : f32 to vector<512x1xf32>
    %select_n3A = arith.select %gt3A_7, %div3A_9, %broadcast_in_dim3A_10 : vector<512x1xi1>, vector<512x1xf32>
    %mul3A = vector.broadcast %select_n3A : vector<512x1xf32> to vector<512x128xf32>
    %mul3A_11 = arith.mulf %transpose3A, %mul3A : vector<512x128xf32>
    %ge3A = arith.constant 0.000000e+00 : f32
    %ge3A_12 = vector.broadcast %ge3A : f32 to vector<512x128xf32>
    %ge3A_13 = arith.cmpf oge, %mul3A_11, %ge3A_12 : vector<512x128xf32>
    %mul3A_14 = arith.constant 0.00999999977 : f32
    %mul3A_15 = vector.broadcast %mul3A_14 : f32 to vector<512x128xf32>
    %mul3A_16 = arith.mulf %mul3A_15, %mul3A_11 : vector<512x128xf32>
    %select_n3A_17 = arith.select %ge3A_13, %mul3A_11, %mul3A_16 : vector<512x128xi1>, vector<512x128xf32>
    %swap3A = arith.constant 0 : index
    %swap3A_18 = arith.constant 0 : index
    %swap3A_19 = vector.load %arg3[%swap3A, %swap3A_18] : memref<512x128xf32, #tpu.memory_space<vmem>>, vector<512x128xf32>
    tpu.vector_store %arg3[%swap3A, %swap3A_18], %select_n3A_17 {strides = array<i32>} : memref<512x128xf32, #tpu.memory_space<vmem>>, vector<512x128xf32>,
    return
  }
  func.func @transform_0(%arg0: i32) -> (i32, i32) {
    %c0_i32 = arith.constant 0 : i32
    %c0_i32_0 = arith.constant 0 : i32
    return %c0_i32, %arg0 : i32, i32
  }
  func.func @transform_1(%arg0: i32) -> (i32, i32) {
    %c0_i32 = arith.constant 0 : i32
    %c0_i32_0 = arith.constant 0 : i32
    return %c0_i32, %arg0 : i32, i32
  }
  func.func @transform_2(%arg0: i32) -> (i32, i32) {
    %c0_i32 = arith.constant 0 : i32
    %c0_i32_0 = arith.constant 0 : i32
    return %arg0, %c0_i32 : i32, i32
  }
}

</mosaic_0001>

<sc_bundles>
// kernel: kernel.17.cloned.1.call-start
scs
__scs_entry_jumppad:
0x0: {  	(pc) =	sbr.rel $0x88, $3  }
0x1: {  	(tag) =	ssettag $0x0;
	lr =	simm.s32 $0x1  }
0x2: {  	[smem:$0x3F97] =	sst lr;
	_ =	strace $0xD0000000  }
0x3: {  	_ = 	snop  }
0x4: {  	_ = 	snop  }
0x5: {  	_ = 	snop  }
0x6: {  	_ = 	snop  }
0x7: {  	_ = 	snop  }
__scs_overlays_trampoline_lowered:
0x8: {  	[smem:$0x3FA6] =	sst s0  }
0x9: {  	[smem:$0x3FA7] =	sst s1  }
0xa: {  	[smem:$0x3FA8] =	sst s2  }
0xb: {  	[smem:$0x3FA9] =	sst s3  }
0xc: {  	[smem:$0x3FAA] =	sst s4  }
0xd: {  	[smem:$0x3FAB] =	sst s5  }
0xe: {  	[smem:$0x3FAC] =	sst s6  }
0xf: {  	[smem:$0x3FAD] =	sst s7  }
0x10: {  	[smem:$0x3FAE] =	sst s8  }
0x11: {  	[smem:$0x3FAF] =	sst s9;
	s0 =	simm.s32 @!p0 $0x0  }
0x12: {  	s1 =	sld [smem:$0x3F95];
	s0 =	simm.s32 @p0 $0x1  }
0x13: {  	[smem:$0x3FB0] =	sst s0;
	s0 =	simm.s32 @!p1 $0x0  }
0x14: {  	s2 =	sld [smem:$0x3F94];
	s0 =	simm.s32 @p1 $0x1  }
0x15: {  	[smem:$0x3FB1] =	sst s0;
	s0 =	simm.s32 @!p2 $0x0  }
0x16: {  	s3 =	sld [smem:$0x3FDB];
	s0 =	simm.s32 @p2 $0x1  }
0x17: {  	s4 =	simm.s32 $0x1BF5;
	[smem:$0x3FB3] =	sst s0  }
0x18: {  	s0 =	sld [smem:$0x3F96];
	_ =	swait.ge [sflag:s4], $0x0  }
0x19: {  	s7 =	sld [smem:$0x3F97]  }
0x1a: {  	s8 =	sadd.s32 $0xFFFFE003, lr  }
0x1b: {  	s9 =	sadd.s32 $0xFFFFFEF7, lr;
	s5 =	simm.s32 $0xFFFFFFFF;
	p2 =	slt.u32 s8, $0xFFFFF086  }
0x1c: {  	p1 =	slt.u32 s9, $0xF7A;
	s5 =	simm.s32 @!p2 $0x0  }
0x1d: {  	s5 =	simm.s32 @p1 $0x1;
	p0 =	seq.s32 s7, s2  }
0x1e: {  	s7 =	smul.u32 @!p0 $0xF7A, s2;
	p2 =	seq.s32 @!p0 s5, $0x0  }
0x1f: {  	s9 =	smul.u32 $0xF7A, s1;
	s8 =	simm.s32 @!p0 $0x1BF5;
	p2 =	por !p2, p0  }
0x20: {  	[sflag:s8] =	ssyncset.s32 @!p0 $0xFFFFF086;
	s6 =	sadd.s32 @!p0 s3, s7;
	s7 =	simm.s32 @!p0 $0x108  }
0x21: {  	s3 =	sadd.s32 s3, s9;
	s6 =	sadd.s32 @!p0 $0x88, s6;
	s7 =	simm.s32 @p2 $0x1082  }
0x22: {  	[simem:s7], [sflag:s8] =	dma.local @!p0 [hbm:s6], $0xF7A  }
0x23: {  	s9 =	sor.u32 $0xD0000000, s2;
	s6 =	simm.s32 $0x108;
	_ =	swait.ge @!p0 [sflag:s8], $0x0  }
0x24: {  	s3 =	sadd.s32 $0x88, s3;
	s6 =	simm.s32 @!p1 $0x1082;
	[sflag:s4] =	ssyncset.s32 $0xFFFFF086  }
0x25: {  	[simem:s6], [sflag:s4] =	dma.local [hbm:s3], $0xF7A  }
0x26: {  	[smem:$0x3F97] =	sst s1;
	(tag) =	ssettag s2;
	_ =	strace s9  }
0x27: {  	s1 =	sld [smem:$0x3FA7]  }
0x28: {  	s2 =	sld [smem:$0x3FA8]  }
0x29: {  	s4 =	sld [smem:$0x3FAA]  }
0x2a: {  	p0 =	seq.s32 s5, $0x0;
	s5 =	sld [smem:$0x3FAB]  }
0x2b: {  	s6 =	sld [smem:$0x3FAC]  }
0x2c: {  	s7 =	sld [smem:$0x3FAD]  }
0x2d: {  	s3 =	simm.s32 $0x108;
	s8 =	sld [smem:$0x3FAE]  }
0x2e: {  	s3 =	simm.s32 @!p0 $0x1082;
	s9 =	sld [smem:$0x3FAF]  }
0x2f: {  	lr =	sadd.s32 s0, s3;
	s0 =	sld [smem:$0x3FA6]  }
0x30: {  	s3 =	sld [smem:$0x3FA9]  }
0x31: {  	[smem:$0x3FB2] =	sst s10  }
0x32: {  	s10 =	sld [smem:$0x3FB0];
	_ =	sdelay $0x3  }
0x33: {  	p0 =	seq.s32 s10, $0x1;
	s10 =	sld [smem:$0x3FB2];
	_ =	sdelay $0x3  }
0x34: {  	[smem:$0x3FB2] =	sst s10  }
0x35: {  	s10 =	sld [smem:$0x3FB1];
	_ =	sdelay $0x3  }
0x36: {  	p1 =	seq.s32 s10, $0x1;
	s10 =	sld [smem:$0x3FB2];
	_ =	sdelay $0x3  }
0x37: {  	[smem:$0x3FB2] =	sst s10  }
0x38: {  	s10 =	sld [smem:$0x3FB3]  }
0x39: {  	_ = 	snop;
	(pc) =	sbr.ind lr, $3  }
0x3a: {  	_ = 	snop  }
0x3b: {  	_ = 	snop  }
0x3c: {  	p2 =	seq.s32 s10, $0x1;
	s10 =	sld [smem:$0x3FB2]  }
0x3d: {  	_ =	shalt  }
0x3e: {  	_ =	shalt  }
0x3f: {  	_ =	shalt  }
0x40: {  	_ =	shalt  }
0x41: {  	_ =	shalt  }
0x42: {  	_ =	shalt  }
0x43: {  	_ =	shalt  }
0x44: {  	_ =	shalt  }
0x45: {  	_ =	shalt  }
0x46: {  	_ =	shalt  }
0x47: {  	_ =	shalt  }
0x48: {  	_ =	shalt  }
0x49: {  	_ =	shalt  }
0x4a: {  	_ =	shalt  }
0x4b: {  	_ =	shalt  }
0x4c: {  	_ =	shalt  }
0x4d: {  	_ =	shalt  }
0x4e: {  	_ =	shalt  }
0x4f: {  	_ =	shalt  }
0x50: {  	_ =	shalt  }
0x51: {  	_ =	shalt  }
0x52: {  	_ =	shalt  }
0x53: {  	_ =	shalt  }
0x54: {  	_ =	shalt  }
0x55: {  	_ =	shalt  }
0x56: {  	_ =	shalt  }
0x57: {  	_ =	shalt  }
0x58: {  	_ =	shalt  }
0x59: {  	_ =	shalt  }
0x5a: {  	_ =	shalt  }
0x5b: {  	_ =	shalt  }
0x5c: {  	_ =	shalt  }
0x5d: {  	_ =	shalt  }
0x5e: {  	_ =	shalt  }
0x5f: {  	_ =	shalt  }
0x60: {  	_ =	shalt  }
0x61: {  	_ =	shalt  }
0x62: {  	_ =	shalt  }
0x63: {  	_ =	shalt  }
0x64: {  	_ =	shalt  }
0x65: {  	_ =	shalt  }
0x66: {  	_ =	shalt  }
0x67: {  	_ =	shalt  }
0x68: {  	_ =	shalt  }
0x69: {  	_ =	shalt  }
0x6a: {  	_ =	shalt  }
0x6b: {  	_ =	shalt  }
0x6c: {  	_ =	shalt  }
0x6d: {  	_ =	shalt  }
0x6e: {  	_ =	shalt  }
0x6f: {  	_ =	shalt  }
0x70: {  	_ =	shalt  }
0x71: {  	_ =	shalt  }
0x72: {  	_ =	shalt  }
0x73: {  	_ =	shalt  }
0x74: {  	_ =	shalt  }
0x75: {  	_ =	shalt  }
0x76: {  	_ =	shalt  }
0x77: {  	_ =	shalt  }
0x78: {  	_ =	shalt  }
0x79: {  	_ =	shalt  }
0x7a: {  	_ =	shalt  }
0x7b: {  	_ =	shalt  }
0x7c: {  	_ =	shalt  }
0x7d: {  	_ =	shalt  }
0x7e: {  	_ =	shalt  }
0x7f: {  	_ =	shalt  }
0x80: {  	_ =	shalt  }
0x81: {  	_ =	shalt  }
0x82: {  	_ =	shalt  }
0x83: {  	_ =	shalt  }
0x84: {  	_ =	shalt  }
0x85: {  	_ =	shalt  }
0x86: {  	_ =	shalt  }
0x87: {  	_ =	shalt  }
.Lfunc_end0:
.L_simem_size_0:
called_computation_lowered:
.L_overlay_start_0:
0x88: {  	s2 =	sld [smem:$0x3FD9]  }
0x89: {  	s3 =	sld [smem:$0x3FFE];
	_ =	sdelay $0x1  }
0x8a: {  	s1 =	srdreg.scid  }
0x8b: {  	s0 =	sand.u32 $0x1, s1  }
0x8c: {  	s17 =	sshll.u32 s0, $0xA;
	s2 =	sadd.s32 s3, s2  }
0x8d: {  	s2 =	sadd.s32 s2, s17  }
0x8e: {  	[smem:$0x3FBE] =	sst s2  }
0x8f: {  	_ = 	snop  }
0x90: {  	s2 =	sld [smem:$0x3FD0];
	(tm) =	ssettm $0x1  }
0x91: {  	s18 =	sld [smem:$0x3FFB];
	_ =	sdelay $0x3  }
0x92: {  	_ =	strace s18  }
0x93: {  	s3 =	sld [smem:$0x3FFC];
	_ =	sdelay $0x3  }
0x94: {  	_ =	strace s3  }
0x95: {  	s3 =	sld [smem:$0x3FFD];
	_ =	sdelay $0x3  }
0x96: {  	_ =	strace s3  }
0x97: {  	_ =	strace $0x8FFFFFFF  }
0x98: {  	s19 =	sld [smem:$0x3FDB];
	_ =	sdelay $0x1  }
0x99: {  	s4 =	simm.s32 $_scs_section_size  }
0x9a: {  	s5 =	simm.s32 $_size__tile_overlayer_lowered;
	s6 =	simm.s32 $_tile_overlayer_lowered  }
0x9b: {  	s22 =	simm.s32 $0x1BFF;
	s21 =	sshll.u32 s6, $0x1;
	s3 =	sadd.s32 s4, s19  }
0x9c: {  	s7 =	simm.s32 $0x0;
	s20 =	sshll.u32 s5, $0x1;
	s5 =	sadd.s32 s21, s3  }
0x9d: {  	[timem:s7], [sflag:s22] =	dma.local [hbm:s5], s20  }
0x9e: {  	_ =	swait.ge [sflag:s22], s20  }
0x9f: {  	s4 =	ssub.s32 $0x0, s20;
	[sflag:s22] =	ssyncset.done $0x0  }
0xa0: {  	[sflag:s22] =	ssyncadd.s32 s4;
	_ =	sdelay $0x1  }
0xa1: {  	s23 =	simm.s32 $0x1B8B  }
0xa2: {  	_ =	swait.ge [sflag:s23], $0x1  }
0xa3: {  	[sflag:s23] =	ssyncset.done $0x0  }
0xa4: {  	s25 =	simm.s32 $0x1B8E;
	s24 =	sld [smem:$0x3FFE];
	[sflag:s23] =	ssyncadd.s32 $0xFFFFFFFF  }
0xa5: {  	s26 =	simm.s32 $execute0_lowered;
	[smem:$0x3FD2] =	sst s25  }
0xa6: {  	s5 =	sshll.u32 s26, $0x1;
	_ =	strace $0x80000046;
	[dreg:$0x1] =	wrdreg $0xFFFFFFFF  }
0xa7: {  	s28 =	simm.s32 $_size_execute0_lowered;
	s3 =	sadd.s32 s3, s5;
	[dreg:$0x0] =	wrdreg $0x0  }
0xa8: {  	s5 =	sshll.u32 s28, $0x1;
	[dreg:$0x2] =	wrdreg s3  }
0xa9: {  	[dreg:$0x3] =	wrdreg s5  }
0xaa: {  	[dreg:$0x4] =	wrdreg $0xC0  }
0xab: {  	_ =	task [dreg:s7], $0x5FFFF  }
0xac: {  	[dreg:$0x1] =	wrdreg $0xFFFFFFFF  }
0xad: {  	[dreg:$0x0] =	wrdreg $0x60  }
0xae: {  	[dreg:$0x2] =	wrdreg s24  }
0xaf: {  	[dreg:$0x3] =	wrdreg s2  }
0xb0: {  	[dreg:$0x4] =	wrdreg $0x9  }
0xb1: {  	_ =	task.clear_ibuf [dreg:s7], $0x5FFFF;
	_ =	strace $0x90000046  }
0xb2: {  	s29 =	simm.s32 $0x9;
	_ =	strace $0x80000048  }
0xb3: {  	_ =	swait.ge [sflag:s29], $0x1  }
0xb4: {  	[sflag:s29] =	ssyncadd.s32 $0xFFFFFFFF  }
0xb5: {  	_ =	strace $0x90000048  }
0xb6: {  	_ =	sfence  }
0xb7: {  	s30 =	sld [smem:$0x0];
	_ =	sdelay $0x2  }
0xb8: {  	s31 =	sshll.u32 s1, $0xD;
	s1 =	sshrl.u32 s1, $0x2  }
0xb9: {  	s3 =	sand.u32 $0x4000, s31;
	s1 =	sadd.s32 s1, s30  }
0xba: {  	s0 =	sor.u32 s3, s0;
	s1 =	sshll.u32 s1, $0x11  }
0xbb: {  	s0 =	sor.u32 s1, s0  }
0xbc: {  	s0 =	sadd.s32 $0x8F2B, s0  }
0xbd: {  	[sflag:s0] =	ssyncadd.remote.s32 $0x1  }
0xbe: {  	_ =	sfence.sel $0xFFFF  }
0xbf: {  	[dreg:$0x0] =	wrdreg $0xFFFFFFFF;
	(pc) =	sbr.abs _section_cstart, $3  }
0xc0: {  	[dreg:$0x1] =	wrdreg $0xFFFFFFFF  }
0xc1: {  	_ =	task.clear_ibuf [dreg:s7], $0x2FFFF;
	_ =	strace $0x9FFFFFFF  }
0xc2: {  	(tm) =	ssettm $0x7FFFFFFF  }
0xc3: {  	_ =	shalt  }
tec
execute0_lowered:
.L_overlay_start_1:
0x0: {  	(tag) =	ssettag $0x1  }
0x1: {  	s0 =	srdreg.scid;
	s3 =	rddreg [dreg:$0x0]  }
0x2: {  	s5 =	rddreg [dreg:$0x1];
	s1 =	stileid.u32;
	s4 =	sand.u32 $0x1, s0  }
0x3: {  	s9 =	simm.s32 $0x400;
	s0 =	rddreg [dreg:$0x2];
	s2 =	sshll.u32 s4, $0x4  }
0x4: {  	s8 =	sshll.u32 s1, $0x7;
	s4 =	ssub.s32 $0x2, s4;
	s6 =	sor.u32 s1, s2  }
0x5: {  	s2 =	simm.s32 $0x0;
	s7 =	smul.u32 $0x4F0, s6;
	s6 =	sshrl.u32 s6, $0x3  }
0x6: {  	s8 =	sand.u32 $0x380, s8;
	[smem:$0x7FF] =	sst s2;
	s6 =	smul.u32 $0x14000, s6  }
0x7: {  	s30 =	sshrl.u32 s4, $0x1;
	_ =	strace $0x80000047;
	s3 =	sadd.s32 s7, s3  }
0x8: {  	s7 =	ssub.s32 s4, s30;
	s6 =	sor.u32 s8, s6;
	s3 =	sadd.s32 $0x5800, s3  }
0x9: {  	s8 =	simm.s32 $0x80;
	s31 =	sshrl.u32 s6, $0x3;
	s6 =	simm.s32 $0x1  }
0xa: {  	v0 =	vimm.f32 $0.0e+00;
	v1 =	vimm.f32 $1.000000000e+00;
	s4 =	sadd.s32 s5, s31;
	s5 =	smax.u32 s7, $0x1;
	s7 =	simm.s32 $0x2780  }
.LBB2_1:
0xb: {  	s10 =	simm.s32 $0x40;
	s11 =	simm.s32 $0x0  }
.LBB2_2:
0xc: {  	p0 =	sne.s32 s10, $0x9FC0;
	[tilespmem:s11+$0x2780] =	vst v0;
	s11 =	smov.u32 s10;
	s10 =	sadd.s32 $0x40, s10  }
.Ltmp0:
0xd: {  	(pc) =	sbr.rel @p0 .LBB2_2-.Ltmp0, $2  }
0xe: {  	_ =	sdelay $0x2  }
0xf: {  	s11 =	sshra.s32 s11, $0x2  }
0x10: {  	[tilespmem:s11+$0x2780] =	vst v0;
	s10 =	simm.s32 $0x0  }
0x11: {  	[tilespmem:s10], [sflag:$0x1] =	stream.linear.gather [hbm4b:s3+s10], $0x2780, $0x38;
	[tilespmem:$0x4F80] =	vst v63  }
0x12: {  	_ =	swait.ge [sflag:s6], $0x2780  }
0x13: {  	[sflag:s6] =	ssyncset.done $0x0  }
0x14: {  	s11 =	simm.s32 $0x0;
	s10 =	simm.s32 $0x40;
	[sflag:s6] =	ssyncadd.s32 $0xFFFFD880  }
.LBB2_4:
0x15: {  	p0 =	sne.s32 s10, $0x9DC0;
	v2 =	vld [tilespmem:s11+$0x0];
	_ =	sdelay $0x3  }
.Ltmp1:
0x16: {  	(pc) =	sbr.rel @p0 .LBB2_4-.Ltmp1, $2  }
0x17: {  	_ =	sdelay $0x2  }
0x18: {  	s11 =	sshra.s32 s10, $0x2;
	s10 =	sadd.s32 $0x40, s10;
	[tilespmem:v2+s7+$0x0] =	vst.idx.add.f32.msk $0xffff, v1  }
0x19: {  	v2 =	vld [tilespmem:s11+$0x0];
	_ =	sdelay $0x5  }
0x1a: {  	s2 =	sadd.s32 $0x1, s2  }
0x1b: {  	p0 =	sne.s32 s2, s5  }
.Ltmp2:
0x1c: {  	[tilespmem:v2+s7+$0x0] =	vst.idx.add.f32.msk $0xffff, v1;
	(pc) =	sbr.rel @p0 .LBB2_1-.Ltmp2, $4  }
0x1d: {  	[hbm4b:s4+s8] =	stream.strided.scatter [tilespmem:s7], [sflag:$0x1], $0x2800, s9, s8, $0x38;
	[tilespmem:$0x4F80] =	vst v63  }
0x1e: {  	_ =	swait.ge [sflag:s6], $0x2800  }
0x1f: {  	[sflag:s6] =	ssyncset.done $0x0  }
0x20: {  	[sflag:s6] =	ssyncadd.s32 $0xFFFFD800  }
0x21: {  	_ =	sfence.sel $0x180000  }
0x22: {  	[bflag:$0x0] =	sbarrier.arrive $0xFFFF  }
0x23: {  	p0 =	sne.s32 s1, $0x0;
	_ =	strace $0x90000047  }
0x24: {  	s0 =	sadd.s32 @!p0 $0x100000, s0;
	[bflag:$0x2] =	sbarrier.arrive $0xFFFF  }
0x25: {  	[sflag:s0] =	ssyncadd.tile.s32 @!p0 $0x1;
	_ =	shalt  }
.Lfunc_end2:
_tile_overlayer_lowered:
.L_overlay_start_2:
0x26: {  	(tag) =	ssettag $0x2  }
0x27: {  	s0 =	rddreg [dreg:$0x0];
	s2 =	stileid.u32  }
0x28: {  	s1 =	rddreg [dreg:$0x1];
	p0 =	sne.s32 s2, $0x0  }
0x29: {  	s3 =	rddreg [dreg:$0x2];
	[bflag:$0x3] =	sbarrier.arrive $0xFFFF;
	s2 =	simm.s32 @!p0 $0x1C01  }
0x2a: {  	[timem:s3], [sflag:s2] =	dma.local @!p0 [hbm:s0], s1  }
0x2b: {  	s0 =	simm.s32 @!p0 $0x1  }
0x2c: {  	_ =	swait.ge @!p0 [sflag:s0], s1  }
0x2d: {  	s1 =	ssub.s32 @!p0 $0x0, s1;
	[sflag:s0] =	ssyncset.done @!p0 $0x0  }
0x2e: {  	[sflag:s0] =	ssyncadd.s32 @!p0 s1  }
0x2f: {  	[bflag:$0x3] =	sbarrier.arrive $0xFFFF  }
0x30: {  	_ =	shalt  }

// kernel: kernel.20.cloned.1.call-start
scs
__scs_entry_jumppad:
0x0: {  	(pc) =	sbr.rel $0x88, $3  }
0x1: {  	(tag) =	ssettag $0x0;
	lr =	simm.s32 $0x1  }
0x2: {  	[smem:$0x3F97] =	sst lr;
	_ =	strace $0xD0000000  }
0x3: {  	_ = 	snop  }
0x4: {  	_ = 	snop  }
0x5: {  	_ = 	snop  }
0x6: {  	_ = 	snop  }
0x7: {  	_ = 	snop  }
__scs_overlays_trampoline_lowered:
0x8: {  	[smem:$0x3FA6] =	sst s0  }
0x9: {  	[smem:$0x3FA7] =	sst s1  }
0xa: {  	[smem:$0x3FA8] =	sst s2  }
0xb: {  	[smem:$0x3FA9] =	sst s3  }
0xc: {  	[smem:$0x3FAA] =	sst s4  }
0xd: {  	[smem:$0x3FAB] =	sst s5  }
0xe: {  	[smem:$0x3FAC] =	sst s6  }
0xf: {  	[smem:$0x3FAD] =	sst s7  }
0x10: {  	[smem:$0x3FAE] =	sst s8  }
0x11: {  	[smem:$0x3FAF] =	sst s9;
	s0 =	simm.s32 @!p0 $0x0  }
0x12: {  	s1 =	sld [smem:$0x3F95];
	s0 =	simm.s32 @p0 $0x1  }
0x13: {  	[smem:$0x3FB0] =	sst s0;
	s0 =	simm.s32 @!p1 $0x0  }
0x14: {  	s2 =	sld [smem:$0x3F94];
	s0 =	simm.s32 @p1 $0x1  }
0x15: {  	[smem:$0x3FB1] =	sst s0;
	s0 =	simm.s32 @!p2 $0x0  }
0x16: {  	s3 =	sld [smem:$0x3FDB];
	s0 =	simm.s32 @p2 $0x1  }
0x17: {  	s4 =	simm.s32 $0x1BF5;
	[smem:$0x3FB3] =	sst s0  }
0x18: {  	s0 =	sld [smem:$0x3F96];
	_ =	swait.ge [sflag:s4], $0x0  }
0x19: {  	s7 =	sld [smem:$0x3F97]  }
0x1a: {  	s8 =	sadd.s32 $0xFFFFE003, lr  }
0x1b: {  	s9 =	sadd.s32 $0xFFFFFEF7, lr;
	s5 =	simm.s32 $0xFFFFFFFF;
	p2 =	slt.u32 s8, $0xFFFFF086  }
0x1c: {  	p1 =	slt.u32 s9, $0xF7A;
	s5 =	simm.s32 @!p2 $0x0  }
0x1d: {  	s5 =	simm.s32 @p1 $0x1;
	p0 =	seq.s32 s7, s2  }
0x1e: {  	s7 =	smul.u32 @!p0 $0xF7A, s2;
	p2 =	seq.s32 @!p0 s5, $0x0  }
0x1f: {  	s9 =	smul.u32 $0xF7A, s1;
	s8 =	simm.s32 @!p0 $0x1BF5;
	p2 =	por !p2, p0  }
0x20: {  	[sflag:s8] =	ssyncset.s32 @!p0 $0xFFFFF086;
	s6 =	sadd.s32 @!p0 s3, s7;
	s7 =	simm.s32 @!p0 $0x108  }
0x21: {  	s3 =	sadd.s32 s3, s9;
	s6 =	sadd.s32 @!p0 $0x88, s6;
	s7 =	simm.s32 @p2 $0x1082  }
0x22: {  	[simem:s7], [sflag:s8] =	dma.local @!p0 [hbm:s6], $0xF7A  }
0x23: {  	s9 =	sor.u32 $0xD0000000, s2;
	s6 =	simm.s32 $0x108;
	_ =	swait.ge @!p0 [sflag:s8], $0x0  }
0x24: {  	s3 =	sadd.s32 $0x88, s3;
	s6 =	simm.s32 @!p1 $0x1082;
	[sflag:s4] =	ssyncset.s32 $0xFFFFF086  }
0x25: {  	[simem:s6], [sflag:s4] =	dma.local [hbm:s3], $0xF7A  }
0x26: {  	[smem:$0x3F97] =	sst s1;
	(tag) =	ssettag s2;
	_ =	strace s9  }
0x27: {  	s1 =	sld [smem:$0x3FA7]  }
0x28: {  	s2 =	sld [smem:$0x3FA8]  }
0x29: {  	s4 =	sld [smem:$0x3FAA]  }
0x2a: {  	p0 =	seq.s32 s5, $0x0;
	s5 =	sld [smem:$0x3FAB]  }
0x2b: {  	s6 =	sld [smem:$0x3FAC]  }
0x2c: {  	s7 =	sld [smem:$0x3FAD]  }
0x2d: {  	s3 =	simm.s32 $0x108;
	s8 =	sld [smem:$0x3FAE]  }
0x2e: {  	s3 =	simm.s32 @!p0 $0x1082;
	s9 =	sld [smem:$0x3FAF]  }
0x2f: {  	lr =	sadd.s32 s0, s3;
	s0 =	sld [smem:$0x3FA6]  }
0x30: {  	s3 =	sld [smem:$0x3FA9]  }
0x31: {  	[smem:$0x3FB2] =	sst s10  }
0x32: {  	s10 =	sld [smem:$0x3FB0];
	_ =	sdelay $0x3  }
0x33: {  	p0 =	seq.s32 s10, $0x1;
	s10 =	sld [smem:$0x3FB2];
	_ =	sdelay $0x3  }
0x34: {  	[smem:$0x3FB2] =	sst s10  }
0x35: {  	s10 =	sld [smem:$0x3FB1];
	_ =	sdelay $0x3  }
0x36: {  	p1 =	seq.s32 s10, $0x1;
	s10 =	sld [smem:$0x3FB2];
	_ =	sdelay $0x3  }
0x37: {  	[smem:$0x3FB2] =	sst s10  }
0x38: {  	s10 =	sld [smem:$0x3FB3]  }
0x39: {  	_ = 	snop;
	(pc) =	sbr.ind lr, $3  }
0x3a: {  	_ = 	snop  }
0x3b: {  	_ = 	snop  }
0x3c: {  	p2 =	seq.s32 s10, $0x1;
	s10 =	sld [smem:$0x3FB2]  }
0x3d: {  	_ =	shalt  }
0x3e: {  	_ =	shalt  }
0x3f: {  	_ =	shalt  }
0x40: {  	_ =	shalt  }
0x41: {  	_ =	shalt  }
0x42: {  	_ =	shalt  }
0x43: {  	_ =	shalt  }
0x44: {  	_ =	shalt  }
0x45: {  	_ =	shalt  }
0x46: {  	_ =	shalt  }
0x47: {  	_ =	shalt  }
0x48: {  	_ =	shalt  }
0x49: {  	_ =	shalt  }
0x4a: {  	_ =	shalt  }
0x4b: {  	_ =	shalt  }
0x4c: {  	_ =	shalt  }
0x4d: {  	_ =	shalt  }
0x4e: {  	_ =	shalt  }
0x4f: {  	_ =	shalt  }
0x50: {  	_ =	shalt  }
0x51: {  	_ =	shalt  }
0x52: {  	_ =	shalt  }
0x53: {  	_ =	shalt  }
0x54: {  	_ =	shalt  }
0x55: {  	_ =	shalt  }
0x56: {  	_ =	shalt  }
0x57: {  	_ =	shalt  }
0x58: {  	_ =	shalt  }
0x59: {  	_ =	shalt  }
0x5a: {  	_ =	shalt  }
0x5b: {  	_ =	shalt  }
0x5c: {  	_ =	shalt  }
0x5d: {  	_ =	shalt  }
0x5e: {  	_ =	shalt  }
0x5f: {  	_ =	shalt  }
0x60: {  	_ =	shalt  }
0x61: {  	_ =	shalt  }
0x62: {  	_ =	shalt  }
0x63: {  	_ =	shalt  }
0x64: {  	_ =	shalt  }
0x65: {  	_ =	shalt  }
0x66: {  	_ =	shalt  }
0x67: {  	_ =	shalt  }
0x68: {  	_ =	shalt  }
0x69: {  	_ =	shalt  }
0x6a: {  	_ =	shalt  }
0x6b: {  	_ =	shalt  }
0x6c: {  	_ =	shalt  }
0x6d: {  	_ =	shalt  }
0x6e: {  	_ =	shalt  }
0x6f: {  	_ =	shalt  }
0x70: {  	_ =	shalt  }
0x71: {  	_ =	shalt  }
0x72: {  	_ =	shalt  }
0x73: {  	_ =	shalt  }
0x74: {  	_ =	shalt  }
0x75: {  	_ =	shalt  }
0x76: {  	_ =	shalt  }
0x77: {  	_ =	shalt  }
0x78: {  	_ =	shalt  }
0x79: {  	_ =	shalt  }
0x7a: {  	_ =	shalt  }
0x7b: {  	_ =	shalt  }
0x7c: {  	_ =	shalt  }
0x7d: {  	_ =	shalt  }
0x7e: {  	_ =	shalt  }
0x7f: {  	_ =	shalt  }
0x80: {  	_ =	shalt  }
0x81: {  	_ =	shalt  }
0x82: {  	_ =	shalt  }
0x83: {  	_ =	shalt  }
0x84: {  	_ =	shalt  }
0x85: {  	_ =	shalt  }
0x86: {  	_ =	shalt  }
0x87: {  	_ =	shalt  }
.Lfunc_end0:
.L_simem_size_0:
called_computation.1_lowered:
.L_overlay_start_0:
0x88: {  	s2 =	sld [smem:$0x3FD9]  }
0x89: {  	s3 =	sld [smem:$0x3FFE];
	_ =	sdelay $0x1  }
0x8a: {  	s1 =	srdreg.scid  }
0x8b: {  	s0 =	sand.u32 $0x1, s1  }
0x8c: {  	s16 =	sshll.u32 s0, $0xA;
	s2 =	sadd.s32 s3, s2  }
0x8d: {  	s2 =	sadd.s32 s2, s16  }
0x8e: {  	[smem:$0x3FBE] =	sst s2  }
0x8f: {  	_ = 	snop  }
0x90: {  	(tm) =	ssettm $0x1  }
0x91: {  	s17 =	sld [smem:$0x3FFB];
	_ =	sdelay $0x3  }
0x92: {  	_ =	strace s17  }
0x93: {  	s2 =	sld [smem:$0x3FFC];
	_ =	sdelay $0x3  }
0x94: {  	_ =	strace s2  }
0x95: {  	s2 =	sld [smem:$0x3FFD];
	_ =	sdelay $0x3  }
0x96: {  	_ =	strace s2  }
0x97: {  	_ =	strace $0x8FFFFFFF  }
0x98: {  	s18 =	sld [smem:$0x3FDB];
	_ =	sdelay $0x1  }
0x99: {  	s19 =	simm.s32 $_scs_section_size  }
0x9a: {  	s4 =	simm.s32 $_size__tile_overlayer_lowered;
	s5 =	simm.s32 $_tile_overlayer_lowered  }
0x9b: {  	s22 =	simm.s32 $0x1BFF;
	s21 =	sshll.u32 s5, $0x1;
	s2 =	sadd.s32 s19, s18  }
0x9c: {  	s6 =	simm.s32 $0x0;
	s20 =	sshll.u32 s4, $0x1;
	s4 =	sadd.s32 s21, s2  }
0x9d: {  	[timem:s6], [sflag:s22] =	dma.local [hbm:s4], s20  }
0x9e: {  	_ =	swait.ge [sflag:s22], s20  }
0x9f: {  	s3 =	ssub.s32 $0x0, s20;
	[sflag:s22] =	ssyncset.done $0x0  }
0xa0: {  	[sflag:s22] =	ssyncadd.s32 s3;
	_ =	sdelay $0x1  }
0xa1: {  	s23 =	simm.s32 $0x1B8B  }
0xa2: {  	_ =	swait.ge [sflag:s23], $0x1  }
0xa3: {  	[sflag:s23] =	ssyncset.done $0x0  }
0xa4: {  	s25 =	simm.s32 $0x1B8E;
	s24 =	sld [smem:$0x3FFE];
	[sflag:s23] =	ssyncadd.s32 $0xFFFFFFFF  }
0xa5: {  	s26 =	simm.s32 $execute0_lowered;
	[smem:$0x3FD2] =	sst s25  }
0xa6: {  	s4 =	sshll.u32 s26, $0x1;
	_ =	strace $0x80000049;
	[dreg:$0x1] =	wrdreg $0xFFFFFFFF  }
0xa7: {  	s28 =	simm.s32 $_size_execute0_lowered;
	s2 =	sadd.s32 s2, s4;
	[dreg:$0x0] =	wrdreg $0x0  }
0xa8: {  	s4 =	sshll.u32 s28, $0x1;
	[dreg:$0x2] =	wrdreg s2  }
0xa9: {  	[dreg:$0x3] =	wrdreg s4  }
0xaa: {  	[dreg:$0x4] =	wrdreg $0xC0  }
0xab: {  	_ =	task [dreg:s6], $0x5FFFF  }
0xac: {  	[dreg:$0x1] =	wrdreg $0xFFFFFFFF  }
0xad: {  	[dreg:$0x0] =	wrdreg $0x60  }
0xae: {  	[dreg:$0x2] =	wrdreg s24  }
0xaf: {  	[dreg:$0x3] =	wrdreg $0x9  }
0xb0: {  	_ =	task.clear_ibuf [dreg:s6], $0x4FFFF;
	_ =	strace $0x90000049  }
0xb1: {  	s29 =	simm.s32 $0x9;
	_ =	strace $0x8000004B  }
0xb2: {  	_ =	swait.ge [sflag:s29], $0x1  }
0xb3: {  	[sflag:s29] =	ssyncadd.s32 $0xFFFFFFFF  }
0xb4: {  	_ =	strace $0x9000004B  }
0xb5: {  	_ =	sfence  }
0xb6: {  	s30 =	sld [smem:$0x0];
	_ =	sdelay $0x2  }
0xb7: {  	s31 =	sshll.u32 s1, $0xD;
	s1 =	sshrl.u32 s1, $0x2  }
0xb8: {  	s3 =	sand.u32 $0x4000, s31;
	s1 =	sadd.s32 s1, s30  }
0xb9: {  	s0 =	sor.u32 s3, s0;
	s1 =	sshll.u32 s1, $0x11  }
0xba: {  	s0 =	sor.u32 s1, s0  }
0xbb: {  	s0 =	sadd.s32 $0x8F2B, s0  }
0xbc: {  	[sflag:s0] =	ssyncadd.remote.s32 $0x1  }
0xbd: {  	_ =	sfence.sel $0xFFFF  }
0xbe: {  	[dreg:$0x0] =	wrdreg $0xFFFFFFFF;
	(pc) =	sbr.abs _section_cstart, $3  }
0xbf: {  	[dreg:$0x1] =	wrdreg $0xFFFFFFFF  }
0xc0: {  	_ =	task.clear_ibuf [dreg:s6], $0x2FFFF;
	_ =	strace $0x9FFFFFFF  }
0xc1: {  	(tm) =	ssettm $0x7FFFFFFF  }
tec
execute0_lowered:
.L_overlay_start_1:
0x0: {  	(tag) =	ssettag $0x1  }
0x1: {  	s1 =	srdreg.scid  }
0x2: {  	s0 =	stileid.u32;
	s5 =	rddreg [dreg:$0x0];
	s8 =	simm.s32 $0x200  }
0x3: {  	s9 =	simm.s32 $0x400;
	s10 =	simm.s32 $0xC000;
	s4 =	sand.u32 $0x1, s1  }
0x4: {  	s11 =	simm.s32 $0x1;
	s2 =	sshll.u32 s0, $0x2;
	s1 =	sshll.u32 s4, $0x6  }
0x5: {  	s12 =	simm.s32 $0x2;
	s13 =	simm.s32 $0x1000;
	s2 =	sor.u32 s2, s1  }
0x6: {  	s14 =	simm.s32 $0x2000;
	s6 =	sshll.u32 s0, $0x9;
	s3 =	sshrl.u32 s2, $0x3  }
0x7: {  	s15 =	simm.s32 $0x0;
	s6 =	sand.u32 $0x200, s6;
	s3 =	smul.u32 $0x14000, s3  }
0x8: {  	s7 =	ssub.s32 $0x2, s4;
	s4 =	sadd.s32 $0x5800, s5;
	s1 =	rddreg [dreg:$0x1]  }
0x9: {  	s31 =	sshrl.u32 s7, $0x1;
	s2 =	simm.s32 $0x0;
	s6 =	sor.u32 s6, s3  }
0xa: {  	s7 =	ssub.s32 s7, s31;
	[smem:$0x7FF] =	sst s2;
	s6 =	sshrl.u32 s6, $0x3  }
0xb: {  	s7 =	smax.u32 s7, $0x1;
	_ =	strace $0x8000004A;
	s6 =	sadd.s32 s6, s5  }
0xc: {  	v0 =	vimm.f32 $0.0e+00;
	s3 =	sadd.s32 $0xF600, s5;
	s5 =	sadd.s32 $0x41400, s6;
	s6 =	sadd.s32 $0x69400, s6  }
.LBB2_1:
0xd: {  	[tilespmem:s10], [sflag:$0x1] =	stream.strided.gather [hbm4b:s5+s8], $0xA000, s9, s8, $0x38;
	[tilespmem:$0x16000] =	vst v63  }
0xe: {  	_ =	swait.ge [sflag:s11], $0xA000  }
0xf: {  	s16 =	sand.u32 $0x70, s2;
	s17 =	sand.u32 $0xFE00, s2;
	[sflag:s11] =	ssyncset.done $0x0  }
0x10: {  	s16 =	sor.u32 s16, s17;
	[sflag:s11] =	ssyncadd.s32 $0xFFFF6000  }
0x11: {  	v4 =	vld [tilespmem:s16+$0xC000]  }
0x12: {  	[tilespmem:s16+$0xC000] =	vst v0;
	v3 =	vld [tilespmem:s16+$0xC080]  }
0x13: {  	[tilespmem:s16+$0xC080] =	vst v0;
	v2 =	vld [tilespmem:s16+$0xC100]  }
0x14: {  	[tilespmem:s16+$0xC100] =	vst v0;
	v1 =	vld [tilespmem:s16+$0xC180]  }
0x15: {  	s19 =	simm.s32 $0x20;
	s18 =	simm.s32 $0x0;
	s17 =	simm.s32 $0x10;
	[tilespmem:s16+$0xC180] =	vst v0  }
.LBB2_2:
0x16: {  	p0 =	seq.s32 s19, $0x27F0;
	[tilespmem:s16+$0x2000] =	vst v4;
	s18 =	sadd.s32 $0x40, s18  }
0x17: {  	s20 =	sand.u32 $0x70, s17;
	s17 =	smov.u32 s19;
	s21 =	sand.u32 $0xFE00, s18;
	[tilespmem:s16+$0x2080] =	vst v3  }
0x18: {  	s20 =	sor.u32 s20, s21;
	[tilespmem:s16+$0x2100] =	vst v2  }
.Ltmp0:
0x19: {  	v4 =	vld [tilespmem:s20+$0xC000];
	[tilespmem:s20+$0xC000] =	vst v0;
	v5 =	vmov v1;
	(pc) =	sbr.rel @!p0 .LBB2_2-.Ltmp0, $4  }
0x1a: {  	v3 =	vld [tilespmem:s20+$0xC080];
	[tilespmem:s20+$0xC080] =	vst v0  }
0x1b: {  	v2 =	vld [tilespmem:s20+$0xC100];
	[tilespmem:s20+$0xC100] =	vst v0  }
0x1c: {  	v1 =	vld [tilespmem:s20+$0xC180];
	[tilespmem:s20+$0xC180] =	vst v0  }
0x1d: {  	s19 =	sadd.s32 $0x10, s19;
	[tilespmem:s16+$0x2180] =	vst v5;
	s16 =	smov.u32 s20  }
0x1e: {  	[tilespmem:s16+$0x2000] =	vst v4;
	s18 =	sadd.s32 $0x40, s18  }
0x1f: {  	s17 =	sand.u32 $0x70, s17;
	s18 =	sand.u32 $0xFE00, s18;
	[tilespmem:s16+$0x2080] =	vst v3  }
0x20: {  	s17 =	sor.u32 s17, s18;
	[tilespmem:s16+$0x2100] =	vst v2  }
0x21: {  	v2 =	vld [tilespmem:s17+$0xC000];
	[tilespmem:s17+$0xC000] =	vst v0  }
0x22: {  	v3 =	vld [tilespmem:s17+$0xC080];
	[tilespmem:s17+$0xC080] =	vst v0  }
0x23: {  	v4 =	vld [tilespmem:s17+$0xC100];
	[tilespmem:s17+$0xC100] =	vst v0  }
0x24: {  	v5 =	vld [tilespmem:s17+$0xC180];
	[tilespmem:s17+$0xC180] =	vst v0  }
0x25: {  	[tilespmem:s16+$0x2180] =	vst v1  }
0x26: {  	[tilespmem:s17+$0x2000] =	vst v2  }
0x27: {  	[tilespmem:s17+$0x2080] =	vst v3  }
0x28: {  	[tilespmem:s17+$0x2100] =	vst v4  }
0x29: {  	s16 =	simm.s32 $0x0;
	[tilespmem:s17+$0x2180] =	vst v5  }
.LBB2_4:
0x2a: {  	s17 =	sshll.u32 s16, $0x9  }
0x2b: {  	s18 =	sadd.s32 s3, s17  }
0x2c: {  	[tilespmem:s2], [sflag:$0x2] =	stream.linear.gather [hbm4b:s18+s2], $0x1000, $0x38;
	[tilespmem:$0x16000] =	vst v63  }
0x2d: {  	_ =	swait.ge [sflag:s12], $0x1000  }
0x2e: {  	[sflag:s12] =	ssyncset.done $0x0  }
0x2f: {  	s17 =	sadd.s32 s4, s17;
	[sflag:s12] =	ssyncadd.s32 $0xFFFFF000  }
0x30: {  	[tilespmem:s13], [sflag:$0x2] =	stream.linear.gather [hbm4b:s17+s2], $0x1000, $0x38;
	[tilespmem:$0x16000] =	vst v63  }
0x31: {  	_ =	swait.ge [sflag:s12], $0x1000  }
0x32: {  	[sflag:s12] =	ssyncset.done $0x0  }
0x33: {  	s18 =	simm.s32 $0x40;
	[sflag:s12] =	ssyncadd.s32 $0xFFFFF000  }
0x34: {  	s17 =	simm.s32 $0x1040;
	v1 =	vld [tilespmem:s18+$0x30]  }
0x35: {  	v2 =	vld [tilespmem:s17+$0xFFFFFFC0]  }
0x36: {  	v3 =	vld [tilespmem:s18+$0xFFFFFFC0]  }
0x37: {  	v4 =	vld [tilespmem:s18+$0x20]  }
0x38: {  	v12 =	vld [tilespmem:s18+$0xFFFFFFE0]  }
0x39: {  	v5 =	vld [tilespmem:s18+$0xFFFFFFD0]  }
0x3a: {  	v7 =	vld [tilespmem:s18+$0x0];
	v10 =	vand.u32 $0x7F, v2;
	v2 =	vshll.u32 v2, $0x2;
	v9 =	vshll.u32 v1, $0x2  }
0x3b: {  	v6 =	vld [tilespmem:s18+$0xFFFFFFF0];
	v11 =	vand.u32 $0x7F, v3;
	v1 =	vand.u32 $0x7F, v1;
	v14 =	vshll.u32 v3, $0x2  }
0x3c: {  	v15 =	vshll.u32 v4, $0x2;
	v4 =	vand.u32 $0x7F, v4;
	v9 =	vand.u32 $0xFFFFFE00, v9  }
0x3d: {  	v8 =	vld [tilespmem:s17+$0x30];
	v16 =	vshll.u32 v12, $0x2;
	v12 =	vand.u32 $0x7F, v12;
	v3 =	vor.u32 v1, v9  }
0x3e: {  	v13 =	vld [tilespmem:s18+$0x10];
	v1 =	vand.u32 $0xFFFFFE00, v14;
	v9 =	vand.u32 $0xFFFFFE00, v15;
	v14 =	vand.u32 $0xFFFFFE00, v2  }
0x3f: {  	v17 =	vld [tilespmem:s17+$0xFFFFFFD0];
	v2 =	vor.u32 v11, v1;
	v11 =	vor.u32 v4, v9;
	v1 =	vshll.u32 v7, $0x2  }
0x40: {  	v18 =	vld [tilespmem:s17+$0x0];
	v4 =	vshll.u32 v6, $0x2;
	v9 =	vshll.u32 v5, $0x2;
	v5 =	vand.u32 $0x7F, v5  }
0x41: {  	v19 =	vld [tilespmem:s17+$0x20];
	v6 =	vand.u32 $0x7F, v6;
	v7 =	vand.u32 $0x7F, v7;
	v9 =	vand.u32 $0xFFFFFE00, v9  }
0x42: {  	v21 =	vld [tilespmem:s17+$0xFFFFFFF0];
	v4 =	vand.u32 $0xFFFFFE00, v4;
	v1 =	vand.u32 $0xFFFFFE00, v1;
	v5 =	vor.u32 v5, v9  }
0x43: {  	v15 =	vld [tilespmem:s17+$0xFFFFFFE0];
	v9 =	vor.u32 v6, v4;
	v4 =	vand.u32 $0xFFFFFE00, v16;
	v6 =	vor.u32 v7, v1  }
0x44: {  	v7 =	vshll.u32 v13, $0x2;
	v4 =	vor.u32 v12, v4;
	v12 =	vand.u32 $0x7F, v13;
	v13 =	vld [tilespmem:s17+$0x10]  }
0x45: {  	v20 =	vld.idx.msk [tilespmem:v3+s14+$0x0], $0xffff  }
0x46: {  	v7 =	vand.u32 $0xFFFFFE00, v7;
	v22 =	vld.idx.msk [tilespmem:v11+s14+$0x0], $0xffff  }
0x47: {  	v1 =	vor.u32 v10, v14;
	v14 =	vshll.u32 v19, $0x2;
	v7 =	vor.u32 v12, v7;
	v10 =	vld.idx.msk [tilespmem:v2+s14+$0x0], $0xffff  }
0x48: {  	v14 =	vand.u32 $0xFFFFFE00, v14;
	v12 =	vand.u32 $0x7F, v19;
	v23 =	vld.idx.msk [tilespmem:v5+s14+$0x0], $0xffff  }
0x49: {  	v24 =	vshll.u32 v21, $0x2;
	v25 =	vshll.u32 v8, $0x2;
	v16 =	vor.u32 v12, v14;
	v19 =	vld.idx.msk [tilespmem:v9+s14+$0x0], $0xffff  }
0x4a: {  	v12 =	vand.u32 $0x7F, v21;
	v14 =	vand.u32 $0xFFFFFE00, v24;
	v24 =	vor.u32 $0x80, v11;
	v21 =	vld.idx.msk [tilespmem:v6+s14+$0x0], $0xffff  }
0x4b: {  	v8 =	vand.u32 $0x7F, v8;
	v14 =	vor.u32 v12, v14;
	v12 =	vand.u32 $0xFFFFFE00, v25;
	v26 =	vld.idx.msk [tilespmem:v4+s14+$0x0], $0xffff  }
0x4c: {  	v8 =	vor.u32 v8, v12;
	v27 =	vld.idx.msk [tilespmem:v7+s14+$0x0], $0xffff  }
0x4d: {  	v28 =	vor.u32 $0x80, v3;
	v25 =	vor.u32 $0x80, v9;
	v12 =	vshll.u32 v13, $0x2;
	[tilespmem:v1+s10+$0x0] =	vst.idx.add.f32.msk $0xffff, v10  }
0x4e: {  	v29 =	vor.u32 $0x80, v16;
	v13 =	vand.u32 $0x7F, v13;
	v12 =	vand.u32 $0xFFFFFE00, v12;
	[tilespmem:v16+s10+$0x0] =	vst.idx.add.f32.msk $0xffff, v22  }
0x4f: {  	v10 =	vshll.u32 v15, $0x2;
	v15 =	vand.u32 $0x7F, v15;
	v13 =	vor.u32 v13, v12;
	v24 =	vld.idx.msk [tilespmem:v24+s14+$0x0], $0xffff  }
0x50: {  	v12 =	vshll.u32 v17, $0x2;
	v17 =	vand.u32 $0x7F, v17;
	v10 =	vand.u32 $0xFFFFFE00, v10;
	[tilespmem:v14+s10+$0x0] =	vst.idx.add.f32.msk $0xffff, v19  }
0x51: {  	v12 =	vand.u32 $0xFFFFFE00, v12;
	v10 =	vor.u32 v15, v10;
	v15 =	vshll.u32 v18, $0x2;
	[tilespmem:v8+s10+$0x0] =	vst.idx.add.f32.msk $0xffff, v20  }
0x52: {  	v25 =	vld.idx.msk [tilespmem:v25+s14+$0x0], $0xffff;
	v20 =	vand.u32 $0xFFFFFE00, v15;
	v15 =	vor.u32 v17, v12  }
0x53: {  	v18 =	vand.u32 $0x7F, v18;
	v28 =	vld.idx.msk [tilespmem:v28+s14+$0x0], $0xffff;
	v17 =	vor.u32 $0x80, v7  }
0x54: {  	v12 =	vor.u32 v18, v20;
	v18 =	vor.u32 $0x80, v5;
	[tilespmem:v13+s10+$0x0] =	vst.idx.add.f32.msk $0xffff, v27  }
0x55: {  	v19 =	vor.u32 $0x80, v4;
	[tilespmem:v29+s10+$0x0] =	vst.idx.add.f32.msk $0xffff, v24  }
0x56: {  	[tilespmem:v10+s10+$0x0] =	vst.idx.add.f32.msk $0xffff, v26  }
0x57: {  	[tilespmem:v15+s10+$0x0] =	vst.idx.add.f32.msk $0xffff, v23  }
0x58: {  	v24 =	vor.u32 $0x80, v14;
	v27 =	vld.idx.msk [tilespmem:v17+s14+$0x0], $0xffff  }
0x59: {  	v17 =	vld.idx.msk [tilespmem:v18+s14+$0x0], $0xffff;
	v18 =	vor.u32 $0x100, v11  }
0x5a: {  	v22 =	vld.idx.msk [tilespmem:v19+s14+$0x0], $0xffff;
	v19 =	vor.u32 $0x80, v8  }
0x5b: {  	v63 =	vor.u32 $0x80, v13  }
0x5c: {  	v20 =	vor.u32 $0x100, v3;
	[tilespmem:v12+s10+$0x0] =	vst.idx.add.f32.msk $0xffff, v21  }
0x5d: {  	v21 =	vor.u32 $0x80, v6;
	[tilespmem:v24+s10+$0x0] =	vst.idx.add.f32.msk $0xffff, v25  }
0x5e: {  	v24 =	vld.idx.msk [tilespmem:v18+s14+$0x0], $0xffff;
	v18 =	vor.u32 $0x80, v15  }
0x5f: {  	[tilespmem:v19+s10+$0x0] =	vst.idx.add.f32.msk $0xffff, v28  }
0x60: {  	[tilespmem:v63+s10+$0x0] =	vst.idx.add.f32.msk $0xffff, v27  }
0x61: {  	v23 =	vld.idx.msk [tilespmem:v20+s14+$0x0], $0xffff  }
0x62: {  	s19 =	simm.s32 $0x0;
	v25 =	vor.u32 $0x80, v12;
	v26 =	vld.idx.msk [tilespmem:v21+s14+$0x0], $0xffff  }
.LBB2_5:
0x63: {  	s19 =	sadd.s32 $0x8, s19;
	[tilespmem:v18+s10+$0x0] =	vst.idx.add.f32.msk $0xffff, v17;
	s18 =	sadd.s32 $0x80, s18;
	s17 =	sadd.s32 $0x80, s17  }
0x64: {  	v17 =	vld [tilespmem:s17+$0x30];
	p0 =	slt.u32 s19, $0xF8  }
0x65: {  	v18 =	vld [tilespmem:s18+$0xFFFFFFD0]  }
0x66: {  	v20 =	vld [tilespmem:s18+$0xFFFFFFE0]  }
0x67: {  	v27 =	vor.u32 $0x100, v5;
	v21 =	vld [tilespmem:s18+$0xFFFFFFF0]  }
0x68: {  	v19 =	vld [tilespmem:s18+$0x0]  }
0x69: {  	v28 =	vld [tilespmem:s18+$0x10]  }
0x6a: {  	v29 =	vld [tilespmem:s18+$0x20]  }
0x6b: {  	[tilespmem:v25+s10+$0x0] =	vst.idx.add.f32.msk $0xffff, v26;
	v25 =	vor.u32 $0x100, v8  }
0x6c: {  	v26 =	vld.idx.msk [tilespmem:v27+s14+$0x0], $0xffff;
	v27 =	vor.u32 $0x100, v16  }
0x6d: {  	v31 =	vor.u32 $0x100, v9;
	v30 =	vld [tilespmem:s18+$0x30]  }
0x6e: {  	v33 =	vor.u32 $0x80, v2;
	v32 =	vld [tilespmem:s18+$0xFFFFFFC0]  }
0x6f: {  	v11 =	vor.u32 $0x180, v11;
	v34 =	vld [tilespmem:s17+$0xFFFFFFC0]  }
0x70: {  	v35 =	vor.u32 $0x80, v10;
	[tilespmem:v25+s10+$0x0] =	vst.idx.add.f32.msk $0xffff, v23  }
0x71: {  	v23 =	vor.u32 $0x100, v7;
	[tilespmem:v27+s10+$0x0] =	vst.idx.add.f32.msk $0xffff, v24  }
0x72: {  	v24 =	vor.u32 $0x100, v4;
	v25 =	vld.idx.msk [tilespmem:v31+s14+$0x0], $0xffff  }
0x73: {  	v31 =	vor.u32 $0x100, v6;
	v27 =	vld.idx.msk [tilespmem:v33+s14+$0x0], $0xffff  }
0x74: {  	v33 =	vor.u32 $0x100, v15;
	v11 =	vld.idx.msk [tilespmem:v11+s14+$0x0], $0xffff  }
0x75: {  	v16 =	vor.u32 $0x180, v16;
	[tilespmem:v35+s10+$0x0] =	vst.idx.add.f32.msk $0xffff, v22  }
0x76: {  	v22 =	vor.u32 $0x80, v1;
	v23 =	vld.idx.msk [tilespmem:v23+s14+$0x0], $0xffff  }
0x77: {  	v35 =	vor.u32 $0x100, v14;
	v24 =	vld.idx.msk [tilespmem:v24+s14+$0x0], $0xffff  }
0x78: {  	v9 =	vor.u32 $0x180, v9;
	v31 =	vld.idx.msk [tilespmem:v31+s14+$0x0], $0xffff  }
0x79: {  	[tilespmem:v33+s10+$0x0] =	vst.idx.add.f32.msk $0xffff, v26;
	v26 =	vor.u32 $0x100, v12  }
0x7a: {  	v3 =	vor.u32 $0x180, v3;
	[tilespmem:v16+s10+$0x0] =	vst.idx.add.f32.msk $0xffff, v11  }
0x7b: {  	v11 =	vor.u32 $0x100, v13;
	[tilespmem:v22+s10+$0x0] =	vst.idx.add.f32.msk $0xffff, v27  }
0x7c: {  	v16 =	vor.u32 $0x100, v2;
	[tilespmem:v35+s10+$0x0] =	vst.idx.add.f32.msk $0xffff, v25  }
0x7d: {  	v5 =	vor.u32 $0x180, v5;
	v9 =	vld.idx.msk [tilespmem:v9+s14+$0x0], $0xffff  }
0x7e: {  	v7 =	vor.u32 $0x180, v7;
	[tilespmem:v26+s10+$0x0] =	vst.idx.add.f32.msk $0xffff, v31  }
0x7f: {  	v14 =	vor.u32 $0x180, v14;
	v3 =	vld.idx.msk [tilespmem:v3+s14+$0x0], $0xffff  }
0x80: {  	v6 =	vor.u32 $0x180, v6;
	[tilespmem:v11+s10+$0x0] =	vst.idx.add.f32.msk $0xffff, v23  }
0x81: {  	v11 =	vld.idx.msk [tilespmem:v16+s14+$0x0], $0xffff;
	v16 =	vor.u32 $0x100, v10  }
0x82: {  	v22 =	vor.u32 $0x100, v1;
	v5 =	vld.idx.msk [tilespmem:v5+s14+$0x0], $0xffff  }
0x83: {  	v4 =	vor.u32 $0x180, v4;
	v2 =	vor.u32 $0x180, v2;
	v7 =	vld.idx.msk [tilespmem:v7+s14+$0x0], $0xffff  }
0x84: {  	[tilespmem:v14+s10+$0x0] =	vst.idx.add.f32.msk $0xffff, v9  }
0x85: {  	v9 =	vor.u32 $0x180, v15;
	v6 =	vld.idx.msk [tilespmem:v6+s14+$0x0], $0xffff  }
0x86: {  	v13 =	vor.u32 $0x180, v13;
	[tilespmem:v16+s10+$0x0] =	vst.idx.add.f32.msk $0xffff, v24  }
0x87: {  	v8 =	vor.u32 $0x180, v8;
	[tilespmem:v22+s10+$0x0] =	vst.idx.add.f32.msk $0xffff, v11  }
0x88: {  	v12 =	vor.u32 $0x180, v12;
	v14 =	vor.u32 $0x180, v1;
	v11 =	vld.idx.msk [tilespmem:v2+s14+$0x0], $0xffff  }
0x89: {  	v10 =	vor.u32 $0x180, v10;
	v1 =	vand.u32 $0x7F, v34;
	v2 =	vshll.u32 v34, $0x2;
	v4 =	vld.idx.msk [tilespmem:v4+s14+$0x0], $0xffff  }
0x8a: {  	v15 =	vand.u32 $0x7F, v32;
	v16 =	vshll.u32 v32, $0x2;
	v2 =	vand.u32 $0xFFFFFE00, v2;
	[tilespmem:v9+s10+$0x0] =	vst.idx.add.f32.msk $0xffff, v5  }
0x8b: {  	v5 =	vand.u32 $0xFFFFFE00, v16;
	v1 =	vor.u32 v1, v2;
	v9 =	vshll.u32 v30, $0x2;
	[tilespmem:v13+s10+$0x0] =	vst.idx.add.f32.msk $0xffff, v7  }
0x8c: {  	v16 =	vand.u32 $0x7F, v30;
	v7 =	vand.u32 $0x7F, v29;
	v13 =	vshll.u32 v29, $0x2;
	[tilespmem:v8+s10+$0x0] =	vst.idx.add.f32.msk $0xffff, v3  }
0x8d: {  	v2 =	vor.u32 v15, v5;
	v3 =	vshll.u32 v28, $0x2;
	v5 =	vand.u32 $0xFFFFFE00, v13;
	[tilespmem:v12+s10+$0x0] =	vst.idx.add.f32.msk $0xffff, v6  }
0x8e: {  	v6 =	vshll.u32 v19, $0x2;
	v8 =	vand.u32 $0xFFFFFE00, v3;
	v3 =	vand.u32 $0xFFFFFE00, v9;
	[tilespmem:v14+s10+$0x0] =	vst.idx.add.f32.msk $0xffff, v11  }
0x8f: {  	v9 =	vshll.u32 v21, $0x2;
	v12 =	vand.u32 $0x7F, v28;
	v3 =	vor.u32 v16, v3;
	[tilespmem:v10+s10+$0x0] =	vst.idx.add.f32.msk $0xffff, v4  }
0x90: {  	v13 =	vand.u32 $0x7F, v21;
	v9 =	vand.u32 $0xFFFFFE00, v9;
	v4 =	vshll.u32 v20, $0x2;
	v10 =	vld [tilespmem:s17+$0xFFFFFFE0]  }
0x91: {  	v14 =	vshll.u32 v18, $0x2;
	v11 =	vor.u32 v7, v5;
	v4 =	vand.u32 $0xFFFFFE00, v4;
	v15 =	vld [tilespmem:s17+$0xFFFFFFD0]  }
0x92: {  	v7 =	vor.u32 v12, v8;
	v5 =	vand.u32 $0xFFFFFE00, v14;
	v14 =	vand.u32 $0x7F, v20;
	v20 =	vld [tilespmem:s17+$0x0]  }
0x93: {  	v8 =	vand.u32 $0x7F, v18;
	v4 =	vor.u32 v14, v4;
	v14 =	vand.u32 $0x7F, v17;
	v12 =	vld [tilespmem:s17+$0x20]  }
0x94: {  	v6 =	vand.u32 $0xFFFFFE00, v6;
	v5 =	vor.u32 v8, v5;
	v8 =	vand.u32 $0x7F, v19;
	v18 =	vld.idx.msk [tilespmem:v3+s14+$0x0], $0xffff  }
0x95: {  	v9 =	vor.u32 v13, v9;
	v6 =	vor.u32 v8, v6;
	v16 =	vshll.u32 v10, $0x2;
	v19 =	vld [tilespmem:s17+$0xFFFFFFF0]  }
0x96: {  	v8 =	vshll.u32 v17, $0x2;
	v21 =	vshll.u32 v15, $0x2;
	v13 =	vand.u32 $0xFFFFFE00, v16;
	v22 =	vld.idx.msk [tilespmem:v11+s14+$0x0], $0xffff  }
0x97: {  	v8 =	vand.u32 $0xFFFFFE00, v8;
	v17 =	vld.idx.msk [tilespmem:v2+s14+$0x0], $0xffff;
	v16 =	vshll.u32 v20, $0x2  }
0x98: {  	v8 =	vor.u32 v14, v8;
	v23 =	vand.u32 $0xFFFFFE00, v16;
	v24 =	vld [tilespmem:s17+$0x10];
	v16 =	vshll.u32 v12, $0x2  }
0x99: {  	v12 =	vand.u32 $0x7F, v12;
	v25 =	vld.idx.msk [tilespmem:v5+s14+$0x0], $0xffff;
	v14 =	vand.u32 $0xFFFFFE00, v16  }
0x9a: {  	v26 =	vld.idx.msk [tilespmem:v9+s14+$0x0], $0xffff;
	v27 =	vshll.u32 v19, $0x2;
	v16 =	vor.u32 v12, v14  }
0x9b: {  	v12 =	vand.u32 $0x7F, v19;
	v14 =	vand.u32 $0xFFFFFE00, v27;
	v19 =	vld.idx.msk [tilespmem:v6+s14+$0x0], $0xffff;
	v27 =	vor.u32 $0x80, v11  }
0x9c: {  	v28 =	vld.idx.msk [tilespmem:v4+s14+$0x0], $0xffff;
	v14 =	vor.u32 v12, v14  }
0x9d: {  	v29 =	vor.u32 $0x80, v9;
	[tilespmem:v1+s10+$0x0] =	vst.idx.add.f32.msk $0xffff, v17;
	v17 =	vor.u32 $0x80, v4;
	v30 =	vand.u32 $0x7F, v24  }
0x9e: {  	v31 =	vor.u32 $0x80, v3;
	v12 =	vand.u32 $0x7F, v20;
	v24 =	vshll.u32 v24, $0x2;
	v20 =	vld.idx.msk [tilespmem:v7+s14+$0x0], $0xffff  }
0x9f: {  	v10 =	vand.u32 $0x7F, v10;
	v12 =	vor.u32 v12, v23;
	v23 =	vand.u32 $0xFFFFFE00, v24;
	[tilespmem:v16+s10+$0x0] =	vst.idx.add.f32.msk $0xffff, v22  }
0xa0: {  	v10 =	vor.u32 v10, v13;
	v13 =	vor.u32 v30, v23;
	v23 =	vld.idx.msk [tilespmem:v27+s14+$0x0], $0xffff  }
0xa1: {  	v24 =	vor.u32 $0x80, v16;
	[tilespmem:v14+s10+$0x0] =	vst.idx.add.f32.msk $0xffff, v26  }
0xa2: {  	v26 =	vld.idx.msk [tilespmem:v29+s14+$0x0], $0xffff  }
0xa3: {  	v15 =	vand.u32 $0x7F, v15;
	v21 =	vand.u32 $0xFFFFFE00, v21;
	v27 =	vor.u32 $0x80, v6;
	[tilespmem:v8+s10+$0x0] =	vst.idx.add.f32.msk $0xffff, v18  }
0xa4: {  	v15 =	vor.u32 v15, v21;
	v18 =	vld.idx.msk [tilespmem:v31+s14+$0x0], $0xffff  }
0xa5: {  	[tilespmem:v13+s10+$0x0] =	vst.idx.add.f32.msk $0xffff, v20  }
0xa6: {  	v20 =	vor.u32 $0x80, v7;
	[tilespmem:v10+s10+$0x0] =	vst.idx.add.f32.msk $0xffff, v28  }
0xa7: {  	v21 =	vor.u32 $0x80, v5;
	v22 =	vld.idx.msk [tilespmem:v17+s14+$0x0], $0xffff  }
0xa8: {  	[tilespmem:v24+s10+$0x0] =	vst.idx.add.f32.msk $0xffff, v23;
	v23 =	vor.u32 $0x80, v8  }
0xa9: {  	v24 =	vor.u32 $0x100, v3;
	[tilespmem:v15+s10+$0x0] =	vst.idx.add.f32.msk $0xffff, v25  }
0xaa: {  	v28 =	vor.u32 $0x80, v14;
	[tilespmem:v12+s10+$0x0] =	vst.idx.add.f32.msk $0xffff, v19  }
0xab: {  	v25 =	vor.u32 $0x80, v12;
	v19 =	vld.idx.msk [tilespmem:v20+s14+$0x0], $0xffff  }
0xac: {  	v20 =	vor.u32 $0x100, v11;
	v17 =	vld.idx.msk [tilespmem:v21+s14+$0x0], $0xffff  }
0xad: {  	v21 =	vor.u32 $0x80, v13;
	[tilespmem:v23+s10+$0x0] =	vst.idx.add.f32.msk $0xffff, v18  }
.Ltmp1:
0xae: {  	v18 =	vor.u32 $0x80, v15;
	v23 =	vld.idx.msk [tilespmem:v24+s14+$0x0], $0xffff;
	(pc) =	sbr.rel @p0 .LBB2_5-.Ltmp1, $4  }
0xaf: {  	[tilespmem:v28+s10+$0x0] =	vst.idx.add.f32.msk $0xffff, v26  }
0xb0: {  	v26 =	vld.idx.msk [tilespmem:v27+s14+$0x0], $0xffff  }
0xb1: {  	v24 =	vld.idx.msk [tilespmem:v20+s14+$0x0], $0xffff  }
0xb2: {  	[tilespmem:v21+s10+$0x0] =	vst.idx.add.f32.msk $0xffff, v19  }
0xb3: {  	_ = 	snop  }
0xb4: {  	v19 =	vor.u32 $0x100, v5  }
0xb5: {  	v20 =	vor.u32 $0x100, v8  }
0xb6: {  	v21 =	vor.u32 $0x100, v16  }
0xb7: {  	[tilespmem:v18+s10+$0x0] =	vst.idx.add.f32.msk $0xffff, v17;
	v37 =	vor.u32 $0x100, v9  }
0xb8: {  	v38 =	vor.u32 $0x80, v2;
	[tilespmem:v25+s10+$0x0] =	vst.idx.add.f32.msk $0xffff, v26  }
0xb9: {  	v39 =	vor.u32 $0x80, v10;
	v19 =	vld.idx.msk [tilespmem:v19+s14+$0x0], $0xffff  }
0xba: {  	v40 =	vor.u32 $0x100, v7;
	[tilespmem:v20+s10+$0x0] =	vst.idx.add.f32.msk $0xffff, v23  }
0xbb: {  	v42 =	vor.u32 $0x100, v6;
	[tilespmem:v21+s10+$0x0] =	vst.idx.add.f32.msk $0xffff, v24  }
0xbc: {  	v11 =	vor.u32 $0x180, v11;
	v17 =	vld.idx.msk [tilespmem:v37+s14+$0x0], $0xffff  }
0xbd: {  	v41 =	vor.u32 $0x100, v4;
	v18 =	vld.idx.msk [tilespmem:v38+s14+$0x0], $0xffff  }
0xbe: {  	v3 =	vor.u32 $0x180, v3;
	[tilespmem:v39+s10+$0x0] =	vst.idx.add.f32.msk $0xffff, v22  }
0xbf: {  	v43 =	vor.u32 $0x100, v15;
	v20 =	vld.idx.msk [tilespmem:v40+s14+$0x0], $0xffff  }
0xc0: {  	v45 =	vor.u32 $0x80, v1;
	v23 =	vld.idx.msk [tilespmem:v42+s14+$0x0], $0xffff  }
0xc1: {  	v46 =	vor.u32 $0x100, v14;
	v11 =	vld.idx.msk [tilespmem:v11+s14+$0x0], $0xffff  }
0xc2: {  	v48 =	vor.u32 $0x100, v12;
	v21 =	vld.idx.msk [tilespmem:v41+s14+$0x0], $0xffff  }
0xc3: {  	v49 =	vor.u32 $0x100, v13;
	v3 =	vld.idx.msk [tilespmem:v3+s14+$0x0], $0xffff  }
0xc4: {  	v44 =	vor.u32 $0x180, v16;
	[tilespmem:v43+s10+$0x0] =	vst.idx.add.f32.msk $0xffff, v19  }
0xc5: {  	v47 =	vor.u32 $0x180, v9;
	[tilespmem:v45+s10+$0x0] =	vst.idx.add.f32.msk $0xffff, v18  }
0xc6: {  	v50 =	vor.u32 $0x100, v2;
	[tilespmem:v46+s10+$0x0] =	vst.idx.add.f32.msk $0xffff, v17  }
0xc7: {  	v51 =	vor.u32 $0x180, v5;
	[tilespmem:v48+s10+$0x0] =	vst.idx.add.f32.msk $0xffff, v23  }
0xc8: {  	v52 =	vor.u32 $0x180, v7;
	[tilespmem:v49+s10+$0x0] =	vst.idx.add.f32.msk $0xffff, v20  }
0xc9: {  	v54 =	vor.u32 $0x180, v6;
	[tilespmem:v44+s10+$0x0] =	vst.idx.add.f32.msk $0xffff, v11  }
0xca: {  	v56 =	vor.u32 $0x100, v10;
	v9 =	vld.idx.msk [tilespmem:v47+s14+$0x0], $0xffff  }
0xcb: {  	v61 =	vor.u32 $0x180, v8;
	v55 =	vld.idx.msk [tilespmem:v50+s14+$0x0], $0xffff  }
0xcc: {  	v58 =	vor.u32 $0x180, v4;
	v5 =	vld.idx.msk [tilespmem:v51+s14+$0x0], $0xffff  }
0xcd: {  	v53 =	vor.u32 $0x180, v14;
	v7 =	vld.idx.msk [tilespmem:v52+s14+$0x0], $0xffff  }
0xce: {  	v57 =	vor.u32 $0x100, v1;
	v6 =	vld.idx.msk [tilespmem:v54+s14+$0x0], $0xffff  }
0xcf: {  	v2 =	vor.u32 $0x180, v2;
	[tilespmem:v56+s10+$0x0] =	vst.idx.add.f32.msk $0xffff, v21  }
0xd0: {  	v59 =	vor.u32 $0x180, v15;
	[tilespmem:v61+s10+$0x0] =	vst.idx.add.f32.msk $0xffff, v3  }
0xd1: {  	v60 =	vor.u32 $0x180, v13;
	v4 =	vld.idx.msk [tilespmem:v58+s14+$0x0], $0xffff  }
0xd2: {  	v62 =	vor.u32 $0x180, v12;
	[tilespmem:v53+s10+$0x0] =	vst.idx.add.f32.msk $0xffff, v9  }
0xd3: {  	v63 =	vor.u32 $0x180, v10;
	s16 =	sadd.s32 $0x1, s16;
	[tilespmem:v57+s10+$0x0] =	vst.idx.add.f32.msk $0xffff, v55  }
0xd4: {  	v1 =	vor.u32 $0x180, v1;
	p0 =	sne.s32 s16, $0x4F;
	v2 =	vld.idx.msk [tilespmem:v2+s14+$0x0], $0xffff  }
.Ltmp2:
0xd5: {  	[tilespmem:v59+s10+$0x0] =	vst.idx.add.f32.msk $0xffff, v5;
	(pc) =	sbr.rel @p0 .LBB2_4-.Ltmp2, $4  }
0xd6: {  	[tilespmem:v60+s10+$0x0] =	vst.idx.add.f32.msk $0xffff, v7  }
0xd7: {  	[tilespmem:v62+s10+$0x0] =	vst.idx.add.f32.msk $0xffff, v6  }
0xd8: {  	[tilespmem:v63+s10+$0x0] =	vst.idx.add.f32.msk $0xffff, v4  }
0xd9: {  	[tilespmem:v1+s10+$0x0] =	vst.idx.add.f32.msk $0xffff, v2  }
0xda: {  	s15 =	sadd.s32 $0x1, s15  }
0xdb: {  	p0 =	sne.s32 s15, s7  }
.Ltmp3:
0xdc: {  	_ = 	snop;
	(pc) =	sbr.rel @p0 .LBB2_1-.Ltmp3, $4  }
0xdd: {  	[hbm4b:s6+s8] =	stream.strided.scatter [tilespmem:s10], [sflag:$0x2], $0xA000, s9, s8, $0x38;
	[tilespmem:$0x16000] =	vst v63  }
0xde: {  	_ =	swait.ge [sflag:s12], $0xA000  }
0xdf: {  	[sflag:s12] =	ssyncset.done $0x0  }
0xe0: {  	[sflag:s12] =	ssyncadd.s32 $0xFFFF6000  }
0xe1: {  	_ =	sfence.sel $0x180000  }
0xe2: {  	[bflag:$0x0] =	sbarrier.arrive $0xFFFF  }
0xe3: {  	p0 =	sne.s32 s0, $0x0;
	_ =	strace $0x9000004A  }
0xe4: {  	s0 =	sadd.s32 @!p0 $0x100000, s1;
	[bflag:$0x2] =	sbarrier.arrive $0xFFFF  }
0xe5: {  	[sflag:s0] =	ssyncadd.tile.s32 @!p0 $0x1;
	_ =	shalt  }
.Lfunc_end2:
_tile_overlayer_lowered:
.L_overlay_start_2:
0xe6: {  	(tag) =	ssettag $0x2  }
0xe7: {  	s0 =	rddreg [dreg:$0x0];
	s2 =	stileid.u32  }
0xe8: {  	s1 =	rddreg [dreg:$0x1];
	p0 =	sne.s32 s2, $0x0  }
0xe9: {  	s3 =	rddreg [dreg:$0x2];
	[bflag:$0x3] =	sbarrier.arrive $0xFFFF;
	s2 =	simm.s32 @!p0 $0x1C02  }
0xea: {  	[timem:s3], [sflag:s2] =	dma.local @!p0 [hbm:s0], s1  }
0xeb: {  	s0 =	simm.s32 @!p0 $0x2  }
0xec: {  	_ =	swait.ge @!p0 [sflag:s0], s1  }
0xed: {  	s1 =	ssub.s32 @!p0 $0x0, s1;
	[sflag:s0] =	ssyncset.done @!p0 $0x0  }
0xee: {  	[sflag:s0] =	ssyncadd.s32 @!p0 s1  }
0xef: {  	[bflag:$0x3] =	sbarrier.arrive $0xFFFF  }
0xf0: {  	_ =	shalt  }

// kernel: kernel.23.cloned.1.call-start
scs
__scs_entry_jumppad:
0x0: {  	(pc) =	sbr.rel $0x88, $3  }
0x1: {  	(tag) =	ssettag $0x0;
	lr =	simm.s32 $0x1  }
0x2: {  	[smem:$0x3F97] =	sst lr;
	_ =	strace $0xD0000000  }
0x3: {  	_ = 	snop  }
0x4: {  	_ = 	snop  }
0x5: {  	_ = 	snop  }
0x6: {  	_ = 	snop  }
0x7: {  	_ = 	snop  }
__scs_overlays_trampoline_lowered:
0x8: {  	[smem:$0x3FA6] =	sst s0  }
0x9: {  	[smem:$0x3FA7] =	sst s1  }
0xa: {  	[smem:$0x3FA8] =	sst s2  }
0xb: {  	[smem:$0x3FA9] =	sst s3  }
0xc: {  	[smem:$0x3FAA] =	sst s4  }
0xd: {  	[smem:$0x3FAB] =	sst s5  }
0xe: {  	[smem:$0x3FAC] =	sst s6  }
0xf: {  	[smem:$0x3FAD] =	sst s7  }
0x10: {  	[smem:$0x3FAE] =	sst s8  }
0x11: {  	[smem:$0x3FAF] =	sst s9;
	s0 =	simm.s32 @!p0 $0x0  }
0x12: {  	s1 =	sld [smem:$0x3F95];
	s0 =	simm.s32 @p0 $0x1  }
0x13: {  	[smem:$0x3FB0] =	sst s0;
	s0 =	simm.s32 @!p1 $0x0  }
0x14: {  	s2 =	sld [smem:$0x3F94];
	s0 =	simm.s32 @p1 $0x1  }
0x15: {  	[smem:$0x3FB1] =	sst s0;
	s0 =	simm.s32 @!p2 $0x0  }
0x16: {  	s3 =	sld [smem:$0x3FDB];
	s0 =	simm.s32 @p2 $0x1  }
0x17: {  	s4 =	simm.s32 $0x1BF5;
	[smem:$0x3FB3] =	sst s0  }
0x18: {  	s0 =	sld [smem:$0x3F96];
	_ =	swait.ge [sflag:s4], $0x0  }
0x19: {  	s7 =	sld [smem:$0x3F97]  }
0x1a: {  	s8 =	sadd.s32 $0xFFFFE003, lr  }
0x1b: {  	s9 =	sadd.s32 $0xFFFFFEF7, lr;
	s5 =	simm.s32 $0xFFFFFFFF;
	p2 =	slt.u32 s8, $0xFFFFF086  }
0x1c: {  	p1 =	slt.u32 s9, $0xF7A;
	s5 =	simm.s32 @!p2 $0x0  }
0x1d: {  	s5 =	simm.s32 @p1 $0x1;
	p0 =	seq.s32 s7, s2  }
0x1e: {  	s7 =	smul.u32 @!p0 $0xF7A, s2;
	p2 =	seq.s32 @!p0 s5, $0x0  }
0x1f: {  	s9 =	smul.u32 $0xF7A, s1;
	s8 =	simm.s32 @!p0 $0x1BF5;
	p2 =	por !p2, p0  }
0x20: {  	[sflag:s8] =	ssyncset.s32 @!p0 $0xFFFFF086;
	s6 =	sadd.s32 @!p0 s3, s7;
	s7 =	simm.s32 @!p0 $0x108  }
0x21: {  	s3 =	sadd.s32 s3, s9;
	s6 =	sadd.s32 @!p0 $0x88, s6;
	s7 =	simm.s32 @p2 $0x1082  }
0x22: {  	[simem:s7], [sflag:s8] =	dma.local @!p0 [hbm:s6], $0xF7A  }
0x23: {  	s9 =	sor.u32 $0xD0000000, s2;
	s6 =	simm.s32 $0x108;
	_ =	swait.ge @!p0 [sflag:s8], $0x0  }
0x24: {  	s3 =	sadd.s32 $0x88, s3;
	s6 =	simm.s32 @!p1 $0x1082;
	[sflag:s4] =	ssyncset.s32 $0xFFFFF086  }
0x25: {  	[simem:s6], [sflag:s4] =	dma.local [hbm:s3], $0xF7A  }
0x26: {  	[smem:$0x3F97] =	sst s1;
	(tag) =	ssettag s2;
	_ =	strace s9  }
0x27: {  	s1 =	sld [smem:$0x3FA7]  }
0x28: {  	s2 =	sld [smem:$0x3FA8]  }
0x29: {  	s4 =	sld [smem:$0x3FAA]  }
0x2a: {  	p0 =	seq.s32 s5, $0x0;
	s5 =	sld [smem:$0x3FAB]  }
0x2b: {  	s6 =	sld [smem:$0x3FAC]  }
0x2c: {  	s7 =	sld [smem:$0x3FAD]  }
0x2d: {  	s3 =	simm.s32 $0x108;
	s8 =	sld [smem:$0x3FAE]  }
0x2e: {  	s3 =	simm.s32 @!p0 $0x1082;
	s9 =	sld [smem:$0x3FAF]  }
0x2f: {  	lr =	sadd.s32 s0, s3;
	s0 =	sld [smem:$0x3FA6]  }
0x30: {  	s3 =	sld [smem:$0x3FA9]  }
0x31: {  	[smem:$0x3FB2] =	sst s10  }
0x32: {  	s10 =	sld [smem:$0x3FB0];
	_ =	sdelay $0x3  }
0x33: {  	p0 =	seq.s32 s10, $0x1;
	s10 =	sld [smem:$0x3FB2];
	_ =	sdelay $0x3  }
0x34: {  	[smem:$0x3FB2] =	sst s10  }
0x35: {  	s10 =	sld [smem:$0x3FB1];
	_ =	sdelay $0x3  }
0x36: {  	p1 =	seq.s32 s10, $0x1;
	s10 =	sld [smem:$0x3FB2];
	_ =	sdelay $0x3  }
0x37: {  	[smem:$0x3FB2] =	sst s10  }
0x38: {  	s10 =	sld [smem:$0x3FB3]  }
0x39: {  	_ = 	snop;
	(pc) =	sbr.ind lr, $3  }
0x3a: {  	_ = 	snop  }
0x3b: {  	_ = 	snop  }
0x3c: {  	p2 =	seq.s32 s10, $0x1;
	s10 =	sld [smem:$0x3FB2]  }
0x3d: {  	_ =	shalt  }
0x3e: {  	_ =	shalt  }
0x3f: {  	_ =	shalt  }
0x40: {  	_ =	shalt  }
0x41: {  	_ =	shalt  }
0x42: {  	_ =	shalt  }
0x43: {  	_ =	shalt  }
0x44: {  	_ =	shalt  }
0x45: {  	_ =	shalt  }
0x46: {  	_ =	shalt  }
0x47: {  	_ =	shalt  }
0x48: {  	_ =	shalt  }
0x49: {  	_ =	shalt  }
0x4a: {  	_ =	shalt  }
0x4b: {  	_ =	shalt  }
0x4c: {  	_ =	shalt  }
0x4d: {  	_ =	shalt  }
0x4e: {  	_ =	shalt  }
0x4f: {  	_ =	shalt  }
0x50: {  	_ =	shalt  }
0x51: {  	_ =	shalt  }
0x52: {  	_ =	shalt  }
0x53: {  	_ =	shalt  }
0x54: {  	_ =	shalt  }
0x55: {  	_ =	shalt  }
0x56: {  	_ =	shalt  }
0x57: {  	_ =	shalt  }
0x58: {  	_ =	shalt  }
0x59: {  	_ =	shalt  }
0x5a: {  	_ =	shalt  }
0x5b: {  	_ =	shalt  }
0x5c: {  	_ =	shalt  }
0x5d: {  	_ =	shalt  }
0x5e: {  	_ =	shalt  }
0x5f: {  	_ =	shalt  }
0x60: {  	_ =	shalt  }
0x61: {  	_ =	shalt  }
0x62: {  	_ =	shalt  }
0x63: {  	_ =	shalt  }
0x64: {  	_ =	shalt  }
0x65: {  	_ =	shalt  }
0x66: {  	_ =	shalt  }
0x67: {  	_ =	shalt  }
0x68: {  	_ =	shalt  }
0x69: {  	_ =	shalt  }
0x6a: {  	_ =	shalt  }
0x6b: {  	_ =	shalt  }
0x6c: {  	_ =	shalt  }
0x6d: {  	_ =	shalt  }
0x6e: {  	_ =	shalt  }
0x6f: {  	_ =	shalt  }
0x70: {  	_ =	shalt  }
0x71: {  	_ =	shalt  }
0x72: {  	_ =	shalt  }
0x73: {  	_ =	shalt  }
0x74: {  	_ =	shalt  }
0x75: {  	_ =	shalt  }
0x76: {  	_ =	shalt  }
0x77: {  	_ =	shalt  }
0x78: {  	_ =	shalt  }
0x79: {  	_ =	shalt  }
0x7a: {  	_ =	shalt  }
0x7b: {  	_ =	shalt  }
0x7c: {  	_ =	shalt  }
0x7d: {  	_ =	shalt  }
0x7e: {  	_ =	shalt  }
0x7f: {  	_ =	shalt  }
0x80: {  	_ =	shalt  }
0x81: {  	_ =	shalt  }
0x82: {  	_ =	shalt  }
0x83: {  	_ =	shalt  }
0x84: {  	_ =	shalt  }
0x85: {  	_ =	shalt  }
0x86: {  	_ =	shalt  }
0x87: {  	_ =	shalt  }
.Lfunc_end0:
.L_simem_size_0:
called_computation.2_lowered:
.L_overlay_start_0:
0x88: {  	s2 =	sld [smem:$0x3FD9]  }
0x89: {  	s3 =	sld [smem:$0x3FFE];
	_ =	sdelay $0x1  }
0x8a: {  	s1 =	srdreg.scid  }
0x8b: {  	s0 =	sand.u32 $0x1, s1  }
0x8c: {  	s16 =	sshll.u32 s0, $0xA;
	s2 =	sadd.s32 s3, s2  }
0x8d: {  	s2 =	sadd.s32 s2, s16  }
0x8e: {  	[smem:$0x3FBE] =	sst s2  }
0x8f: {  	_ = 	snop  }
0x90: {  	(tm) =	ssettm $0x1  }
0x91: {  	s17 =	sld [smem:$0x3FFB];
	_ =	sdelay $0x3  }
0x92: {  	_ =	strace s17  }
0x93: {  	s2 =	sld [smem:$0x3FFC];
	_ =	sdelay $0x3  }
0x94: {  	_ =	strace s2  }
0x95: {  	s2 =	sld [smem:$0x3FFD];
	_ =	sdelay $0x3  }
0x96: {  	_ =	strace s2  }
0x97: {  	_ =	strace $0x8FFFFFFF  }
0x98: {  	s18 =	sld [smem:$0x3FDB];
	_ =	sdelay $0x1  }
0x99: {  	s19 =	simm.s32 $_scs_section_size  }
0x9a: {  	s4 =	simm.s32 $_size__tile_overlayer_lowered;
	s5 =	simm.s32 $_tile_overlayer_lowered  }
0x9b: {  	s22 =	simm.s32 $0x1BFF;
	s21 =	sshll.u32 s5, $0x1;
	s2 =	sadd.s32 s19, s18  }
0x9c: {  	s6 =	simm.s32 $0x0;
	s20 =	sshll.u32 s4, $0x1;
	s4 =	sadd.s32 s21, s2  }
0x9d: {  	[timem:s6], [sflag:s22] =	dma.local [hbm:s4], s20  }
0x9e: {  	_ =	swait.ge [sflag:s22], s20  }
0x9f: {  	s3 =	ssub.s32 $0x0, s20;
	[sflag:s22] =	ssyncset.done $0x0  }
0xa0: {  	[sflag:s22] =	ssyncadd.s32 s3;
	_ =	sdelay $0x1  }
0xa1: {  	s23 =	simm.s32 $0x1B8B  }
0xa2: {  	_ =	swait.ge [sflag:s23], $0x1  }
0xa3: {  	[sflag:s23] =	ssyncset.done $0x0  }
0xa4: {  	s25 =	simm.s32 $0x1B8E;
	s24 =	sld [smem:$0x3FFE];
	[sflag:s23] =	ssyncadd.s32 $0xFFFFFFFF  }
0xa5: {  	s26 =	simm.s32 $execute0_lowered;
	[smem:$0x3FD2] =	sst s25  }
0xa6: {  	s4 =	sshll.u32 s26, $0x1;
	_ =	strace $0x8000004C;
	[dreg:$0x1] =	wrdreg $0xFFFFFFFF  }
0xa7: {  	s28 =	simm.s32 $_size_execute0_lowered;
	s2 =	sadd.s32 s2, s4;
	[dreg:$0x0] =	wrdreg $0x0  }
0xa8: {  	s4 =	sshll.u32 s28, $0x1;
	[dreg:$0x2] =	wrdreg s2  }
0xa9: {  	[dreg:$0x3] =	wrdreg s4  }
0xaa: {  	[dreg:$0x4] =	wrdreg $0xC0  }
0xab: {  	_ =	task [dreg:s6], $0x5FFFF  }
0xac: {  	[dreg:$0x1] =	wrdreg $0xFFFFFFFF  }
0xad: {  	[dreg:$0x0] =	wrdreg $0x60  }
0xae: {  	[dreg:$0x2] =	wrdreg s24  }
0xaf: {  	[dreg:$0x3] =	wrdreg $0x9  }
0xb0: {  	_ =	task.clear_ibuf [dreg:s6], $0x4FFFF;
	_ =	strace $0x9000004C  }
0xb1: {  	s29 =	simm.s32 $0x9;
	_ =	strace $0x8000004E  }
0xb2: {  	_ =	swait.ge [sflag:s29], $0x1  }
0xb3: {  	[sflag:s29] =	ssyncadd.s32 $0xFFFFFFFF  }
0xb4: {  	_ =	strace $0x9000004E  }
0xb5: {  	_ =	sfence  }
0xb6: {  	s30 =	sld [smem:$0x0];
	_ =	sdelay $0x2  }
0xb7: {  	s31 =	sshll.u32 s1, $0xD;
	s1 =	sshrl.u32 s1, $0x2  }
0xb8: {  	s3 =	sand.u32 $0x4000, s31;
	s1 =	sadd.s32 s1, s30  }
0xb9: {  	s0 =	sor.u32 s3, s0;
	s1 =	sshll.u32 s1, $0x11  }
0xba: {  	s0 =	sor.u32 s1, s0  }
0xbb: {  	s0 =	sadd.s32 $0x8F2B, s0  }
0xbc: {  	[sflag:s0] =	ssyncadd.remote.s32 $0x1  }
0xbd: {  	_ =	sfence.sel $0xFFFF  }
0xbe: {  	[dreg:$0x0] =	wrdreg $0xFFFFFFFF;
	(pc) =	sbr.abs _section_cstart, $3  }
0xbf: {  	[dreg:$0x1] =	wrdreg $0xFFFFFFFF  }
0xc0: {  	_ =	task.clear_ibuf [dreg:s6], $0x2FFFF;
	_ =	strace $0x9FFFFFFF  }
0xc1: {  	(tm) =	ssettm $0x7FFFFFFF  }
tec
execute0_lowered:
.L_overlay_start_1:
0x0: {  	(tag) =	ssettag $0x1  }
0x1: {  	s1 =	srdreg.scid  }
0x2: {  	s0 =	stileid.u32;
	s5 =	rddreg [dreg:$0x0];
	s8 =	simm.s32 $0x200  }
0x3: {  	s9 =	simm.s32 $0x400;
	s10 =	simm.s32 $0xC000;
	s4 =	sand.u32 $0x1, s1  }
0x4: {  	s11 =	simm.s32 $0x1;
	s2 =	sshll.u32 s0, $0x2;
	s1 =	sshll.u32 s4, $0x6  }
0x5: {  	s12 =	simm.s32 $0x2;
	s13 =	simm.s32 $0x1000;
	s2 =	sor.u32 s2, s1  }
0x6: {  	s14 =	simm.s32 $0x2000;
	s6 =	sshll.u32 s0, $0x9;
	s3 =	sshrl.u32 s2, $0x3  }
0x7: {  	s15 =	simm.s32 $0x0;
	s6 =	sand.u32 $0x200, s6;
	s3 =	smul.u32 $0x14000, s3  }
0x8: {  	s7 =	ssub.s32 $0x2, s4;
	s4 =	sadd.s32 $0x5800, s5;
	s1 =	rddreg [dreg:$0x1]  }
0x9: {  	s31 =	sshrl.u32 s7, $0x1;
	s2 =	simm.s32 $0x0;
	s6 =	sor.u32 s6, s3  }
0xa: {  	s7 =	ssub.s32 s7, s31;
	[smem:$0x7FF] =	sst s2;
	s6 =	sshrl.u32 s6, $0x3  }
0xb: {  	s7 =	smax.u32 s7, $0x1;
	_ =	strace $0x8000004D;
	s6 =	sadd.s32 s6, s5  }
0xc: {  	v0 =	vimm.f32 $0.0e+00;
	s3 =	sadd.s32 $0xF600, s5;
	s5 =	sadd.s32 $0x41400, s6;
	s6 =	sadd.s32 $0x69400, s6  }
.LBB2_1:
0xd: {  	[tilespmem:s10], [sflag:$0x1] =	stream.strided.gather [hbm4b:s5+s8], $0xA000, s9, s8, $0x38;
	[tilespmem:$0x16000] =	vst v63  }
0xe: {  	_ =	swait.ge [sflag:s11], $0xA000  }
0xf: {  	s16 =	sand.u32 $0x70, s2;
	s17 =	sand.u32 $0xFE00, s2;
	[sflag:s11] =	ssyncset.done $0x0  }
0x10: {  	s16 =	sor.u32 s16, s17;
	[sflag:s11] =	ssyncadd.s32 $0xFFFF6000  }
0x11: {  	v4 =	vld [tilespmem:s16+$0xC000]  }
0x12: {  	[tilespmem:s16+$0xC000] =	vst v0;
	v3 =	vld [tilespmem:s16+$0xC080]  }
0x13: {  	[tilespmem:s16+$0xC080] =	vst v0;
	v2 =	vld [tilespmem:s16+$0xC100]  }
0x14: {  	[tilespmem:s16+$0xC100] =	vst v0;
	v1 =	vld [tilespmem:s16+$0xC180]  }
0x15: {  	s19 =	simm.s32 $0x20;
	s18 =	simm.s32 $0x0;
	s17 =	simm.s32 $0x10;
	[tilespmem:s16+$0xC180] =	vst v0  }
.LBB2_2:
0x16: {  	p0 =	seq.s32 s19, $0x27F0;
	[tilespmem:s16+$0x2000] =	vst v4;
	s18 =	sadd.s32 $0x40, s18  }
0x17: {  	s20 =	sand.u32 $0x70, s17;
	s17 =	smov.u32 s19;
	s21 =	sand.u32 $0xFE00, s18;
	[tilespmem:s16+$0x2080] =	vst v3  }
0x18: {  	s20 =	sor.u32 s20, s21;
	[tilespmem:s16+$0x2100] =	vst v2  }
.Ltmp0:
0x19: {  	v4 =	vld [tilespmem:s20+$0xC000];
	[tilespmem:s20+$0xC000] =	vst v0;
	v5 =	vmov v1;
	(pc) =	sbr.rel @!p0 .LBB2_2-.Ltmp0, $4  }
0x1a: {  	v3 =	vld [tilespmem:s20+$0xC080];
	[tilespmem:s20+$0xC080] =	vst v0  }
0x1b: {  	v2 =	vld [tilespmem:s20+$0xC100];
	[tilespmem:s20+$0xC100] =	vst v0  }
0x1c: {  	v1 =	vld [tilespmem:s20+$0xC180];
	[tilespmem:s20+$0xC180] =	vst v0  }
0x1d: {  	s19 =	sadd.s32 $0x10, s19;
	[tilespmem:s16+$0x2180] =	vst v5;
	s16 =	smov.u32 s20  }
0x1e: {  	[tilespmem:s16+$0x2000] =	vst v4;
	s18 =	sadd.s32 $0x40, s18  }
0x1f: {  	s17 =	sand.u32 $0x70, s17;
	s18 =	sand.u32 $0xFE00, s18;
	[tilespmem:s16+$0x2080] =	vst v3  }
0x20: {  	s17 =	sor.u32 s17, s18;
	[tilespmem:s16+$0x2100] =	vst v2  }
0x21: {  	v2 =	vld [tilespmem:s17+$0xC000];
	[tilespmem:s17+$0xC000] =	vst v0  }
0x22: {  	v3 =	vld [tilespmem:s17+$0xC080];
	[tilespmem:s17+$0xC080] =	vst v0  }
0x23: {  	v4 =	vld [tilespmem:s17+$0xC100];
	[tilespmem:s17+$0xC100] =	vst v0  }
0x24: {  	v5 =	vld [tilespmem:s17+$0xC180];
	[tilespmem:s17+$0xC180] =	vst v0  }
0x25: {  	[tilespmem:s16+$0x2180] =	vst v1  }
0x26: {  	[tilespmem:s17+$0x2000] =	vst v2  }
0x27: {  	[tilespmem:s17+$0x2080] =	vst v3  }
0x28: {  	[tilespmem:s17+$0x2100] =	vst v4  }
0x29: {  	s16 =	simm.s32 $0x0;
	[tilespmem:s17+$0x2180] =	vst v5  }
.LBB2_4:
0x2a: {  	s17 =	sshll.u32 s16, $0x9  }
0x2b: {  	s18 =	sadd.s32 s3, s17  }
0x2c: {  	[tilespmem:s2], [sflag:$0x2] =	stream.linear.gather [hbm4b:s18+s2], $0x1000, $0x38;
	[tilespmem:$0x16000] =	vst v63  }
0x2d: {  	_ =	swait.ge [sflag:s12], $0x1000  }
0x2e: {  	[sflag:s12] =	ssyncset.done $0x0  }
0x2f: {  	s17 =	sadd.s32 s4, s17;
	[sflag:s12] =	ssyncadd.s32 $0xFFFFF000  }
0x30: {  	[tilespmem:s13], [sflag:$0x2] =	stream.linear.gather [hbm4b:s17+s2], $0x1000, $0x38;
	[tilespmem:$0x16000] =	vst v63  }
0x31: {  	_ =	swait.ge [sflag:s12], $0x1000  }
0x32: {  	[sflag:s12] =	ssyncset.done $0x0  }
0x33: {  	s18 =	simm.s32 $0x40;
	[sflag:s12] =	ssyncadd.s32 $0xFFFFF000  }
0x34: {  	s17 =	simm.s32 $0x1040;
	v1 =	vld [tilespmem:s18+$0x30]  }
0x35: {  	v2 =	vld [tilespmem:s17+$0xFFFFFFC0]  }
0x36: {  	v3 =	vld [tilespmem:s18+$0xFFFFFFC0]  }
0x37: {  	v4 =	vld [tilespmem:s18+$0x20]  }
0x38: {  	v12 =	vld [tilespmem:s18+$0xFFFFFFE0]  }
0x39: {  	v5 =	vld [tilespmem:s18+$0xFFFFFFD0]  }
0x3a: {  	v7 =	vld [tilespmem:s18+$0x0];
	v10 =	vand.u32 $0x7F, v2;
	v2 =	vshll.u32 v2, $0x2;
	v9 =	vshll.u32 v1, $0x2  }
0x3b: {  	v6 =	vld [tilespmem:s18+$0xFFFFFFF0];
	v11 =	vand.u32 $0x7F, v3;
	v1 =	vand.u32 $0x7F, v1;
	v14 =	vshll.u32 v3, $0x2  }
0x3c: {  	v15 =	vshll.u32 v4, $0x2;
	v4 =	vand.u32 $0x7F, v4;
	v9 =	vand.u32 $0xFFFFFE00, v9  }
0x3d: {  	v8 =	vld [tilespmem:s17+$0x30];
	v16 =	vshll.u32 v12, $0x2;
	v12 =	vand.u32 $0x7F, v12;
	v3 =	vor.u32 v1, v9  }
0x3e: {  	v13 =	vld [tilespmem:s18+$0x10];
	v1 =	vand.u32 $0xFFFFFE00, v14;
	v9 =	vand.u32 $0xFFFFFE00, v15;
	v14 =	vand.u32 $0xFFFFFE00, v2  }
0x3f: {  	v17 =	vld [tilespmem:s17+$0xFFFFFFD0];
	v2 =	vor.u32 v11, v1;
	v11 =	vor.u32 v4, v9;
	v1 =	vshll.u32 v7, $0x2  }
0x40: {  	v18 =	vld [tilespmem:s17+$0x0];
	v4 =	vshll.u32 v6, $0x2;
	v9 =	vshll.u32 v5, $0x2;
	v5 =	vand.u32 $0x7F, v5  }
0x41: {  	v19 =	vld [tilespmem:s17+$0x20];
	v6 =	vand.u32 $0x7F, v6;
	v7 =	vand.u32 $0x7F, v7;
	v9 =	vand.u32 $0xFFFFFE00, v9  }
0x42: {  	v21 =	vld [tilespmem:s17+$0xFFFFFFF0];
	v4 =	vand.u32 $0xFFFFFE00, v4;
	v1 =	vand.u32 $0xFFFFFE00, v1;
	v5 =	vor.u32 v5, v9  }
0x43: {  	v15 =	vld [tilespmem:s17+$0xFFFFFFE0];
	v9 =	vor.u32 v6, v4;
	v4 =	vand.u32 $0xFFFFFE00, v16;
	v6 =	vor.u32 v7, v1  }
0x44: {  	v7 =	vshll.u32 v13, $0x2;
	v4 =	vor.u32 v12, v4;
	v12 =	vand.u32 $0x7F, v13;
	v13 =	vld [tilespmem:s17+$0x10]  }
0x45: {  	v20 =	vld.idx.msk [tilespmem:v3+s14+$0x0], $0xffff  }
0x46: {  	v7 =	vand.u32 $0xFFFFFE00, v7;
	v22 =	vld.idx.msk [tilespmem:v11+s14+$0x0], $0xffff  }
0x47: {  	v1 =	vor.u32 v10, v14;
	v14 =	vshll.u32 v19, $0x2;
	v7 =	vor.u32 v12, v7;
	v10 =	vld.idx.msk [tilespmem:v2+s14+$0x0], $0xffff  }
0x48: {  	v14 =	vand.u32 $0xFFFFFE00, v14;
	v12 =	vand.u32 $0x7F, v19;
	v23 =	vld.idx.msk [tilespmem:v5+s14+$0x0], $0xffff  }
0x49: {  	v24 =	vshll.u32 v21, $0x2;
	v25 =	vshll.u32 v8, $0x2;
	v16 =	vor.u32 v12, v14;
	v19 =	vld.idx.msk [tilespmem:v9+s14+$0x0], $0xffff  }
0x4a: {  	v12 =	vand.u32 $0x7F, v21;
	v14 =	vand.u32 $0xFFFFFE00, v24;
	v24 =	vor.u32 $0x80, v11;
	v21 =	vld.idx.msk [tilespmem:v6+s14+$0x0], $0xffff  }
0x4b: {  	v8 =	vand.u32 $0x7F, v8;
	v14 =	vor.u32 v12, v14;
	v12 =	vand.u32 $0xFFFFFE00, v25;
	v26 =	vld.idx.msk [tilespmem:v4+s14+$0x0], $0xffff  }
0x4c: {  	v8 =	vor.u32 v8, v12;
	v27 =	vld.idx.msk [tilespmem:v7+s14+$0x0], $0xffff  }
0x4d: {  	v28 =	vor.u32 $0x80, v3;
	v25 =	vor.u32 $0x80, v9;
	v12 =	vshll.u32 v13, $0x2;
	[tilespmem:v1+s10+$0x0] =	vst.idx.add.f32.msk $0xffff, v10  }
0x4e: {  	v29 =	vor.u32 $0x80, v16;
	v13 =	vand.u32 $0x7F, v13;
	v12 =	vand.u32 $0xFFFFFE00, v12;
	[tilespmem:v16+s10+$0x0] =	vst.idx.add.f32.msk $0xffff, v22  }
0x4f: {  	v10 =	vshll.u32 v15, $0x2;
	v15 =	vand.u32 $0x7F, v15;
	v13 =	vor.u32 v13, v12;
	v24 =	vld.idx.msk [tilespmem:v24+s14+$0x0], $0xffff  }
0x50: {  	v12 =	vshll.u32 v17, $0x2;
	v17 =	vand.u32 $0x7F, v17;
	v10 =	vand.u32 $0xFFFFFE00, v10;
	[tilespmem:v14+s10+$0x0] =	vst.idx.add.f32.msk $0xffff, v19  }
0x51: {  	v12 =	vand.u32 $0xFFFFFE00, v12;
	v10 =	vor.u32 v15, v10;
	v15 =	vshll.u32 v18, $0x2;
	[tilespmem:v8+s10+$0x0] =	vst.idx.add.f32.msk $0xffff, v20  }
0x52: {  	v25 =	vld.idx.msk [tilespmem:v25+s14+$0x0], $0xffff;
	v20 =	vand.u32 $0xFFFFFE00, v15;
	v15 =	vor.u32 v17, v12  }
0x53: {  	v18 =	vand.u32 $0x7F, v18;
	v28 =	vld.idx.msk [tilespmem:v28+s14+$0x0], $0xffff;
	v17 =	vor.u32 $0x80, v7  }
0x54: {  	v12 =	vor.u32 v18, v20;
	v18 =	vor.u32 $0x80, v5;
	[tilespmem:v13+s10+$0x0] =	vst.idx.add.f32.msk $0xffff, v27  }
0x55: {  	v19 =	vor.u32 $0x80, v4;
	[tilespmem:v29+s10+$0x0] =	vst.idx.add.f32.msk $0xffff, v24  }
0x56: {  	[tilespmem:v10+s10+$0x0] =	vst.idx.add.f32.msk $0xffff, v26  }
0x57: {  	[tilespmem:v15+s10+$0x0] =	vst.idx.add.f32.msk $0xffff, v23  }
0x58: {  	v24 =	vor.u32 $0x80, v14;
	v27 =	vld.idx.msk [tilespmem:v17+s14+$0x0], $0xffff  }
0x59: {  	v17 =	vld.idx.msk [tilespmem:v18+s14+$0x0], $0xffff;
	v18 =	vor.u32 $0x100, v11  }
0x5a: {  	v22 =	vld.idx.msk [tilespmem:v19+s14+$0x0], $0xffff;
	v19 =	vor.u32 $0x80, v8  }
0x5b: {  	v63 =	vor.u32 $0x80, v13  }
0x5c: {  	v20 =	vor.u32 $0x100, v3;
	[tilespmem:v12+s10+$0x0] =	vst.idx.add.f32.msk $0xffff, v21  }
0x5d: {  	v21 =	vor.u32 $0x80, v6;
	[tilespmem:v24+s10+$0x0] =	vst.idx.add.f32.msk $0xffff, v25  }
0x5e: {  	v24 =	vld.idx.msk [tilespmem:v18+s14+$0x0], $0xffff;
	v18 =	vor.u32 $0x80, v15  }
0x5f: {  	[tilespmem:v19+s10+$0x0] =	vst.idx.add.f32.msk $0xffff, v28  }
0x60: {  	[tilespmem:v63+s10+$0x0] =	vst.idx.add.f32.msk $0xffff, v27  }
0x61: {  	v23 =	vld.idx.msk [tilespmem:v20+s14+$0x0], $0xffff  }
0x62: {  	s19 =	simm.s32 $0x0;
	v25 =	vor.u32 $0x80, v12;
	v26 =	vld.idx.msk [tilespmem:v21+s14+$0x0], $0xffff  }
.LBB2_5:
0x63: {  	s19 =	sadd.s32 $0x8, s19;
	[tilespmem:v18+s10+$0x0] =	vst.idx.add.f32.msk $0xffff, v17;
	s18 =	sadd.s32 $0x80, s18;
	s17 =	sadd.s32 $0x80, s17  }
0x64: {  	v17 =	vld [tilespmem:s17+$0x30];
	p0 =	slt.u32 s19, $0xF8  }
0x65: {  	v18 =	vld [tilespmem:s18+$0xFFFFFFD0]  }
0x66: {  	v20 =	vld [tilespmem:s18+$0xFFFFFFE0]  }
0x67: {  	v27 =	vor.u32 $0x100, v5;
	v21 =	vld [tilespmem:s18+$0xFFFFFFF0]  }
0x68: {  	v19 =	vld [tilespmem:s18+$0x0]  }
0x69: {  	v28 =	vld [tilespmem:s18+$0x10]  }
0x6a: {  	v29 =	vld [tilespmem:s18+$0x20]  }
0x6b: {  	[tilespmem:v25+s10+$0x0] =	vst.idx.add.f32.msk $0xffff, v26;
	v25 =	vor.u32 $0x100, v8  }
0x6c: {  	v26 =	vld.idx.msk [tilespmem:v27+s14+$0x0], $0xffff;
	v27 =	vor.u32 $0x100, v16  }
0x6d: {  	v31 =	vor.u32 $0x100, v9;
	v30 =	vld [tilespmem:s18+$0x30]  }
0x6e: {  	v33 =	vor.u32 $0x80, v2;
	v32 =	vld [tilespmem:s18+$0xFFFFFFC0]  }
0x6f: {  	v11 =	vor.u32 $0x180, v11;
	v34 =	vld [tilespmem:s17+$0xFFFFFFC0]  }
0x70: {  	v35 =	vor.u32 $0x80, v10;
	[tilespmem:v25+s10+$0x0] =	vst.idx.add.f32.msk $0xffff, v23  }
0x71: {  	v23 =	vor.u32 $0x100, v7;
	[tilespmem:v27+s10+$0x0] =	vst.idx.add.f32.msk $0xffff, v24  }
0x72: {  	v24 =	vor.u32 $0x100, v4;
	v25 =	vld.idx.msk [tilespmem:v31+s14+$0x0], $0xffff  }
0x73: {  	v31 =	vor.u32 $0x100, v6;
	v27 =	vld.idx.msk [tilespmem:v33+s14+$0x0], $0xffff  }
0x74: {  	v33 =	vor.u32 $0x100, v15;
	v11 =	vld.idx.msk [tilespmem:v11+s14+$0x0], $0xffff  }
0x75: {  	v16 =	vor.u32 $0x180, v16;
	[tilespmem:v35+s10+$0x0] =	vst.idx.add.f32.msk $0xffff, v22  }
0x76: {  	v22 =	vor.u32 $0x80, v1;
	v23 =	vld.idx.msk [tilespmem:v23+s14+$0x0], $0xffff  }
0x77: {  	v35 =	vor.u32 $0x100, v14;
	v24 =	vld.idx.msk [tilespmem:v24+s14+$0x0], $0xffff  }
0x78: {  	v9 =	vor.u32 $0x180, v9;
	v31 =	vld.idx.msk [tilespmem:v31+s14+$0x0], $0xffff  }
0x79: {  	[tilespmem:v33+s10+$0x0] =	vst.idx.add.f32.msk $0xffff, v26;
	v26 =	vor.u32 $0x100, v12  }
0x7a: {  	v3 =	vor.u32 $0x180, v3;
	[tilespmem:v16+s10+$0x0] =	vst.idx.add.f32.msk $0xffff, v11  }
0x7b: {  	v11 =	vor.u32 $0x100, v13;
	[tilespmem:v22+s10+$0x0] =	vst.idx.add.f32.msk $0xffff, v27  }
0x7c: {  	v16 =	vor.u32 $0x100, v2;
	[tilespmem:v35+s10+$0x0] =	vst.idx.add.f32.msk $0xffff, v25  }
0x7d: {  	v5 =	vor.u32 $0x180, v5;
	v9 =	vld.idx.msk [tilespmem:v9+s14+$0x0], $0xffff  }
0x7e: {  	v7 =	vor.u32 $0x180, v7;
	[tilespmem:v26+s10+$0x0] =	vst.idx.add.f32.msk $0xffff, v31  }
0x7f: {  	v14 =	vor.u32 $0x180, v14;
	v3 =	vld.idx.msk [tilespmem:v3+s14+$0x0], $0xffff  }
0x80: {  	v6 =	vor.u32 $0x180, v6;
	[tilespmem:v11+s10+$0x0] =	vst.idx.add.f32.msk $0xffff, v23  }
0x81: {  	v11 =	vld.idx.msk [tilespmem:v16+s14+$0x0], $0xffff;
	v16 =	vor.u32 $0x100, v10  }
0x82: {  	v22 =	vor.u32 $0x100, v1;
	v5 =	vld.idx.msk [tilespmem:v5+s14+$0x0], $0xffff  }
0x83: {  	v4 =	vor.u32 $0x180, v4;
	v2 =	vor.u32 $0x180, v2;
	v7 =	vld.idx.msk [tilespmem:v7+s14+$0x0], $0xffff  }
0x84: {  	[tilespmem:v14+s10+$0x0] =	vst.idx.add.f32.msk $0xffff, v9  }
0x85: {  	v9 =	vor.u32 $0x180, v15;
	v6 =	vld.idx.msk [tilespmem:v6+s14+$0x0], $0xffff  }
0x86: {  	v13 =	vor.u32 $0x180, v13;
	[tilespmem:v16+s10+$0x0] =	vst.idx.add.f32.msk $0xffff, v24  }
0x87: {  	v8 =	vor.u32 $0x180, v8;
	[tilespmem:v22+s10+$0x0] =	vst.idx.add.f32.msk $0xffff, v11  }
0x88: {  	v12 =	vor.u32 $0x180, v12;
	v14 =	vor.u32 $0x180, v1;
	v11 =	vld.idx.msk [tilespmem:v2+s14+$0x0], $0xffff  }
0x89: {  	v10 =	vor.u32 $0x180, v10;
	v1 =	vand.u32 $0x7F, v34;
	v2 =	vshll.u32 v34, $0x2;
	v4 =	vld.idx.msk [tilespmem:v4+s14+$0x0], $0xffff  }
0x8a: {  	v15 =	vand.u32 $0x7F, v32;
	v16 =	vshll.u32 v32, $0x2;
	v2 =	vand.u32 $0xFFFFFE00, v2;
	[tilespmem:v9+s10+$0x0] =	vst.idx.add.f32.msk $0xffff, v5  }
0x8b: {  	v5 =	vand.u32 $0xFFFFFE00, v16;
	v1 =	vor.u32 v1, v2;
	v9 =	vshll.u32 v30, $0x2;
	[tilespmem:v13+s10+$0x0] =	vst.idx.add.f32.msk $0xffff, v7  }
0x8c: {  	v16 =	vand.u32 $0x7F, v30;
	v7 =	vand.u32 $0x7F, v29;
	v13 =	vshll.u32 v29, $0x2;
	[tilespmem:v8+s10+$0x0] =	vst.idx.add.f32.msk $0xffff, v3  }
0x8d: {  	v2 =	vor.u32 v15, v5;
	v3 =	vshll.u32 v28, $0x2;
	v5 =	vand.u32 $0xFFFFFE00, v13;
	[tilespmem:v12+s10+$0x0] =	vst.idx.add.f32.msk $0xffff, v6  }
0x8e: {  	v6 =	vshll.u32 v19, $0x2;
	v8 =	vand.u32 $0xFFFFFE00, v3;
	v3 =	vand.u32 $0xFFFFFE00, v9;
	[tilespmem:v14+s10+$0x0] =	vst.idx.add.f32.msk $0xffff, v11  }
0x8f: {  	v9 =	vshll.u32 v21, $0x2;
	v12 =	vand.u32 $0x7F, v28;
	v3 =	vor.u32 v16, v3;
	[tilespmem:v10+s10+$0x0] =	vst.idx.add.f32.msk $0xffff, v4  }
0x90: {  	v13 =	vand.u32 $0x7F, v21;
	v9 =	vand.u32 $0xFFFFFE00, v9;
	v4 =	vshll.u32 v20, $0x2;
	v10 =	vld [tilespmem:s17+$0xFFFFFFE0]  }
0x91: {  	v14 =	vshll.u32 v18, $0x2;
	v11 =	vor.u32 v7, v5;
	v4 =	vand.u32 $0xFFFFFE00, v4;
	v15 =	vld [tilespmem:s17+$0xFFFFFFD0]  }
0x92: {  	v7 =	vor.u32 v12, v8;
	v5 =	vand.u32 $0xFFFFFE00, v14;
	v14 =	vand.u32 $0x7F, v20;
	v20 =	vld [tilespmem:s17+$0x0]  }
0x93: {  	v8 =	vand.u32 $0x7F, v18;
	v4 =	vor.u32 v14, v4;
	v14 =	vand.u32 $0x7F, v17;
	v12 =	vld [tilespmem:s17+$0x20]  }
0x94: {  	v6 =	vand.u32 $0xFFFFFE00, v6;
	v5 =	vor.u32 v8, v5;
	v8 =	vand.u32 $0x7F, v19;
	v18 =	vld.idx.msk [tilespmem:v3+s14+$0x0], $0xffff  }
0x95: {  	v9 =	vor.u32 v13, v9;
	v6 =	vor.u32 v8, v6;
	v16 =	vshll.u32 v10, $0x2;
	v19 =	vld [tilespmem:s17+$0xFFFFFFF0]  }
0x96: {  	v8 =	vshll.u32 v17, $0x2;
	v21 =	vshll.u32 v15, $0x2;
	v13 =	vand.u32 $0xFFFFFE00, v16;
	v22 =	vld.idx.msk [tilespmem:v11+s14+$0x0], $0xffff  }
0x97: {  	v8 =	vand.u32 $0xFFFFFE00, v8;
	v17 =	vld.idx.msk [tilespmem:v2+s14+$0x0], $0xffff;
	v16 =	vshll.u32 v20, $0x2  }
0x98: {  	v8 =	vor.u32 v14, v8;
	v23 =	vand.u32 $0xFFFFFE00, v16;
	v24 =	vld [tilespmem:s17+$0x10];
	v16 =	vshll.u32 v12, $0x2  }
0x99: {  	v12 =	vand.u32 $0x7F, v12;
	v25 =	vld.idx.msk [tilespmem:v5+s14+$0x0], $0xffff;
	v14 =	vand.u32 $0xFFFFFE00, v16  }
0x9a: {  	v26 =	vld.idx.msk [tilespmem:v9+s14+$0x0], $0xffff;
	v27 =	vshll.u32 v19, $0x2;
	v16 =	vor.u32 v12, v14  }
0x9b: {  	v12 =	vand.u32 $0x7F, v19;
	v14 =	vand.u32 $0xFFFFFE00, v27;
	v19 =	vld.idx.msk [tilespmem:v6+s14+$0x0], $0xffff;
	v27 =	vor.u32 $0x80, v11  }
0x9c: {  	v28 =	vld.idx.msk [tilespmem:v4+s14+$0x0], $0xffff;
	v14 =	vor.u32 v12, v14  }
0x9d: {  	v29 =	vor.u32 $0x80, v9;
	[tilespmem:v1+s10+$0x0] =	vst.idx.add.f32.msk $0xffff, v17;
	v17 =	vor.u32 $0x80, v4;
	v30 =	vand.u32 $0x7F, v24  }
0x9e: {  	v31 =	vor.u32 $0x80, v3;
	v12 =	vand.u32 $0x7F, v20;
	v24 =	vshll.u32 v24, $0x2;
	v20 =	vld.idx.msk [tilespmem:v7+s14+$0x0], $0xffff  }
0x9f: {  	v10 =	vand.u32 $0x7F, v10;
	v12 =	vor.u32 v12, v23;
	v23 =	vand.u32 $0xFFFFFE00, v24;
	[tilespmem:v16+s10+$0x0] =	vst.idx.add.f32.msk $0xffff, v22  }
0xa0: {  	v10 =	vor.u32 v10, v13;
	v13 =	vor.u32 v30, v23;
	v23 =	vld.idx.msk [tilespmem:v27+s14+$0x0], $0xffff  }
0xa1: {  	v24 =	vor.u32 $0x80, v16;
	[tilespmem:v14+s10+$0x0] =	vst.idx.add.f32.msk $0xffff, v26  }
0xa2: {  	v26 =	vld.idx.msk [tilespmem:v29+s14+$0x0], $0xffff  }
0xa3: {  	v15 =	vand.u32 $0x7F, v15;
	v21 =	vand.u32 $0xFFFFFE00, v21;
	v27 =	vor.u32 $0x80, v6;
	[tilespmem:v8+s10+$0x0] =	vst.idx.add.f32.msk $0xffff, v18  }
0xa4: {  	v15 =	vor.u32 v15, v21;
	v18 =	vld.idx.msk [tilespmem:v31+s14+$0x0], $0xffff  }
0xa5: {  	[tilespmem:v13+s10+$0x0] =	vst.idx.add.f32.msk $0xffff, v20  }
0xa6: {  	v20 =	vor.u32 $0x80, v7;
	[tilespmem:v10+s10+$0x0] =	vst.idx.add.f32.msk $0xffff, v28  }
0xa7: {  	v21 =	vor.u32 $0x80, v5;
	v22 =	vld.idx.msk [tilespmem:v17+s14+$0x0], $0xffff  }
0xa8: {  	[tilespmem:v24+s10+$0x0] =	vst.idx.add.f32.msk $0xffff, v23;
	v23 =	vor.u32 $0x80, v8  }
0xa9: {  	v24 =	vor.u32 $0x100, v3;
	[tilespmem:v15+s10+$0x0] =	vst.idx.add.f32.msk $0xffff, v25  }
0xaa: {  	v28 =	vor.u32 $0x80, v14;
	[tilespmem:v12+s10+$0x0] =	vst.idx.add.f32.msk $0xffff, v19  }
0xab: {  	v25 =	vor.u32 $0x80, v12;
	v19 =	vld.idx.msk [tilespmem:v20+s14+$0x0], $0xffff  }
0xac: {  	v20 =	vor.u32 $0x100, v11;
	v17 =	vld.idx.msk [tilespmem:v21+s14+$0x0], $0xffff  }
0xad: {  	v21 =	vor.u32 $0x80, v13;
	[tilespmem:v23+s10+$0x0] =	vst.idx.add.f32.msk $0xffff, v18  }
.Ltmp1:
0xae: {  	v18 =	vor.u32 $0x80, v15;
	v23 =	vld.idx.msk [tilespmem:v24+s14+$0x0], $0xffff;
	(pc) =	sbr.rel @p0 .LBB2_5-.Ltmp1, $4  }
0xaf: {  	[tilespmem:v28+s10+$0x0] =	vst.idx.add.f32.msk $0xffff, v26  }
0xb0: {  	v26 =	vld.idx.msk [tilespmem:v27+s14+$0x0], $0xffff  }
0xb1: {  	v24 =	vld.idx.msk [tilespmem:v20+s14+$0x0], $0xffff  }
0xb2: {  	[tilespmem:v21+s10+$0x0] =	vst.idx.add.f32.msk $0xffff, v19  }
0xb3: {  	_ = 	snop  }
0xb4: {  	v19 =	vor.u32 $0x100, v5  }
0xb5: {  	v20 =	vor.u32 $0x100, v8  }
0xb6: {  	v21 =	vor.u32 $0x100, v16  }
0xb7: {  	[tilespmem:v18+s10+$0x0] =	vst.idx.add.f32.msk $0xffff, v17;
	v37 =	vor.u32 $0x100, v9  }
0xb8: {  	v38 =	vor.u32 $0x80, v2;
	[tilespmem:v25+s10+$0x0] =	vst.idx.add.f32.msk $0xffff, v26  }
0xb9: {  	v39 =	vor.u32 $0x80, v10;
	v19 =	vld.idx.msk [tilespmem:v19+s14+$0x0], $0xffff  }
0xba: {  	v40 =	vor.u32 $0x100, v7;
	[tilespmem:v20+s10+$0x0] =	vst.idx.add.f32.msk $0xffff, v23  }
0xbb: {  	v42 =	vor.u32 $0x100, v6;
	[tilespmem:v21+s10+$0x0] =	vst.idx.add.f32.msk $0xffff, v24  }
0xbc: {  	v11 =	vor.u32 $0x180, v11;
	v17 =	vld.idx.msk [tilespmem:v37+s14+$0x0], $0xffff  }
0xbd: {  	v41 =	vor.u32 $0x100, v4;
	v18 =	vld.idx.msk [tilespmem:v38+s14+$0x0], $0xffff  }
0xbe: {  	v3 =	vor.u32 $0x180, v3;
	[tilespmem:v39+s10+$0x0] =	vst.idx.add.f32.msk $0xffff, v22  }
0xbf: {  	v43 =	vor.u32 $0x100, v15;
	v20 =	vld.idx.msk [tilespmem:v40+s14+$0x0], $0xffff  }
0xc0: {  	v45 =	vor.u32 $0x80, v1;
	v23 =	vld.idx.msk [tilespmem:v42+s14+$0x0], $0xffff  }
0xc1: {  	v46 =	vor.u32 $0x100, v14;
	v11 =	vld.idx.msk [tilespmem:v11+s14+$0x0], $0xffff  }
0xc2: {  	v48 =	vor.u32 $0x100, v12;
	v21 =	vld.idx.msk [tilespmem:v41+s14+$0x0], $0xffff  }
0xc3: {  	v49 =	vor.u32 $0x100, v13;
	v3 =	vld.idx.msk [tilespmem:v3+s14+$0x0], $0xffff  }
0xc4: {  	v44 =	vor.u32 $0x180, v16;
	[tilespmem:v43+s10+$0x0] =	vst.idx.add.f32.msk $0xffff, v19  }
0xc5: {  	v47 =	vor.u32 $0x180, v9;
	[tilespmem:v45+s10+$0x0] =	vst.idx.add.f32.msk $0xffff, v18  }
0xc6: {  	v50 =	vor.u32 $0x100, v2;
	[tilespmem:v46+s10+$0x0] =	vst.idx.add.f32.msk $0xffff, v17  }
0xc7: {  	v51 =	vor.u32 $0x180, v5;
	[tilespmem:v48+s10+$0x0] =	vst.idx.add.f32.msk $0xffff, v23  }
0xc8: {  	v52 =	vor.u32 $0x180, v7;
	[tilespmem:v49+s10+$0x0] =	vst.idx.add.f32.msk $0xffff, v20  }
0xc9: {  	v54 =	vor.u32 $0x180, v6;
	[tilespmem:v44+s10+$0x0] =	vst.idx.add.f32.msk $0xffff, v11  }
0xca: {  	v56 =	vor.u32 $0x100, v10;
	v9 =	vld.idx.msk [tilespmem:v47+s14+$0x0], $0xffff  }
0xcb: {  	v61 =	vor.u32 $0x180, v8;
	v55 =	vld.idx.msk [tilespmem:v50+s14+$0x0], $0xffff  }
0xcc: {  	v58 =	vor.u32 $0x180, v4;
	v5 =	vld.idx.msk [tilespmem:v51+s14+$0x0], $0xffff  }
0xcd: {  	v53 =	vor.u32 $0x180, v14;
	v7 =	vld.idx.msk [tilespmem:v52+s14+$0x0], $0xffff  }
0xce: {  	v57 =	vor.u32 $0x100, v1;
	v6 =	vld.idx.msk [tilespmem:v54+s14+$0x0], $0xffff  }
0xcf: {  	v2 =	vor.u32 $0x180, v2;
	[tilespmem:v56+s10+$0x0] =	vst.idx.add.f32.msk $0xffff, v21  }
0xd0: {  	v59 =	vor.u32 $0x180, v15;
	[tilespmem:v61+s10+$0x0] =	vst.idx.add.f32.msk $0xffff, v3  }
0xd1: {  	v60 =	vor.u32 $0x180, v13;
	v4 =	vld.idx.msk [tilespmem:v58+s14+$0x0], $0xffff  }
0xd2: {  	v62 =	vor.u32 $0x180, v12;
	[tilespmem:v53+s10+$0x0] =	vst.idx.add.f32.msk $0xffff, v9  }
0xd3: {  	v63 =	vor.u32 $0x180, v10;
	s16 =	sadd.s32 $0x1, s16;
	[tilespmem:v57+s10+$0x0] =	vst.idx.add.f32.msk $0xffff, v55  }
0xd4: {  	v1 =	vor.u32 $0x180, v1;
	p0 =	sne.s32 s16, $0x4F;
	v2 =	vld.idx.msk [tilespmem:v2+s14+$0x0], $0xffff  }
.Ltmp2:
0xd5: {  	[tilespmem:v59+s10+$0x0] =	vst.idx.add.f32.msk $0xffff, v5;
	(pc) =	sbr.rel @p0 .LBB2_4-.Ltmp2, $4  }
0xd6: {  	[tilespmem:v60+s10+$0x0] =	vst.idx.add.f32.msk $0xffff, v7  }
0xd7: {  	[tilespmem:v62+s10+$0x0] =	vst.idx.add.f32.msk $0xffff, v6  }
0xd8: {  	[tilespmem:v63+s10+$0x0] =	vst.idx.add.f32.msk $0xffff, v4  }
0xd9: {  	[tilespmem:v1+s10+$0x0] =	vst.idx.add.f32.msk $0xffff, v2  }
0xda: {  	s15 =	sadd.s32 $0x1, s15  }
0xdb: {  	p0 =	sne.s32 s15, s7  }
.Ltmp3:
0xdc: {  	_ = 	snop;
	(pc) =	sbr.rel @p0 .LBB2_1-.Ltmp3, $4  }
0xdd: {  	[hbm4b:s6+s8] =	stream.strided.scatter [tilespmem:s10], [sflag:$0x2], $0xA000, s9, s8, $0x38;
	[tilespmem:$0x16000] =	vst v63  }
0xde: {  	_ =	swait.ge [sflag:s12], $0xA000  }
0xdf: {  	[sflag:s12] =	ssyncset.done $0x0  }
0xe0: {  	[sflag:s12] =	ssyncadd.s32 $0xFFFF6000  }
0xe1: {  	_ =	sfence.sel $0x180000  }
0xe2: {  	[bflag:$0x0] =	sbarrier.arrive $0xFFFF  }
0xe3: {  	p0 =	sne.s32 s0, $0x0;
	_ =	strace $0x9000004D  }
0xe4: {  	s0 =	sadd.s32 @!p0 $0x100000, s1;
	[bflag:$0x2] =	sbarrier.arrive $0xFFFF  }
0xe5: {  	[sflag:s0] =	ssyncadd.tile.s32 @!p0 $0x1;
	_ =	shalt  }
.Lfunc_end2:
_tile_overlayer_lowered:
.L_overlay_start_2:
0xe6: {  	(tag) =	ssettag $0x2  }
0xe7: {  	s0 =	rddreg [dreg:$0x0];
	s2 =	stileid.u32  }
0xe8: {  	s1 =	rddreg [dreg:$0x1];
	p0 =	sne.s32 s2, $0x0  }
0xe9: {  	s3 =	rddreg [dreg:$0x2];
	[bflag:$0x3] =	sbarrier.arrive $0xFFFF;
	s2 =	simm.s32 @!p0 $0x1C02  }
0xea: {  	[timem:s3], [sflag:s2] =	dma.local @!p0 [hbm:s0], s1  }
0xeb: {  	s0 =	simm.s32 @!p0 $0x2  }
0xec: {  	_ =	swait.ge @!p0 [sflag:s0], s1  }
0xed: {  	s1 =	ssub.s32 @!p0 $0x0, s1;
	[sflag:s0] =	ssyncset.done @!p0 $0x0  }
0xee: {  	[sflag:s0] =	ssyncadd.s32 @!p0 s1  }
0xef: {  	[bflag:$0x3] =	sbarrier.arrive $0xFFFF  }
0xf0: {  	_ =	shalt  }

// kernel: kernel.26.cloned.1.call-start
scs
__scs_entry_jumppad:
0x0: {  	(pc) =	sbr.rel $0x88, $3  }
0x1: {  	(tag) =	ssettag $0x0;
	lr =	simm.s32 $0x1  }
0x2: {  	[smem:$0x3F97] =	sst lr;
	_ =	strace $0xD0000000  }
0x3: {  	_ = 	snop  }
0x4: {  	_ = 	snop  }
0x5: {  	_ = 	snop  }
0x6: {  	_ = 	snop  }
0x7: {  	_ = 	snop  }
__scs_overlays_trampoline_lowered:
0x8: {  	[smem:$0x3FA6] =	sst s0  }
0x9: {  	[smem:$0x3FA7] =	sst s1  }
0xa: {  	[smem:$0x3FA8] =	sst s2  }
0xb: {  	[smem:$0x3FA9] =	sst s3  }
0xc: {  	[smem:$0x3FAA] =	sst s4  }
0xd: {  	[smem:$0x3FAB] =	sst s5  }
0xe: {  	[smem:$0x3FAC] =	sst s6  }
0xf: {  	[smem:$0x3FAD] =	sst s7  }
0x10: {  	[smem:$0x3FAE] =	sst s8  }
0x11: {  	[smem:$0x3FAF] =	sst s9;
	s0 =	simm.s32 @!p0 $0x0  }
0x12: {  	s1 =	sld [smem:$0x3F95];
	s0 =	simm.s32 @p0 $0x1  }
0x13: {  	[smem:$0x3FB0] =	sst s0;
	s0 =	simm.s32 @!p1 $0x0  }
0x14: {  	s2 =	sld [smem:$0x3F94];
	s0 =	simm.s32 @p1 $0x1  }
0x15: {  	[smem:$0x3FB1] =	sst s0;
	s0 =	simm.s32 @!p2 $0x0  }
0x16: {  	s3 =	sld [smem:$0x3FDB];
	s0 =	simm.s32 @p2 $0x1  }
0x17: {  	s4 =	simm.s32 $0x1BF5;
	[smem:$0x3FB3] =	sst s0  }
0x18: {  	s0 =	sld [smem:$0x3F96];
	_ =	swait.ge [sflag:s4], $0x0  }
0x19: {  	s7 =	sld [smem:$0x3F97]  }
0x1a: {  	s8 =	sadd.s32 $0xFFFFE003, lr  }
0x1b: {  	s9 =	sadd.s32 $0xFFFFFEF7, lr;
	s5 =	simm.s32 $0xFFFFFFFF;
	p2 =	slt.u32 s8, $0xFFFFF086  }
0x1c: {  	p1 =	slt.u32 s9, $0xF7A;
	s5 =	simm.s32 @!p2 $0x0  }
0x1d: {  	s5 =	simm.s32 @p1 $0x1;
	p0 =	seq.s32 s7, s2  }
0x1e: {  	s7 =	smul.u32 @!p0 $0xF7A, s2;
	p2 =	seq.s32 @!p0 s5, $0x0  }
0x1f: {  	s9 =	smul.u32 $0xF7A, s1;
	s8 =	simm.s32 @!p0 $0x1BF5;
	p2 =	por !p2, p0  }
0x20: {  	[sflag:s8] =	ssyncset.s32 @!p0 $0xFFFFF086;
	s6 =	sadd.s32 @!p0 s3, s7;
	s7 =	simm.s32 @!p0 $0x108  }
0x21: {  	s3 =	sadd.s32 s3, s9;
	s6 =	sadd.s32 @!p0 $0x88, s6;
	s7 =	simm.s32 @p2 $0x1082  }
0x22: {  	[simem:s7], [sflag:s8] =	dma.local @!p0 [hbm:s6], $0xF7A  }
0x23: {  	s9 =	sor.u32 $0xD0000000, s2;
	s6 =	simm.s32 $0x108;
	_ =	swait.ge @!p0 [sflag:s8], $0x0  }
0x24: {  	s3 =	sadd.s32 $0x88, s3;
	s6 =	simm.s32 @!p1 $0x1082;
	[sflag:s4] =	ssyncset.s32 $0xFFFFF086  }
0x25: {  	[simem:s6], [sflag:s4] =	dma.local [hbm:s3], $0xF7A  }
0x26: {  	[smem:$0x3F97] =	sst s1;
	(tag) =	ssettag s2;
	_ =	strace s9  }
0x27: {  	s1 =	sld [smem:$0x3FA7]  }
0x28: {  	s2 =	sld [smem:$0x3FA8]  }
0x29: {  	s4 =	sld [smem:$0x3FAA]  }
0x2a: {  	p0 =	seq.s32 s5, $0x0;
	s5 =	sld [smem:$0x3FAB]  }
0x2b: {  	s6 =	sld [smem:$0x3FAC]  }
0x2c: {  	s7 =	sld [smem:$0x3FAD]  }
0x2d: {  	s3 =	simm.s32 $0x108;
	s8 =	sld [smem:$0x3FAE]  }
0x2e: {  	s3 =	simm.s32 @!p0 $0x1082;
	s9 =	sld [smem:$0x3FAF]  }
0x2f: {  	lr =	sadd.s32 s0, s3;
	s0 =	sld [smem:$0x3FA6]  }
0x30: {  	s3 =	sld [smem:$0x3FA9]  }
0x31: {  	[smem:$0x3FB2] =	sst s10  }
0x32: {  	s10 =	sld [smem:$0x3FB0];
	_ =	sdelay $0x3  }
0x33: {  	p0 =	seq.s32 s10, $0x1;
	s10 =	sld [smem:$0x3FB2];
	_ =	sdelay $0x3  }
0x34: {  	[smem:$0x3FB2] =	sst s10  }
0x35: {  	s10 =	sld [smem:$0x3FB1];
	_ =	sdelay $0x3  }
0x36: {  	p1 =	seq.s32 s10, $0x1;
	s10 =	sld [smem:$0x3FB2];
	_ =	sdelay $0x3  }
0x37: {  	[smem:$0x3FB2] =	sst s10  }
0x38: {  	s10 =	sld [smem:$0x3FB3]  }
0x39: {  	_ = 	snop;
	(pc) =	sbr.ind lr, $3  }
0x3a: {  	_ = 	snop  }
0x3b: {  	_ = 	snop  }
0x3c: {  	p2 =	seq.s32 s10, $0x1;
	s10 =	sld [smem:$0x3FB2]  }
0x3d: {  	_ =	shalt  }
0x3e: {  	_ =	shalt  }
0x3f: {  	_ =	shalt  }
0x40: {  	_ =	shalt  }
0x41: {  	_ =	shalt  }
0x42: {  	_ =	shalt  }
0x43: {  	_ =	shalt  }
0x44: {  	_ =	shalt  }
0x45: {  	_ =	shalt  }
0x46: {  	_ =	shalt  }
0x47: {  	_ =	shalt  }
0x48: {  	_ =	shalt  }
0x49: {  	_ =	shalt  }
0x4a: {  	_ =	shalt  }
0x4b: {  	_ =	shalt  }
0x4c: {  	_ =	shalt  }
0x4d: {  	_ =	shalt  }
0x4e: {  	_ =	shalt  }
0x4f: {  	_ =	shalt  }
0x50: {  	_ =	shalt  }
0x51: {  	_ =	shalt  }
0x52: {  	_ =	shalt  }
0x53: {  	_ =	shalt  }
0x54: {  	_ =	shalt  }
0x55: {  	_ =	shalt  }
0x56: {  	_ =	shalt  }
0x57: {  	_ =	shalt  }
0x58: {  	_ =	shalt  }
0x59: {  	_ =	shalt  }
0x5a: {  	_ =	shalt  }
0x5b: {  	_ =	shalt  }
0x5c: {  	_ =	shalt  }
0x5d: {  	_ =	shalt  }
0x5e: {  	_ =	shalt  }
0x5f: {  	_ =	shalt  }
0x60: {  	_ =	shalt  }
0x61: {  	_ =	shalt  }
0x62: {  	_ =	shalt  }
0x63: {  	_ =	shalt  }
0x64: {  	_ =	shalt  }
0x65: {  	_ =	shalt  }
0x66: {  	_ =	shalt  }
0x67: {  	_ =	shalt  }
0x68: {  	_ =	shalt  }
0x69: {  	_ =	shalt  }
0x6a: {  	_ =	shalt  }
0x6b: {  	_ =	shalt  }
0x6c: {  	_ =	shalt  }
0x6d: {  	_ =	shalt  }
0x6e: {  	_ =	shalt  }
0x6f: {  	_ =	shalt  }
0x70: {  	_ =	shalt  }
0x71: {  	_ =	shalt  }
0x72: {  	_ =	shalt  }
0x73: {  	_ =	shalt  }
0x74: {  	_ =	shalt  }
0x75: {  	_ =	shalt  }
0x76: {  	_ =	shalt  }
0x77: {  	_ =	shalt  }
0x78: {  	_ =	shalt  }
0x79: {  	_ =	shalt  }
0x7a: {  	_ =	shalt  }
0x7b: {  	_ =	shalt  }
0x7c: {  	_ =	shalt  }
0x7d: {  	_ =	shalt  }
0x7e: {  	_ =	shalt  }
0x7f: {  	_ =	shalt  }
0x80: {  	_ =	shalt  }
0x81: {  	_ =	shalt  }
0x82: {  	_ =	shalt  }
0x83: {  	_ =	shalt  }
0x84: {  	_ =	shalt  }
0x85: {  	_ =	shalt  }
0x86: {  	_ =	shalt  }
0x87: {  	_ =	shalt  }
.Lfunc_end0:
.L_simem_size_0:
called_computation.3_lowered:
.L_overlay_start_0:
0x88: {  	s2 =	sld [smem:$0x3FD9]  }
0x89: {  	s3 =	sld [smem:$0x3FFE];
	_ =	sdelay $0x1  }
0x8a: {  	s1 =	srdreg.scid  }
0x8b: {  	s0 =	sand.u32 $0x1, s1  }
0x8c: {  	s16 =	sshll.u32 s0, $0xA;
	s2 =	sadd.s32 s3, s2  }
0x8d: {  	s2 =	sadd.s32 s2, s16  }
0x8e: {  	[smem:$0x3FBE] =	sst s2  }
0x8f: {  	_ = 	snop  }
0x90: {  	(tm) =	ssettm $0x1  }
0x91: {  	s17 =	sld [smem:$0x3FFB];
	_ =	sdelay $0x3  }
0x92: {  	_ =	strace s17  }
0x93: {  	s2 =	sld [smem:$0x3FFC];
	_ =	sdelay $0x3  }
0x94: {  	_ =	strace s2  }
0x95: {  	s2 =	sld [smem:$0x3FFD];
	_ =	sdelay $0x3  }
0x96: {  	_ =	strace s2  }
0x97: {  	_ =	strace $0x8FFFFFFF  }
0x98: {  	s18 =	sld [smem:$0x3FDB];
	_ =	sdelay $0x1  }
0x99: {  	s19 =	simm.s32 $_scs_section_size  }
0x9a: {  	s4 =	simm.s32 $_size__tile_overlayer_lowered;
	s5 =	simm.s32 $_tile_overlayer_lowered  }
0x9b: {  	s22 =	simm.s32 $0x1BFF;
	s21 =	sshll.u32 s5, $0x1;
	s2 =	sadd.s32 s19, s18  }
0x9c: {  	s6 =	simm.s32 $0x0;
	s20 =	sshll.u32 s4, $0x1;
	s4 =	sadd.s32 s21, s2  }
0x9d: {  	[timem:s6], [sflag:s22] =	dma.local [hbm:s4], s20  }
0x9e: {  	_ =	swait.ge [sflag:s22], s20  }
0x9f: {  	s3 =	ssub.s32 $0x0, s20;
	[sflag:s22] =	ssyncset.done $0x0  }
0xa0: {  	[sflag:s22] =	ssyncadd.s32 s3;
	_ =	sdelay $0x1  }
0xa1: {  	s23 =	simm.s32 $0x1B8B  }
0xa2: {  	_ =	swait.ge [sflag:s23], $0x1  }
0xa3: {  	[sflag:s23] =	ssyncset.done $0x0  }
0xa4: {  	s25 =	simm.s32 $0x1B8E;
	s24 =	sld [smem:$0x3FFE];
	[sflag:s23] =	ssyncadd.s32 $0xFFFFFFFF  }
0xa5: {  	s26 =	simm.s32 $execute0_lowered;
	[smem:$0x3FD2] =	sst s25  }
0xa6: {  	s4 =	sshll.u32 s26, $0x1;
	_ =	strace $0x8000004F;
	[dreg:$0x1] =	wrdreg $0xFFFFFFFF  }
0xa7: {  	s28 =	simm.s32 $_size_execute0_lowered;
	s2 =	sadd.s32 s2, s4;
	[dreg:$0x0] =	wrdreg $0x0  }
0xa8: {  	s4 =	sshll.u32 s28, $0x1;
	[dreg:$0x2] =	wrdreg s2  }
0xa9: {  	[dreg:$0x3] =	wrdreg s4  }
0xaa: {  	[dreg:$0x4] =	wrdreg $0xC0  }
0xab: {  	_ =	task [dreg:s6], $0x5FFFF  }
0xac: {  	[dreg:$0x1] =	wrdreg $0xFFFFFFFF  }
0xad: {  	[dreg:$0x0] =	wrdreg $0x60  }
0xae: {  	[dreg:$0x2] =	wrdreg s24  }
0xaf: {  	[dreg:$0x3] =	wrdreg $0x9  }
0xb0: {  	_ =	task.clear_ibuf [dreg:s6], $0x4FFFF;
	_ =	strace $0x9000004F  }
0xb1: {  	s29 =	simm.s32 $0x9;
	_ =	strace $0x80000051  }
0xb2: {  	_ =	swait.ge [sflag:s29], $0x1  }
0xb3: {  	[sflag:s29] =	ssyncadd.s32 $0xFFFFFFFF  }
0xb4: {  	_ =	strace $0x90000051  }
0xb5: {  	_ =	sfence  }
0xb6: {  	s30 =	sld [smem:$0x0];
	_ =	sdelay $0x2  }
0xb7: {  	s31 =	sshll.u32 s1, $0xD;
	s1 =	sshrl.u32 s1, $0x2  }
0xb8: {  	s3 =	sand.u32 $0x4000, s31;
	s1 =	sadd.s32 s1, s30  }
0xb9: {  	s0 =	sor.u32 s3, s0;
	s1 =	sshll.u32 s1, $0x11  }
0xba: {  	s0 =	sor.u32 s1, s0  }
0xbb: {  	s0 =	sadd.s32 $0x8F2B, s0  }
0xbc: {  	[sflag:s0] =	ssyncadd.remote.s32 $0x1  }
0xbd: {  	_ =	sfence.sel $0xFFFF  }
0xbe: {  	[dreg:$0x0] =	wrdreg $0xFFFFFFFF;
	(pc) =	sbr.abs _section_cstart, $3  }
0xbf: {  	[dreg:$0x1] =	wrdreg $0xFFFFFFFF  }
0xc0: {  	_ =	task.clear_ibuf [dreg:s6], $0x2FFFF;
	_ =	strace $0x9FFFFFFF  }
0xc1: {  	(tm) =	ssettm $0x7FFFFFFF  }
tec
execute0_lowered:
.L_overlay_start_1:
0x0: {  	(tag) =	ssettag $0x1  }
0x1: {  	s1 =	srdreg.scid  }
0x2: {  	s0 =	stileid.u32;
	s5 =	rddreg [dreg:$0x0];
	s8 =	simm.s32 $0x200  }
0x3: {  	s9 =	simm.s32 $0x400;
	s10 =	simm.s32 $0xC000;
	s4 =	sand.u32 $0x1, s1  }
0x4: {  	s11 =	simm.s32 $0x1;
	s2 =	sshll.u32 s0, $0x2;
	s1 =	sshll.u32 s4, $0x6  }
0x5: {  	s12 =	simm.s32 $0x2;
	s13 =	simm.s32 $0x1000;
	s2 =	sor.u32 s2, s1  }
0x6: {  	s14 =	simm.s32 $0x2000;
	s6 =	sshll.u32 s0, $0x9;
	s3 =	sshrl.u32 s2, $0x3  }
0x7: {  	s15 =	simm.s32 $0x0;
	s6 =	sand.u32 $0x200, s6;
	s3 =	smul.u32 $0x14000, s3  }
0x8: {  	s7 =	ssub.s32 $0x2, s4;
	s4 =	sadd.s32 $0x5800, s5;
	s1 =	rddreg [dreg:$0x1]  }
0x9: {  	s31 =	sshrl.u32 s7, $0x1;
	s2 =	simm.s32 $0x0;
	s6 =	sor.u32 s6, s3  }
0xa: {  	s7 =	ssub.s32 s7, s31;
	[smem:$0x7FF] =	sst s2;
	s6 =	sshrl.u32 s6, $0x3  }
0xb: {  	s7 =	smax.u32 s7, $0x1;
	_ =	strace $0x80000050;
	s6 =	sadd.s32 s6, s5  }
0xc: {  	v0 =	vimm.f32 $0.0e+00;
	s3 =	sadd.s32 $0xF600, s5;
	s5 =	sadd.s32 $0x19400, s6;
	s6 =	sadd.s32 $0x69400, s6  }
.LBB2_1:
0xd: {  	[tilespmem:s10], [sflag:$0x1] =	stream.strided.gather [hbm4b:s5+s8], $0xA000, s9, s8, $0x38;
	[tilespmem:$0x16000] =	vst v63  }
0xe: {  	_ =	swait.ge [sflag:s11], $0xA000  }
0xf: {  	s16 =	sand.u32 $0x70, s2;
	s17 =	sand.u32 $0xFE00, s2;
	[sflag:s11] =	ssyncset.done $0x0  }
0x10: {  	s16 =	sor.u32 s16, s17;
	[sflag:s11] =	ssyncadd.s32 $0xFFFF6000  }
0x11: {  	v4 =	vld [tilespmem:s16+$0xC000]  }
0x12: {  	[tilespmem:s16+$0xC000] =	vst v0;
	v3 =	vld [tilespmem:s16+$0xC080]  }
0x13: {  	[tilespmem:s16+$0xC080] =	vst v0;
	v2 =	vld [tilespmem:s16+$0xC100]  }
0x14: {  	[tilespmem:s16+$0xC100] =	vst v0;
	v1 =	vld [tilespmem:s16+$0xC180]  }
0x15: {  	s19 =	simm.s32 $0x20;
	s18 =	simm.s32 $0x0;
	s17 =	simm.s32 $0x10;
	[tilespmem:s16+$0xC180] =	vst v0  }
.LBB2_2:
0x16: {  	p0 =	seq.s32 s19, $0x27F0;
	[tilespmem:s16+$0x2000] =	vst v4;
	s18 =	sadd.s32 $0x40, s18  }
0x17: {  	s20 =	sand.u32 $0x70, s17;
	s17 =	smov.u32 s19;
	s21 =	sand.u32 $0xFE00, s18;
	[tilespmem:s16+$0x2080] =	vst v3  }
0x18: {  	s20 =	sor.u32 s20, s21;
	[tilespmem:s16+$0x2100] =	vst v2  }
.Ltmp0:
0x19: {  	v4 =	vld [tilespmem:s20+$0xC000];
	[tilespmem:s20+$0xC000] =	vst v0;
	v5 =	vmov v1;
	(pc) =	sbr.rel @!p0 .LBB2_2-.Ltmp0, $4  }
0x1a: {  	v3 =	vld [tilespmem:s20+$0xC080];
	[tilespmem:s20+$0xC080] =	vst v0  }
0x1b: {  	v2 =	vld [tilespmem:s20+$0xC100];
	[tilespmem:s20+$0xC100] =	vst v0  }
0x1c: {  	v1 =	vld [tilespmem:s20+$0xC180];
	[tilespmem:s20+$0xC180] =	vst v0  }
0x1d: {  	s19 =	sadd.s32 $0x10, s19;
	[tilespmem:s16+$0x2180] =	vst v5;
	s16 =	smov.u32 s20  }
0x1e: {  	[tilespmem:s16+$0x2000] =	vst v4;
	s18 =	sadd.s32 $0x40, s18  }
0x1f: {  	s17 =	sand.u32 $0x70, s17;
	s18 =	sand.u32 $0xFE00, s18;
	[tilespmem:s16+$0x2080] =	vst v3  }
0x20: {  	s17 =	sor.u32 s17, s18;
	[tilespmem:s16+$0x2100] =	vst v2  }
0x21: {  	v2 =	vld [tilespmem:s17+$0xC000];
	[tilespmem:s17+$0xC000] =	vst v0  }
0x22: {  	v3 =	vld [tilespmem:s17+$0xC080];
	[tilespmem:s17+$0xC080] =	vst v0  }
0x23: {  	v4 =	vld [tilespmem:s17+$0xC100];
	[tilespmem:s17+$0xC100] =	vst v0  }
0x24: {  	v5 =	vld [tilespmem:s17+$0xC180];
	[tilespmem:s17+$0xC180] =	vst v0  }
0x25: {  	[tilespmem:s16+$0x2180] =	vst v1  }
0x26: {  	[tilespmem:s17+$0x2000] =	vst v2  }
0x27: {  	[tilespmem:s17+$0x2080] =	vst v3  }
0x28: {  	[tilespmem:s17+$0x2100] =	vst v4  }
0x29: {  	s16 =	simm.s32 $0x0;
	[tilespmem:s17+$0x2180] =	vst v5  }
.LBB2_4:
0x2a: {  	s17 =	sshll.u32 s16, $0x9  }
0x2b: {  	s18 =	sadd.s32 s3, s17  }
0x2c: {  	[tilespmem:s2], [sflag:$0x2] =	stream.linear.gather [hbm4b:s18+s2], $0x1000, $0x38;
	[tilespmem:$0x16000] =	vst v63  }
0x2d: {  	_ =	swait.ge [sflag:s12], $0x1000  }
0x2e: {  	[sflag:s12] =	ssyncset.done $0x0  }
0x2f: {  	s17 =	sadd.s32 s4, s17;
	[sflag:s12] =	ssyncadd.s32 $0xFFFFF000  }
0x30: {  	[tilespmem:s13], [sflag:$0x2] =	stream.linear.gather [hbm4b:s17+s2], $0x1000, $0x38;
	[tilespmem:$0x16000] =	vst v63  }
0x31: {  	_ =	swait.ge [sflag:s12], $0x1000  }
0x32: {  	[sflag:s12] =	ssyncset.done $0x0  }
0x33: {  	s18 =	simm.s32 $0x40;
	[sflag:s12] =	ssyncadd.s32 $0xFFFFF000  }
0x34: {  	s17 =	simm.s32 $0x1040;
	v1 =	vld [tilespmem:s18+$0x30]  }
0x35: {  	v2 =	vld [tilespmem:s17+$0xFFFFFFC0]  }
0x36: {  	v3 =	vld [tilespmem:s18+$0xFFFFFFC0]  }
0x37: {  	v4 =	vld [tilespmem:s18+$0x20]  }
0x38: {  	v12 =	vld [tilespmem:s18+$0xFFFFFFE0]  }
0x39: {  	v5 =	vld [tilespmem:s18+$0xFFFFFFD0]  }
0x3a: {  	v7 =	vld [tilespmem:s18+$0x0];
	v10 =	vand.u32 $0x7F, v2;
	v2 =	vshll.u32 v2, $0x2;
	v9 =	vshll.u32 v1, $0x2  }
0x3b: {  	v6 =	vld [tilespmem:s18+$0xFFFFFFF0];
	v11 =	vand.u32 $0x7F, v3;
	v1 =	vand.u32 $0x7F, v1;
	v14 =	vshll.u32 v3, $0x2  }
0x3c: {  	v15 =	vshll.u32 v4, $0x2;
	v4 =	vand.u32 $0x7F, v4;
	v9 =	vand.u32 $0xFFFFFE00, v9  }
0x3d: {  	v8 =	vld [tilespmem:s17+$0x30];
	v16 =	vshll.u32 v12, $0x2;
	v12 =	vand.u32 $0x7F, v12;
	v3 =	vor.u32 v1, v9  }
0x3e: {  	v13 =	vld [tilespmem:s18+$0x10];
	v1 =	vand.u32 $0xFFFFFE00, v14;
	v9 =	vand.u32 $0xFFFFFE00, v15;
	v14 =	vand.u32 $0xFFFFFE00, v2  }
0x3f: {  	v17 =	vld [tilespmem:s17+$0xFFFFFFD0];
	v2 =	vor.u32 v11, v1;
	v11 =	vor.u32 v4, v9;
	v1 =	vshll.u32 v7, $0x2  }
0x40: {  	v18 =	vld [tilespmem:s17+$0x0];
	v4 =	vshll.u32 v6, $0x2;
	v9 =	vshll.u32 v5, $0x2;
	v5 =	vand.u32 $0x7F, v5  }
0x41: {  	v19 =	vld [tilespmem:s17+$0x20];
	v6 =	vand.u32 $0x7F, v6;
	v7 =	vand.u32 $0x7F, v7;
	v9 =	vand.u32 $0xFFFFFE00, v9  }
0x42: {  	v21 =	vld [tilespmem:s17+$0xFFFFFFF0];
	v4 =	vand.u32 $0xFFFFFE00, v4;
	v1 =	vand.u32 $0xFFFFFE00, v1;
	v5 =	vor.u32 v5, v9  }
0x43: {  	v15 =	vld [tilespmem:s17+$0xFFFFFFE0];
	v9 =	vor.u32 v6, v4;
	v4 =	vand.u32 $0xFFFFFE00, v16;
	v6 =	vor.u32 v7, v1  }
0x44: {  	v7 =	vshll.u32 v13, $0x2;
	v4 =	vor.u32 v12, v4;
	v12 =	vand.u32 $0x7F, v13;
	v13 =	vld [tilespmem:s17+$0x10]  }
0x45: {  	v20 =	vld.idx.msk [tilespmem:v3+s14+$0x0], $0xffff  }
0x46: {  	v7 =	vand.u32 $0xFFFFFE00, v7;
	v22 =	vld.idx.msk [tilespmem:v11+s14+$0x0], $0xffff  }
0x47: {  	v1 =	vor.u32 v10, v14;
	v14 =	vshll.u32 v19, $0x2;
	v7 =	vor.u32 v12, v7;
	v10 =	vld.idx.msk [tilespmem:v2+s14+$0x0], $0xffff  }
0x48: {  	v14 =	vand.u32 $0xFFFFFE00, v14;
	v12 =	vand.u32 $0x7F, v19;
	v23 =	vld.idx.msk [tilespmem:v5+s14+$0x0], $0xffff  }
0x49: {  	v24 =	vshll.u32 v21, $0x2;
	v25 =	vshll.u32 v8, $0x2;
	v16 =	vor.u32 v12, v14;
	v19 =	vld.idx.msk [tilespmem:v9+s14+$0x0], $0xffff  }
0x4a: {  	v12 =	vand.u32 $0x7F, v21;
	v14 =	vand.u32 $0xFFFFFE00, v24;
	v24 =	vor.u32 $0x80, v11;
	v21 =	vld.idx.msk [tilespmem:v6+s14+$0x0], $0xffff  }
0x4b: {  	v8 =	vand.u32 $0x7F, v8;
	v14 =	vor.u32 v12, v14;
	v12 =	vand.u32 $0xFFFFFE00, v25;
	v26 =	vld.idx.msk [tilespmem:v4+s14+$0x0], $0xffff  }
0x4c: {  	v8 =	vor.u32 v8, v12;
	v27 =	vld.idx.msk [tilespmem:v7+s14+$0x0], $0xffff  }
0x4d: {  	v28 =	vor.u32 $0x80, v3;
	v25 =	vor.u32 $0x80, v9;
	v12 =	vshll.u32 v13, $0x2;
	[tilespmem:v1+s10+$0x0] =	vst.idx.add.f32.msk $0xffff, v10  }
0x4e: {  	v29 =	vor.u32 $0x80, v16;
	v13 =	vand.u32 $0x7F, v13;
	v12 =	vand.u32 $0xFFFFFE00, v12;
	[tilespmem:v16+s10+$0x0] =	vst.idx.add.f32.msk $0xffff, v22  }
0x4f: {  	v10 =	vshll.u32 v15, $0x2;
	v15 =	vand.u32 $0x7F, v15;
	v13 =	vor.u32 v13, v12;
	v24 =	vld.idx.msk [tilespmem:v24+s14+$0x0], $0xffff  }
0x50: {  	v12 =	vshll.u32 v17, $0x2;
	v17 =	vand.u32 $0x7F, v17;
	v10 =	vand.u32 $0xFFFFFE00, v10;
	[tilespmem:v14+s10+$0x0] =	vst.idx.add.f32.msk $0xffff, v19  }
0x51: {  	v12 =	vand.u32 $0xFFFFFE00, v12;
	v10 =	vor.u32 v15, v10;
	v15 =	vshll.u32 v18, $0x2;
	[tilespmem:v8+s10+$0x0] =	vst.idx.add.f32.msk $0xffff, v20  }
0x52: {  	v25 =	vld.idx.msk [tilespmem:v25+s14+$0x0], $0xffff;
	v20 =	vand.u32 $0xFFFFFE00, v15;
	v15 =	vor.u32 v17, v12  }
0x53: {  	v18 =	vand.u32 $0x7F, v18;
	v28 =	vld.idx.msk [tilespmem:v28+s14+$0x0], $0xffff;
	v17 =	vor.u32 $0x80, v7  }
0x54: {  	v12 =	vor.u32 v18, v20;
	v18 =	vor.u32 $0x80, v5;
	[tilespmem:v13+s10+$0x0] =	vst.idx.add.f32.msk $0xffff, v27  }
0x55: {  	v19 =	vor.u32 $0x80, v4;
	[tilespmem:v29+s10+$0x0] =	vst.idx.add.f32.msk $0xffff, v24  }
0x56: {  	[tilespmem:v10+s10+$0x0] =	vst.idx.add.f32.msk $0xffff, v26  }
0x57: {  	[tilespmem:v15+s10+$0x0] =	vst.idx.add.f32.msk $0xffff, v23  }
0x58: {  	v24 =	vor.u32 $0x80, v14;
	v27 =	vld.idx.msk [tilespmem:v17+s14+$0x0], $0xffff  }
0x59: {  	v17 =	vld.idx.msk [tilespmem:v18+s14+$0x0], $0xffff;
	v18 =	vor.u32 $0x100, v11  }
0x5a: {  	v22 =	vld.idx.msk [tilespmem:v19+s14+$0x0], $0xffff;
	v19 =	vor.u32 $0x80, v8  }
0x5b: {  	v63 =	vor.u32 $0x80, v13  }
0x5c: {  	v20 =	vor.u32 $0x100, v3;
	[tilespmem:v12+s10+$0x0] =	vst.idx.add.f32.msk $0xffff, v21  }
0x5d: {  	v21 =	vor.u32 $0x80, v6;
	[tilespmem:v24+s10+$0x0] =	vst.idx.add.f32.msk $0xffff, v25  }
0x5e: {  	v24 =	vld.idx.msk [tilespmem:v18+s14+$0x0], $0xffff;
	v18 =	vor.u32 $0x80, v15  }
0x5f: {  	[tilespmem:v19+s10+$0x0] =	vst.idx.add.f32.msk $0xffff, v28  }
0x60: {  	[tilespmem:v63+s10+$0x0] =	vst.idx.add.f32.msk $0xffff, v27  }
0x61: {  	v23 =	vld.idx.msk [tilespmem:v20+s14+$0x0], $0xffff  }
0x62: {  	s19 =	simm.s32 $0x0;
	v25 =	vor.u32 $0x80, v12;
	v26 =	vld.idx.msk [tilespmem:v21+s14+$0x0], $0xffff  }
.LBB2_5:
0x63: {  	s19 =	sadd.s32 $0x8, s19;
	[tilespmem:v18+s10+$0x0] =	vst.idx.add.f32.msk $0xffff, v17;
	s18 =	sadd.s32 $0x80, s18;
	s17 =	sadd.s32 $0x80, s17  }
0x64: {  	v17 =	vld [tilespmem:s17+$0x30];
	p0 =	slt.u32 s19, $0xF8  }
0x65: {  	v18 =	vld [tilespmem:s18+$0xFFFFFFD0]  }
0x66: {  	v20 =	vld [tilespmem:s18+$0xFFFFFFE0]  }
0x67: {  	v27 =	vor.u32 $0x100, v5;
	v21 =	vld [tilespmem:s18+$0xFFFFFFF0]  }
0x68: {  	v19 =	vld [tilespmem:s18+$0x0]  }
0x69: {  	v28 =	vld [tilespmem:s18+$0x10]  }
0x6a: {  	v29 =	vld [tilespmem:s18+$0x20]  }
0x6b: {  	[tilespmem:v25+s10+$0x0] =	vst.idx.add.f32.msk $0xffff, v26;
	v25 =	vor.u32 $0x100, v8  }
0x6c: {  	v26 =	vld.idx.msk [tilespmem:v27+s14+$0x0], $0xffff;
	v27 =	vor.u32 $0x100, v16  }
0x6d: {  	v31 =	vor.u32 $0x100, v9;
	v30 =	vld [tilespmem:s18+$0x30]  }
0x6e: {  	v33 =	vor.u32 $0x80, v2;
	v32 =	vld [tilespmem:s18+$0xFFFFFFC0]  }
0x6f: {  	v11 =	vor.u32 $0x180, v11;
	v34 =	vld [tilespmem:s17+$0xFFFFFFC0]  }
0x70: {  	v35 =	vor.u32 $0x80, v10;
	[tilespmem:v25+s10+$0x0] =	vst.idx.add.f32.msk $0xffff, v23  }
0x71: {  	v23 =	vor.u32 $0x100, v7;
	[tilespmem:v27+s10+$0x0] =	vst.idx.add.f32.msk $0xffff, v24  }
0x72: {  	v24 =	vor.u32 $0x100, v4;
	v25 =	vld.idx.msk [tilespmem:v31+s14+$0x0], $0xffff  }
0x73: {  	v31 =	vor.u32 $0x100, v6;
	v27 =	vld.idx.msk [tilespmem:v33+s14+$0x0], $0xffff  }
0x74: {  	v33 =	vor.u32 $0x100, v15;
	v11 =	vld.idx.msk [tilespmem:v11+s14+$0x0], $0xffff  }
0x75: {  	v16 =	vor.u32 $0x180, v16;
	[tilespmem:v35+s10+$0x0] =	vst.idx.add.f32.msk $0xffff, v22  }
0x76: {  	v22 =	vor.u32 $0x80, v1;
	v23 =	vld.idx.msk [tilespmem:v23+s14+$0x0], $0xffff  }
0x77: {  	v35 =	vor.u32 $0x100, v14;
	v24 =	vld.idx.msk [tilespmem:v24+s14+$0x0], $0xffff  }
0x78: {  	v9 =	vor.u32 $0x180, v9;
	v31 =	vld.idx.msk [tilespmem:v31+s14+$0x0], $0xffff  }
0x79: {  	[tilespmem:v33+s10+$0x0] =	vst.idx.add.f32.msk $0xffff, v26;
	v26 =	vor.u32 $0x100, v12  }
0x7a: {  	v3 =	vor.u32 $0x180, v3;
	[tilespmem:v16+s10+$0x0] =	vst.idx.add.f32.msk $0xffff, v11  }
0x7b: {  	v11 =	vor.u32 $0x100, v13;
	[tilespmem:v22+s10+$0x0] =	vst.idx.add.f32.msk $0xffff, v27  }
0x7c: {  	v16 =	vor.u32 $0x100, v2;
	[tilespmem:v35+s10+$0x0] =	vst.idx.add.f32.msk $0xffff, v25  }
0x7d: {  	v5 =	vor.u32 $0x180, v5;
	v9 =	vld.idx.msk [tilespmem:v9+s14+$0x0], $0xffff  }
0x7e: {  	v7 =	vor.u32 $0x180, v7;
	[tilespmem:v26+s10+$0x0] =	vst.idx.add.f32.msk $0xffff, v31  }
0x7f: {  	v14 =	vor.u32 $0x180, v14;
	v3 =	vld.idx.msk [tilespmem:v3+s14+$0x0], $0xffff  }
0x80: {  	v6 =	vor.u32 $0x180, v6;
	[tilespmem:v11+s10+$0x0] =	vst.idx.add.f32.msk $0xffff, v23  }
0x81: {  	v11 =	vld.idx.msk [tilespmem:v16+s14+$0x0], $0xffff;
	v16 =	vor.u32 $0x100, v10  }
0x82: {  	v22 =	vor.u32 $0x100, v1;
	v5 =	vld.idx.msk [tilespmem:v5+s14+$0x0], $0xffff  }
0x83: {  	v4 =	vor.u32 $0x180, v4;
	v2 =	vor.u32 $0x180, v2;
	v7 =	vld.idx.msk [tilespmem:v7+s14+$0x0], $0xffff  }
0x84: {  	[tilespmem:v14+s10+$0x0] =	vst.idx.add.f32.msk $0xffff, v9  }
0x85: {  	v9 =	vor.u32 $0x180, v15;
	v6 =	vld.idx.msk [tilespmem:v6+s14+$0x0], $0xffff  }
0x86: {  	v13 =	vor.u32 $0x180, v13;
	[tilespmem:v16+s10+$0x0] =	vst.idx.add.f32.msk $0xffff, v24  }
0x87: {  	v8 =	vor.u32 $0x180, v8;
	[tilespmem:v22+s10+$0x0] =	vst.idx.add.f32.msk $0xffff, v11  }
0x88: {  	v12 =	vor.u32 $0x180, v12;
	v14 =	vor.u32 $0x180, v1;
	v11 =	vld.idx.msk [tilespmem:v2+s14+$0x0], $0xffff  }
0x89: {  	v10 =	vor.u32 $0x180, v10;
	v1 =	vand.u32 $0x7F, v34;
	v2 =	vshll.u32 v34, $0x2;
	v4 =	vld.idx.msk [tilespmem:v4+s14+$0x0], $0xffff  }
0x8a: {  	v15 =	vand.u32 $0x7F, v32;
	v16 =	vshll.u32 v32, $0x2;
	v2 =	vand.u32 $0xFFFFFE00, v2;
	[tilespmem:v9+s10+$0x0] =	vst.idx.add.f32.msk $0xffff, v5  }
0x8b: {  	v5 =	vand.u32 $0xFFFFFE00, v16;
	v1 =	vor.u32 v1, v2;
	v9 =	vshll.u32 v30, $0x2;
	[tilespmem:v13+s10+$0x0] =	vst.idx.add.f32.msk $0xffff, v7  }
0x8c: {  	v16 =	vand.u32 $0x7F, v30;
	v7 =	vand.u32 $0x7F, v29;
	v13 =	vshll.u32 v29, $0x2;
	[tilespmem:v8+s10+$0x0] =	vst.idx.add.f32.msk $0xffff, v3  }
0x8d: {  	v2 =	vor.u32 v15, v5;
	v3 =	vshll.u32 v28, $0x2;
	v5 =	vand.u32 $0xFFFFFE00, v13;
	[tilespmem:v12+s10+$0x0] =	vst.idx.add.f32.msk $0xffff, v6  }
0x8e: {  	v6 =	vshll.u32 v19, $0x2;
	v8 =	vand.u32 $0xFFFFFE00, v3;
	v3 =	vand.u32 $0xFFFFFE00, v9;
	[tilespmem:v14+s10+$0x0] =	vst.idx.add.f32.msk $0xffff, v11  }
0x8f: {  	v9 =	vshll.u32 v21, $0x2;
	v12 =	vand.u32 $0x7F, v28;
	v3 =	vor.u32 v16, v3;
	[tilespmem:v10+s10+$0x0] =	vst.idx.add.f32.msk $0xffff, v4  }
0x90: {  	v13 =	vand.u32 $0x7F, v21;
	v9 =	vand.u32 $0xFFFFFE00, v9;
	v4 =	vshll.u32 v20, $0x2;
	v10 =	vld [tilespmem:s17+$0xFFFFFFE0]  }
0x91: {  	v14 =	vshll.u32 v18, $0x2;
	v11 =	vor.u32 v7, v5;
	v4 =	vand.u32 $0xFFFFFE00, v4;
	v15 =	vld [tilespmem:s17+$0xFFFFFFD0]  }
0x92: {  	v7 =	vor.u32 v12, v8;
	v5 =	vand.u32 $0xFFFFFE00, v14;
	v14 =	vand.u32 $0x7F, v20;
	v20 =	vld [tilespmem:s17+$0x0]  }
0x93: {  	v8 =	vand.u32 $0x7F, v18;
	v4 =	vor.u32 v14, v4;
	v14 =	vand.u32 $0x7F, v17;
	v12 =	vld [tilespmem:s17+$0x20]  }
0x94: {  	v6 =	vand.u32 $0xFFFFFE00, v6;
	v5 =	vor.u32 v8, v5;
	v8 =	vand.u32 $0x7F, v19;
	v18 =	vld.idx.msk [tilespmem:v3+s14+$0x0], $0xffff  }
0x95: {  	v9 =	vor.u32 v13, v9;
	v6 =	vor.u32 v8, v6;
	v16 =	vshll.u32 v10, $0x2;
	v19 =	vld [tilespmem:s17+$0xFFFFFFF0]  }
0x96: {  	v8 =	vshll.u32 v17, $0x2;
	v21 =	vshll.u32 v15, $0x2;
	v13 =	vand.u32 $0xFFFFFE00, v16;
	v22 =	vld.idx.msk [tilespmem:v11+s14+$0x0], $0xffff  }
0x97: {  	v8 =	vand.u32 $0xFFFFFE00, v8;
	v17 =	vld.idx.msk [tilespmem:v2+s14+$0x0], $0xffff;
	v16 =	vshll.u32 v20, $0x2  }
0x98: {  	v8 =	vor.u32 v14, v8;
	v23 =	vand.u32 $0xFFFFFE00, v16;
	v24 =	vld [tilespmem:s17+$0x10];
	v16 =	vshll.u32 v12, $0x2  }
0x99: {  	v12 =	vand.u32 $0x7F, v12;
	v25 =	vld.idx.msk [tilespmem:v5+s14+$0x0], $0xffff;
	v14 =	vand.u32 $0xFFFFFE00, v16  }
0x9a: {  	v26 =	vld.idx.msk [tilespmem:v9+s14+$0x0], $0xffff;
	v27 =	vshll.u32 v19, $0x2;
	v16 =	vor.u32 v12, v14  }
0x9b: {  	v12 =	vand.u32 $0x7F, v19;
	v14 =	vand.u32 $0xFFFFFE00, v27;
	v19 =	vld.idx.msk [tilespmem:v6+s14+$0x0], $0xffff;
	v27 =	vor.u32 $0x80, v11  }
0x9c: {  	v28 =	vld.idx.msk [tilespmem:v4+s14+$0x0], $0xffff;
	v14 =	vor.u32 v12, v14  }
0x9d: {  	v29 =	vor.u32 $0x80, v9;
	[tilespmem:v1+s10+$0x0] =	vst.idx.add.f32.msk $0xffff, v17;
	v17 =	vor.u32 $0x80, v4;
	v30 =	vand.u32 $0x7F, v24  }
0x9e: {  	v31 =	vor.u32 $0x80, v3;
	v12 =	vand.u32 $0x7F, v20;
	v24 =	vshll.u32 v24, $0x2;
	v20 =	vld.idx.msk [tilespmem:v7+s14+$0x0], $0xffff  }
0x9f: {  	v10 =	vand.u32 $0x7F, v10;
	v12 =	vor.u32 v12, v23;
	v23 =	vand.u32 $0xFFFFFE00, v24;
	[tilespmem:v16+s10+$0x0] =	vst.idx.add.f32.msk $0xffff, v22  }
0xa0: {  	v10 =	vor.u32 v10, v13;
	v13 =	vor.u32 v30, v23;
	v23 =	vld.idx.msk [tilespmem:v27+s14+$0x0], $0xffff  }
0xa1: {  	v24 =	vor.u32 $0x80, v16;
	[tilespmem:v14+s10+$0x0] =	vst.idx.add.f32.msk $0xffff, v26  }
0xa2: {  	v26 =	vld.idx.msk [tilespmem:v29+s14+$0x0], $0xffff  }
0xa3: {  	v15 =	vand.u32 $0x7F, v15;
	v21 =	vand.u32 $0xFFFFFE00, v21;
	v27 =	vor.u32 $0x80, v6;
	[tilespmem:v8+s10+$0x0] =	vst.idx.add.f32.msk $0xffff, v18  }
0xa4: {  	v15 =	vor.u32 v15, v21;
	v18 =	vld.idx.msk [tilespmem:v31+s14+$0x0], $0xffff  }
0xa5: {  	[tilespmem:v13+s10+$0x0] =	vst.idx.add.f32.msk $0xffff, v20  }
0xa6: {  	v20 =	vor.u32 $0x80, v7;
	[tilespmem:v10+s10+$0x0] =	vst.idx.add.f32.msk $0xffff, v28  }
0xa7: {  	v21 =	vor.u32 $0x80, v5;
	v22 =	vld.idx.msk [tilespmem:v17+s14+$0x0], $0xffff  }
0xa8: {  	[tilespmem:v24+s10+$0x0] =	vst.idx.add.f32.msk $0xffff, v23;
	v23 =	vor.u32 $0x80, v8  }
0xa9: {  	v24 =	vor.u32 $0x100, v3;
	[tilespmem:v15+s10+$0x0] =	vst.idx.add.f32.msk $0xffff, v25  }
0xaa: {  	v28 =	vor.u32 $0x80, v14;
	[tilespmem:v12+s10+$0x0] =	vst.idx.add.f32.msk $0xffff, v19  }
0xab: {  	v25 =	vor.u32 $0x80, v12;
	v19 =	vld.idx.msk [tilespmem:v20+s14+$0x0], $0xffff  }
0xac: {  	v20 =	vor.u32 $0x100, v11;
	v17 =	vld.idx.msk [tilespmem:v21+s14+$0x0], $0xffff  }
0xad: {  	v21 =	vor.u32 $0x80, v13;
	[tilespmem:v23+s10+$0x0] =	vst.idx.add.f32.msk $0xffff, v18  }
.Ltmp1:
0xae: {  	v18 =	vor.u32 $0x80, v15;
	v23 =	vld.idx.msk [tilespmem:v24+s14+$0x0], $0xffff;
	(pc) =	sbr.rel @p0 .LBB2_5-.Ltmp1, $4  }
0xaf: {  	[tilespmem:v28+s10+$0x0] =	vst.idx.add.f32.msk $0xffff, v26  }
0xb0: {  	v26 =	vld.idx.msk [tilespmem:v27+s14+$0x0], $0xffff  }
0xb1: {  	v24 =	vld.idx.msk [tilespmem:v20+s14+$0x0], $0xffff  }
0xb2: {  	[tilespmem:v21+s10+$0x0] =	vst.idx.add.f32.msk $0xffff, v19  }
0xb3: {  	_ = 	snop  }
0xb4: {  	v19 =	vor.u32 $0x100, v5  }
0xb5: {  	v20 =	vor.u32 $0x100, v8  }
0xb6: {  	v21 =	vor.u32 $0x100, v16  }
0xb7: {  	[tilespmem:v18+s10+$0x0] =	vst.idx.add.f32.msk $0xffff, v17;
	v37 =	vor.u32 $0x100, v9  }
0xb8: {  	v38 =	vor.u32 $0x80, v2;
	[tilespmem:v25+s10+$0x0] =	vst.idx.add.f32.msk $0xffff, v26  }
0xb9: {  	v39 =	vor.u32 $0x80, v10;
	v19 =	vld.idx.msk [tilespmem:v19+s14+$0x0], $0xffff  }
0xba: {  	v40 =	vor.u32 $0x100, v7;
	[tilespmem:v20+s10+$0x0] =	vst.idx.add.f32.msk $0xffff, v23  }
0xbb: {  	v42 =	vor.u32 $0x100, v6;
	[tilespmem:v21+s10+$0x0] =	vst.idx.add.f32.msk $0xffff, v24  }
0xbc: {  	v11 =	vor.u32 $0x180, v11;
	v17 =	vld.idx.msk [tilespmem:v37+s14+$0x0], $0xffff  }
0xbd: {  	v41 =	vor.u32 $0x100, v4;
	v18 =	vld.idx.msk [tilespmem:v38+s14+$0x0], $0xffff  }
0xbe: {  	v3 =	vor.u32 $0x180, v3;
	[tilespmem:v39+s10+$0x0] =	vst.idx.add.f32.msk $0xffff, v22  }
0xbf: {  	v43 =	vor.u32 $0x100, v15;
	v20 =	vld.idx.msk [tilespmem:v40+s14+$0x0], $0xffff  }
0xc0: {  	v45 =	vor.u32 $0x80, v1;
	v23 =	vld.idx.msk [tilespmem:v42+s14+$0x0], $0xffff  }
0xc1: {  	v46 =	vor.u32 $0x100, v14;
	v11 =	vld.idx.msk [tilespmem:v11+s14+$0x0], $0xffff  }
0xc2: {  	v48 =	vor.u32 $0x100, v12;
	v21 =	vld.idx.msk [tilespmem:v41+s14+$0x0], $0xffff  }
0xc3: {  	v49 =	vor.u32 $0x100, v13;
	v3 =	vld.idx.msk [tilespmem:v3+s14+$0x0], $0xffff  }
0xc4: {  	v44 =	vor.u32 $0x180, v16;
	[tilespmem:v43+s10+$0x0] =	vst.idx.add.f32.msk $0xffff, v19  }
0xc5: {  	v47 =	vor.u32 $0x180, v9;
	[tilespmem:v45+s10+$0x0] =	vst.idx.add.f32.msk $0xffff, v18  }
0xc6: {  	v50 =	vor.u32 $0x100, v2;
	[tilespmem:v46+s10+$0x0] =	vst.idx.add.f32.msk $0xffff, v17  }
0xc7: {  	v51 =	vor.u32 $0x180, v5;
	[tilespmem:v48+s10+$0x0] =	vst.idx.add.f32.msk $0xffff, v23  }
0xc8: {  	v52 =	vor.u32 $0x180, v7;
	[tilespmem:v49+s10+$0x0] =	vst.idx.add.f32.msk $0xffff, v20  }
0xc9: {  	v54 =	vor.u32 $0x180, v6;
	[tilespmem:v44+s10+$0x0] =	vst.idx.add.f32.msk $0xffff, v11  }
0xca: {  	v56 =	vor.u32 $0x100, v10;
	v9 =	vld.idx.msk [tilespmem:v47+s14+$0x0], $0xffff  }
0xcb: {  	v61 =	vor.u32 $0x180, v8;
	v55 =	vld.idx.msk [tilespmem:v50+s14+$0x0], $0xffff  }
0xcc: {  	v58 =	vor.u32 $0x180, v4;
	v5 =	vld.idx.msk [tilespmem:v51+s14+$0x0], $0xffff  }
0xcd: {  	v53 =	vor.u32 $0x180, v14;
	v7 =	vld.idx.msk [tilespmem:v52+s14+$0x0], $0xffff  }
0xce: {  	v57 =	vor.u32 $0x100, v1;
	v6 =	vld.idx.msk [tilespmem:v54+s14+$0x0], $0xffff  }
0xcf: {  	v2 =	vor.u32 $0x180, v2;
	[tilespmem:v56+s10+$0x0] =	vst.idx.add.f32.msk $0xffff, v21  }
0xd0: {  	v59 =	vor.u32 $0x180, v15;
	[tilespmem:v61+s10+$0x0] =	vst.idx.add.f32.msk $0xffff, v3  }
0xd1: {  	v60 =	vor.u32 $0x180, v13;
	v4 =	vld.idx.msk [tilespmem:v58+s14+$0x0], $0xffff  }
0xd2: {  	v62 =	vor.u32 $0x180, v12;
	[tilespmem:v53+s10+$0x0] =	vst.idx.add.f32.msk $0xffff, v9  }
0xd3: {  	v63 =	vor.u32 $0x180, v10;
	s16 =	sadd.s32 $0x1, s16;
	[tilespmem:v57+s10+$0x0] =	vst.idx.add.f32.msk $0xffff, v55  }
0xd4: {  	v1 =	vor.u32 $0x180, v1;
	p0 =	sne.s32 s16, $0x4F;
	v2 =	vld.idx.msk [tilespmem:v2+s14+$0x0], $0xffff  }
.Ltmp2:
0xd5: {  	[tilespmem:v59+s10+$0x0] =	vst.idx.add.f32.msk $0xffff, v5;
	(pc) =	sbr.rel @p0 .LBB2_4-.Ltmp2, $4  }
0xd6: {  	[tilespmem:v60+s10+$0x0] =	vst.idx.add.f32.msk $0xffff, v7  }
0xd7: {  	[tilespmem:v62+s10+$0x0] =	vst.idx.add.f32.msk $0xffff, v6  }
0xd8: {  	[tilespmem:v63+s10+$0x0] =	vst.idx.add.f32.msk $0xffff, v4  }
0xd9: {  	[tilespmem:v1+s10+$0x0] =	vst.idx.add.f32.msk $0xffff, v2  }
0xda: {  	s15 =	sadd.s32 $0x1, s15  }
0xdb: {  	p0 =	sne.s32 s15, s7  }
.Ltmp3:
0xdc: {  	_ = 	snop;
	(pc) =	sbr.rel @p0 .LBB2_1-.Ltmp3, $4  }
0xdd: {  	[hbm4b:s6+s8] =	stream.strided.scatter [tilespmem:s10], [sflag:$0x2], $0xA000, s9, s8, $0x38;
	[tilespmem:$0x16000] =	vst v63  }
0xde: {  	_ =	swait.ge [sflag:s12], $0xA000  }
0xdf: {  	[sflag:s12] =	ssyncset.done $0x0  }
0xe0: {  	[sflag:s12] =	ssyncadd.s32 $0xFFFF6000  }
0xe1: {  	_ =	sfence.sel $0x180000  }
0xe2: {  	[bflag:$0x0] =	sbarrier.arrive $0xFFFF  }
0xe3: {  	p0 =	sne.s32 s0, $0x0;
	_ =	strace $0x90000050  }
0xe4: {  	s0 =	sadd.s32 @!p0 $0x100000, s1;
	[bflag:$0x2] =	sbarrier.arrive $0xFFFF  }
0xe5: {  	[sflag:s0] =	ssyncadd.tile.s32 @!p0 $0x1;
	_ =	shalt  }
.Lfunc_end2:
_tile_overlayer_lowered:
.L_overlay_start_2:
0xe6: {  	(tag) =	ssettag $0x2  }
0xe7: {  	s0 =	rddreg [dreg:$0x0];
	s2 =	stileid.u32  }
0xe8: {  	s1 =	rddreg [dreg:$0x1];
	p0 =	sne.s32 s2, $0x0  }
0xe9: {  	s3 =	rddreg [dreg:$0x2];
	[bflag:$0x3] =	sbarrier.arrive $0xFFFF;
	s2 =	simm.s32 @!p0 $0x1C02  }
0xea: {  	[timem:s3], [sflag:s2] =	dma.local @!p0 [hbm:s0], s1  }
0xeb: {  	s0 =	simm.s32 @!p0 $0x2  }
0xec: {  	_ =	swait.ge @!p0 [sflag:s0], s1  }
0xed: {  	s1 =	ssub.s32 @!p0 $0x0, s1;
	[sflag:s0] =	ssyncset.done @!p0 $0x0  }
0xee: {  	[sflag:s0] =	ssyncadd.s32 @!p0 s1  }
0xef: {  	[bflag:$0x3] =	sbarrier.arrive $0xFFFF  }
0xf0: {  	_ =	shalt  }

// kernel: kernel.29.cloned.1.call-start
scs
__scs_entry_jumppad:
0x0: {  	(pc) =	sbr.rel $0x88, $3  }
0x1: {  	(tag) =	ssettag $0x0;
	lr =	simm.s32 $0x1  }
0x2: {  	[smem:$0x3F97] =	sst lr;
	_ =	strace $0xD0000000  }
0x3: {  	_ = 	snop  }
0x4: {  	_ = 	snop  }
0x5: {  	_ = 	snop  }
0x6: {  	_ = 	snop  }
0x7: {  	_ = 	snop  }
__scs_overlays_trampoline_lowered:
0x8: {  	[smem:$0x3FA6] =	sst s0  }
0x9: {  	[smem:$0x3FA7] =	sst s1  }
0xa: {  	[smem:$0x3FA8] =	sst s2  }
0xb: {  	[smem:$0x3FA9] =	sst s3  }
0xc: {  	[smem:$0x3FAA] =	sst s4  }
0xd: {  	[smem:$0x3FAB] =	sst s5  }
0xe: {  	[smem:$0x3FAC] =	sst s6  }
0xf: {  	[smem:$0x3FAD] =	sst s7  }
0x10: {  	[smem:$0x3FAE] =	sst s8  }
0x11: {  	[smem:$0x3FAF] =	sst s9;
	s0 =	simm.s32 @!p0 $0x0  }
0x12: {  	s1 =	sld [smem:$0x3F95];
	s0 =	simm.s32 @p0 $0x1  }
0x13: {  	[smem:$0x3FB0] =	sst s0;
	s0 =	simm.s32 @!p1 $0x0  }
0x14: {  	s2 =	sld [smem:$0x3F94];
	s0 =	simm.s32 @p1 $0x1  }
0x15: {  	[smem:$0x3FB1] =	sst s0;
	s0 =	simm.s32 @!p2 $0x0  }
0x16: {  	s3 =	sld [smem:$0x3FDB];
	s0 =	simm.s32 @p2 $0x1  }
0x17: {  	s4 =	simm.s32 $0x1BF5;
	[smem:$0x3FB3] =	sst s0  }
0x18: {  	s0 =	sld [smem:$0x3F96];
	_ =	swait.ge [sflag:s4], $0x0  }
0x19: {  	s7 =	sld [smem:$0x3F97]  }
0x1a: {  	s8 =	sadd.s32 $0xFFFFE003, lr  }
0x1b: {  	s9 =	sadd.s32 $0xFFFFFEF7, lr;
	s5 =	simm.s32 $0xFFFFFFFF;
	p2 =	slt.u32 s8, $0xFFFFF086  }
0x1c: {  	p1 =	slt.u32 s9, $0xF7A;
	s5 =	simm.s32 @!p2 $0x0  }
0x1d: {  	s5 =	simm.s32 @p1 $0x1;
	p0 =	seq.s32 s7, s2  }
0x1e: {  	s7 =	smul.u32 @!p0 $0xF7A, s2;
	p2 =	seq.s32 @!p0 s5, $0x0  }
0x1f: {  	s9 =	smul.u32 $0xF7A, s1;
	s8 =	simm.s32 @!p0 $0x1BF5;
	p2 =	por !p2, p0  }
0x20: {  	[sflag:s8] =	ssyncset.s32 @!p0 $0xFFFFF086;
	s6 =	sadd.s32 @!p0 s3, s7;
	s7 =	simm.s32 @!p0 $0x108  }
0x21: {  	s3 =	sadd.s32 s3, s9;
	s6 =	sadd.s32 @!p0 $0x88, s6;
	s7 =	simm.s32 @p2 $0x1082  }
0x22: {  	[simem:s7], [sflag:s8] =	dma.local @!p0 [hbm:s6], $0xF7A  }
0x23: {  	s9 =	sor.u32 $0xD0000000, s2;
	s6 =	simm.s32 $0x108;
	_ =	swait.ge @!p0 [sflag:s8], $0x0  }
0x24: {  	s3 =	sadd.s32 $0x88, s3;
	s6 =	simm.s32 @!p1 $0x1082;
	[sflag:s4] =	ssyncset.s32 $0xFFFFF086  }
0x25: {  	[simem:s6], [sflag:s4] =	dma.local [hbm:s3], $0xF7A  }
0x26: {  	[smem:$0x3F97] =	sst s1;
	(tag) =	ssettag s2;
	_ =	strace s9  }
0x27: {  	s1 =	sld [smem:$0x3FA7]  }
0x28: {  	s2 =	sld [smem:$0x3FA8]  }
0x29: {  	s4 =	sld [smem:$0x3FAA]  }
0x2a: {  	p0 =	seq.s32 s5, $0x0;
	s5 =	sld [smem:$0x3FAB]  }
0x2b: {  	s6 =	sld [smem:$0x3FAC]  }
0x2c: {  	s7 =	sld [smem:$0x3FAD]  }
0x2d: {  	s3 =	simm.s32 $0x108;
	s8 =	sld [smem:$0x3FAE]  }
0x2e: {  	s3 =	simm.s32 @!p0 $0x1082;
	s9 =	sld [smem:$0x3FAF]  }
0x2f: {  	lr =	sadd.s32 s0, s3;
	s0 =	sld [smem:$0x3FA6]  }
0x30: {  	s3 =	sld [smem:$0x3FA9]  }
0x31: {  	[smem:$0x3FB2] =	sst s10  }
0x32: {  	s10 =	sld [smem:$0x3FB0];
	_ =	sdelay $0x3  }
0x33: {  	p0 =	seq.s32 s10, $0x1;
	s10 =	sld [smem:$0x3FB2];
	_ =	sdelay $0x3  }
0x34: {  	[smem:$0x3FB2] =	sst s10  }
0x35: {  	s10 =	sld [smem:$0x3FB1];
	_ =	sdelay $0x3  }
0x36: {  	p1 =	seq.s32 s10, $0x1;
	s10 =	sld [smem:$0x3FB2];
	_ =	sdelay $0x3  }
0x37: {  	[smem:$0x3FB2] =	sst s10  }
0x38: {  	s10 =	sld [smem:$0x3FB3]  }
0x39: {  	_ = 	snop;
	(pc) =	sbr.ind lr, $3  }
0x3a: {  	_ = 	snop  }
0x3b: {  	_ = 	snop  }
0x3c: {  	p2 =	seq.s32 s10, $0x1;
	s10 =	sld [smem:$0x3FB2]  }
0x3d: {  	_ =	shalt  }
0x3e: {  	_ =	shalt  }
0x3f: {  	_ =	shalt  }
0x40: {  	_ =	shalt  }
0x41: {  	_ =	shalt  }
0x42: {  	_ =	shalt  }
0x43: {  	_ =	shalt  }
0x44: {  	_ =	shalt  }
0x45: {  	_ =	shalt  }
0x46: {  	_ =	shalt  }
0x47: {  	_ =	shalt  }
0x48: {  	_ =	shalt  }
0x49: {  	_ =	shalt  }
0x4a: {  	_ =	shalt  }
0x4b: {  	_ =	shalt  }
0x4c: {  	_ =	shalt  }
0x4d: {  	_ =	shalt  }
0x4e: {  	_ =	shalt  }
0x4f: {  	_ =	shalt  }
0x50: {  	_ =	shalt  }
0x51: {  	_ =	shalt  }
0x52: {  	_ =	shalt  }
0x53: {  	_ =	shalt  }
0x54: {  	_ =	shalt  }
0x55: {  	_ =	shalt  }
0x56: {  	_ =	shalt  }
0x57: {  	_ =	shalt  }
0x58: {  	_ =	shalt  }
0x59: {  	_ =	shalt  }
0x5a: {  	_ =	shalt  }
0x5b: {  	_ =	shalt  }
0x5c: {  	_ =	shalt  }
0x5d: {  	_ =	shalt  }
0x5e: {  	_ =	shalt  }
0x5f: {  	_ =	shalt  }
0x60: {  	_ =	shalt  }
0x61: {  	_ =	shalt  }
0x62: {  	_ =	shalt  }
0x63: {  	_ =	shalt  }
0x64: {  	_ =	shalt  }
0x65: {  	_ =	shalt  }
0x66: {  	_ =	shalt  }
0x67: {  	_ =	shalt  }
0x68: {  	_ =	shalt  }
0x69: {  	_ =	shalt  }
0x6a: {  	_ =	shalt  }
0x6b: {  	_ =	shalt  }
0x6c: {  	_ =	shalt  }
0x6d: {  	_ =	shalt  }
0x6e: {  	_ =	shalt  }
0x6f: {  	_ =	shalt  }
0x70: {  	_ =	shalt  }
0x71: {  	_ =	shalt  }
0x72: {  	_ =	shalt  }
0x73: {  	_ =	shalt  }
0x74: {  	_ =	shalt  }
0x75: {  	_ =	shalt  }
0x76: {  	_ =	shalt  }
0x77: {  	_ =	shalt  }
0x78: {  	_ =	shalt  }
0x79: {  	_ =	shalt  }
0x7a: {  	_ =	shalt  }
0x7b: {  	_ =	shalt  }
0x7c: {  	_ =	shalt  }
0x7d: {  	_ =	shalt  }
0x7e: {  	_ =	shalt  }
0x7f: {  	_ =	shalt  }
0x80: {  	_ =	shalt  }
0x81: {  	_ =	shalt  }
0x82: {  	_ =	shalt  }
0x83: {  	_ =	shalt  }
0x84: {  	_ =	shalt  }
0x85: {  	_ =	shalt  }
0x86: {  	_ =	shalt  }
0x87: {  	_ =	shalt  }
.Lfunc_end0:
.L_simem_size_0:
called_computation.4_lowered:
.L_overlay_start_0:
0x88: {  	s2 =	sld [smem:$0x3FD9]  }
0x89: {  	s3 =	sld [smem:$0x3FFE];
	_ =	sdelay $0x1  }
0x8a: {  	s1 =	srdreg.scid  }
0x8b: {  	s0 =	sand.u32 $0x1, s1  }
0x8c: {  	s16 =	sshll.u32 s0, $0xA;
	s2 =	sadd.s32 s3, s2  }
0x8d: {  	s2 =	sadd.s32 s2, s16  }
0x8e: {  	[smem:$0x3FBE] =	sst s2  }
0x8f: {  	_ = 	snop  }
0x90: {  	(tm) =	ssettm $0x1  }
0x91: {  	s17 =	sld [smem:$0x3FFB];
	_ =	sdelay $0x3  }
0x92: {  	_ =	strace s17  }
0x93: {  	s2 =	sld [smem:$0x3FFC];
	_ =	sdelay $0x3  }
0x94: {  	_ =	strace s2  }
0x95: {  	s2 =	sld [smem:$0x3FFD];
	_ =	sdelay $0x3  }
0x96: {  	_ =	strace s2  }
0x97: {  	_ =	strace $0x8FFFFFFF  }
0x98: {  	s18 =	sld [smem:$0x3FDB];
	_ =	sdelay $0x1  }
0x99: {  	s19 =	simm.s32 $_scs_section_size  }
0x9a: {  	s4 =	simm.s32 $_size__tile_overlayer_lowered;
	s5 =	simm.s32 $_tile_overlayer_lowered  }
0x9b: {  	s22 =	simm.s32 $0x1BFF;
	s21 =	sshll.u32 s5, $0x1;
	s2 =	sadd.s32 s19, s18  }
0x9c: {  	s6 =	simm.s32 $0x0;
	s20 =	sshll.u32 s4, $0x1;
	s4 =	sadd.s32 s21, s2  }
0x9d: {  	[timem:s6], [sflag:s22] =	dma.local [hbm:s4], s20  }
0x9e: {  	_ =	swait.ge [sflag:s22], s20  }
0x9f: {  	s3 =	ssub.s32 $0x0, s20;
	[sflag:s22] =	ssyncset.done $0x0  }
0xa0: {  	[sflag:s22] =	ssyncadd.s32 s3;
	_ =	sdelay $0x1  }
0xa1: {  	s23 =	simm.s32 $0x1B8B  }
0xa2: {  	_ =	swait.ge [sflag:s23], $0x1  }
0xa3: {  	[sflag:s23] =	ssyncset.done $0x0  }
0xa4: {  	s25 =	simm.s32 $0x1B8E;
	s24 =	sld [smem:$0x3FFE];
	[sflag:s23] =	ssyncadd.s32 $0xFFFFFFFF  }
0xa5: {  	s26 =	simm.s32 $execute0_lowered;
	[smem:$0x3FD2] =	sst s25  }
0xa6: {  	s4 =	sshll.u32 s26, $0x1;
	_ =	strace $0x80000052;
	[dreg:$0x1] =	wrdreg $0xFFFFFFFF  }
0xa7: {  	s28 =	simm.s32 $_size_execute0_lowered;
	s2 =	sadd.s32 s2, s4;
	[dreg:$0x0] =	wrdreg $0x0  }
0xa8: {  	s4 =	sshll.u32 s28, $0x1;
	[dreg:$0x2] =	wrdreg s2  }
0xa9: {  	[dreg:$0x3] =	wrdreg s4  }
0xaa: {  	[dreg:$0x4] =	wrdreg $0xC0  }
0xab: {  	_ =	task [dreg:s6], $0x5FFFF  }
0xac: {  	[dreg:$0x1] =	wrdreg $0xFFFFFFFF  }
0xad: {  	[dreg:$0x0] =	wrdreg $0x60  }
0xae: {  	[dreg:$0x2] =	wrdreg s24  }
0xaf: {  	[dreg:$0x3] =	wrdreg $0x9  }
0xb0: {  	_ =	task.clear_ibuf [dreg:s6], $0x4FFFF;
	_ =	strace $0x90000052  }
0xb1: {  	s29 =	simm.s32 $0x9;
	_ =	strace $0x80000054  }
0xb2: {  	_ =	swait.ge [sflag:s29], $0x1  }
0xb3: {  	[sflag:s29] =	ssyncadd.s32 $0xFFFFFFFF  }
0xb4: {  	_ =	strace $0x90000054  }
0xb5: {  	_ =	sfence  }
0xb6: {  	s30 =	sld [smem:$0x0];
	_ =	sdelay $0x2  }
0xb7: {  	s31 =	sshll.u32 s1, $0xD;
	s1 =	sshrl.u32 s1, $0x2  }
0xb8: {  	s3 =	sand.u32 $0x4000, s31;
	s1 =	sadd.s32 s1, s30  }
0xb9: {  	s0 =	sor.u32 s3, s0;
	s1 =	sshll.u32 s1, $0x11  }
0xba: {  	s0 =	sor.u32 s1, s0  }
0xbb: {  	s0 =	sadd.s32 $0x8F2B, s0  }
0xbc: {  	[sflag:s0] =	ssyncadd.remote.s32 $0x1  }
0xbd: {  	_ =	sfence.sel $0xFFFF  }
0xbe: {  	[dreg:$0x0] =	wrdreg $0xFFFFFFFF;
	(pc) =	sbr.abs _section_cstart, $3  }
0xbf: {  	[dreg:$0x1] =	wrdreg $0xFFFFFFFF  }
0xc0: {  	_ =	task.clear_ibuf [dreg:s6], $0x2FFFF;
	_ =	strace $0x9FFFFFFF  }
0xc1: {  	(tm) =	ssettm $0x7FFFFFFF  }
tec
execute0_lowered:
.L_overlay_start_1:
0x0: {  	(tag) =	ssettag $0x1  }
0x1: {  	s1 =	srdreg.scid  }
0x2: {  	s0 =	stileid.u32;
	s5 =	rddreg [dreg:$0x0];
	s8 =	simm.s32 $0x200  }
0x3: {  	s9 =	simm.s32 $0x400;
	s10 =	simm.s32 $0xC000;
	s4 =	sand.u32 $0x1, s1  }
0x4: {  	s11 =	simm.s32 $0x1;
	s2 =	sshll.u32 s0, $0x2;
	s1 =	sshll.u32 s4, $0x6  }
0x5: {  	s12 =	simm.s32 $0x2;
	s13 =	simm.s32 $0x1000;
	s2 =	sor.u32 s2, s1  }
0x6: {  	s14 =	simm.s32 $0x2000;
	s6 =	sshll.u32 s0, $0x9;
	s3 =	sshrl.u32 s2, $0x3  }
0x7: {  	s15 =	simm.s32 $0x0;
	s6 =	sand.u32 $0x200, s6;
	s3 =	smul.u32 $0x14000, s3  }
0x8: {  	s7 =	ssub.s32 $0x2, s4;
	s4 =	sadd.s32 $0x5800, s5;
	s1 =	rddreg [dreg:$0x1]  }
0x9: {  	s31 =	sshrl.u32 s7, $0x1;
	s2 =	simm.s32 $0x0;
	s6 =	sor.u32 s6, s3  }
0xa: {  	s7 =	ssub.s32 s7, s31;
	[smem:$0x7FF] =	sst s2;
	s6 =	sshrl.u32 s6, $0x3  }
0xb: {  	s7 =	smax.u32 s7, $0x1;
	_ =	strace $0x80000053;
	s6 =	sadd.s32 s6, s5  }
0xc: {  	v0 =	vimm.f32 $0.0e+00;
	s3 =	sadd.s32 $0xF600, s5;
	s5 =	sadd.s32 $0x19400, s6;
	s6 =	sadd.s32 $0x91400, s6  }
.LBB2_1:
0xd: {  	[tilespmem:s10], [sflag:$0x1] =	stream.strided.gather [hbm4b:s5+s8], $0xA000, s9, s8, $0x38;
	[tilespmem:$0x16000] =	vst v63  }
0xe: {  	_ =	swait.ge [sflag:s11], $0xA000  }
0xf: {  	s16 =	sand.u32 $0x70, s2;
	s17 =	sand.u32 $0xFE00, s2;
	[sflag:s11] =	ssyncset.done $0x0  }
0x10: {  	s16 =	sor.u32 s16, s17;
	[sflag:s11] =	ssyncadd.s32 $0xFFFF6000  }
0x11: {  	v4 =	vld [tilespmem:s16+$0xC000]  }
0x12: {  	[tilespmem:s16+$0xC000] =	vst v0;
	v3 =	vld [tilespmem:s16+$0xC080]  }
0x13: {  	[tilespmem:s16+$0xC080] =	vst v0;
	v2 =	vld [tilespmem:s16+$0xC100]  }
0x14: {  	[tilespmem:s16+$0xC100] =	vst v0;
	v1 =	vld [tilespmem:s16+$0xC180]  }
0x15: {  	s19 =	simm.s32 $0x20;
	s18 =	simm.s32 $0x0;
	s17 =	simm.s32 $0x10;
	[tilespmem:s16+$0xC180] =	vst v0  }
.LBB2_2:
0x16: {  	p0 =	seq.s32 s19, $0x27F0;
	[tilespmem:s16+$0x2000] =	vst v4;
	s18 =	sadd.s32 $0x40, s18  }
0x17: {  	s20 =	sand.u32 $0x70, s17;
	s17 =	smov.u32 s19;
	s21 =	sand.u32 $0xFE00, s18;
	[tilespmem:s16+$0x2080] =	vst v3  }
0x18: {  	s20 =	sor.u32 s20, s21;
	[tilespmem:s16+$0x2100] =	vst v2  }
.Ltmp0:
0x19: {  	v4 =	vld [tilespmem:s20+$0xC000];
	[tilespmem:s20+$0xC000] =	vst v0;
	v5 =	vmov v1;
	(pc) =	sbr.rel @!p0 .LBB2_2-.Ltmp0, $4  }
0x1a: {  	v3 =	vld [tilespmem:s20+$0xC080];
	[tilespmem:s20+$0xC080] =	vst v0  }
0x1b: {  	v2 =	vld [tilespmem:s20+$0xC100];
	[tilespmem:s20+$0xC100] =	vst v0  }
0x1c: {  	v1 =	vld [tilespmem:s20+$0xC180];
	[tilespmem:s20+$0xC180] =	vst v0  }
0x1d: {  	s19 =	sadd.s32 $0x10, s19;
	[tilespmem:s16+$0x2180] =	vst v5;
	s16 =	smov.u32 s20  }
0x1e: {  	[tilespmem:s16+$0x2000] =	vst v4;
	s18 =	sadd.s32 $0x40, s18  }
0x1f: {  	s17 =	sand.u32 $0x70, s17;
	s18 =	sand.u32 $0xFE00, s18;
	[tilespmem:s16+$0x2080] =	vst v3  }
0x20: {  	s17 =	sor.u32 s17, s18;
	[tilespmem:s16+$0x2100] =	vst v2  }
0x21: {  	v2 =	vld [tilespmem:s17+$0xC000];
	[tilespmem:s17+$0xC000] =	vst v0  }
0x22: {  	v3 =	vld [tilespmem:s17+$0xC080];
	[tilespmem:s17+$0xC080] =	vst v0  }
0x23: {  	v4 =	vld [tilespmem:s17+$0xC100];
	[tilespmem:s17+$0xC100] =	vst v0  }
0x24: {  	v5 =	vld [tilespmem:s17+$0xC180];
	[tilespmem:s17+$0xC180] =	vst v0  }
0x25: {  	[tilespmem:s16+$0x2180] =	vst v1  }
0x26: {  	[tilespmem:s17+$0x2000] =	vst v2  }
0x27: {  	[tilespmem:s17+$0x2080] =	vst v3  }
0x28: {  	[tilespmem:s17+$0x2100] =	vst v4  }
0x29: {  	s16 =	simm.s32 $0x0;
	[tilespmem:s17+$0x2180] =	vst v5  }
.LBB2_4:
0x2a: {  	s17 =	sshll.u32 s16, $0x9  }
0x2b: {  	s18 =	sadd.s32 s3, s17  }
0x2c: {  	[tilespmem:s2], [sflag:$0x2] =	stream.linear.gather [hbm4b:s18+s2], $0x1000, $0x38;
	[tilespmem:$0x16000] =	vst v63  }
0x2d: {  	_ =	swait.ge [sflag:s12], $0x1000  }
0x2e: {  	[sflag:s12] =	ssyncset.done $0x0  }
0x2f: {  	s17 =	sadd.s32 s4, s17;
	[sflag:s12] =	ssyncadd.s32 $0xFFFFF000  }
0x30: {  	[tilespmem:s13], [sflag:$0x2] =	stream.linear.gather [hbm4b:s17+s2], $0x1000, $0x38;
	[tilespmem:$0x16000] =	vst v63  }
0x31: {  	_ =	swait.ge [sflag:s12], $0x1000  }
0x32: {  	[sflag:s12] =	ssyncset.done $0x0  }
0x33: {  	s18 =	simm.s32 $0x40;
	[sflag:s12] =	ssyncadd.s32 $0xFFFFF000  }
0x34: {  	s17 =	simm.s32 $0x1040;
	v1 =	vld [tilespmem:s18+$0x30]  }
0x35: {  	v2 =	vld [tilespmem:s17+$0xFFFFFFC0]  }
0x36: {  	v3 =	vld [tilespmem:s18+$0xFFFFFFC0]  }
0x37: {  	v4 =	vld [tilespmem:s18+$0x20]  }
0x38: {  	v12 =	vld [tilespmem:s18+$0xFFFFFFE0]  }
0x39: {  	v5 =	vld [tilespmem:s18+$0xFFFFFFD0]  }
0x3a: {  	v7 =	vld [tilespmem:s18+$0x0];
	v10 =	vand.u32 $0x7F, v2;
	v2 =	vshll.u32 v2, $0x2;
	v9 =	vshll.u32 v1, $0x2  }
0x3b: {  	v6 =	vld [tilespmem:s18+$0xFFFFFFF0];
	v11 =	vand.u32 $0x7F, v3;
	v1 =	vand.u32 $0x7F, v1;
	v14 =	vshll.u32 v3, $0x2  }
0x3c: {  	v15 =	vshll.u32 v4, $0x2;
	v4 =	vand.u32 $0x7F, v4;
	v9 =	vand.u32 $0xFFFFFE00, v9  }
0x3d: {  	v8 =	vld [tilespmem:s17+$0x30];
	v16 =	vshll.u32 v12, $0x2;
	v12 =	vand.u32 $0x7F, v12;
	v3 =	vor.u32 v1, v9  }
0x3e: {  	v13 =	vld [tilespmem:s18+$0x10];
	v1 =	vand.u32 $0xFFFFFE00, v14;
	v9 =	vand.u32 $0xFFFFFE00, v15;
	v14 =	vand.u32 $0xFFFFFE00, v2  }
0x3f: {  	v17 =	vld [tilespmem:s17+$0xFFFFFFD0];
	v2 =	vor.u32 v11, v1;
	v11 =	vor.u32 v4, v9;
	v1 =	vshll.u32 v7, $0x2  }
0x40: {  	v18 =	vld [tilespmem:s17+$0x0];
	v4 =	vshll.u32 v6, $0x2;
	v9 =	vshll.u32 v5, $0x2;
	v5 =	vand.u32 $0x7F, v5  }
0x41: {  	v19 =	vld [tilespmem:s17+$0x20];
	v6 =	vand.u32 $0x7F, v6;
	v7 =	vand.u32 $0x7F, v7;
	v9 =	vand.u32 $0xFFFFFE00, v9  }
0x42: {  	v21 =	vld [tilespmem:s17+$0xFFFFFFF0];
	v4 =	vand.u32 $0xFFFFFE00, v4;
	v1 =	vand.u32 $0xFFFFFE00, v1;
	v5 =	vor.u32 v5, v9  }
0x43: {  	v15 =	vld [tilespmem:s17+$0xFFFFFFE0];
	v9 =	vor.u32 v6, v4;
	v4 =	vand.u32 $0xFFFFFE00, v16;
	v6 =	vor.u32 v7, v1  }
0x44: {  	v7 =	vshll.u32 v13, $0x2;
	v4 =	vor.u32 v12, v4;
	v12 =	vand.u32 $0x7F, v13;
	v13 =	vld [tilespmem:s17+$0x10]  }
0x45: {  	v20 =	vld.idx.msk [tilespmem:v3+s14+$0x0], $0xffff  }
0x46: {  	v7 =	vand.u32 $0xFFFFFE00, v7;
	v22 =	vld.idx.msk [tilespmem:v11+s14+$0x0], $0xffff  }
0x47: {  	v1 =	vor.u32 v10, v14;
	v14 =	vshll.u32 v19, $0x2;
	v7 =	vor.u32 v12, v7;
	v10 =	vld.idx.msk [tilespmem:v2+s14+$0x0], $0xffff  }
0x48: {  	v14 =	vand.u32 $0xFFFFFE00, v14;
	v12 =	vand.u32 $0x7F, v19;
	v23 =	vld.idx.msk [tilespmem:v5+s14+$0x0], $0xffff  }
0x49: {  	v24 =	vshll.u32 v21, $0x2;
	v25 =	vshll.u32 v8, $0x2;
	v16 =	vor.u32 v12, v14;
	v19 =	vld.idx.msk [tilespmem:v9+s14+$0x0], $0xffff  }
0x4a: {  	v12 =	vand.u32 $0x7F, v21;
	v14 =	vand.u32 $0xFFFFFE00, v24;
	v24 =	vor.u32 $0x80, v11;
	v21 =	vld.idx.msk [tilespmem:v6+s14+$0x0], $0xffff  }
0x4b: {  	v8 =	vand.u32 $0x7F, v8;
	v14 =	vor.u32 v12, v14;
	v12 =	vand.u32 $0xFFFFFE00, v25;
	v26 =	vld.idx.msk [tilespmem:v4+s14+$0x0], $0xffff  }
0x4c: {  	v8 =	vor.u32 v8, v12;
	v27 =	vld.idx.msk [tilespmem:v7+s14+$0x0], $0xffff  }
0x4d: {  	v28 =	vor.u32 $0x80, v3;
	v25 =	vor.u32 $0x80, v9;
	v12 =	vshll.u32 v13, $0x2;
	[tilespmem:v1+s10+$0x0] =	vst.idx.add.f32.msk $0xffff, v10  }
0x4e: {  	v29 =	vor.u32 $0x80, v16;
	v13 =	vand.u32 $0x7F, v13;
	v12 =	vand.u32 $0xFFFFFE00, v12;
	[tilespmem:v16+s10+$0x0] =	vst.idx.add.f32.msk $0xffff, v22  }
0x4f: {  	v10 =	vshll.u32 v15, $0x2;
	v15 =	vand.u32 $0x7F, v15;
	v13 =	vor.u32 v13, v12;
	v24 =	vld.idx.msk [tilespmem:v24+s14+$0x0], $0xffff  }
0x50: {  	v12 =	vshll.u32 v17, $0x2;
	v17 =	vand.u32 $0x7F, v17;
	v10 =	vand.u32 $0xFFFFFE00, v10;
	[tilespmem:v14+s10+$0x0] =	vst.idx.add.f32.msk $0xffff, v19  }
0x51: {  	v12 =	vand.u32 $0xFFFFFE00, v12;
	v10 =	vor.u32 v15, v10;
	v15 =	vshll.u32 v18, $0x2;
	[tilespmem:v8+s10+$0x0] =	vst.idx.add.f32.msk $0xffff, v20  }
0x52: {  	v25 =	vld.idx.msk [tilespmem:v25+s14+$0x0], $0xffff;
	v20 =	vand.u32 $0xFFFFFE00, v15;
	v15 =	vor.u32 v17, v12  }
0x53: {  	v18 =	vand.u32 $0x7F, v18;
	v28 =	vld.idx.msk [tilespmem:v28+s14+$0x0], $0xffff;
	v17 =	vor.u32 $0x80, v7  }
0x54: {  	v12 =	vor.u32 v18, v20;
	v18 =	vor.u32 $0x80, v5;
	[tilespmem:v13+s10+$0x0] =	vst.idx.add.f32.msk $0xffff, v27  }
0x55: {  	v19 =	vor.u32 $0x80, v4;
	[tilespmem:v29+s10+$0x0] =	vst.idx.add.f32.msk $0xffff, v24  }
0x56: {  	[tilespmem:v10+s10+$0x0] =	vst.idx.add.f32.msk $0xffff, v26  }
0x57: {  	[tilespmem:v15+s10+$0x0] =	vst.idx.add.f32.msk $0xffff, v23  }
0x58: {  	v24 =	vor.u32 $0x80, v14;
	v27 =	vld.idx.msk [tilespmem:v17+s14+$0x0], $0xffff  }
0x59: {  	v17 =	vld.idx.msk [tilespmem:v18+s14+$0x0], $0xffff;
	v18 =	vor.u32 $0x100, v11  }
0x5a: {  	v22 =	vld.idx.msk [tilespmem:v19+s14+$0x0], $0xffff;
	v19 =	vor.u32 $0x80, v8  }
0x5b: {  	v63 =	vor.u32 $0x80, v13  }
0x5c: {  	v20 =	vor.u32 $0x100, v3;
	[tilespmem:v12+s10+$0x0] =	vst.idx.add.f32.msk $0xffff, v21  }
0x5d: {  	v21 =	vor.u32 $0x80, v6;
	[tilespmem:v24+s10+$0x0] =	vst.idx.add.f32.msk $0xffff, v25  }
0x5e: {  	v24 =	vld.idx.msk [tilespmem:v18+s14+$0x0], $0xffff;
	v18 =	vor.u32 $0x80, v15  }
0x5f: {  	[tilespmem:v19+s10+$0x0] =	vst.idx.add.f32.msk $0xffff, v28  }
0x60: {  	[tilespmem:v63+s10+$0x0] =	vst.idx.add.f32.msk $0xffff, v27  }
0x61: {  	v23 =	vld.idx.msk [tilespmem:v20+s14+$0x0], $0xffff  }
0x62: {  	s19 =	simm.s32 $0x0;
	v25 =	vor.u32 $0x80, v12;
	v26 =	vld.idx.msk [tilespmem:v21+s14+$0x0], $0xffff  }
.LBB2_5:
0x63: {  	s19 =	sadd.s32 $0x8, s19;
	[tilespmem:v18+s10+$0x0] =	vst.idx.add.f32.msk $0xffff, v17;
	s18 =	sadd.s32 $0x80, s18;
	s17 =	sadd.s32 $0x80, s17  }
0x64: {  	v17 =	vld [tilespmem:s17+$0x30];
	p0 =	slt.u32 s19, $0xF8  }
0x65: {  	v18 =	vld [tilespmem:s18+$0xFFFFFFD0]  }
0x66: {  	v20 =	vld [tilespmem:s18+$0xFFFFFFE0]  }
0x67: {  	v27 =	vor.u32 $0x100, v5;
	v21 =	vld [tilespmem:s18+$0xFFFFFFF0]  }
0x68: {  	v19 =	vld [tilespmem:s18+$0x0]  }
0x69: {  	v28 =	vld [tilespmem:s18+$0x10]  }
0x6a: {  	v29 =	vld [tilespmem:s18+$0x20]  }
0x6b: {  	[tilespmem:v25+s10+$0x0] =	vst.idx.add.f32.msk $0xffff, v26;
	v25 =	vor.u32 $0x100, v8  }
0x6c: {  	v26 =	vld.idx.msk [tilespmem:v27+s14+$0x0], $0xffff;
	v27 =	vor.u32 $0x100, v16  }
0x6d: {  	v31 =	vor.u32 $0x100, v9;
	v30 =	vld [tilespmem:s18+$0x30]  }
0x6e: {  	v33 =	vor.u32 $0x80, v2;
	v32 =	vld [tilespmem:s18+$0xFFFFFFC0]  }
0x6f: {  	v11 =	vor.u32 $0x180, v11;
	v34 =	vld [tilespmem:s17+$0xFFFFFFC0]  }
0x70: {  	v35 =	vor.u32 $0x80, v10;
	[tilespmem:v25+s10+$0x0] =	vst.idx.add.f32.msk $0xffff, v23  }
0x71: {  	v23 =	vor.u32 $0x100, v7;
	[tilespmem:v27+s10+$0x0] =	vst.idx.add.f32.msk $0xffff, v24  }
0x72: {  	v24 =	vor.u32 $0x100, v4;
	v25 =	vld.idx.msk [tilespmem:v31+s14+$0x0], $0xffff  }
0x73: {  	v31 =	vor.u32 $0x100, v6;
	v27 =	vld.idx.msk [tilespmem:v33+s14+$0x0], $0xffff  }
0x74: {  	v33 =	vor.u32 $0x100, v15;
	v11 =	vld.idx.msk [tilespmem:v11+s14+$0x0], $0xffff  }
0x75: {  	v16 =	vor.u32 $0x180, v16;
	[tilespmem:v35+s10+$0x0] =	vst.idx.add.f32.msk $0xffff, v22  }
0x76: {  	v22 =	vor.u32 $0x80, v1;
	v23 =	vld.idx.msk [tilespmem:v23+s14+$0x0], $0xffff  }
0x77: {  	v35 =	vor.u32 $0x100, v14;
	v24 =	vld.idx.msk [tilespmem:v24+s14+$0x0], $0xffff  }
0x78: {  	v9 =	vor.u32 $0x180, v9;
	v31 =	vld.idx.msk [tilespmem:v31+s14+$0x0], $0xffff  }
0x79: {  	[tilespmem:v33+s10+$0x0] =	vst.idx.add.f32.msk $0xffff, v26;
	v26 =	vor.u32 $0x100, v12  }
0x7a: {  	v3 =	vor.u32 $0x180, v3;
	[tilespmem:v16+s10+$0x0] =	vst.idx.add.f32.msk $0xffff, v11  }
0x7b: {  	v11 =	vor.u32 $0x100, v13;
	[tilespmem:v22+s10+$0x0] =	vst.idx.add.f32.msk $0xffff, v27  }
0x7c: {  	v16 =	vor.u32 $0x100, v2;
	[tilespmem:v35+s10+$0x0] =	vst.idx.add.f32.msk $0xffff, v25  }
0x7d: {  	v5 =	vor.u32 $0x180, v5;
	v9 =	vld.idx.msk [tilespmem:v9+s14+$0x0], $0xffff  }
0x7e: {  	v7 =	vor.u32 $0x180, v7;
	[tilespmem:v26+s10+$0x0] =	vst.idx.add.f32.msk $0xffff, v31  }
0x7f: {  	v14 =	vor.u32 $0x180, v14;
	v3 =	vld.idx.msk [tilespmem:v3+s14+$0x0], $0xffff  }
0x80: {  	v6 =	vor.u32 $0x180, v6;
	[tilespmem:v11+s10+$0x0] =	vst.idx.add.f32.msk $0xffff, v23  }
0x81: {  	v11 =	vld.idx.msk [tilespmem:v16+s14+$0x0], $0xffff;
	v16 =	vor.u32 $0x100, v10  }
0x82: {  	v22 =	vor.u32 $0x100, v1;
	v5 =	vld.idx.msk [tilespmem:v5+s14+$0x0], $0xffff  }
0x83: {  	v4 =	vor.u32 $0x180, v4;
	v2 =	vor.u32 $0x180, v2;
	v7 =	vld.idx.msk [tilespmem:v7+s14+$0x0], $0xffff  }
0x84: {  	[tilespmem:v14+s10+$0x0] =	vst.idx.add.f32.msk $0xffff, v9  }
0x85: {  	v9 =	vor.u32 $0x180, v15;
	v6 =	vld.idx.msk [tilespmem:v6+s14+$0x0], $0xffff  }
0x86: {  	v13 =	vor.u32 $0x180, v13;
	[tilespmem:v16+s10+$0x0] =	vst.idx.add.f32.msk $0xffff, v24  }
0x87: {  	v8 =	vor.u32 $0x180, v8;
	[tilespmem:v22+s10+$0x0] =	vst.idx.add.f32.msk $0xffff, v11  }
0x88: {  	v12 =	vor.u32 $0x180, v12;
	v14 =	vor.u32 $0x180, v1;
	v11 =	vld.idx.msk [tilespmem:v2+s14+$0x0], $0xffff  }
0x89: {  	v10 =	vor.u32 $0x180, v10;
	v1 =	vand.u32 $0x7F, v34;
	v2 =	vshll.u32 v34, $0x2;
	v4 =	vld.idx.msk [tilespmem:v4+s14+$0x0], $0xffff  }
0x8a: {  	v15 =	vand.u32 $0x7F, v32;
	v16 =	vshll.u32 v32, $0x2;
	v2 =	vand.u32 $0xFFFFFE00, v2;
	[tilespmem:v9+s10+$0x0] =	vst.idx.add.f32.msk $0xffff, v5  }
0x8b: {  	v5 =	vand.u32 $0xFFFFFE00, v16;
	v1 =	vor.u32 v1, v2;
	v9 =	vshll.u32 v30, $0x2;
	[tilespmem:v13+s10+$0x0] =	vst.idx.add.f32.msk $0xffff, v7  }
0x8c: {  	v16 =	vand.u32 $0x7F, v30;
	v7 =	vand.u32 $0x7F, v29;
	v13 =	vshll.u32 v29, $0x2;
	[tilespmem:v8+s10+$0x0] =	vst.idx.add.f32.msk $0xffff, v3  }
0x8d: {  	v2 =	vor.u32 v15, v5;
	v3 =	vshll.u32 v28, $0x2;
	v5 =	vand.u32 $0xFFFFFE00, v13;
	[tilespmem:v12+s10+$0x0] =	vst.idx.add.f32.msk $0xffff, v6  }
0x8e: {  	v6 =	vshll.u32 v19, $0x2;
	v8 =	vand.u32 $0xFFFFFE00, v3;
	v3 =	vand.u32 $0xFFFFFE00, v9;
	[tilespmem:v14+s10+$0x0] =	vst.idx.add.f32.msk $0xffff, v11  }
0x8f: {  	v9 =	vshll.u32 v21, $0x2;
	v12 =	vand.u32 $0x7F, v28;
	v3 =	vor.u32 v16, v3;
	[tilespmem:v10+s10+$0x0] =	vst.idx.add.f32.msk $0xffff, v4  }
0x90: {  	v13 =	vand.u32 $0x7F, v21;
	v9 =	vand.u32 $0xFFFFFE00, v9;
	v4 =	vshll.u32 v20, $0x2;
	v10 =	vld [tilespmem:s17+$0xFFFFFFE0]  }
0x91: {  	v14 =	vshll.u32 v18, $0x2;
	v11 =	vor.u32 v7, v5;
	v4 =	vand.u32 $0xFFFFFE00, v4;
	v15 =	vld [tilespmem:s17+$0xFFFFFFD0]  }
0x92: {  	v7 =	vor.u32 v12, v8;
	v5 =	vand.u32 $0xFFFFFE00, v14;
	v14 =	vand.u32 $0x7F, v20;
	v20 =	vld [tilespmem:s17+$0x0]  }
0x93: {  	v8 =	vand.u32 $0x7F, v18;
	v4 =	vor.u32 v14, v4;
	v14 =	vand.u32 $0x7F, v17;
	v12 =	vld [tilespmem:s17+$0x20]  }
0x94: {  	v6 =	vand.u32 $0xFFFFFE00, v6;
	v5 =	vor.u32 v8, v5;
	v8 =	vand.u32 $0x7F, v19;
	v18 =	vld.idx.msk [tilespmem:v3+s14+$0x0], $0xffff  }
0x95: {  	v9 =	vor.u32 v13, v9;
	v6 =	vor.u32 v8, v6;
	v16 =	vshll.u32 v10, $0x2;
	v19 =	vld [tilespmem:s17+$0xFFFFFFF0]  }
0x96: {  	v8 =	vshll.u32 v17, $0x2;
	v21 =	vshll.u32 v15, $0x2;
	v13 =	vand.u32 $0xFFFFFE00, v16;
	v22 =	vld.idx.msk [tilespmem:v11+s14+$0x0], $0xffff  }
0x97: {  	v8 =	vand.u32 $0xFFFFFE00, v8;
	v17 =	vld.idx.msk [tilespmem:v2+s14+$0x0], $0xffff;
	v16 =	vshll.u32 v20, $0x2  }
0x98: {  	v8 =	vor.u32 v14, v8;
	v23 =	vand.u32 $0xFFFFFE00, v16;
	v24 =	vld [tilespmem:s17+$0x10];
	v16 =	vshll.u32 v12, $0x2  }
0x99: {  	v12 =	vand.u32 $0x7F, v12;
	v25 =	vld.idx.msk [tilespmem:v5+s14+$0x0], $0xffff;
	v14 =	vand.u32 $0xFFFFFE00, v16  }
0x9a: {  	v26 =	vld.idx.msk [tilespmem:v9+s14+$0x0], $0xffff;
	v27 =	vshll.u32 v19, $0x2;
	v16 =	vor.u32 v12, v14  }
0x9b: {  	v12 =	vand.u32 $0x7F, v19;
	v14 =	vand.u32 $0xFFFFFE00, v27;
	v19 =	vld.idx.msk [tilespmem:v6+s14+$0x0], $0xffff;
	v27 =	vor.u32 $0x80, v11  }
0x9c: {  	v28 =	vld.idx.msk [tilespmem:v4+s14+$0x0], $0xffff;
	v14 =	vor.u32 v12, v14  }
0x9d: {  	v29 =	vor.u32 $0x80, v9;
	[tilespmem:v1+s10+$0x0] =	vst.idx.add.f32.msk $0xffff, v17;
	v17 =	vor.u32 $0x80, v4;
	v30 =	vand.u32 $0x7F, v24  }
0x9e: {  	v31 =	vor.u32 $0x80, v3;
	v12 =	vand.u32 $0x7F, v20;
	v24 =	vshll.u32 v24, $0x2;
	v20 =	vld.idx.msk [tilespmem:v7+s14+$0x0], $0xffff  }
0x9f: {  	v10 =	vand.u32 $0x7F, v10;
	v12 =	vor.u32 v12, v23;
	v23 =	vand.u32 $0xFFFFFE00, v24;
	[tilespmem:v16+s10+$0x0] =	vst.idx.add.f32.msk $0xffff, v22  }
0xa0: {  	v10 =	vor.u32 v10, v13;
	v13 =	vor.u32 v30, v23;
	v23 =	vld.idx.msk [tilespmem:v27+s14+$0x0], $0xffff  }
0xa1: {  	v24 =	vor.u32 $0x80, v16;
	[tilespmem:v14+s10+$0x0] =	vst.idx.add.f32.msk $0xffff, v26  }
0xa2: {  	v26 =	vld.idx.msk [tilespmem:v29+s14+$0x0], $0xffff  }
0xa3: {  	v15 =	vand.u32 $0x7F, v15;
	v21 =	vand.u32 $0xFFFFFE00, v21;
	v27 =	vor.u32 $0x80, v6;
	[tilespmem:v8+s10+$0x0] =	vst.idx.add.f32.msk $0xffff, v18  }
0xa4: {  	v15 =	vor.u32 v15, v21;
	v18 =	vld.idx.msk [tilespmem:v31+s14+$0x0], $0xffff  }
0xa5: {  	[tilespmem:v13+s10+$0x0] =	vst.idx.add.f32.msk $0xffff, v20  }
0xa6: {  	v20 =	vor.u32 $0x80, v7;
	[tilespmem:v10+s10+$0x0] =	vst.idx.add.f32.msk $0xffff, v28  }
0xa7: {  	v21 =	vor.u32 $0x80, v5;
	v22 =	vld.idx.msk [tilespmem:v17+s14+$0x0], $0xffff  }
0xa8: {  	[tilespmem:v24+s10+$0x0] =	vst.idx.add.f32.msk $0xffff, v23;
	v23 =	vor.u32 $0x80, v8  }
0xa9: {  	v24 =	vor.u32 $0x100, v3;
	[tilespmem:v15+s10+$0x0] =	vst.idx.add.f32.msk $0xffff, v25  }
0xaa: {  	v28 =	vor.u32 $0x80, v14;
	[tilespmem:v12+s10+$0x0] =	vst.idx.add.f32.msk $0xffff, v19  }
0xab: {  	v25 =	vor.u32 $0x80, v12;
	v19 =	vld.idx.msk [tilespmem:v20+s14+$0x0], $0xffff  }
0xac: {  	v20 =	vor.u32 $0x100, v11;
	v17 =	vld.idx.msk [tilespmem:v21+s14+$0x0], $0xffff  }
0xad: {  	v21 =	vor.u32 $0x80, v13;
	[tilespmem:v23+s10+$0x0] =	vst.idx.add.f32.msk $0xffff, v18  }
.Ltmp1:
0xae: {  	v18 =	vor.u32 $0x80, v15;
	v23 =	vld.idx.msk [tilespmem:v24+s14+$0x0], $0xffff;
	(pc) =	sbr.rel @p0 .LBB2_5-.Ltmp1, $4  }
0xaf: {  	[tilespmem:v28+s10+$0x0] =	vst.idx.add.f32.msk $0xffff, v26  }
0xb0: {  	v26 =	vld.idx.msk [tilespmem:v27+s14+$0x0], $0xffff  }
0xb1: {  	v24 =	vld.idx.msk [tilespmem:v20+s14+$0x0], $0xffff  }
0xb2: {  	[tilespmem:v21+s10+$0x0] =	vst.idx.add.f32.msk $0xffff, v19  }
0xb3: {  	_ = 	snop  }
0xb4: {  	v19 =	vor.u32 $0x100, v5  }
0xb5: {  	v20 =	vor.u32 $0x100, v8  }
0xb6: {  	v21 =	vor.u32 $0x100, v16  }
0xb7: {  	[tilespmem:v18+s10+$0x0] =	vst.idx.add.f32.msk $0xffff, v17;
	v37 =	vor.u32 $0x100, v9  }
0xb8: {  	v38 =	vor.u32 $0x80, v2;
	[tilespmem:v25+s10+$0x0] =	vst.idx.add.f32.msk $0xffff, v26  }
0xb9: {  	v39 =	vor.u32 $0x80, v10;
	v19 =	vld.idx.msk [tilespmem:v19+s14+$0x0], $0xffff  }
0xba: {  	v40 =	vor.u32 $0x100, v7;
	[tilespmem:v20+s10+$0x0] =	vst.idx.add.f32.msk $0xffff, v23  }
0xbb: {  	v42 =	vor.u32 $0x100, v6;
	[tilespmem:v21+s10+$0x0] =	vst.idx.add.f32.msk $0xffff, v24  }
0xbc: {  	v11 =	vor.u32 $0x180, v11;
	v17 =	vld.idx.msk [tilespmem:v37+s14+$0x0], $0xffff  }
0xbd: {  	v41 =	vor.u32 $0x100, v4;
	v18 =	vld.idx.msk [tilespmem:v38+s14+$0x0], $0xffff  }
0xbe: {  	v3 =	vor.u32 $0x180, v3;
	[tilespmem:v39+s10+$0x0] =	vst.idx.add.f32.msk $0xffff, v22  }
0xbf: {  	v43 =	vor.u32 $0x100, v15;
	v20 =	vld.idx.msk [tilespmem:v40+s14+$0x0], $0xffff  }
0xc0: {  	v45 =	vor.u32 $0x80, v1;
	v23 =	vld.idx.msk [tilespmem:v42+s14+$0x0], $0xffff  }
0xc1: {  	v46 =	vor.u32 $0x100, v14;
	v11 =	vld.idx.msk [tilespmem:v11+s14+$0x0], $0xffff  }
0xc2: {  	v48 =	vor.u32 $0x100, v12;
	v21 =	vld.idx.msk [tilespmem:v41+s14+$0x0], $0xffff  }
0xc3: {  	v49 =	vor.u32 $0x100, v13;
	v3 =	vld.idx.msk [tilespmem:v3+s14+$0x0], $0xffff  }
0xc4: {  	v44 =	vor.u32 $0x180, v16;
	[tilespmem:v43+s10+$0x0] =	vst.idx.add.f32.msk $0xffff, v19  }
0xc5: {  	v47 =	vor.u32 $0x180, v9;
	[tilespmem:v45+s10+$0x0] =	vst.idx.add.f32.msk $0xffff, v18  }
0xc6: {  	v50 =	vor.u32 $0x100, v2;
	[tilespmem:v46+s10+$0x0] =	vst.idx.add.f32.msk $0xffff, v17  }
0xc7: {  	v51 =	vor.u32 $0x180, v5;
	[tilespmem:v48+s10+$0x0] =	vst.idx.add.f32.msk $0xffff, v23  }
0xc8: {  	v52 =	vor.u32 $0x180, v7;
	[tilespmem:v49+s10+$0x0] =	vst.idx.add.f32.msk $0xffff, v20  }
0xc9: {  	v54 =	vor.u32 $0x180, v6;
	[tilespmem:v44+s10+$0x0] =	vst.idx.add.f32.msk $0xffff, v11  }
0xca: {  	v56 =	vor.u32 $0x100, v10;
	v9 =	vld.idx.msk [tilespmem:v47+s14+$0x0], $0xffff  }
0xcb: {  	v61 =	vor.u32 $0x180, v8;
	v55 =	vld.idx.msk [tilespmem:v50+s14+$0x0], $0xffff  }
0xcc: {  	v58 =	vor.u32 $0x180, v4;
	v5 =	vld.idx.msk [tilespmem:v51+s14+$0x0], $0xffff  }
0xcd: {  	v53 =	vor.u32 $0x180, v14;
	v7 =	vld.idx.msk [tilespmem:v52+s14+$0x0], $0xffff  }
0xce: {  	v57 =	vor.u32 $0x100, v1;
	v6 =	vld.idx.msk [tilespmem:v54+s14+$0x0], $0xffff  }
0xcf: {  	v2 =	vor.u32 $0x180, v2;
	[tilespmem:v56+s10+$0x0] =	vst.idx.add.f32.msk $0xffff, v21  }
0xd0: {  	v59 =	vor.u32 $0x180, v15;
	[tilespmem:v61+s10+$0x0] =	vst.idx.add.f32.msk $0xffff, v3  }
0xd1: {  	v60 =	vor.u32 $0x180, v13;
	v4 =	vld.idx.msk [tilespmem:v58+s14+$0x0], $0xffff  }
0xd2: {  	v62 =	vor.u32 $0x180, v12;
	[tilespmem:v53+s10+$0x0] =	vst.idx.add.f32.msk $0xffff, v9  }
0xd3: {  	v63 =	vor.u32 $0x180, v10;
	s16 =	sadd.s32 $0x1, s16;
	[tilespmem:v57+s10+$0x0] =	vst.idx.add.f32.msk $0xffff, v55  }
0xd4: {  	v1 =	vor.u32 $0x180, v1;
	p0 =	sne.s32 s16, $0x4F;
	v2 =	vld.idx.msk [tilespmem:v2+s14+$0x0], $0xffff  }
.Ltmp2:
0xd5: {  	[tilespmem:v59+s10+$0x0] =	vst.idx.add.f32.msk $0xffff, v5;
	(pc) =	sbr.rel @p0 .LBB2_4-.Ltmp2, $4  }
0xd6: {  	[tilespmem:v60+s10+$0x0] =	vst.idx.add.f32.msk $0xffff, v7  }
0xd7: {  	[tilespmem:v62+s10+$0x0] =	vst.idx.add.f32.msk $0xffff, v6  }
0xd8: {  	[tilespmem:v63+s10+$0x0] =	vst.idx.add.f32.msk $0xffff, v4  }
0xd9: {  	[tilespmem:v1+s10+$0x0] =	vst.idx.add.f32.msk $0xffff, v2  }
0xda: {  	s15 =	sadd.s32 $0x1, s15  }
0xdb: {  	p0 =	sne.s32 s15, s7  }
.Ltmp3:
0xdc: {  	_ = 	snop;
	(pc) =	sbr.rel @p0 .LBB2_1-.Ltmp3, $4  }
0xdd: {  	[hbm4b:s6+s8] =	stream.strided.scatter [tilespmem:s10], [sflag:$0x2], $0xA000, s9, s8, $0x38;
	[tilespmem:$0x16000] =	vst v63  }
0xde: {  	_ =	swait.ge [sflag:s12], $0xA000  }
0xdf: {  	[sflag:s12] =	ssyncset.done $0x0  }
0xe0: {  	[sflag:s12] =	ssyncadd.s32 $0xFFFF6000  }
0xe1: {  	_ =	sfence.sel $0x180000  }
0xe2: {  	[bflag:$0x0] =	sbarrier.arrive $0xFFFF  }
0xe3: {  	p0 =	sne.s32 s0, $0x0;
	_ =	strace $0x90000053  }
0xe4: {  	s0 =	sadd.s32 @!p0 $0x100000, s1;
	[bflag:$0x2] =	sbarrier.arrive $0xFFFF  }
0xe5: {  	[sflag:s0] =	ssyncadd.tile.s32 @!p0 $0x1;
	_ =	shalt  }
.Lfunc_end2:
_tile_overlayer_lowered:
.L_overlay_start_2:
0xe6: {  	(tag) =	ssettag $0x2  }
0xe7: {  	s0 =	rddreg [dreg:$0x0];
	s2 =	stileid.u32  }
0xe8: {  	s1 =	rddreg [dreg:$0x1];
	p0 =	sne.s32 s2, $0x0  }
0xe9: {  	s3 =	rddreg [dreg:$0x2];
	[bflag:$0x3] =	sbarrier.arrive $0xFFFF;
	s2 =	simm.s32 @!p0 $0x1C02  }
0xea: {  	[timem:s3], [sflag:s2] =	dma.local @!p0 [hbm:s0], s1  }
0xeb: {  	s0 =	simm.s32 @!p0 $0x2  }
0xec: {  	_ =	swait.ge @!p0 [sflag:s0], s1  }
0xed: {  	s1 =	ssub.s32 @!p0 $0x0, s1;
	[sflag:s0] =	ssyncset.done @!p0 $0x0  }
0xee: {  	[sflag:s0] =	ssyncadd.s32 @!p0 s1  }
0xef: {  	[bflag:$0x3] =	sbarrier.arrive $0xFFFF  }
0xf0: {  	_ =	shalt  }

// kernel: kernel.32.cloned.1.call-start
scs
__scs_entry_jumppad:
0x0: {  	(pc) =	sbr.rel $0x88, $3  }
0x1: {  	(tag) =	ssettag $0x0;
	lr =	simm.s32 $0x1  }
0x2: {  	[smem:$0x3F97] =	sst lr;
	_ =	strace $0xD0000000  }
0x3: {  	_ = 	snop  }
0x4: {  	_ = 	snop  }
0x5: {  	_ = 	snop  }
0x6: {  	_ = 	snop  }
0x7: {  	_ = 	snop  }
__scs_overlays_trampoline_lowered:
0x8: {  	[smem:$0x3FA6] =	sst s0  }
0x9: {  	[smem:$0x3FA7] =	sst s1  }
0xa: {  	[smem:$0x3FA8] =	sst s2  }
0xb: {  	[smem:$0x3FA9] =	sst s3  }
0xc: {  	[smem:$0x3FAA] =	sst s4  }
0xd: {  	[smem:$0x3FAB] =	sst s5  }
0xe: {  	[smem:$0x3FAC] =	sst s6  }
0xf: {  	[smem:$0x3FAD] =	sst s7  }
0x10: {  	[smem:$0x3FAE] =	sst s8  }
0x11: {  	[smem:$0x3FAF] =	sst s9;
	s0 =	simm.s32 @!p0 $0x0  }
0x12: {  	s1 =	sld [smem:$0x3F95];
	s0 =	simm.s32 @p0 $0x1  }
0x13: {  	[smem:$0x3FB0] =	sst s0;
	s0 =	simm.s32 @!p1 $0x0  }
0x14: {  	s2 =	sld [smem:$0x3F94];
	s0 =	simm.s32 @p1 $0x1  }
0x15: {  	[smem:$0x3FB1] =	sst s0;
	s0 =	simm.s32 @!p2 $0x0  }
0x16: {  	s3 =	sld [smem:$0x3FDB];
	s0 =	simm.s32 @p2 $0x1  }
0x17: {  	s4 =	simm.s32 $0x1BF5;
	[smem:$0x3FB3] =	sst s0  }
0x18: {  	s0 =	sld [smem:$0x3F96];
	_ =	swait.ge [sflag:s4], $0x0  }
0x19: {  	s7 =	sld [smem:$0x3F97]  }
0x1a: {  	s8 =	sadd.s32 $0xFFFFE003, lr  }
0x1b: {  	s9 =	sadd.s32 $0xFFFFFEF7, lr;
	s5 =	simm.s32 $0xFFFFFFFF;
	p2 =	slt.u32 s8, $0xFFFFF086  }
0x1c: {  	p1 =	slt.u32 s9, $0xF7A;
	s5 =	simm.s32 @!p2 $0x0  }
0x1d: {  	s5 =	simm.s32 @p1 $0x1;
	p0 =	seq.s32 s7, s2  }
0x1e: {  	s7 =	smul.u32 @!p0 $0xF7A, s2;
	p2 =	seq.s32 @!p0 s5, $0x0  }
0x1f: {  	s9 =	smul.u32 $0xF7A, s1;
	s8 =	simm.s32 @!p0 $0x1BF5;
	p2 =	por !p2, p0  }
0x20: {  	[sflag:s8] =	ssyncset.s32 @!p0 $0xFFFFF086;
	s6 =	sadd.s32 @!p0 s3, s7;
	s7 =	simm.s32 @!p0 $0x108  }
0x21: {  	s3 =	sadd.s32 s3, s9;
	s6 =	sadd.s32 @!p0 $0x88, s6;
	s7 =	simm.s32 @p2 $0x1082  }
0x22: {  	[simem:s7], [sflag:s8] =	dma.local @!p0 [hbm:s6], $0xF7A  }
0x23: {  	s9 =	sor.u32 $0xD0000000, s2;
	s6 =	simm.s32 $0x108;
	_ =	swait.ge @!p0 [sflag:s8], $0x0  }
0x24: {  	s3 =	sadd.s32 $0x88, s3;
	s6 =	simm.s32 @!p1 $0x1082;
	[sflag:s4] =	ssyncset.s32 $0xFFFFF086  }
0x25: {  	[simem:s6], [sflag:s4] =	dma.local [hbm:s3], $0xF7A  }
0x26: {  	[smem:$0x3F97] =	sst s1;
	(tag) =	ssettag s2;
	_ =	strace s9  }
0x27: {  	s1 =	sld [smem:$0x3FA7]  }
0x28: {  	s2 =	sld [smem:$0x3FA8]  }
0x29: {  	s4 =	sld [smem:$0x3FAA]  }
0x2a: {  	p0 =	seq.s32 s5, $0x0;
	s5 =	sld [smem:$0x3FAB]  }
0x2b: {  	s6 =	sld [smem:$0x3FAC]  }
0x2c: {  	s7 =	sld [smem:$0x3FAD]  }
0x2d: {  	s3 =	simm.s32 $0x108;
	s8 =	sld [smem:$0x3FAE]  }
0x2e: {  	s3 =	simm.s32 @!p0 $0x1082;
	s9 =	sld [smem:$0x3FAF]  }
0x2f: {  	lr =	sadd.s32 s0, s3;
	s0 =	sld [smem:$0x3FA6]  }
0x30: {  	s3 =	sld [smem:$0x3FA9]  }
0x31: {  	[smem:$0x3FB2] =	sst s10  }
0x32: {  	s10 =	sld [smem:$0x3FB0];
	_ =	sdelay $0x3  }
0x33: {  	p0 =	seq.s32 s10, $0x1;
	s10 =	sld [smem:$0x3FB2];
	_ =	sdelay $0x3  }
0x34: {  	[smem:$0x3FB2] =	sst s10  }
0x35: {  	s10 =	sld [smem:$0x3FB1];
	_ =	sdelay $0x3  }
0x36: {  	p1 =	seq.s32 s10, $0x1;
	s10 =	sld [smem:$0x3FB2];
	_ =	sdelay $0x3  }
0x37: {  	[smem:$0x3FB2] =	sst s10  }
0x38: {  	s10 =	sld [smem:$0x3FB3]  }
0x39: {  	_ = 	snop;
	(pc) =	sbr.ind lr, $3  }
0x3a: {  	_ = 	snop  }
0x3b: {  	_ = 	snop  }
0x3c: {  	p2 =	seq.s32 s10, $0x1;
	s10 =	sld [smem:$0x3FB2]  }
0x3d: {  	_ =	shalt  }
0x3e: {  	_ =	shalt  }
0x3f: {  	_ =	shalt  }
0x40: {  	_ =	shalt  }
0x41: {  	_ =	shalt  }
0x42: {  	_ =	shalt  }
0x43: {  	_ =	shalt  }
0x44: {  	_ =	shalt  }
0x45: {  	_ =	shalt  }
0x46: {  	_ =	shalt  }
0x47: {  	_ =	shalt  }
0x48: {  	_ =	shalt  }
0x49: {  	_ =	shalt  }
0x4a: {  	_ =	shalt  }
0x4b: {  	_ =	shalt  }
0x4c: {  	_ =	shalt  }
0x4d: {  	_ =	shalt  }
0x4e: {  	_ =	shalt  }
0x4f: {  	_ =	shalt  }
0x50: {  	_ =	shalt  }
0x51: {  	_ =	shalt  }
0x52: {  	_ =	shalt  }
0x53: {  	_ =	shalt  }
0x54: {  	_ =	shalt  }
0x55: {  	_ =	shalt  }
0x56: {  	_ =	shalt  }
0x57: {  	_ =	shalt  }
0x58: {  	_ =	shalt  }
0x59: {  	_ =	shalt  }
0x5a: {  	_ =	shalt  }
0x5b: {  	_ =	shalt  }
0x5c: {  	_ =	shalt  }
0x5d: {  	_ =	shalt  }
0x5e: {  	_ =	shalt  }
0x5f: {  	_ =	shalt  }
0x60: {  	_ =	shalt  }
0x61: {  	_ =	shalt  }
0x62: {  	_ =	shalt  }
0x63: {  	_ =	shalt  }
0x64: {  	_ =	shalt  }
0x65: {  	_ =	shalt  }
0x66: {  	_ =	shalt  }
0x67: {  	_ =	shalt  }
0x68: {  	_ =	shalt  }
0x69: {  	_ =	shalt  }
0x6a: {  	_ =	shalt  }
0x6b: {  	_ =	shalt  }
0x6c: {  	_ =	shalt  }
0x6d: {  	_ =	shalt  }
0x6e: {  	_ =	shalt  }
0x6f: {  	_ =	shalt  }
0x70: {  	_ =	shalt  }
0x71: {  	_ =	shalt  }
0x72: {  	_ =	shalt  }
0x73: {  	_ =	shalt  }
0x74: {  	_ =	shalt  }
0x75: {  	_ =	shalt  }
0x76: {  	_ =	shalt  }
0x77: {  	_ =	shalt  }
0x78: {  	_ =	shalt  }
0x79: {  	_ =	shalt  }
0x7a: {  	_ =	shalt  }
0x7b: {  	_ =	shalt  }
0x7c: {  	_ =	shalt  }
0x7d: {  	_ =	shalt  }
0x7e: {  	_ =	shalt  }
0x7f: {  	_ =	shalt  }
0x80: {  	_ =	shalt  }
0x81: {  	_ =	shalt  }
0x82: {  	_ =	shalt  }
0x83: {  	_ =	shalt  }
0x84: {  	_ =	shalt  }
0x85: {  	_ =	shalt  }
0x86: {  	_ =	shalt  }
0x87: {  	_ =	shalt  }
.Lfunc_end0:
.L_simem_size_0:
called_computation.5_lowered:
.L_overlay_start_0:
0x88: {  	s2 =	sld [smem:$0x3FD9]  }
0x89: {  	s3 =	sld [smem:$0x3FFE];
	_ =	sdelay $0x1  }
0x8a: {  	s1 =	srdreg.scid  }
0x8b: {  	s0 =	sand.u32 $0x1, s1  }
0x8c: {  	s17 =	sshll.u32 s0, $0xA;
	s2 =	sadd.s32 s3, s2  }
0x8d: {  	s2 =	sadd.s32 s2, s17  }
0x8e: {  	[smem:$0x3FBE] =	sst s2  }
0x8f: {  	_ = 	snop  }
0x90: {  	s2 =	sld [smem:$0x3FC0];
	(tm) =	ssettm $0x1  }
0x91: {  	s18 =	sld [smem:$0x3FFB];
	_ =	sdelay $0x3  }
0x92: {  	_ =	strace s18  }
0x93: {  	s3 =	sld [smem:$0x3FFC];
	_ =	sdelay $0x3  }
0x94: {  	_ =	strace s3  }
0x95: {  	s3 =	sld [smem:$0x3FFD];
	_ =	sdelay $0x3  }
0x96: {  	_ =	strace s3  }
0x97: {  	_ =	strace $0x8FFFFFFF  }
0x98: {  	s19 =	sld [smem:$0x3FDB];
	_ =	sdelay $0x1  }
0x99: {  	s4 =	simm.s32 $_scs_section_size  }
0x9a: {  	s5 =	simm.s32 $_size__tile_overlayer_lowered;
	s6 =	simm.s32 $_tile_overlayer_lowered  }
0x9b: {  	s22 =	simm.s32 $0x1BFF;
	s21 =	sshll.u32 s6, $0x1;
	s3 =	sadd.s32 s4, s19  }
0x9c: {  	s7 =	simm.s32 $0x0;
	s20 =	sshll.u32 s5, $0x1;
	s5 =	sadd.s32 s21, s3  }
0x9d: {  	[timem:s7], [sflag:s22] =	dma.local [hbm:s5], s20  }
0x9e: {  	_ =	swait.ge [sflag:s22], s20  }
0x9f: {  	s4 =	ssub.s32 $0x0, s20;
	[sflag:s22] =	ssyncset.done $0x0  }
0xa0: {  	[sflag:s22] =	ssyncadd.s32 s4;
	_ =	sdelay $0x1  }
0xa1: {  	s23 =	simm.s32 $0x1B8B  }
0xa2: {  	_ =	swait.ge [sflag:s23], $0x1  }
0xa3: {  	[sflag:s23] =	ssyncset.done $0x0  }
0xa4: {  	s25 =	simm.s32 $0x1B8E;
	s24 =	sld [smem:$0x3FFE];
	[sflag:s23] =	ssyncadd.s32 $0xFFFFFFFF  }
0xa5: {  	s26 =	simm.s32 $execute0_lowered;
	[smem:$0x3FD2] =	sst s25  }
0xa6: {  	s5 =	sshll.u32 s26, $0x1;
	_ =	strace $0x80000055;
	[dreg:$0x1] =	wrdreg $0xFFFFFFFF  }
0xa7: {  	s28 =	simm.s32 $_size_execute0_lowered;
	s3 =	sadd.s32 s3, s5;
	[dreg:$0x0] =	wrdreg $0x0  }
0xa8: {  	s5 =	sshll.u32 s28, $0x1;
	[dreg:$0x2] =	wrdreg s3  }
0xa9: {  	[dreg:$0x3] =	wrdreg s5  }
0xaa: {  	[dreg:$0x4] =	wrdreg $0xC0  }
0xab: {  	_ =	task [dreg:s7], $0x5FFFF  }
0xac: {  	[dreg:$0x1] =	wrdreg $0xFFFFFFFF  }
0xad: {  	[dreg:$0x0] =	wrdreg $0x60  }
0xae: {  	[dreg:$0x2] =	wrdreg s24  }
0xaf: {  	[dreg:$0x3] =	wrdreg s2  }
0xb0: {  	[dreg:$0x4] =	wrdreg $0x9  }
0xb1: {  	_ =	task.clear_ibuf [dreg:s7], $0x5FFFF;
	_ =	strace $0x90000055  }
0xb2: {  	s29 =	simm.s32 $0x9;
	_ =	strace $0x80000057  }
0xb3: {  	_ =	swait.ge [sflag:s29], $0x1  }
0xb4: {  	[sflag:s29] =	ssyncadd.s32 $0xFFFFFFFF  }
0xb5: {  	_ =	strace $0x90000057  }
0xb6: {  	_ =	sfence  }
0xb7: {  	s30 =	sld [smem:$0x0];
	_ =	sdelay $0x2  }
0xb8: {  	s31 =	sshll.u32 s1, $0xD;
	s1 =	sshrl.u32 s1, $0x2  }
0xb9: {  	s3 =	sand.u32 $0x4000, s31;
	s1 =	sadd.s32 s1, s30  }
0xba: {  	s0 =	sor.u32 s3, s0;
	s1 =	sshll.u32 s1, $0x11  }
0xbb: {  	s0 =	sor.u32 s1, s0  }
0xbc: {  	s0 =	sadd.s32 $0x8F2B, s0  }
0xbd: {  	[sflag:s0] =	ssyncadd.remote.s32 $0x1  }
0xbe: {  	_ =	sfence.sel $0xFFFF  }
0xbf: {  	[dreg:$0x0] =	wrdreg $0xFFFFFFFF;
	(pc) =	sbr.abs _section_cstart, $3  }
0xc0: {  	[dreg:$0x1] =	wrdreg $0xFFFFFFFF  }
0xc1: {  	_ =	task.clear_ibuf [dreg:s7], $0x2FFFF;
	_ =	strace $0x9FFFFFFF  }
0xc2: {  	(tm) =	ssettm $0x7FFFFFFF  }
0xc3: {  	_ =	shalt  }
tec
execute0_lowered:
.L_overlay_start_1:
0x0: {  	(tag) =	ssettag $0x1  }
0x1: {  	s0 =	rddreg [dreg:$0x0]  }
0x2: {  	s1 =	rddreg [dreg:$0x1];
	s2 =	simm.s32 $0x0;
	s4 =	srdreg.scid  }
0x3: {  	s8 =	stileid.u32;
	s11 =	simm.s32 $0x8100;
	s12 =	simm.s32 $0x3  }
0x4: {  	s13 =	simm.s32 $0x80;
	s14 =	simm.s32 $0x100;
	s15 =	simm.s32 $0x4100  }
0x5: {  	s16 =	simm.s32 $0x1;
	s17 =	simm.s32 $0x2;
	s18 =	simm.s32 $0x0  }
0x6: {  	[smem:$0x7FF] =	sst s2;
	s3 =	sadd.s32 $0x19400, s0;
	s4 =	sand.u32 $0x1, s4  }
0x7: {  	s5 =	sadd.s32 $0x41400, s0;
	s6 =	sadd.s32 $0xF600, s0;
	s9 =	ssub.s32 $0x2, s4  }
0x8: {  	s7 =	sadd.s32 $0x5800, s0;
	s4 =	sshll.u32 s4, $0x4;
	s10 =	sshrl.u32 s9, $0x1  }
0x9: {  	_ =	strace $0x80000056;
	s4 =	sor.u32 s8, s4;
	s31 =	ssub.s32 s9, s10  }
0xa: {  	s8 =	sadd.s32 $0x91400, s0;
	s9 =	smul.u32 $0x2780, s4;
	s10 =	smax.u32 s31, $0x1  }
.LBB2_1:
0xb: {  	[tilespmem:s11], [sflag:$0x3] =	stream.linear.gather [hbm4b:s1+s2], $0x80, $0x38;
	[tilespmem:$0x8180] =	vst v63  }
0xc: {  	_ =	swait.ge [sflag:s12], $0x80  }
0xd: {  	[sflag:s12] =	ssyncset.done $0x0  }
0xe: {  	[sflag:s12] =	ssyncadd.s32 $0xFFFFFF80  }
0xf: {  	v8 =	vld [tilespmem:$0x8100]  }
0x10: {  	v9 =	vld [tilespmem:$0x8110]  }
0x11: {  	v10 =	vld [tilespmem:$0x8120]  }
0x12: {  	v11 =	vld [tilespmem:$0x8130]  }
0x13: {  	v12 =	vld [tilespmem:$0x8140]  }
0x14: {  	v13 =	vld [tilespmem:$0x8150]  }
0x15: {  	v14 =	vld [tilespmem:$0x8160]  }
0x16: {  	v15 =	vld [tilespmem:$0x8170];
	_ =	sdelay $0x1  }
0x17: {  	v0 =	vmul.f32 $6.000000240e-01, v8;
	v1 =	vmul.f32 $6.000000240e-01, v9  }
0x18: {  	v2 =	vmul.f32 $6.000000240e-01, v10;
	v3 =	vmul.f32 $6.000000240e-01, v11  }
0x19: {  	v4 =	vmul.f32 $6.000000240e-01, v12;
	v5 =	vmul.f32 $6.000000240e-01, v13  }
0x1a: {  	v6 =	vmul.f32 $6.000000240e-01, v14;
	v7 =	vmul.f32 $6.000000240e-01, v15  }
0x1b: {  	v8 =	vmul.f32 $4.000000060e-01, v8;
	v9 =	vmul.f32 $4.000000060e-01, v9  }
0x1c: {  	v10 =	vmul.f32 $4.000000060e-01, v10;
	v11 =	vmul.f32 $4.000000060e-01, v11  }
0x1d: {  	v12 =	vmul.f32 $4.000000060e-01, v12;
	v13 =	vmul.f32 $4.000000060e-01, v13  }
0x1e: {  	s19 =	simm.s32 $0x0;
	v14 =	vmul.f32 $4.000000060e-01, v14;
	v15 =	vmul.f32 $4.000000060e-01, v15  }
.LBB2_2:
0x1f: {  	s0 =	sshll.u32 s19, $0x7  }
0x20: {  	s20 =	sadd.s32 s9, s0  }
0x21: {  	s0 =	sshrl.u32 s20, $0x3  }
0x22: {  	s4 =	sadd.s32 s6, s0  }
0x23: {  	[tilespmem:s2], [sflag:$0x3] =	stream.linear.gather [hbm4b:s4+s2], $0x80, $0x38;
	[tilespmem:$0x8180] =	vst v63  }
0x24: {  	_ =	swait.ge [sflag:s12], $0x80  }
0x25: {  	[sflag:s12] =	ssyncset.done $0x0  }
0x26: {  	s0 =	sadd.s32 s7, s0;
	[sflag:s12] =	ssyncadd.s32 $0xFFFFFF80  }
0x27: {  	[tilespmem:s13], [sflag:$0x3] =	stream.linear.gather [hbm4b:s0+s2], $0x80, $0x38;
	[tilespmem:$0x8180] =	vst v63  }
0x28: {  	_ =	swait.ge [sflag:s12], $0x80  }
0x29: {  	[sflag:s12] =	ssyncset.done $0x0  }
0x2a: {  	[sflag:s12] =	ssyncadd.s32 $0xFFFFFF80  }
0x2b: {  	[tilespmem:s14], [sflag:$0x1] =	stream.indirect.gather [hbm4b:s3+s13], $0x80, s2, s13, $0xb8;
	[tilespmem:$0x8180] =	vst v63  }
0x2c: {  	_ = 	snop  }
0x2d: {  	[tilespmem:s15], [sflag:$0x2] =	stream.indirect.gather [hbm4b:s5+s13], $0x80, s13, s13, $0xb8;
	[tilespmem:$0x8180] =	vst v63  }
0x2e: {  	_ =	swait.ge [sflag:s16], $0x4000  }
0x2f: {  	[sflag:s16] =	ssyncset.done $0x0  }
0x30: {  	[sflag:s16] =	ssyncadd.s32 $0xFFFFC000  }
0x31: {  	_ =	swait.ge [sflag:s17], $0x4000  }
0x32: {  	[sflag:s17] =	ssyncset.done $0x0  }
0x33: {  	s21 =	simm.s32 $0x180;
	[sflag:s17] =	ssyncadd.s32 $0xFFFFC000  }
0x34: {  	s30 =	simm.s32 $0x4180;
	v16 =	vld [tilespmem:s21+$0x0]  }
0x35: {  	v17 =	vld [tilespmem:s30+$0x0];
	_ =	sdelay $0x4  }
0x36: {  	v16 =	vadd.f32 v17, v16;
	_ =	sdelay $0x1  }
0x37: {  	v17 =	vand.u32 $0x7FFFFFFF, v16  }
0x38: {  	v16 =	vmul.f32 v16, v0;
	v17 =	vmul.f32 v17, v8;
	_ =	sdelay $0x1  }
0x39: {  	v16 =	vadd.f32 v17, v16;
	_ =	sdelay $0x1  }
0x3a: {  	[tilespmem:s21+$0x0] =	vst v16;
	v16 =	vld [tilespmem:s21+$0x10]  }
0x3b: {  	v17 =	vld [tilespmem:s30+$0x10];
	_ =	sdelay $0x4  }
0x3c: {  	v16 =	vadd.f32 v17, v16;
	_ =	sdelay $0x1  }
0x3d: {  	v17 =	vand.u32 $0x7FFFFFFF, v16  }
0x3e: {  	v16 =	vmul.f32 v16, v1;
	v17 =	vmul.f32 v17, v9  }
0x3f: {  	v18 =	vld [tilespmem:s21+$0xFFFFFF80]  }
0x40: {  	v16 =	vadd.f32 v17, v16;
	v17 =	vld [tilespmem:s30+$0xFFFFFF80];
	_ =	sdelay $0x1  }
0x41: {  	[tilespmem:s21+$0x10] =	vst v16;
	v16 =	vld [tilespmem:s21+$0x20]  }
0x42: {  	s22 =	simm.s32 $0x280;
	v19 =	vld [tilespmem:s30+$0x20]  }
0x43: {  	s24 =	simm.s32 $0x4280;
	v20 =	vld [tilespmem:s22+$0x0]  }
0x44: {  	v21 =	vld [tilespmem:s24+$0x0];
	v17 =	vadd.f32 v17, v18;
	_ =	sdelay $0x1  }
0x45: {  	v18 =	vmul.f32 v17, v0;
	v17 =	vand.u32 $0x7FFFFFFF, v17  }
0x46: {  	v16 =	vadd.f32 v19, v16;
	v17 =	vmul.f32 v17, v8;
	_ =	sdelay $0x1  }
0x47: {  	v20 =	vadd.f32 v21, v20;
	v22 =	vand.u32 $0x7FFFFFFF, v16;
	v18 =	vadd.f32 v17, v18  }
0x48: {  	v23 =	vld [tilespmem:s21+$0xFFFFFFA0];
	v16 =	vmul.f32 v16, v2;
	v21 =	vmul.f32 v22, v10  }
0x49: {  	v19 =	vld [tilespmem:s21+$0xFFFFFF90];
	v22 =	vand.u32 $0x7FFFFFFF, v20;
	[tilespmem:s21+$0xFFFFFF80] =	vst v18  }
0x4a: {  	v20 =	vmul.f32 v20, v0;
	v16 =	vadd.f32 v21, v16;
	v21 =	vmul.f32 v22, v8;
	v18 =	vld [tilespmem:s30+$0xFFFFFF90]  }
0x4b: {  	v27 =	vld [tilespmem:s21+$0xFFFFFFB0]  }
0x4c: {  	[tilespmem:s21+$0x20] =	vst v16;
	v16 =	vadd.f32 v21, v20;
	v20 =	vld [tilespmem:s21+$0x30]  }
0x4d: {  	v22 =	vld [tilespmem:s30+$0x30]  }
0x4e: {  	[tilespmem:s22+$0x0] =	vst v16;
	v16 =	vld [tilespmem:s22+$0x10]  }
0x4f: {  	v25 =	vld [tilespmem:s24+$0x10];
	v18 =	vadd.f32 v18, v19  }
0x50: {  	v26 =	vld [tilespmem:s21+$0xFFFFFFE0]  }
0x51: {  	v24 =	vld [tilespmem:s21+$0xFFFFFFF0];
	v19 =	vand.u32 $0x7FFFFFFF, v18  }
0x52: {  	v29 =	vld [tilespmem:s22+$0xFFFFFFA0];
	v18 =	vmul.f32 v18, v1;
	v20 =	vadd.f32 v22, v20;
	v19 =	vmul.f32 v19, v9  }
0x53: {  	s25 =	simm.s32 $0x4380;
	v30 =	vld [tilespmem:s21+$0x40]  }
0x54: {  	v57 =	vld [tilespmem:s25+$0xFFFFFF80];
	v22 =	vand.u32 $0x7FFFFFFF, v20;
	v16 =	vadd.f32 v25, v16;
	v18 =	vadd.f32 v19, v18  }
0x55: {  	v19 =	vld [tilespmem:s24+$0xFFFFFF80];
	v20 =	vmul.f32 v20, v3;
	v22 =	vmul.f32 v22, v11  }
0x56: {  	v25 =	vld [tilespmem:s22+$0xFFFFFF80];
	v28 =	vand.u32 $0x7FFFFFFF, v16;
	[tilespmem:s21+$0xFFFFFF90] =	vst v18  }
0x57: {  	s23 =	simm.s32 $0x380;
	v20 =	vadd.f32 v22, v20;
	v22 =	vmul.f32 v28, v9;
	v28 =	vld [tilespmem:s30+$0xFFFFFFA0]  }
0x58: {  	v58 =	vld [tilespmem:s23+$0xFFFFFF80]  }
0x59: {  	v36 =	vld [tilespmem:s23+$0xFFFFFF90];
	v16 =	vmul.f32 v16, v1  }
0x5a: {  	v37 =	vld [tilespmem:s23+$0xFFFFFFA0];
	[tilespmem:s21+$0x30] =	vst v20  }
0x5b: {  	v16 =	vadd.f32 v22, v16;
	v19 =	vadd.f32 v19, v25;
	v25 =	vld [tilespmem:s30+$0x40]  }
0x5c: {  	v62 =	vld [tilespmem:s21+$0x60];
	v23 =	vadd.f32 v28, v23  }
0x5d: {  	[tilespmem:s22+$0x10] =	vst v16;
	v16 =	vld [tilespmem:s22+$0x20];
	v20 =	vand.u32 $0x7FFFFFFF, v19  }
0x5e: {  	v19 =	vmul.f32 v19, v0;
	v28 =	vld [tilespmem:s24+$0x20];
	v31 =	vmul.f32 v20, v8;
	v32 =	vand.u32 $0x7FFFFFFF, v23  }
0x5f: {  	v43 =	vld [tilespmem:s22+$0x40];
	v23 =	vmul.f32 v23, v2;
	v32 =	vmul.f32 v32, v10  }
0x60: {  	v19 =	vadd.f32 v31, v19;
	v31 =	vld [tilespmem:s23+$0x0];
	v25 =	vadd.f32 v25, v30  }
0x61: {  	v30 =	vld [tilespmem:s25+$0x0];
	v23 =	vadd.f32 v32, v23  }
0x62: {  	v18 =	vld [tilespmem:s22+$0xFFFFFF90];
	[tilespmem:s22+$0xFFFFFF80] =	vst v19;
	v19 =	vand.u32 $0x7FFFFFFF, v25  }
0x63: {  	v16 =	vadd.f32 v28, v16;
	v54 =	vld [tilespmem:s24+$0xFFFFFF90];
	v19 =	vmul.f32 v19, v12;
	[tilespmem:s21+$0xFFFFFFA0] =	vst v23;
	v23 =	vmul.f32 v25, v4  }
0x64: {  	s26 =	simm.s32 $0x480;
	v45 =	vld [tilespmem:s23+$0x20]  }
0x65: {  	v40 =	vld [tilespmem:s26+$0x0];
	v25 =	vand.u32 $0x7FFFFFFF, v16;
	v19 =	vadd.f32 v19, v23  }
0x66: {  	v16 =	vmul.f32 v16, v2;
	v33 =	vld [tilespmem:s30+$0xFFFFFFB0];
	v34 =	vmul.f32 v25, v10;
	v23 =	vadd.f32 v30, v31  }
0x67: {  	v30 =	vld [tilespmem:s21+$0x50];
	[tilespmem:s21+$0x40] =	vst v19  }
0x68: {  	s28 =	simm.s32 $0x4480;
	v31 =	vadd.f32 v34, v16;
	v18 =	vadd.f32 v54, v18;
	v19 =	vand.u32 $0x7FFFFFFF, v23;
	v55 =	vld [tilespmem:s30+$0x50]  }
0x69: {  	v49 =	vld [tilespmem:s28+$0x0];
	v23 =	vmul.f32 v23, v0;
	v19 =	vmul.f32 v19, v8  }
0x6a: {  	[tilespmem:s22+$0x20] =	vst v31;
	v31 =	vld [tilespmem:s22+$0x30];
	v56 =	vand.u32 $0x7FFFFFFF, v18  }
0x6b: {  	v18 =	vmul.f32 v18, v1;
	v35 =	vld [tilespmem:s24+$0x30];
	v19 =	vadd.f32 v19, v23;
	v23 =	vmul.f32 v56, v9  }
0x6c: {  	v51 =	vld [tilespmem:s22+$0x50];
	v27 =	vadd.f32 v33, v27  }
0x6d: {  	v17 =	vld [tilespmem:s21+$0xFFFFFFC0];
	[tilespmem:s23+$0x0] =	vst v19;
	v18 =	vadd.f32 v23, v18;
	v19 =	vadd.f32 v55, v30  }
0x6e: {  	v21 =	vld [tilespmem:s21+$0xFFFFFFD0];
	v30 =	vand.u32 $0x7FFFFFFF, v27  }
0x6f: {  	v23 =	vld [tilespmem:s23+$0x10];
	v27 =	vmul.f32 v27, v3;
	v30 =	vmul.f32 v30, v11;
	[tilespmem:s22+$0xFFFFFF90] =	vst v18;
	v18 =	vand.u32 $0x7FFFFFFF, v19  }
0x70: {  	v59 =	vld [tilespmem:s25+$0x10];
	v31 =	vadd.f32 v35, v31;
	v19 =	vmul.f32 v19, v5;
	v18 =	vmul.f32 v18, v13  }
0x71: {  	v33 =	vadd.f32 v57, v58;
	v60 =	vld [tilespmem:s24+$0xFFFFFFA0];
	v30 =	vadd.f32 v30, v27  }
0x72: {  	v22 =	vld [tilespmem:s22+$0xFFFFFFB0];
	v61 =	vand.u32 $0x7FFFFFFF, v31;
	v18 =	vadd.f32 v18, v19  }
0x73: {  	v20 =	vld [tilespmem:s22+$0xFFFFFFC0];
	v19 =	vmul.f32 v31, v3;
	v31 =	vmul.f32 v61, v11;
	[tilespmem:s21+$0xFFFFFFB0] =	vst v30;
	v30 =	vand.u32 $0x7FFFFFFF, v33  }
0x74: {  	v28 =	vld [tilespmem:s22+$0xFFFFFFD0];
	v33 =	vmul.f32 v33, v0;
	v30 =	vmul.f32 v30, v8  }
0x75: {  	v25 =	vld [tilespmem:s22+$0xFFFFFFE0];
	v23 =	vadd.f32 v59, v23;
	[tilespmem:s21+$0x50] =	vst v18;
	v18 =	vadd.f32 v31, v19  }
0x76: {  	v16 =	vld [tilespmem:s22+$0xFFFFFFF0];
	v19 =	vadd.f32 v60, v29;
	v30 =	vadd.f32 v30, v33  }
0x77: {  	v57 =	vld [tilespmem:s26+$0xFFFFFF80];
	v41 =	vand.u32 $0x7FFFFFFF, v23;
	[tilespmem:s22+$0x30] =	vst v18  }
0x78: {  	v18 =	vmul.f32 v23, v1;
	v23 =	vmul.f32 v41, v9;
	v42 =	vand.u32 $0x7FFFFFFF, v19;
	[tilespmem:s23+$0xFFFFFF80] =	vst v30;
	v30 =	vld [tilespmem:s24+$0x40]  }
0x79: {  	v58 =	vld [tilespmem:s23+$0x30];
	v38 =	vmul.f32 v19, v2;
	v33 =	vmul.f32 v42, v10  }
0x7a: {  	v56 =	vld [tilespmem:s28+$0xFFFFFF80];
	v18 =	vadd.f32 v23, v18  }
0x7b: {  	v63 =	vld [tilespmem:s30+$0xFFFFFFC0];
	v23 =	vadd.f32 v33, v38  }
0x7c: {  	v29 =	vld [tilespmem:s30+$0x60];
	[tilespmem:s23+$0x10] =	vst v18  }
0x7d: {  	[tilespmem:s22+$0xFFFFFFA0] =	vst v23;
	v23 =	vld [tilespmem:s25+$0x20];
	v30 =	vadd.f32 v30, v43  }
0x7e: {  	v27 =	vld [tilespmem:s23+$0xFFFFFFB0]  }
0x7f: {  	v31 =	vld [tilespmem:s23+$0xFFFFFFC0];
	v35 =	vand.u32 $0x7FFFFFFF, v30  }
0x80: {  	v19 =	vld [tilespmem:s23+$0xFFFFFFD0];
	v30 =	vmul.f32 v30, v4;
	v35 =	vmul.f32 v35, v12  }
0x81: {  	v44 =	vld [tilespmem:s25+$0xFFFFFF90];
	v17 =	vadd.f32 v63, v17;
	v29 =	vadd.f32 v29, v62  }
0x82: {  	v42 =	vld [tilespmem:s26+$0xFFFFFF90];
	v23 =	vadd.f32 v23, v45;
	v30 =	vadd.f32 v35, v30  }
0x83: {  	v48 =	vand.u32 $0x7FFFFFFF, v17;
	v17 =	vmul.f32 v17, v4;
	v18 =	vand.u32 $0x7FFFFFFF, v29;
	v46 =	vld [tilespmem:s24+$0xFFFFFFB0]  }
0x84: {  	v29 =	vmul.f32 v29, v6;
	v43 =	vld [tilespmem:s26+$0xFFFFFFA0];
	v39 =	vmul.f32 v18, v14;
	v41 =	vand.u32 $0x7FFFFFFF, v23;
	[tilespmem:s22+$0x40] =	vst v30  }
0x85: {  	v23 =	vmul.f32 v23, v2;
	v30 =	vmul.f32 v41, v10;
	v52 =	vld [tilespmem:s24+$0x50]  }
0x86: {  	v18 =	vld [tilespmem:s23+$0xFFFFFFE0];
	v33 =	vadd.f32 v44, v36;
	v47 =	vadd.f32 v39, v29;
	v39 =	vmul.f32 v48, v12  }
0x87: {  	v29 =	vld [tilespmem:s21+$0x70];
	v23 =	vadd.f32 v30, v23;
	v30 =	vadd.f32 v49, v40  }
0x88: {  	v36 =	vand.u32 $0x7FFFFFFF, v33;
	v54 =	vmul.f32 v33, v1;
	v50 =	vadd.f32 v39, v17;
	v17 =	vld [tilespmem:s23+$0xFFFFFFF0]  }
0x89: {  	v55 =	vmul.f32 v36, v9;
	v22 =	vadd.f32 v46, v22;
	v46 =	vld [tilespmem:s26+$0x30];
	[tilespmem:s23+$0x20] =	vst v23;
	v23 =	vand.u32 $0x7FFFFFFF, v30  }
0x8a: {  	[tilespmem:s21+$0x60] =	vst v47;
	v30 =	vmul.f32 v30, v0;
	v23 =	vmul.f32 v23, v8;
	v59 =	vld [tilespmem:s25+$0x30];
	v35 =	vadd.f32 v52, v51  }
0x8b: {  	v34 =	vld [tilespmem:s30+$0x70];
	v32 =	vadd.f32 v55, v54;
	[tilespmem:s21+$0xFFFFFFC0] =	vst v50;
	v60 =	vand.u32 $0x7FFFFFFF, v22;
	v22 =	vmul.f32 v22, v3  }
0x8c: {  	v53 =	vld [tilespmem:s30+$0xFFFFFFD0];
	v23 =	vadd.f32 v23, v30;
	v30 =	vmul.f32 v60, v11;
	v62 =	vand.u32 $0x7FFFFFFF, v35  }
0x8d: {  	v54 =	vld [tilespmem:s23+$0x40];
	[tilespmem:s23+$0xFFFFFF90] =	vst v32;
	v35 =	vmul.f32 v35, v5;
	v32 =	vmul.f32 v62, v13  }
0x8e: {  	v61 =	vld [tilespmem:s25+$0xFFFFFFA0];
	v22 =	vadd.f32 v30, v22  }
0x8f: {  	[tilespmem:s26+$0x0] =	vst v23;
	v30 =	vld [tilespmem:s26+$0x10];
	v33 =	vadd.f32 v59, v58;
	v35 =	vadd.f32 v32, v35  }
0x90: {  	v36 =	vadd.f32 v56, v57;
	v63 =	vld [tilespmem:s28+$0x10]  }
0x91: {  	v49 =	vld [tilespmem:s22+$0x60];
	v21 =	vadd.f32 v53, v21;
	v50 =	vand.u32 $0x7FFFFFFF, v33;
	[tilespmem:s22+$0x50] =	vst v35  }
0x92: {  	v23 =	vand.u32 $0x7FFFFFFF, v36;
	v33 =	vmul.f32 v33, v3;
	v35 =	vmul.f32 v50, v11;
	v51 =	vld [tilespmem:s24+$0x60]  }
0x93: {  	s29 =	simm.s32 $0x580;
	v40 =	vld [tilespmem:s22+$0x70];
	v48 =	vand.u32 $0x7FFFFFFF, v21;
	v36 =	vmul.f32 v36, v0;
	v23 =	vmul.f32 v23, v8  }
0x94: {  	v39 =	vmul.f32 v48, v13;
	v48 =	vld [tilespmem:s29+$0x0];
	v33 =	vadd.f32 v35, v33  }
0x95: {  	v21 =	vmul.f32 v21, v5;
	v58 =	vld [tilespmem:s26+$0x20];
	[tilespmem:s22+$0xFFFFFFB0] =	vst v22;
	v36 =	vadd.f32 v23, v36;
	v30 =	vadd.f32 v63, v30  }
0x96: {  	v37 =	vadd.f32 v61, v37;
	v44 =	vld [tilespmem:s24+$0xFFFFFFC0];
	[tilespmem:s23+$0x30] =	vst v33  }
0x97: {  	v21 =	vadd.f32 v39, v21;
	[tilespmem:s26+$0xFFFFFF80] =	vst v36;
	v53 =	vand.u32 $0x7FFFFFFF, v30;
	v56 =	vld [tilespmem:s25+$0x40];
	v55 =	vadd.f32 v51, v49  }
0x98: {  	v22 =	vand.u32 $0x7FFFFFFF, v37;
	v36 =	vld [tilespmem:s28+$0xFFFFFF90];
	v30 =	vmul.f32 v30, v1;
	v33 =	vmul.f32 v53, v9  }
0x99: {  	v32 =	vld [tilespmem:s26+$0xFFFFFFB0];
	v37 =	vmul.f32 v37, v2;
	v45 =	vmul.f32 v22, v10;
	[tilespmem:s21+$0xFFFFFFD0] =	vst v21;
	v21 =	vand.u32 $0x7FFFFFFF, v55  }
0x9a: {  	v23 =	vld [tilespmem:s26+$0xFFFFFFC0];
	v30 =	vadd.f32 v33, v30;
	v38 =	vmul.f32 v55, v6;
	v21 =	vmul.f32 v21, v14  }
0x9b: {  	v22 =	vld [tilespmem:s26+$0xFFFFFFD0];
	v52 =	vadd.f32 v45, v37;
	v20 =	vadd.f32 v44, v20  }
0x9c: {  	v63 =	vld [tilespmem:s23+$0x50];
	[tilespmem:s26+$0x10] =	vst v30;
	v35 =	vadd.f32 v56, v54;
	v30 =	vadd.f32 v21, v38  }
0x9d: {  	v29 =	vadd.f32 v34, v29;
	[tilespmem:s23+$0xFFFFFFA0] =	vst v52;
	v60 =	vand.u32 $0x7FFFFFFF, v20;
	v36 =	vadd.f32 v36, v42;
	v59 =	vld [tilespmem:s28+$0x20]  }
0x9e: {  	s31 =	simm.s32 $0x4580;
	v57 =	vld [tilespmem:s25+$0xFFFFFFB0];
	v41 =	vmul.f32 v60, v12;
	v61 =	vand.u32 $0x7FFFFFFF, v35;
	[tilespmem:s22+$0x60] =	vst v30;
	v30 =	vmul.f32 v20, v4  }
0x9f: {  	v52 =	vld [tilespmem:s31+$0xFFFFFF80];
	v49 =	vand.u32 $0x7FFFFFFF, v36;
	v35 =	vmul.f32 v35, v4;
	v44 =	vmul.f32 v61, v12  }
0xa0: {  	v33 =	vld [tilespmem:s30+$0xFFFFFFE0];
	v36 =	vmul.f32 v36, v1;
	v38 =	vmul.f32 v49, v9;
	v30 =	vadd.f32 v41, v30  }
0xa1: {  	v53 =	vand.u32 $0x7FFFFFFF, v29;
	v29 =	vmul.f32 v29, v7;
	v54 =	vld [tilespmem:s29+$0xFFFFFF80];
	v35 =	vadd.f32 v44, v35  }
0xa2: {  	v39 =	vmul.f32 v53, v15;
	v36 =	vadd.f32 v38, v36;
	v62 =	vld [tilespmem:s24+$0x70];
	v37 =	vadd.f32 v59, v58;
	[tilespmem:s22+$0xFFFFFFC0] =	vst v30  }
0xa3: {  	v27 =	vadd.f32 v57, v27;
	v30 =	vld [tilespmem:s31+$0x0];
	[tilespmem:s23+$0x40] =	vst v35  }
0xa4: {  	v39 =	vadd.f32 v39, v29;
	[tilespmem:s26+$0xFFFFFF90] =	vst v36;
	v50 =	vand.u32 $0x7FFFFFFF, v37;
	v51 =	vld [tilespmem:s25+$0x50]  }
0xa5: {  	v55 =	vand.u32 $0x7FFFFFFF, v27;
	v56 =	vld [tilespmem:s28+$0xFFFFFFA0];
	v37 =	vmul.f32 v37, v2;
	v35 =	vmul.f32 v50, v10  }
0xa6: {  	v42 =	vld [tilespmem:s29+$0xFFFFFF90];
	v27 =	vmul.f32 v27, v3;
	v36 =	vmul.f32 v55, v11;
	v59 =	vadd.f32 v52, v54  }
0xa7: {  	v21 =	vld [tilespmem:s26+$0xFFFFFFE0];
	v26 =	vadd.f32 v33, v26;
	v35 =	vadd.f32 v35, v37  }
0xa8: {  	v49 =	vld [tilespmem:s29+$0x10];
	v27 =	vadd.f32 v36, v27;
	v33 =	vand.u32 $0x7FFFFFFF, v59;
	v30 =	vadd.f32 v30, v48  }
0xa9: {  	v20 =	vld [tilespmem:s26+$0xFFFFFFF0];
	v50 =	vand.u32 $0x7FFFFFFF, v26;
	v26 =	vmul.f32 v26, v6;
	[tilespmem:s26+$0x20] =	vst v35;
	v34 =	vadd.f32 v51, v63  }
0xaa: {  	v61 =	vadd.f32 v62, v40;
	v35 =	vadd.f32 v56, v43;
	v57 =	vld [tilespmem:s28+$0x30];
	v29 =	vand.u32 $0x7FFFFFFF, v30  }
0xab: {  	v44 =	vld [tilespmem:s24+$0xFFFFFFD0];
	[tilespmem:s23+$0xFFFFFFB0] =	vst v27;
	v30 =	vmul.f32 v30, v0;
	v58 =	vmul.f32 v29, v8;
	v60 =	vand.u32 $0x7FFFFFFF, v34  }
0xac: {  	v62 =	vld [tilespmem:s25+$0xFFFFFFC0];
	v43 =	vand.u32 $0x7FFFFFFF, v35;
	v34 =	vmul.f32 v34, v5;
	v37 =	vmul.f32 v60, v13  }
0xad: {  	v38 =	vld [tilespmem:s29+$0x20];
	v35 =	vmul.f32 v35, v2;
	v43 =	vmul.f32 v43, v10;
	v30 =	vadd.f32 v58, v30  }
0xae: {  	v27 =	vld [tilespmem:s29+$0xFFFFFFB0];
	v54 =	vmul.f32 v50, v14;
	v63 =	vmul.f32 v59, v0;
	v34 =	vadd.f32 v37, v34  }
0xaf: {  	v48 =	vld [tilespmem:s23+$0x60];
	v35 =	vadd.f32 v43, v35;
	v36 =	vadd.f32 v57, v46;
	[tilespmem:s29+$0x0] =	vst v30;
	v30 =	vmul.f32 v33, v8  }
0xb0: {  	v26 =	vadd.f32 v54, v26;
	v44 =	vadd.f32 v44, v28;
	[tilespmem:s23+$0x50] =	vst v34;
	v51 =	vld [tilespmem:s31+$0x10]  }
0xb1: {  	v31 =	vadd.f32 v62, v31;
	[tilespmem:s26+$0xFFFFFFA0] =	vst v35;
	v52 =	vand.u32 $0x7FFFFFFF, v36;
	v30 =	vadd.f32 v30, v63;
	v53 =	vld [tilespmem:s25+$0x60]  }
0xb2: {  	v57 =	vand.u32 $0x7FFFFFFF, v61;
	v36 =	vmul.f32 v36, v3;
	v60 =	vld [tilespmem:s28+$0xFFFFFFB0];
	v41 =	vmul.f32 v52, v11  }
0xb3: {  	v28 =	vld [tilespmem:s29+$0xFFFFFFC0];
	v58 =	vmul.f32 v61, v7;
	v35 =	vmul.f32 v57, v15;
	[tilespmem:s29+$0xFFFFFF80] =	vst v30;
	v30 =	vand.u32 $0x7FFFFFFF, v44  }
0xb4: {  	v44 =	vmul.f32 v44, v5;
	v36 =	vadd.f32 v41, v36;
	v55 =	vmul.f32 v30, v13;
	v56 =	vld [tilespmem:s31+$0xFFFFFF90]  }
0xb5: {  	[tilespmem:s21+$0xFFFFFFE0] =	vst v26;
	v26 =	vld [tilespmem:s29+$0xFFFFFFE0];
	v34 =	vadd.f32 v35, v58;
	v33 =	vadd.f32 v51, v49  }
0xb6: {  	v61 =	vld [tilespmem:s26+$0x40];
	[tilespmem:s26+$0x30] =	vst v36;
	v59 =	vadd.f32 v55, v44;
	v37 =	vadd.f32 v53, v48  }
0xb7: {  	v49 =	vand.u32 $0x7FFFFFFF, v31;
	v32 =	vadd.f32 v60, v32;
	v63 =	vld [tilespmem:s28+$0x40];
	v62 =	vand.u32 $0x7FFFFFFF, v33  }
0xb8: {  	v54 =	vld [tilespmem:s30+$0xFFFFFFF0];
	v33 =	vmul.f32 v33, v1;
	[tilespmem:s22+$0xFFFFFFD0] =	vst v59;
	v48 =	vmul.f32 v62, v9;
	v50 =	vand.u32 $0x7FFFFFFF, v37  }
0xb9: {  	v37 =	vmul.f32 v37, v6;
	v41 =	vadd.f32 v56, v42;
	v51 =	vld [tilespmem:s24+$0xFFFFFFE0];
	v52 =	vmul.f32 v50, v14  }
0xba: {  	v29 =	vld [tilespmem:s29+$0xFFFFFFA0];
	v53 =	vmul.f32 v31, v4;
	v40 =	vmul.f32 v49, v12;
	v33 =	vadd.f32 v48, v33  }
0xbb: {  	[tilespmem:s21+$0x70] =	vst v39;
	v30 =	vld [tilespmem:s29+$0xFFFFFFD0];
	v58 =	vand.u32 $0x7FFFFFFF, v32;
	v37 =	vadd.f32 v52, v37;
	v56 =	vand.u32 $0x7FFFFFFF, v41  }
0xbc: {  	v31 =	vld [tilespmem:s23+$0x70];
	v55 =	vmul.f32 v41, v1;
	v35 =	vadd.f32 v63, v61;
	[tilespmem:s29+$0x10] =	vst v33;
	v57 =	vmul.f32 v56, v9  }
0xbd: {  	v40 =	vadd.f32 v40, v53;
	v59 =	vmul.f32 v32, v3;
	v36 =	vmul.f32 v58, v11;
	v39 =	vld [tilespmem:s31+$0x20];
	[tilespmem:s23+$0x60] =	vst v37  }
0xbe: {  	[tilespmem:s22+$0x70] =	vst v34;
	v60 =	vand.u32 $0x7FFFFFFF, v35;
	v33 =	vadd.f32 v57, v55;
	v32 =	vld [tilespmem:s25+$0x70];
	v61 =	vadd.f32 v51, v25  }
0xbf: {  	[tilespmem:s23+$0xFFFFFFC0] =	vst v40;
	v41 =	vadd.f32 v36, v59;
	v35 =	vmul.f32 v35, v4;
	v25 =	vld [tilespmem:s29+$0xFFFFFFF0];
	v62 =	vmul.f32 v60, v12  }
0xc0: {  	v36 =	vld [tilespmem:s25+$0xFFFFFFD0];
	[tilespmem:s29+$0xFFFFFF90] =	vst v33;
	v63 =	vand.u32 $0x7FFFFFFF, v61;
	v33 =	vadd.f32 v54, v24  }
0xc1: {  	s4 =	simm.s32 $0x680;
	s0 =	simm.s32 $0x8;
	s30 =	simm.s32 $0x4580;
	[tilespmem:s26+$0xFFFFFFB0] =	vst v41;
	v37 =	vld [tilespmem:s26+$0x50];
	v34 =	vmul.f32 v61, v6;
	v40 =	vadd.f32 v62, v35;
	v35 =	vmul.f32 v63, v14  }
.LBB2_3:
0xc2: {  	v41 =	vld [tilespmem:s4+$0x0];
	v38 =	vadd.f32 v39, v38;
	s31 =	sadd.s32 $0x100, s31;
	v39 =	vmul.f32 v33, v7;
	v33 =	vand.u32 $0x7FFFFFFF, v33;
	v24 =	vmovc v20  }
0xc3: {  	s0 =	sadd.s32 $0x2, s0;
	v42 =	vld [tilespmem:s31+$0x0];
	[tilespmem:s26+$0x40] =	vst v40;
	v31 =	vadd.f32 v32, v31;
	v32 =	vadd.f32 v35, v34;
	v33 =	vmul.f32 v33, v15  }
0xc4: {  	p0 =	slt.u32 s0, $0x7E;
	v34 =	vand.u32 $0x7FFFFFFF, v38;
	v35 =	vld [tilespmem:s28+$0x50];
	v20 =	vmov v25  }
0xc5: {  	v38 =	vmul.f32 v38, v2;
	v25 =	vld [tilespmem:s31+$0xFFFFFF80];
	v34 =	vmul.f32 v34, v10;
	v40 =	vand.u32 $0x7FFFFFFF, v31;
	[tilespmem:s22+$0xFFFFFFE0] =	vst v32  }
0xc6: {  	v36 =	vadd.f32 v36, v19;
	v31 =	vmul.f32 v31, v7;
	v19 =	vmovc v22;
	v32 =	vld [tilespmem:s4+$0xFFFFFF80];
	v40 =	vmul.f32 v40, v15  }
0xc7: {  	v33 =	vadd.f32 v33, v39;
	v22 =	vmov v30;
	v43 =	vld [tilespmem:s4+$0xFFFFFF90];
	v34 =	vadd.f32 v34, v38  }
0xc8: {  	v39 =	vand.u32 $0x7FFFFFFF, v36;
	v30 =	vadd.f32 v42, v41;
	v38 =	vld [tilespmem:s30+$0xFFFFFFA0];
	v31 =	vadd.f32 v40, v31  }
0xc9: {  	v36 =	vmul.f32 v36, v5;
	[tilespmem:s29+$0x20] =	vst v34;
	v34 =	vld [tilespmem:s29+$0x30];
	v35 =	vadd.f32 v35, v37;
	v37 =	vmul.f32 v39, v13  }
0xca: {  	v39 =	vand.u32 $0x7FFFFFFF, v30;
	v40 =	vld [tilespmem:s30+$0x30];
	[tilespmem:s23+$0x70] =	vst v31  }
0xcb: {  	v30 =	vmul.f32 v30, v0;
	v31 =	vld [tilespmem:s4+$0xFFFFFFA0];
	v39 =	vmul.f32 v39, v8;
	v41 =	vand.u32 $0x7FFFFFFF, v35;
	[tilespmem:s21+$0xFFFFFFF0] =	vst v33;
	s21 =	smov.u32 s22;
	s22 =	smov.u32 s23;
	s23 =	smov.u32 s26  }
0xcc: {  	v25 =	vadd.f32 v25, v32;
	v33 =	vmul.f32 v35, v5;
	s26 =	smov.u32 s29;
	s29 =	smov.u32 s4;
	v32 =	vld [tilespmem:s4+$0xFFFFFFB0];
	v35 =	vmul.f32 v41, v13  }
0xcd: {  	v30 =	vadd.f32 v39, v30;
	v29 =	vadd.f32 v38, v29;
	v38 =	vld [tilespmem:s28+$0xFFFFFFC0]  }
0xce: {  	v39 =	vmul.f32 v25, v0;
	v25 =	vand.u32 $0x7FFFFFFF, v25;
	v33 =	vadd.f32 v35, v33;
	v35 =	vld [tilespmem:s23+$0x60]  }
0xcf: {  	v25 =	vmul.f32 v25, v8;
	[tilespmem:s4+$0x0] =	vst v30;
	v41 =	vld [tilespmem:s4+$0x10];
	v30 =	vand.u32 $0x7FFFFFFF, v29;
	v34 =	vadd.f32 v40, v34  }
0xd0: {  	v42 =	vmul.f32 v29, v2;
	v40 =	vld [tilespmem:s31+$0x10];
	v30 =	vmul.f32 v30, v10;
	[tilespmem:s23+$0x50] =	vst v33;
	v33 =	vadd.f32 v37, v36  }
0xd1: {  	v25 =	vadd.f32 v25, v39;
	v36 =	vand.u32 $0x7FFFFFFF, v34;
	v37 =	vld [tilespmem:s28+$0x60];
	v29 =	vmov v31  }
0xd2: {  	v34 =	vmul.f32 v34, v3;
	v31 =	vld [tilespmem:s4+$0xFFFFFFC0];
	v39 =	vadd.f32 v30, v42;
	v36 =	vmul.f32 v36, v11;
	[tilespmem:s22+$0xFFFFFFD0] =	vst v33  }
0xd3: {  	[tilespmem:s4+$0xFFFFFF80] =	vst v25;
	v30 =	vld [tilespmem:s4+$0xFFFFFFD0];
	v25 =	vadd.f32 v38, v23;
	v23 =	vmov v28  }
0xd4: {  	v33 =	vld [tilespmem:s31+$0xFFFFFF90];
	[tilespmem:s26+$0xFFFFFFA0] =	vst v39;
	v38 =	vadd.f32 v36, v34  }
0xd5: {  	v34 =	vadd.f32 v40, v41;
	v36 =	vld [tilespmem:s30+$0xFFFFFFB0];
	v40 =	vmul.f32 v25, v4;
	v25 =	vand.u32 $0x7FFFFFFF, v25  }
0xd6: {  	[tilespmem:s26+$0x30] =	vst v38;
	v39 =	vld [tilespmem:s26+$0x40];
	v25 =	vmul.f32 v25, v12;
	v35 =	vadd.f32 v37, v35  }
0xd7: {  	v37 =	vand.u32 $0x7FFFFFFF, v34;
	v41 =	vld [tilespmem:s30+$0x40];
	v28 =	vmov v31  }
0xd8: {  	v31 =	vmul.f32 v34, v1;
	v34 =	vmul.f32 v37, v9;
	v37 =	vand.u32 $0x7FFFFFFF, v35;
	v42 =	vld [tilespmem:s25+$0xFFFFFFE0]  }
0xd9: {  	v35 =	vmul.f32 v35, v6;
	v33 =	vadd.f32 v33, v43;
	v43 =	vld [tilespmem:s4+$0xFFFFFFE0];
	v37 =	vmul.f32 v37, v14  }
0xda: {  	v34 =	vadd.f32 v34, v31;
	v36 =	vadd.f32 v36, v27;
	v44 =	vld [tilespmem:s24+$0xFFFFFFF0];
	v27 =	vmov v32;
	s24 =	smov.u32 s25;
	s25 =	smov.u32 s28;
	s28 =	smov.u32 s30  }
0xdb: {  	s30 =	smov.u32 s31;
	v32 =	vmul.f32 v33, v1;
	v33 =	vand.u32 $0x7FFFFFFF, v33;
	v35 =	vadd.f32 v37, v35;
	v31 =	vld [tilespmem:s23+$0x70]  }
0xdc: {  	v33 =	vmul.f32 v33, v9;
	[tilespmem:s4+$0x10] =	vst v34;
	v38 =	vld [tilespmem:s4+$0x20];
	v34 =	vand.u32 $0x7FFFFFFF, v36;
	v37 =	vadd.f32 v41, v39  }
.Ltmp0:
0xdd: {  	v40 =	vadd.f32 v25, v40;
	v36 =	vmul.f32 v36, v3;
	v39 =	vld [tilespmem:s31+$0x20];
	v34 =	vmul.f32 v34, v11;
	[tilespmem:s23+$0x60] =	vst v35;
	(pc) =	sbr.rel @p0 .LBB2_3-.Ltmp0, $4  }
0xde: {  	v41 =	vadd.f32 v42, v18;
	v18 =	vmovc v21;
	v21 =	vmovc v26;
	v33 =	vadd.f32 v33, v32;
	v35 =	vand.u32 $0x7FFFFFFF, v37;
	v32 =	vld [tilespmem:s25+$0x70]  }
0xdf: {  	v37 =	vmul.f32 v37, v4;
	v25 =	vld [tilespmem:s4+$0xFFFFFFF0];
	v42 =	vadd.f32 v34, v36;
	v35 =	vmul.f32 v35, v12;
	[tilespmem:s23+$0xFFFFFFC0] =	vst v40  }
0xe0: {  	v26 =	vmovc v43;
	v34 =	vmul.f32 v41, v6;
	v41 =	vand.u32 $0x7FFFFFFF, v41;
	[tilespmem:s4+$0xFFFFFF90] =	vst v33;
	v36 =	vld [tilespmem:s25+$0xFFFFFFD0];
	v33 =	vadd.f32 v44, v16  }
0xe1: {  	s4 =	sadd.s32 $0x100, s4;
	v16 =	vmovc v17;
	v17 =	vmov v24;
	[tilespmem:s26+$0xFFFFFFB0] =	vst v42;
	v40 =	vadd.f32 v35, v37;
	v37 =	vld [tilespmem:s26+$0x50];
	v35 =	vmul.f32 v41, v14  }
0xe2: {  	v42 =	vld [tilespmem:s30+$0xFFFFFFA0]  }
0xe3: {  	v24 =	vadd.f32 v39, v38;
	_ =	sdelay $0x1  }
0xe4: {  	v39 =	vand.u32 $0x7FFFFFFF, v24  }
0xe5: {  	v24 =	vmul.f32 v24, v2;
	v39 =	vmul.f32 v39, v10  }
0xe6: {  	v29 =	vadd.f32 v42, v29  }
0xe7: {  	v24 =	vadd.f32 v39, v24  }
0xe8: {  	v38 =	vand.u32 $0x7FFFFFFF, v29  }
0xe9: {  	v43 =	vld [tilespmem:s29+$0x30];
	[tilespmem:s29+$0x20] =	vst v24;
	v29 =	vmul.f32 v29, v2;
	v38 =	vmul.f32 v38, v10  }
0xea: {  	v44 =	vld [tilespmem:s30+$0x30]  }
0xeb: {  	v29 =	vadd.f32 v38, v29;
	_ =	sdelay $0x1  }
0xec: {  	[tilespmem:s29+$0xFFFFFFA0] =	vst v29  }
0xed: {  	v29 =	vld [tilespmem:s30+$0xFFFFFFB0]  }
0xee: {  	v24 =	vadd.f32 v44, v43;
	_ =	sdelay $0x1  }
0xef: {  	v45 =	vand.u32 $0x7FFFFFFF, v24  }
0xf0: {  	v24 =	vmul.f32 v24, v3;
	v38 =	vmul.f32 v45, v11  }
0xf1: {  	v27 =	vadd.f32 v29, v27  }
0xf2: {  	v24 =	vadd.f32 v38, v24  }
0xf3: {  	v46 =	vand.u32 $0x7FFFFFFF, v27  }
0xf4: {  	v47 =	vld [tilespmem:s29+$0x40];
	[tilespmem:s29+$0x30] =	vst v24;
	v27 =	vmul.f32 v27, v3;
	v24 =	vmul.f32 v46, v11  }
0xf5: {  	v49 =	vld [tilespmem:s28+$0xFFFFFFC0]  }
0xf6: {  	v48 =	vld [tilespmem:s30+$0x40];
	v24 =	vadd.f32 v24, v27;
	_ =	sdelay $0x1  }
0xf7: {  	[tilespmem:s29+$0xFFFFFFB0] =	vst v24  }
0xf8: {  	v24 =	vld [tilespmem:s30+$0xFFFFFFC0]  }
0xf9: {  	v23 =	vadd.f32 v49, v23  }
0xfa: {  	v29 =	vadd.f32 v48, v47  }
0xfb: {  	v53 =	vand.u32 $0x7FFFFFFF, v23  }
0xfc: {  	v23 =	vmul.f32 v23, v4;
	v54 =	vmul.f32 v53, v12;
	v38 =	vand.u32 $0x7FFFFFFF, v29  }
0xfd: {  	v50 =	vmul.f32 v29, v4;
	v51 =	vmul.f32 v38, v12;
	v24 =	vadd.f32 v24, v28  }
0xfe: {  	[tilespmem:s26+$0x40] =	vst v40;
	v23 =	vadd.f32 v54, v23  }
0xff: {  	v52 =	vld [tilespmem:s28+$0x50];
	v27 =	vadd.f32 v51, v50;
	v56 =	vand.u32 $0x7FFFFFFF, v24  }
0x100: {  	v55 =	vld [tilespmem:s29+$0x50];
	[tilespmem:s26+$0xFFFFFFC0] =	vst v23;
	v24 =	vmul.f32 v24, v4;
	v57 =	vmul.f32 v56, v12  }
0x101: {  	v23 =	vld [tilespmem:s28+$0xFFFFFFD0];
	[tilespmem:s29+$0x40] =	vst v27  }
0x102: {  	v58 =	vld [tilespmem:s30+$0x50];
	v24 =	vadd.f32 v57, v24  }
0x103: {  	v19 =	vadd.f32 v36, v19  }
0x104: {  	v59 =	vadd.f32 v52, v37;
	[tilespmem:s29+$0xFFFFFFC0] =	vst v24  }
0x105: {  	v39 =	vand.u32 $0x7FFFFFFF, v19;
	v19 =	vmul.f32 v19, v5;
	v61 =	vld [tilespmem:s30+$0xFFFFFFD0]  }
0x106: {  	v41 =	vmul.f32 v39, v13;
	v60 =	vand.u32 $0x7FFFFFFF, v59;
	v22 =	vadd.f32 v23, v22  }
0x107: {  	v27 =	vmul.f32 v59, v5;
	v24 =	vmul.f32 v60, v13;
	v29 =	vadd.f32 v58, v55  }
0x108: {  	v19 =	vadd.f32 v41, v19  }
0x109: {  	v43 =	vand.u32 $0x7FFFFFFF, v22;
	v24 =	vadd.f32 v24, v27;
	v62 =	vand.u32 $0x7FFFFFFF, v29  }
0x10a: {  	v63 =	vld [tilespmem:s26+$0x60];
	[tilespmem:s23+$0xFFFFFFD0] =	vst v19;
	v38 =	vmul.f32 v29, v5;
	v27 =	vmul.f32 v62, v13;
	v40 =	vadd.f32 v61, v30  }
0x10b: {  	v52 =	vld [tilespmem:s25+$0xFFFFFFE0];
	v22 =	vmul.f32 v22, v5;
	v44 =	vmul.f32 v43, v13;
	[tilespmem:s26+$0x50] =	vst v24  }
0x10c: {  	v42 =	vld [tilespmem:s28+$0x60];
	v23 =	vadd.f32 v27, v38;
	v46 =	vand.u32 $0x7FFFFFFF, v40  }
0x10d: {  	v22 =	vadd.f32 v44, v22;
	v47 =	vmul.f32 v40, v5;
	v48 =	vmul.f32 v46, v13  }
0x10e: {  	v45 =	vld [tilespmem:s29+$0x60];
	[tilespmem:s29+$0x50] =	vst v23  }
0x10f: {  	[tilespmem:s26+$0xFFFFFFD0] =	vst v22;
	v49 =	vld [tilespmem:s30+$0x60];
	v50 =	vadd.f32 v48, v47  }
0x110: {  	v18 =	vadd.f32 v52, v18;
	v22 =	vld [tilespmem:s28+$0xFFFFFFE0]  }
0x111: {  	v51 =	vadd.f32 v42, v63;
	[tilespmem:s29+$0xFFFFFFD0] =	vst v50  }
0x112: {  	v56 =	vadd.f32 v35, v34;
	v60 =	vmul.f32 v18, v6;
	v18 =	vand.u32 $0x7FFFFFFF, v18;
	v54 =	vld [tilespmem:s30+$0xFFFFFFE0]  }
0x113: {  	v18 =	vmul.f32 v18, v14;
	v53 =	vand.u32 $0x7FFFFFFF, v51  }
0x114: {  	[tilespmem:s22+$0xFFFFFFE0] =	vst v56;
	v23 =	vmul.f32 v51, v6;
	v19 =	vmul.f32 v53, v14;
	v27 =	vadd.f32 v49, v45  }
0x115: {  	v21 =	vadd.f32 v22, v21;
	v59 =	vld [tilespmem:s24+$0xFFFFFFF0]  }
0x116: {  	v18 =	vadd.f32 v18, v60;
	v19 =	vadd.f32 v19, v23;
	v57 =	vand.u32 $0x7FFFFFFF, v27  }
0x117: {  	v27 =	vmul.f32 v27, v6;
	v23 =	vmul.f32 v57, v14;
	v26 =	vadd.f32 v54, v26  }
0x118: {  	v31 =	vadd.f32 v32, v31;
	v58 =	vld [tilespmem:s26+$0x70];
	v62 =	vand.u32 $0x7FFFFFFF, v21;
	v21 =	vmul.f32 v21, v6;
	[tilespmem:s23+$0xFFFFFFE0] =	vst v18  }
0x119: {  	v45 =	vld [tilespmem:s25+$0xFFFFFFF0];
	[tilespmem:s26+$0x60] =	vst v19;
	v23 =	vadd.f32 v23, v27;
	v27 =	vmul.f32 v62, v14;
	v36 =	vand.u32 $0x7FFFFFFF, v26  }
0x11a: {  	v16 =	vadd.f32 v59, v16;
	v61 =	vld [tilespmem:s28+$0x70];
	v37 =	vmul.f32 v26, v6;
	v38 =	vmul.f32 v36, v14  }
0x11b: {  	v39 =	vand.u32 $0x7FFFFFFF, v33;
	v21 =	vadd.f32 v27, v21  }
0x11c: {  	v43 =	vmul.f32 v31, v7;
	v63 =	vld [tilespmem:s29+$0x70];
	v47 =	vand.u32 $0x7FFFFFFF, v16;
	[tilespmem:s29+$0x60] =	vst v23;
	v41 =	vadd.f32 v38, v37  }
0x11d: {  	v42 =	vand.u32 $0x7FFFFFFF, v31;
	v16 =	vmul.f32 v16, v7;
	v49 =	vmul.f32 v47, v15;
	v40 =	vld [tilespmem:s30+$0x70];
	[tilespmem:s26+$0xFFFFFFE0] =	vst v21  }
0x11e: {  	v55 =	vmul.f32 v33, v7;
	v19 =	vmul.f32 v42, v15;
	v17 =	vadd.f32 v45, v17;
	v48 =	vld [tilespmem:s28+$0xFFFFFFF0];
	[tilespmem:s29+$0xFFFFFFE0] =	vst v41  }
0x11f: {  	v16 =	vadd.f32 v49, v16;
	v26 =	vmul.f32 v39, v15;
	v44 =	vadd.f32 v61, v58;
	v51 =	vld [tilespmem:s30+$0xFFFFFFF0]  }
0x120: {  	v19 =	vadd.f32 v19, v43;
	v56 =	vmul.f32 v17, v7;
	v17 =	vand.u32 $0x7FFFFFFF, v17  }
0x121: {  	v17 =	vmul.f32 v17, v15;
	v46 =	vadd.f32 v26, v55;
	v50 =	vand.u32 $0x7FFFFFFF, v44  }
0x122: {  	v23 =	vmul.f32 v44, v7;
	v26 =	vmul.f32 v50, v15;
	v52 =	vadd.f32 v40, v63  }
0x123: {  	[tilespmem:s22+$0xFFFFFFF0] =	vst v16;
	v16 =	vadd.f32 v17, v56;
	v20 =	vadd.f32 v48, v20  }
0x124: {  	v53 =	vadd.f32 v26, v23;
	v54 =	vand.u32 $0x7FFFFFFF, v52;
	v57 =	vadd.f32 v51, v25  }
0x125: {  	[tilespmem:s23+$0x70] =	vst v19;
	v55 =	vmul.f32 v52, v7;
	v22 =	vmul.f32 v54, v15;
	v59 =	vand.u32 $0x7FFFFFFF, v20  }
0x126: {  	[tilespmem:s21+$0xFFFFFFF0] =	vst v46;
	v60 =	vmul.f32 v20, v7;
	v61 =	vmul.f32 v59, v15;
	v62 =	vand.u32 $0x7FFFFFFF, v57  }
0x127: {  	[tilespmem:s23+$0xFFFFFFF0] =	vst v16;
	v58 =	vadd.f32 v22, v55;
	v17 =	vmul.f32 v57, v7;
	v63 =	vmul.f32 v62, v15  }
0x128: {  	[tilespmem:s26+$0x70] =	vst v53;
	v18 =	vadd.f32 v61, v60  }
0x129: {  	s19 =	sadd.s32 $0x1, s19;
	[tilespmem:s29+$0x70] =	vst v58;
	v16 =	vadd.f32 v63, v17  }
0x12a: {  	s0 =	sshll.u32 s20, $0x4;
	p0 =	sne.s32 s19, $0x4F;
	[tilespmem:s26+$0xFFFFFFF0] =	vst v18  }
.Ltmp1:
0x12b: {  	s0 =	sadd.s32 s8, s0;
	[tilespmem:s29+$0xFFFFFFF0] =	vst v16;
	(pc) =	sbr.rel @p0 .LBB2_2-.Ltmp1, $4  }
0x12c: {  	[hbm4b:s0+s2] =	stream.linear.scatter [tilespmem:s14], [sflag:$0x3], $0x4000, $0x38;
	[tilespmem:$0x8180] =	vst v63  }
0x12d: {  	_ =	swait.ge [sflag:s12], $0x4000  }
0x12e: {  	[sflag:s12] =	ssyncset.done $0x0  }
0x12f: {  	[sflag:s12] =	ssyncadd.s32 $0xFFFFC000  }
0x130: {  	s18 =	sadd.s32 $0x1, s18  }
0x131: {  	p0 =	sne.s32 s18, s10  }
.Ltmp2:
0x132: {  	_ = 	snop;
	(pc) =	sbr.rel @p0 .LBB2_1-.Ltmp2, $1  }
0x133: {  	_ =	sdelay $0x3  }
0x134: {  	_ =	sfence.sel $0x180000  }
0x135: {  	[bflag:$0x0] =	sbarrier.arrive $0xFFFF  }
0x136: {  	_ =	strace $0x90000056  }
0x137: {  	s0 =	stileid.u32;
	[bflag:$0x2] =	sbarrier.arrive $0xFFFF  }
0x138: {  	p0 =	sne.s32 s0, $0x0;
	s0 =	rddreg [dreg:$0x2]  }
0x139: {  	s0 =	sadd.s32 @!p0 $0x100000, s0  }
0x13a: {  	[sflag:s0] =	ssyncadd.tile.s32 @!p0 $0x1;
	_ =	shalt  }
.Lfunc_end2:
_tile_overlayer_lowered:
.L_overlay_start_2:
0x13b: {  	(tag) =	ssettag $0x2  }
0x13c: {  	s0 =	rddreg [dreg:$0x0];
	s2 =	stileid.u32  }
0x13d: {  	s1 =	rddreg [dreg:$0x1];
	p0 =	sne.s32 s2, $0x0  }
0x13e: {  	s3 =	rddreg [dreg:$0x2];
	[bflag:$0x3] =	sbarrier.arrive $0xFFFF;
	s2 =	simm.s32 @!p0 $0x1C03  }
0x13f: {  	[timem:s3], [sflag:s2] =	dma.local @!p0 [hbm:s0], s1  }
0x140: {  	s0 =	simm.s32 @!p0 $0x3  }
0x141: {  	_ =	swait.ge @!p0 [sflag:s0], s1  }
0x142: {  	s1 =	ssub.s32 @!p0 $0x0, s1;
	[sflag:s0] =	ssyncset.done @!p0 $0x0  }
0x143: {  	[sflag:s0] =	ssyncadd.s32 @!p0 s1  }
0x144: {  	[bflag:$0x3] =	sbarrier.arrive $0xFFFF  }
0x145: {  	_ =	shalt  }

// kernel: kernel.35.cloned.1.call-start
scs
__scs_entry_jumppad:
0x0: {  	(pc) =	sbr.rel $0x88, $3  }
0x1: {  	(tag) =	ssettag $0x0;
	lr =	simm.s32 $0x1  }
0x2: {  	[smem:$0x3F97] =	sst lr;
	_ =	strace $0xD0000000  }
0x3: {  	_ = 	snop  }
0x4: {  	_ = 	snop  }
0x5: {  	_ = 	snop  }
0x6: {  	_ = 	snop  }
0x7: {  	_ = 	snop  }
__scs_overlays_trampoline_lowered:
0x8: {  	[smem:$0x3FA6] =	sst s0  }
0x9: {  	[smem:$0x3FA7] =	sst s1  }
0xa: {  	[smem:$0x3FA8] =	sst s2  }
0xb: {  	[smem:$0x3FA9] =	sst s3  }
0xc: {  	[smem:$0x3FAA] =	sst s4  }
0xd: {  	[smem:$0x3FAB] =	sst s5  }
0xe: {  	[smem:$0x3FAC] =	sst s6  }
0xf: {  	[smem:$0x3FAD] =	sst s7  }
0x10: {  	[smem:$0x3FAE] =	sst s8  }
0x11: {  	[smem:$0x3FAF] =	sst s9;
	s0 =	simm.s32 @!p0 $0x0  }
0x12: {  	s1 =	sld [smem:$0x3F95];
	s0 =	simm.s32 @p0 $0x1  }
0x13: {  	[smem:$0x3FB0] =	sst s0;
	s0 =	simm.s32 @!p1 $0x0  }
0x14: {  	s2 =	sld [smem:$0x3F94];
	s0 =	simm.s32 @p1 $0x1  }
0x15: {  	[smem:$0x3FB1] =	sst s0;
	s0 =	simm.s32 @!p2 $0x0  }
0x16: {  	s3 =	sld [smem:$0x3FDB];
	s0 =	simm.s32 @p2 $0x1  }
0x17: {  	s4 =	simm.s32 $0x1BF5;
	[smem:$0x3FB3] =	sst s0  }
0x18: {  	s0 =	sld [smem:$0x3F96];
	_ =	swait.ge [sflag:s4], $0x0  }
0x19: {  	s7 =	sld [smem:$0x3F97]  }
0x1a: {  	s8 =	sadd.s32 $0xFFFFE003, lr  }
0x1b: {  	s9 =	sadd.s32 $0xFFFFFEF7, lr;
	s5 =	simm.s32 $0xFFFFFFFF;
	p2 =	slt.u32 s8, $0xFFFFF086  }
0x1c: {  	p1 =	slt.u32 s9, $0xF7A;
	s5 =	simm.s32 @!p2 $0x0  }
0x1d: {  	s5 =	simm.s32 @p1 $0x1;
	p0 =	seq.s32 s7, s2  }
0x1e: {  	s7 =	smul.u32 @!p0 $0xF7A, s2;
	p2 =	seq.s32 @!p0 s5, $0x0  }
0x1f: {  	s9 =	smul.u32 $0xF7A, s1;
	s8 =	simm.s32 @!p0 $0x1BF5;
	p2 =	por !p2, p0  }
0x20: {  	[sflag:s8] =	ssyncset.s32 @!p0 $0xFFFFF086;
	s6 =	sadd.s32 @!p0 s3, s7;
	s7 =	simm.s32 @!p0 $0x108  }
0x21: {  	s3 =	sadd.s32 s3, s9;
	s6 =	sadd.s32 @!p0 $0x88, s6;
	s7 =	simm.s32 @p2 $0x1082  }
0x22: {  	[simem:s7], [sflag:s8] =	dma.local @!p0 [hbm:s6], $0xF7A  }
0x23: {  	s9 =	sor.u32 $0xD0000000, s2;
	s6 =	simm.s32 $0x108;
	_ =	swait.ge @!p0 [sflag:s8], $0x0  }
0x24: {  	s3 =	sadd.s32 $0x88, s3;
	s6 =	simm.s32 @!p1 $0x1082;
	[sflag:s4] =	ssyncset.s32 $0xFFFFF086  }
0x25: {  	[simem:s6], [sflag:s4] =	dma.local [hbm:s3], $0xF7A  }
0x26: {  	[smem:$0x3F97] =	sst s1;
	(tag) =	ssettag s2;
	_ =	strace s9  }
0x27: {  	s1 =	sld [smem:$0x3FA7]  }
0x28: {  	s2 =	sld [smem:$0x3FA8]  }
0x29: {  	s4 =	sld [smem:$0x3FAA]  }
0x2a: {  	p0 =	seq.s32 s5, $0x0;
	s5 =	sld [smem:$0x3FAB]  }
0x2b: {  	s6 =	sld [smem:$0x3FAC]  }
0x2c: {  	s7 =	sld [smem:$0x3FAD]  }
0x2d: {  	s3 =	simm.s32 $0x108;
	s8 =	sld [smem:$0x3FAE]  }
0x2e: {  	s3 =	simm.s32 @!p0 $0x1082;
	s9 =	sld [smem:$0x3FAF]  }
0x2f: {  	lr =	sadd.s32 s0, s3;
	s0 =	sld [smem:$0x3FA6]  }
0x30: {  	s3 =	sld [smem:$0x3FA9]  }
0x31: {  	[smem:$0x3FB2] =	sst s10  }
0x32: {  	s10 =	sld [smem:$0x3FB0];
	_ =	sdelay $0x3  }
0x33: {  	p0 =	seq.s32 s10, $0x1;
	s10 =	sld [smem:$0x3FB2];
	_ =	sdelay $0x3  }
0x34: {  	[smem:$0x3FB2] =	sst s10  }
0x35: {  	s10 =	sld [smem:$0x3FB1];
	_ =	sdelay $0x3  }
0x36: {  	p1 =	seq.s32 s10, $0x1;
	s10 =	sld [smem:$0x3FB2];
	_ =	sdelay $0x3  }
0x37: {  	[smem:$0x3FB2] =	sst s10  }
0x38: {  	s10 =	sld [smem:$0x3FB3]  }
0x39: {  	_ = 	snop;
	(pc) =	sbr.ind lr, $3  }
0x3a: {  	_ = 	snop  }
0x3b: {  	_ = 	snop  }
0x3c: {  	p2 =	seq.s32 s10, $0x1;
	s10 =	sld [smem:$0x3FB2]  }
0x3d: {  	_ =	shalt  }
0x3e: {  	_ =	shalt  }
0x3f: {  	_ =	shalt  }
0x40: {  	_ =	shalt  }
0x41: {  	_ =	shalt  }
0x42: {  	_ =	shalt  }
0x43: {  	_ =	shalt  }
0x44: {  	_ =	shalt  }
0x45: {  	_ =	shalt  }
0x46: {  	_ =	shalt  }
0x47: {  	_ =	shalt  }
0x48: {  	_ =	shalt  }
0x49: {  	_ =	shalt  }
0x4a: {  	_ =	shalt  }
0x4b: {  	_ =	shalt  }
0x4c: {  	_ =	shalt  }
0x4d: {  	_ =	shalt  }
0x4e: {  	_ =	shalt  }
0x4f: {  	_ =	shalt  }
0x50: {  	_ =	shalt  }
0x51: {  	_ =	shalt  }
0x52: {  	_ =	shalt  }
0x53: {  	_ =	shalt  }
0x54: {  	_ =	shalt  }
0x55: {  	_ =	shalt  }
0x56: {  	_ =	shalt  }
0x57: {  	_ =	shalt  }
0x58: {  	_ =	shalt  }
0x59: {  	_ =	shalt  }
0x5a: {  	_ =	shalt  }
0x5b: {  	_ =	shalt  }
0x5c: {  	_ =	shalt  }
0x5d: {  	_ =	shalt  }
0x5e: {  	_ =	shalt  }
0x5f: {  	_ =	shalt  }
0x60: {  	_ =	shalt  }
0x61: {  	_ =	shalt  }
0x62: {  	_ =	shalt  }
0x63: {  	_ =	shalt  }
0x64: {  	_ =	shalt  }
0x65: {  	_ =	shalt  }
0x66: {  	_ =	shalt  }
0x67: {  	_ =	shalt  }
0x68: {  	_ =	shalt  }
0x69: {  	_ =	shalt  }
0x6a: {  	_ =	shalt  }
0x6b: {  	_ =	shalt  }
0x6c: {  	_ =	shalt  }
0x6d: {  	_ =	shalt  }
0x6e: {  	_ =	shalt  }
0x6f: {  	_ =	shalt  }
0x70: {  	_ =	shalt  }
0x71: {  	_ =	shalt  }
0x72: {  	_ =	shalt  }
0x73: {  	_ =	shalt  }
0x74: {  	_ =	shalt  }
0x75: {  	_ =	shalt  }
0x76: {  	_ =	shalt  }
0x77: {  	_ =	shalt  }
0x78: {  	_ =	shalt  }
0x79: {  	_ =	shalt  }
0x7a: {  	_ =	shalt  }
0x7b: {  	_ =	shalt  }
0x7c: {  	_ =	shalt  }
0x7d: {  	_ =	shalt  }
0x7e: {  	_ =	shalt  }
0x7f: {  	_ =	shalt  }
0x80: {  	_ =	shalt  }
0x81: {  	_ =	shalt  }
0x82: {  	_ =	shalt  }
0x83: {  	_ =	shalt  }
0x84: {  	_ =	shalt  }
0x85: {  	_ =	shalt  }
0x86: {  	_ =	shalt  }
0x87: {  	_ =	shalt  }
.Lfunc_end0:
.L_simem_size_0:
called_computation.6_lowered:
.L_overlay_start_0:
0x88: {  	s2 =	sld [smem:$0x3FD9]  }
0x89: {  	s3 =	sld [smem:$0x3FFE];
	_ =	sdelay $0x1  }
0x8a: {  	s1 =	srdreg.scid  }
0x8b: {  	s0 =	sand.u32 $0x1, s1  }
0x8c: {  	s17 =	sshll.u32 s0, $0xA;
	s2 =	sadd.s32 s3, s2  }
0x8d: {  	s2 =	sadd.s32 s2, s17  }
0x8e: {  	[smem:$0x3FBE] =	sst s2  }
0x8f: {  	_ = 	snop  }
0x90: {  	(tm) =	ssettm $0x1  }
0x91: {  	s18 =	sld [smem:$0x3FFB];
	_ =	sdelay $0x3  }
0x92: {  	_ =	strace s18  }
0x93: {  	s2 =	sld [smem:$0x3FFC];
	_ =	sdelay $0x3  }
0x94: {  	_ =	strace s2  }
0x95: {  	s2 =	sld [smem:$0x3FFD];
	_ =	sdelay $0x3  }
0x96: {  	_ =	strace s2  }
0x97: {  	_ =	strace $0x8FFFFFFF  }
0x98: {  	s19 =	sld [smem:$0x3FDB];
	_ =	sdelay $0x1  }
0x99: {  	s20 =	simm.s32 $_scs_section_size  }
0x9a: {  	s4 =	simm.s32 $_size__tile_overlayer_lowered;
	s5 =	simm.s32 $_tile_overlayer_lowered  }
0x9b: {  	s6 =	simm.s32 $0x1BFF;
	s21 =	sshll.u32 s5, $0x1;
	s3 =	sadd.s32 s20, s19  }
0x9c: {  	s22 =	simm.s32 $0x0;
	s4 =	sshll.u32 s4, $0x1;
	s5 =	sadd.s32 s21, s3  }
0x9d: {  	[timem:s22], [sflag:s6] =	dma.local [hbm:s5], s4  }
0x9e: {  	_ =	swait.ge [sflag:s6], s4  }
0x9f: {  	s4 =	ssub.s32 $0x0, s4;
	[sflag:s6] =	ssyncset.done $0x0  }
0xa0: {  	[sflag:s6] =	ssyncadd.s32 s4;
	_ =	sdelay $0x1  }
0xa1: {  	s23 =	simm.s32 $0x1B8B  }
0xa2: {  	_ =	swait.ge [sflag:s23], $0x1  }
0xa3: {  	[sflag:s23] =	ssyncset.done $0x0  }
0xa4: {  	[sflag:s23] =	ssyncadd.s32 $0xFFFFFFFF  }
0xa5: {  	s4 =	sld [smem:$0x0]  }
0xa6: {  	s5 =	sand.u32 $0xFFFFFFFE, s1  }
0xa7: {  	p0 =	sne.s32 s1, s5  }
0xa8: {  	s5 =	sshll.u32 @p0 s5, $0xE  }
0xa9: {  	s5 =	sadd.s32 @p0 $0x11B8D, s5;
	s6 =	sshll.u32 @p0 s4, $0x11  }
0xaa: {  	s5 =	sor.u32 @p0 s6, s5  }
0xab: {  	[sflag:s5] =	ssyncadd.remote.s32 @p0 $0x1;
	_ =	sdelay $0x1  }
0xac: {  	s5 =	simm.s32 @p0 $0x1B8D  }
0xad: {  	_ =	swait.eq @p0 [sflag:s5], $0x1  }
0xae: {  	[sflag:s5] =	ssyncadd.s32 @p0 $0xFFFFFFFF  }
0xaf: {  	s6 =	sshll.u32 @!p0 s1, $0xE  }
0xb0: {  	s6 =	sor.u32 @!p0 $0x4000, s6;
	s5 =	simm.s32 @!p0 $0x1B8D  }
0xb1: {  	s4 =	sshll.u32 @!p0 s4, $0x11;
	s6 =	sadd.s32 @!p0 $0x11B8D, s6;
	_ =	swait.eq @!p0 [sflag:s5], $0x1  }
0xb2: {  	s4 =	sor.u32 @!p0 s4, s6;
	[sflag:s5] =	ssyncadd.s32 @!p0 $0xFFFFFFFF  }
0xb3: {  	s25 =	simm.s32 $0x1B8E;
	s24 =	sld [smem:$0x3FFE];
	[sflag:s4] =	ssyncadd.remote.s32 @!p0 $0x1  }
0xb4: {  	s26 =	simm.s32 $execute0_lowered;
	[smem:$0x3FD2] =	sst s25  }
0xb5: {  	s5 =	sshll.u32 s26, $0x1;
	_ =	strace $0x8000005B;
	[dreg:$0x1] =	wrdreg $0xFFFFFFFF  }
0xb6: {  	s28 =	simm.s32 $_size_execute0_lowered;
	s3 =	sadd.s32 s3, s5;
	[dreg:$0x0] =	wrdreg $0x0  }
0xb7: {  	s5 =	sshll.u32 s28, $0x1;
	[dreg:$0x2] =	wrdreg s3  }
0xb8: {  	[dreg:$0x3] =	wrdreg s5  }
0xb9: {  	[dreg:$0x4] =	wrdreg $0xC0  }
0xba: {  	_ =	task [dreg:s22], $0x5FFFF  }
0xbb: {  	[dreg:$0x1] =	wrdreg $0xFFFFFFFF  }
0xbc: {  	[dreg:$0x0] =	wrdreg $0x60  }
0xbd: {  	[dreg:$0x2] =	wrdreg s24  }
0xbe: {  	[dreg:$0x3] =	wrdreg $0x9  }
0xbf: {  	_ =	task.clear_ibuf [dreg:s22], $0x4FFFF;
	_ =	strace $0x9000005B  }
0xc0: {  	s29 =	simm.s32 $0x9;
	_ =	strace $0x8000005D  }
0xc1: {  	_ =	swait.ge [sflag:s29], $0x1  }
0xc2: {  	[sflag:s29] =	ssyncadd.s32 $0xFFFFFFFF  }
0xc3: {  	_ =	strace $0x9000005D  }
0xc4: {  	_ =	sfence  }
0xc5: {  	s30 =	sld [smem:$0x0];
	_ =	sdelay $0x2  }
0xc6: {  	s31 =	sshll.u32 s1, $0xD;
	s1 =	sshrl.u32 s1, $0x2  }
0xc7: {  	s4 =	sand.u32 $0x4000, s31;
	s1 =	sadd.s32 s1, s30  }
0xc8: {  	s0 =	sor.u32 s4, s0;
	s1 =	sshll.u32 s1, $0x11  }
0xc9: {  	s0 =	sor.u32 s1, s0  }
0xca: {  	s0 =	sadd.s32 $0x8F2B, s0  }
0xcb: {  	[sflag:s0] =	ssyncadd.remote.s32 $0x1  }
0xcc: {  	_ =	sfence.sel $0xFFFF  }
0xcd: {  	[dreg:$0x0] =	wrdreg $0xFFFFFFFF;
	(pc) =	sbr.abs _section_cstart, $3  }
0xce: {  	[dreg:$0x1] =	wrdreg $0xFFFFFFFF  }
0xcf: {  	_ =	task.clear_ibuf [dreg:s22], $0x2FFFF;
	_ =	strace $0x9FFFFFFF  }
0xd0: {  	(tm) =	ssettm $0x7FFFFFFF  }
0xd1: {  	_ =	shalt  }
tec
execute0_lowered:
.L_overlay_start_1:
0x0: {  	(tag) =	ssettag $0x1  }
0x1: {  	s1 =	srdreg.scid  }
0x2: {  	s0 =	stileid.u32;
	s6 =	rddreg [dreg:$0x0]  }
0x3: {  	s10 =	simm.s32 $0x400;
	s11 =	simm.s32 $0xD000;
	s4 =	sand.u32 $0x1, s1  }
0x4: {  	s12 =	simm.s32 $0x1;
	s2 =	sshll.u32 s0, $0x2;
	s1 =	sshll.u32 s4, $0x6  }
0x5: {  	s13 =	simm.s32 $0x2;
	s14 =	simm.s32 $0x1000;
	s3 =	sor.u32 s2, s1  }
0x6: {  	s15 =	simm.s32 $0x2000;
	s16 =	simm.s32 $0x3000;
	s3 =	sshrl.u32 s3, $0x3  }
0x7: {  	s17 =	simm.s32 $0x0;
	s30 =	sshll.u32 s0, $0x9;
	s5 =	smul.u32 $0x14000, s3  }
0x8: {  	s7 =	sand.u32 $0x200, s30;
	s31 =	ssub.s32 $0x2, s4;
	s4 =	sadd.s32 $0xF600, s6  }
0x9: {  	s1 =	rddreg [dreg:$0x1];
	s2 =	simm.s32 $0x0;
	s5 =	sor.u32 s7, s5  }
0xa: {  	s9 =	sshrl.u32 s31, $0x1;
	[smem:$0x7FF] =	sst s2;
	s8 =	sshrl.u32 s5, $0x3  }
0xb: {  	s9 =	ssub.s32 s31, s9;
	_ =	strace $0x8000005C;
	s8 =	sadd.s32 s8, s6  }
0xc: {  	s3 =	sadd.s32 $0x19400, s6;
	s5 =	sadd.s32 $0x5800, s6;
	s6 =	sadd.s32 $0x69400, s8  }
0xd: {  	v0 =	vimm.f32 $0.0e+00;
	s7 =	sadd.s32 $0x23200, s8;
	s8 =	smax.u32 s9, $0x1;
	s9 =	simm.s32 $0x200  }
.LBB2_1:
0xe: {  	[tilespmem:s11], [sflag:$0x1] =	stream.strided.gather [hbm4b:s6+s9], $0xA000, s10, s9, $0x38;
	[tilespmem:$0x17000] =	vst v63  }
0xf: {  	_ =	swait.ge [sflag:s12], $0xA000  }
0x10: {  	s18 =	sand.u32 $0x70, s2;
	s19 =	sand.u32 $0xFE00, s2;
	[sflag:s12] =	ssyncset.done $0x0  }
0x11: {  	s18 =	sor.u32 s18, s19;
	[sflag:s12] =	ssyncadd.s32 $0xFFFF6000  }
0x12: {  	v4 =	vld [tilespmem:s18+$0xD000]  }
0x13: {  	[tilespmem:s18+$0xD000] =	vst v0;
	v3 =	vld [tilespmem:s18+$0xD080]  }
0x14: {  	[tilespmem:s18+$0xD080] =	vst v0;
	v2 =	vld [tilespmem:s18+$0xD100]  }
0x15: {  	[tilespmem:s18+$0xD100] =	vst v0;
	v1 =	vld [tilespmem:s18+$0xD180]  }
0x16: {  	s21 =	simm.s32 $0x20;
	s20 =	simm.s32 $0x0;
	s19 =	simm.s32 $0x10;
	[tilespmem:s18+$0xD180] =	vst v0  }
.LBB2_2:
0x17: {  	p0 =	seq.s32 s21, $0x27F0;
	[tilespmem:s18+$0x3000] =	vst v4;
	s20 =	sadd.s32 $0x40, s20  }
0x18: {  	s22 =	sand.u32 $0x70, s19;
	s19 =	smov.u32 s21;
	s23 =	sand.u32 $0xFE00, s20;
	[tilespmem:s18+$0x3080] =	vst v3  }
0x19: {  	s22 =	sor.u32 s22, s23;
	[tilespmem:s18+$0x3100] =	vst v2  }
.Ltmp0:
0x1a: {  	v4 =	vld [tilespmem:s22+$0xD000];
	[tilespmem:s22+$0xD000] =	vst v0;
	v5 =	vmov v1;
	(pc) =	sbr.rel @!p0 .LBB2_2-.Ltmp0, $4  }
0x1b: {  	v3 =	vld [tilespmem:s22+$0xD080];
	[tilespmem:s22+$0xD080] =	vst v0  }
0x1c: {  	v2 =	vld [tilespmem:s22+$0xD100];
	[tilespmem:s22+$0xD100] =	vst v0  }
0x1d: {  	v1 =	vld [tilespmem:s22+$0xD180];
	[tilespmem:s22+$0xD180] =	vst v0  }
0x1e: {  	s21 =	sadd.s32 $0x10, s21;
	[tilespmem:s18+$0x3180] =	vst v5;
	s18 =	smov.u32 s22  }
0x1f: {  	[tilespmem:s18+$0x3000] =	vst v4;
	s20 =	sadd.s32 $0x40, s20  }
0x20: {  	s19 =	sand.u32 $0x70, s19;
	s20 =	sand.u32 $0xFE00, s20;
	[tilespmem:s18+$0x3080] =	vst v3  }
0x21: {  	s19 =	sor.u32 s19, s20;
	[tilespmem:s18+$0x3100] =	vst v2  }
0x22: {  	v2 =	vld [tilespmem:s19+$0xD000];
	[tilespmem:s19+$0xD000] =	vst v0  }
0x23: {  	v3 =	vld [tilespmem:s19+$0xD080];
	[tilespmem:s19+$0xD080] =	vst v0  }
0x24: {  	v4 =	vld [tilespmem:s19+$0xD100];
	[tilespmem:s19+$0xD100] =	vst v0  }
0x25: {  	v5 =	vld [tilespmem:s19+$0xD180];
	[tilespmem:s19+$0xD180] =	vst v0  }
0x26: {  	[tilespmem:s18+$0x3180] =	vst v1  }
0x27: {  	[tilespmem:s19+$0x3000] =	vst v2  }
0x28: {  	[tilespmem:s19+$0x3080] =	vst v3  }
0x29: {  	[tilespmem:s19+$0x3100] =	vst v4  }
0x2a: {  	s18 =	simm.s32 $0x0;
	[tilespmem:s19+$0x3180] =	vst v5  }
.LBB2_4:
0x2b: {  	s19 =	sshll.u32 s18, $0x9  }
0x2c: {  	s20 =	sadd.s32 s4, s19  }
0x2d: {  	[tilespmem:s2], [sflag:$0x2] =	stream.linear.gather [hbm4b:s20+s2], $0x1000, $0x38;
	[tilespmem:$0x17000] =	vst v63  }
0x2e: {  	_ =	swait.ge [sflag:s13], $0x1000  }
0x2f: {  	[sflag:s13] =	ssyncset.done $0x0  }
0x30: {  	s30 =	sadd.s32 s5, s19;
	[sflag:s13] =	ssyncadd.s32 $0xFFFFF000  }
0x31: {  	[tilespmem:s14], [sflag:$0x2] =	stream.linear.gather [hbm4b:s30+s2], $0x1000, $0x38;
	[tilespmem:$0x17000] =	vst v63  }
0x32: {  	_ =	swait.ge [sflag:s13], $0x1000  }
0x33: {  	[sflag:s13] =	ssyncset.done $0x0  }
0x34: {  	s19 =	sadd.s32 s3, s19;
	[sflag:s13] =	ssyncadd.s32 $0xFFFFF000  }
0x35: {  	[tilespmem:s15], [sflag:$0x2] =	stream.linear.gather [hbm4b:s19+s2], $0x1000, $0x38;
	[tilespmem:$0x17000] =	vst v63  }
0x36: {  	_ =	swait.ge [sflag:s13], $0x1000  }
0x37: {  	[sflag:s13] =	ssyncset.done $0x0  }
0x38: {  	s31 =	simm.s32 $0x40;
	[sflag:s13] =	ssyncadd.s32 $0xFFFFF000  }
0x39: {  	v1 =	vld [tilespmem:s31+$0x30]  }
0x3a: {  	v2 =	vld [tilespmem:s31+$0xFFFFFFD0]  }
0x3b: {  	v3 =	vld [tilespmem:s31+$0xFFFFFFE0]  }
0x3c: {  	v4 =	vld [tilespmem:s31+$0xFFFFFFF0]  }
0x3d: {  	v5 =	vld [tilespmem:s31+$0x0]  }
0x3e: {  	v6 =	vld [tilespmem:s31+$0x10]  }
0x3f: {  	v8 =	vld [tilespmem:s31+$0x20]  }
0x40: {  	s19 =	simm.s32 $0x1040;
	v9 =	vld [tilespmem:s31+$0xFFFFFFC0]  }
0x41: {  	v11 =	vld [tilespmem:s19+$0xFFFFFFC0]  }
0x42: {  	v12 =	vld [tilespmem:s19+$0xFFFFFFD0]  }
0x43: {  	s20 =	simm.s32 $0x2040;
	v13 =	vld [tilespmem:s19+$0xFFFFFFE0];
	v7 =	vshll.u32 v1, $0x2  }
0x44: {  	v17 =	vld [tilespmem:s20+$0x30];
	v1 =	vand.u32 $0x7F, v1;
	v10 =	vshll.u32 v3, $0x2;
	v18 =	vshll.u32 v4, $0x2  }
0x45: {  	v19 =	vld [tilespmem:s19+$0xFFFFFFF0];
	v20 =	vand.u32 $0x7F, v3;
	v24 =	vshll.u32 v5, $0x2;
	v26 =	vand.u32 $0x7F, v4  }
0x46: {  	v21 =	vld [tilespmem:s19+$0x0];
	v53 =	vshll.u32 v6, $0x2;
	v54 =	vand.u32 $0x7F, v5;
	v56 =	vshll.u32 v8, $0x2  }
0x47: {  	v23 =	vld [tilespmem:s19+$0x10];
	v57 =	vand.u32 $0x7F, v6;
	v8 =	vand.u32 $0x7F, v8;
	v7 =	vand.u32 $0xFFFFFE00, v7  }
0x48: {  	v25 =	vld [tilespmem:s19+$0x20];
	v28 =	vshll.u32 v11, $0x2;
	v16 =	vand.u32 $0xFFFFFE00, v10;
	v14 =	vor.u32 v1, v7  }
0x49: {  	v30 =	vshll.u32 v12, $0x2;
	v18 =	vand.u32 $0xFFFFFE00, v18;
	v1 =	vld [tilespmem:s19+$0x30];
	v4 =	vor.u32 v20, v16  }
0x4a: {  	v42 =	vand.u32 $0x7F, v11;
	v11 =	vld [tilespmem:s20+$0xFFFFFFF0];
	v52 =	vand.u32 $0xFFFFFE00, v24;
	v5 =	vor.u32 v26, v18  }
0x4b: {  	v43 =	vand.u32 $0x7F, v12;
	v12 =	vld [tilespmem:s20+$0x0];
	v58 =	vand.u32 $0xFFFFFE00, v56;
	v6 =	vor.u32 v54, v52  }
0x4c: {  	v32 =	vshll.u32 v13, $0x2;
	v37 =	vand.u32 $0x7F, v13;
	v13 =	vld [tilespmem:s20+$0x10];
	v8 =	vor.u32 v8, v58  }
0x4d: {  	v48 =	vshll.u32 v2, $0x2;
	v15 =	vld.idx.msk [tilespmem:v14+s16+$0x0], $0xffff  }
0x4e: {  	v2 =	vand.u32 $0x7F, v2;
	v3 =	vshll.u32 v9, $0x2;
	v49 =	vshll.u32 v1, $0x2;
	v61 =	vld.idx.msk [tilespmem:v4+s16+$0x0], $0xffff  }
0x4f: {  	v33 =	vshll.u32 v19, $0x2;
	v1 =	vand.u32 $0x7F, v1;
	v63 =	vld.idx.msk [tilespmem:v5+s16+$0x0], $0xffff;
	v10 =	vand.u32 $0xFFFFFE00, v49  }
0x50: {  	v19 =	vand.u32 $0x7F, v19;
	v33 =	vand.u32 $0xFFFFFE00, v33;
	v27 =	vld.idx.msk [tilespmem:v6+s16+$0x0], $0xffff;
	v22 =	vor.u32 v1, v10  }
0x51: {  	v3 =	vand.u32 $0xFFFFFE00, v3;
	v19 =	vor.u32 v19, v33;
	v50 =	vor.u32 $0x80, v14;
	v31 =	vld.idx.msk [tilespmem:v8+s16+$0x0], $0xffff  }
0x52: {  	v39 =	vor.u32 $0x100, v14;
	v38 =	vor.u32 $0x180, v14;
	v14 =	vld [tilespmem:s20+$0x20];
	v1 =	vand.u32 $0x7F, v9  }
0x53: {  	v7 =	vand.u32 $0xFFFFFE00, v48;
	v10 =	vor.u32 v1, v3;
	v1 =	vld [tilespmem:s20+$0xFFFFFFC0];
	v51 =	vmul.f32 v15, v17  }
0x54: {  	v41 =	vshll.u32 v21, $0x2;
	v55 =	vand.u32 $0xFFFFFE00, v53;
	v3 =	vor.u32 v2, v7;
	v2 =	vld [tilespmem:s20+$0xFFFFFFD0]  }
0x55: {  	v21 =	vand.u32 $0x7F, v21;
	v7 =	vor.u32 v57, v55;
	v48 =	vmul.f32 v63, v11;
	[tilespmem:v22+s11+$0x0] =	vst.idx.add.f32.msk $0xffff, v51  }
0x56: {  	v40 =	vand.u32 $0xFFFFFE00, v32;
	v32 =	vand.u32 $0xFFFFFE00, v41;
	v56 =	vor.u32 $0x80, v5;
	v9 =	vld.idx.msk [tilespmem:v50+s16+$0x0], $0xffff  }
0x57: {  	v21 =	vor.u32 v21, v32;
	[tilespmem:v19+s11+$0x0] =	vst.idx.add.f32.msk $0xffff, v48  }
0x58: {  	v62 =	vor.u32 $0x80, v22;
	v59 =	vld.idx.msk [tilespmem:v10+s16+$0x0], $0xffff  }
0x59: {  	v44 =	vshll.u32 v23, $0x2;
	v23 =	vand.u32 $0x7F, v23;
	v28 =	vand.u32 $0xFFFFFE00, v28;
	v60 =	vld.idx.msk [tilespmem:v3+s16+$0x0], $0xffff  }
0x5a: {  	v30 =	vand.u32 $0xFFFFFE00, v30;
	v28 =	vor.u32 v42, v28;
	v51 =	vmul.f32 v27, v12;
	v29 =	vld.idx.msk [tilespmem:v7+s16+$0x0], $0xffff  }
0x5b: {  	v34 =	vand.u32 $0xFFFFFE00, v44;
	v30 =	vor.u32 v43, v30;
	v27 =	vld.idx.msk [tilespmem:v56+s16+$0x0], $0xffff;
	v9 =	vmul.f32 v9, v17  }
0x5c: {  	v23 =	vor.u32 v23, v34;
	[tilespmem:v21+s11+$0x0] =	vst.idx.add.f32.msk $0xffff, v51  }
0x5d: {  	v57 =	vor.u32 $0x80, v6;
	v16 =	vmul.f32 v59, v1;
	[tilespmem:v62+s11+$0x0] =	vst.idx.add.f32.msk $0xffff, v9  }
0x5e: {  	v33 =	vor.u32 $0x80, v19;
	v15 =	vmul.f32 v60, v2;
	v9 =	vld [tilespmem:s20+$0xFFFFFFE0]  }
0x5f: {  	v53 =	vmul.f32 v29, v13;
	[tilespmem:v28+s11+$0x0] =	vst.idx.add.f32.msk $0xffff, v16  }
0x60: {  	v35 =	vshll.u32 v25, $0x2;
	v47 =	vand.u32 $0x7F, v25;
	v50 =	vor.u32 $0x80, v10;
	[tilespmem:v30+s11+$0x0] =	vst.idx.add.f32.msk $0xffff, v15  }
0x61: {  	v46 =	vand.u32 $0xFFFFFE00, v35;
	v58 =	vor.u32 $0x80, v7;
	v41 =	vmul.f32 v27, v11;
	[tilespmem:v23+s11+$0x0] =	vst.idx.add.f32.msk $0xffff, v53  }
0x62: {  	v15 =	vor.u32 v47, v46;
	v16 =	vld.idx.msk [tilespmem:v57+s16+$0x0], $0xffff  }
0x63: {  	v59 =	vor.u32 $0x80, v8;
	[tilespmem:v33+s11+$0x0] =	vst.idx.add.f32.msk $0xffff, v41  }
0x64: {  	v44 =	vor.u32 $0x100, v5;
	v26 =	vld.idx.msk [tilespmem:v39+s16+$0x0], $0xffff  }
0x65: {  	v20 =	vor.u32 v37, v40;
	v54 =	vmul.f32 v31, v14;
	v25 =	vld.idx.msk [tilespmem:v50+s16+$0x0], $0xffff  }
0x66: {  	v52 =	vor.u32 $0x80, v3;
	v24 =	vld.idx.msk [tilespmem:v58+s16+$0x0], $0xffff  }
0x67: {  	v37 =	vor.u32 $0x80, v21;
	[tilespmem:v15+s11+$0x0] =	vst.idx.add.f32.msk $0xffff, v54  }
0x68: {  	v36 =	vor.u32 $0x100, v22;
	v18 =	vmul.f32 v61, v9;
	v29 =	vld.idx.msk [tilespmem:v59+s16+$0x0], $0xffff  }
0x69: {  	v55 =	vor.u32 $0x80, v4;
	v45 =	vmul.f32 v26, v17;
	v26 =	vld.idx.msk [tilespmem:v44+s16+$0x0], $0xffff  }
0x6a: {  	v60 =	vor.u32 $0x80, v28;
	v16 =	vmul.f32 v16, v12;
	[tilespmem:v20+s11+$0x0] =	vst.idx.add.f32.msk $0xffff, v18  }
0x6b: {  	v18 =	vld.idx.msk [tilespmem:v52+s16+$0x0], $0xffff  }
0x6c: {  	v63 =	vor.u32 $0x100, v10;
	[tilespmem:v37+s11+$0x0] =	vst.idx.add.f32.msk $0xffff, v16  }
0x6d: {  	v46 =	vor.u32 $0x100, v6;
	v25 =	vmul.f32 v25, v1;
	[tilespmem:v36+s11+$0x0] =	vst.idx.add.f32.msk $0xffff, v45  }
0x6e: {  	v40 =	vor.u32 $0x80, v15;
	v61 =	vld.idx.msk [tilespmem:v55+s16+$0x0], $0xffff  }
0x6f: {  	v53 =	vor.u32 $0x100, v19;
	[tilespmem:v60+s11+$0x0] =	vst.idx.add.f32.msk $0xffff, v25  }
0x70: {  	v62 =	vor.u32 $0x80, v30;
	v49 =	vld.idx.msk [tilespmem:v38+s16+$0x0], $0xffff  }
0x71: {  	v38 =	vor.u32 $0x80, v23;
	v25 =	vld.idx.msk [tilespmem:v63+s16+$0x0], $0xffff;
	v45 =	vmul.f32 v29, v14  }
0x72: {  	v48 =	vor.u32 $0x100, v8;
	v29 =	vld.idx.msk [tilespmem:v46+s16+$0x0], $0xffff;
	v57 =	vmul.f32 v26, v11  }
0x73: {  	v5 =	vor.u32 $0x180, v5;
	v18 =	vmul.f32 v18, v2;
	[tilespmem:v40+s11+$0x0] =	vst.idx.add.f32.msk $0xffff, v45  }
0x74: {  	v24 =	vmul.f32 v24, v13;
	v36 =	vor.u32 $0x80, v20;
	[tilespmem:v53+s11+$0x0] =	vst.idx.add.f32.msk $0xffff, v57  }
0x75: {  	v42 =	vor.u32 $0x100, v3;
	[tilespmem:v62+s11+$0x0] =	vst.idx.add.f32.msk $0xffff, v18  }
0x76: {  	v22 =	vor.u32 $0x180, v22;
	[tilespmem:v38+s11+$0x0] =	vst.idx.add.f32.msk $0xffff, v24  }
0x77: {  	v43 =	vor.u32 $0x100, v4;
	v39 =	vmul.f32 v61, v9;
	v16 =	vld.idx.msk [tilespmem:v48+s16+$0x0], $0xffff  }
0x78: {  	v47 =	vor.u32 $0x100, v7;
	v5 =	vld.idx.msk [tilespmem:v5+s16+$0x0], $0xffff  }
0x79: {  	v50 =	vor.u32 $0x100, v28;
	v17 =	vmul.f32 v49, v17;
	[tilespmem:v36+s11+$0x0] =	vst.idx.add.f32.msk $0xffff, v39  }
0x7a: {  	v10 =	vor.u32 $0x180, v10;
	v49 =	vld.idx.msk [tilespmem:v42+s16+$0x0], $0xffff  }
0x7b: {  	v54 =	vor.u32 $0x100, v21;
	[tilespmem:v22+s11+$0x0] =	vst.idx.add.f32.msk $0xffff, v17  }
0x7c: {  	v6 =	vor.u32 $0x180, v6;
	v25 =	vmul.f32 v25, v1;
	v18 =	vld.idx.msk [tilespmem:v43+s16+$0x0], $0xffff  }
0x7d: {  	v51 =	vor.u32 $0x100, v30;
	v17 =	vld.idx.msk [tilespmem:v47+s16+$0x0], $0xffff  }
0x7e: {  	v52 =	vor.u32 $0x100, v20;
	[tilespmem:v50+s11+$0x0] =	vst.idx.add.f32.msk $0xffff, v25;
	v58 =	vmul.f32 v29, v12  }
0x7f: {  	v3 =	vor.u32 $0x180, v3;
	v10 =	vld.idx.msk [tilespmem:v10+s16+$0x0], $0xffff  }
0x80: {  	v4 =	vor.u32 $0x180, v4;
	[tilespmem:v54+s11+$0x0] =	vst.idx.add.f32.msk $0xffff, v58;
	v22 =	vmul.f32 v49, v2  }
0x81: {  	v56 =	vor.u32 $0x100, v15;
	v6 =	vld.idx.msk [tilespmem:v6+s16+$0x0], $0xffff;
	v18 =	vmul.f32 v18, v9  }
0x82: {  	v55 =	vor.u32 $0x100, v23;
	[tilespmem:v51+s11+$0x0] =	vst.idx.add.f32.msk $0xffff, v22  }
0x83: {  	v7 =	vor.u32 $0x180, v7;
	[tilespmem:v52+s11+$0x0] =	vst.idx.add.f32.msk $0xffff, v18  }
0x84: {  	v8 =	vor.u32 $0x180, v8;
	v16 =	vmul.f32 v16, v14;
	v3 =	vld.idx.msk [tilespmem:v3+s16+$0x0], $0xffff  }
0x85: {  	v59 =	vor.u32 $0x180, v28;
	v17 =	vmul.f32 v17, v13;
	v4 =	vld.idx.msk [tilespmem:v4+s16+$0x0], $0xffff  }
0x86: {  	v60 =	vor.u32 $0x180, v30;
	[tilespmem:v56+s11+$0x0] =	vst.idx.add.f32.msk $0xffff, v16  }
0x87: {  	v61 =	vor.u32 $0x180, v20;
	[tilespmem:v55+s11+$0x0] =	vst.idx.add.f32.msk $0xffff, v17  }
0x88: {  	v19 =	vor.u32 $0x180, v19;
	v1 =	vmul.f32 v10, v1;
	v7 =	vld.idx.msk [tilespmem:v7+s16+$0x0], $0xffff  }
0x89: {  	v62 =	vor.u32 $0x180, v21;
	v8 =	vld.idx.msk [tilespmem:v8+s16+$0x0], $0xffff;
	v2 =	vmul.f32 v3, v2  }
0x8a: {  	[tilespmem:v59+s11+$0x0] =	vst.idx.add.f32.msk $0xffff, v1;
	v3 =	vor.u32 $0x180, v23;
	v1 =	vmul.f32 v4, v9  }
0x8b: {  	[tilespmem:v60+s11+$0x0] =	vst.idx.add.f32.msk $0xffff, v2;
	v2 =	vmul.f32 v5, v11  }
0x8c: {  	[tilespmem:v61+s11+$0x0] =	vst.idx.add.f32.msk $0xffff, v1;
	v1 =	vmul.f32 v6, v12  }
0x8d: {  	v63 =	vmul.f32 v7, v13;
	[tilespmem:v19+s11+$0x0] =	vst.idx.add.f32.msk $0xffff, v2  }
0x8e: {  	[tilespmem:v62+s11+$0x0] =	vst.idx.add.f32.msk $0xffff, v1  }
0x8f: {  	s21 =	simm.s32 $0x0;
	s22 =	simm.s32 $0xC0;
	v2 =	vmul.f32 v8, v14;
	v1 =	vor.u32 $0x180, v15;
	[tilespmem:v3+s11+$0x0] =	vst.idx.add.f32.msk $0xffff, v63  }
.LBB2_5:
0x90: {  	v3 =	vld [tilespmem:s22+$0x30];
	s21 =	sadd.s32 $0x8, s21  }
0x91: {  	v4 =	vld [tilespmem:s22+$0xFFFFFFD0];
	p0 =	slt.u32 s21, $0xF8  }
0x92: {  	v5 =	vld [tilespmem:s22+$0xFFFFFFE0]  }
0x93: {  	v6 =	vld [tilespmem:s22+$0xFFFFFFF0]  }
0x94: {  	v7 =	vld [tilespmem:s22+$0x0]  }
0x95: {  	v8 =	vld [tilespmem:s22+$0x10];
	v9 =	vshll.u32 v3, $0x2  }
0x96: {  	v3 =	vand.u32 $0x7F, v3;
	v10 =	vshll.u32 v4, $0x2;
	v11 =	vld [tilespmem:s22+$0x20];
	v9 =	vand.u32 $0xFFFFFE00, v9  }
0x97: {  	s19 =	sadd.s32 $0x80, s19;
	v12 =	vld [tilespmem:s22+$0xFFFFFFC0];
	v14 =	vand.u32 $0xFFFFFE00, v10;
	v13 =	vshll.u32 v5, $0x2;
	v10 =	vor.u32 v3, v9  }
0x98: {  	v3 =	vand.u32 $0x7F, v4;
	v4 =	vand.u32 $0xFFFFFE00, v13;
	v9 =	vshll.u32 v6, $0x2;
	v13 =	vld [tilespmem:s19+$0x30]  }
0x99: {  	v5 =	vand.u32 $0x7F, v5;
	v19 =	vld [tilespmem:s19+$0xFFFFFFC0];
	v9 =	vand.u32 $0xFFFFFE00, v9;
	v15 =	vshll.u32 v7, $0x2  }
0x9a: {  	v6 =	vand.u32 $0x7F, v6;
	v20 =	vld [tilespmem:s19+$0xFFFFFFD0];
	v17 =	vand.u32 $0xFFFFFE00, v15;
	v15 =	vshll.u32 v8, $0x2  }
0x9b: {  	v7 =	vand.u32 $0x7F, v7;
	v21 =	vld [tilespmem:s19+$0xFFFFFFE0];
	v18 =	vand.u32 $0xFFFFFE00, v15;
	v15 =	vshll.u32 v11, $0x2  }
0x9c: {  	s20 =	sadd.s32 $0x80, s20;
	v16 =	vand.u32 $0x7F, v12;
	v12 =	vshll.u32 v12, $0x2;
	v22 =	vand.u32 $0xFFFFFE00, v15;
	v23 =	vld.idx.msk [tilespmem:v10+s16+$0x0], $0xffff  }
0x9d: {  	v24 =	vand.u32 $0x7F, v8;
	v12 =	vand.u32 $0xFFFFFE00, v12;
	v8 =	vld [tilespmem:s20+$0x30];
	v15 =	vshll.u32 v13, $0x2  }
0x9e: {  	v26 =	vand.u32 $0x7F, v11;
	v11 =	vand.u32 $0x7F, v13;
	v25 =	vld [tilespmem:s19+$0xFFFFFFF0];
	v15 =	vand.u32 $0xFFFFFE00, v15  }
0x9f: {  	v14 =	vor.u32 v3, v14;
	v13 =	vor.u32 v16, v12;
	v27 =	vld [tilespmem:s19+$0x0];
	v11 =	vor.u32 v11, v15  }
0xa0: {  	v16 =	vor.u32 v6, v9;
	v6 =	vor.u32 $0x80, v10;
	v15 =	vor.u32 v5, v4;
	v5 =	vld [tilespmem:s19+$0x10]  }
0xa1: {  	v17 =	vor.u32 v7, v17;
	v12 =	vor.u32 v24, v18;
	v18 =	vor.u32 v26, v22;
	v7 =	vld [tilespmem:s19+$0x20]  }
0xa2: {  	v3 =	vshll.u32 v19, $0x2;
	v9 =	vshll.u32 v20, $0x2;
	v4 =	vld [tilespmem:s20+$0xFFFFFFC0];
	v22 =	vmul.f32 v23, v8  }
0xa3: {  	v24 =	vshll.u32 v21, $0x2;
	v23 =	vand.u32 $0xFFFFFE00, v3;
	v3 =	vld [tilespmem:s20+$0xFFFFFFD0];
	v26 =	vshll.u32 v25, $0x2  }
0xa4: {  	v9 =	vand.u32 $0xFFFFFE00, v9;
	v24 =	vand.u32 $0xFFFFFE00, v24;
	v28 =	vshll.u32 v27, $0x2;
	[tilespmem:v11+s11+$0x0] =	vst.idx.add.f32.msk $0xffff, v22  }
0xa5: {  	v22 =	vand.u32 $0xFFFFFE00, v26;
	v26 =	vand.u32 $0xFFFFFE00, v28;
	v28 =	vshll.u32 v5, $0x2;
	v6 =	vld.idx.msk [tilespmem:v6+s16+$0x0], $0xffff  }
0xa6: {  	v19 =	vand.u32 $0x7F, v19;
	v29 =	vld.idx.msk [tilespmem:v13+s16+$0x0], $0xffff;
	v28 =	vand.u32 $0xFFFFFE00, v28;
	v30 =	vshll.u32 v7, $0x2  }
0xa7: {  	v20 =	vand.u32 $0x7F, v20;
	v21 =	vand.u32 $0x7F, v21;
	v31 =	vld.idx.msk [tilespmem:v14+s16+$0x0], $0xffff;
	v30 =	vand.u32 $0xFFFFFE00, v30  }
0xa8: {  	v33 =	vor.u32 $0x80, v11;
	v25 =	vand.u32 $0x7F, v25;
	v27 =	vand.u32 $0x7F, v27;
	v32 =	vld.idx.msk [tilespmem:v15+s16+$0x0], $0xffff  }
0xa9: {  	v35 =	vor.u32 $0x100, v10;
	v5 =	vand.u32 $0x7F, v5;
	v7 =	vand.u32 $0x7F, v7;
	v34 =	vld.idx.msk [tilespmem:v16+s16+$0x0], $0xffff  }
0xaa: {  	v20 =	vor.u32 v20, v9;
	v21 =	vor.u32 v21, v24;
	v19 =	vor.u32 v19, v23;
	v23 =	vld.idx.msk [tilespmem:v17+s16+$0x0], $0xffff  }
0xab: {  	v22 =	vor.u32 v25, v22;
	v24 =	vor.u32 v27, v26;
	v6 =	vmul.f32 v6, v8;
	v25 =	vld.idx.msk [tilespmem:v12+s16+$0x0], $0xffff  }
0xac: {  	v27 =	vor.u32 v5, v28;
	v26 =	vmul.f32 v29, v4;
	v29 =	vor.u32 v7, v30;
	v28 =	vld.idx.msk [tilespmem:v18+s16+$0x0], $0xffff  }
0xad: {  	v36 =	vor.u32 $0x80, v14;
	v30 =	vor.u32 $0x80, v13;
	v31 =	vmul.f32 v31, v3;
	[tilespmem:v33+s11+$0x0] =	vst.idx.add.f32.msk $0xffff, v6  }
0xae: {  	v38 =	vor.u32 $0x80, v17;
	v37 =	vor.u32 $0x80, v16;
	v33 =	vor.u32 $0x80, v15;
	v35 =	vld.idx.msk [tilespmem:v35+s16+$0x0], $0xffff  }
0xaf: {  	v40 =	vor.u32 $0x80, v12;
	v41 =	vor.u32 $0x80, v18;
	v39 =	vor.u32 $0x80, v19;
	v5 =	vld [tilespmem:s20+$0xFFFFFFE0]  }
0xb0: {  	v42 =	vor.u32 $0x80, v20;
	v43 =	vor.u32 $0x80, v21;
	v44 =	vor.u32 $0x80, v22;
	v6 =	vld [tilespmem:s20+$0xFFFFFFF0]  }
0xb1: {  	v47 =	vor.u32 $0x100, v11;
	v45 =	vor.u32 $0x80, v24;
	v46 =	vor.u32 $0x80, v27;
	v7 =	vld [tilespmem:s20+$0x0]  }
0xb2: {  	v50 =	vor.u32 $0x180, v10;
	v48 =	vor.u32 $0x100, v13;
	v49 =	vor.u32 $0x80, v29;
	v9 =	vld [tilespmem:s20+$0x10]  }
0xb3: {  	v51 =	vor.u32 $0x100, v14;
	v53 =	vor.u32 $0x100, v16;
	v52 =	vor.u32 $0x100, v15;
	v10 =	vld [tilespmem:s20+$0x20]  }
0xb4: {  	v35 =	vmul.f32 v35, v8;
	[tilespmem:v19+s11+$0x0] =	vst.idx.add.f32.msk $0xffff, v26;
	v26 =	vmul.f32 v32, v5;
	v32 =	vor.u32 $0x100, v17  }
0xb5: {  	v54 =	vor.u32 $0x100, v18;
	[tilespmem:v20+s11+$0x0] =	vst.idx.add.f32.msk $0xffff, v31;
	v31 =	vmul.f32 v34, v6;
	v34 =	vor.u32 $0x100, v12  }
0xb6: {  	v56 =	vor.u32 $0x100, v20;
	v55 =	vor.u32 $0x100, v19;
	v23 =	vmul.f32 v23, v7;
	[tilespmem:v47+s11+$0x0] =	vst.idx.add.f32.msk $0xffff, v35  }
0xb7: {  	v35 =	vor.u32 $0x100, v21;
	v47 =	vor.u32 $0x100, v22;
	v25 =	vmul.f32 v25, v9;
	v50 =	vld.idx.msk [tilespmem:v50+s16+$0x0], $0xffff  }
0xb8: {  	v57 =	vor.u32 $0x100, v27;
	[tilespmem:v21+s11+$0x0] =	vst.idx.add.f32.msk $0xffff, v26;
	v26 =	vor.u32 $0x100, v24;
	v28 =	vmul.f32 v28, v10  }
0xb9: {  	v14 =	vor.u32 $0x180, v14;
	v13 =	vor.u32 $0x180, v13;
	[tilespmem:v22+s11+$0x0] =	vst.idx.add.f32.msk $0xffff, v31;
	v31 =	vor.u32 $0x100, v29  }
0xba: {  	v11 =	vor.u32 $0x180, v11;
	v16 =	vor.u32 $0x180, v16;
	v15 =	vor.u32 $0x180, v15;
	[tilespmem:v24+s11+$0x0] =	vst.idx.add.f32.msk $0xffff, v23  }
0xbb: {  	v18 =	vor.u32 $0x180, v18;
	v17 =	vor.u32 $0x180, v17;
	v12 =	vor.u32 $0x180, v12;
	[tilespmem:v27+s11+$0x0] =	vst.idx.add.f32.msk $0xffff, v25  }
0xbc: {  	v19 =	vor.u32 $0x180, v19;
	v20 =	vor.u32 $0x180, v20;
	v21 =	vor.u32 $0x180, v21;
	[tilespmem:v29+s11+$0x0] =	vst.idx.add.f32.msk $0xffff, v28  }
0xbd: {  	v22 =	vor.u32 $0x180, v22;
	v24 =	vor.u32 $0x180, v24;
	v8 =	vmul.f32 v50, v8;
	v23 =	vld.idx.msk [tilespmem:v30+s16+$0x0], $0xffff  }
0xbe: {  	v27 =	vor.u32 $0x180, v27;
	v28 =	vor.u32 $0x180, v29;
	v25 =	vld.idx.msk [tilespmem:v36+s16+$0x0], $0xffff  }
0xbf: {  	[tilespmem:v11+s11+$0x0] =	vst.idx.add.f32.msk $0xffff, v8  }
0xc0: {  	v8 =	vld.idx.msk [tilespmem:v33+s16+$0x0], $0xffff  }
0xc1: {  	v11 =	vld.idx.msk [tilespmem:v37+s16+$0x0], $0xffff  }
0xc2: {  	v29 =	vld.idx.msk [tilespmem:v38+s16+$0x0], $0xffff  }
0xc3: {  	v23 =	vmul.f32 v23, v4;
	v30 =	vld.idx.msk [tilespmem:v40+s16+$0x0], $0xffff  }
0xc4: {  	v25 =	vmul.f32 v25, v3;
	v33 =	vld.idx.msk [tilespmem:v41+s16+$0x0], $0xffff  }
0xc5: {  	[tilespmem:v39+s11+$0x0] =	vst.idx.add.f32.msk $0xffff, v23  }
0xc6: {  	v8 =	vmul.f32 v8, v5;
	[tilespmem:v42+s11+$0x0] =	vst.idx.add.f32.msk $0xffff, v25  }
0xc7: {  	v11 =	vmul.f32 v11, v6;
	v23 =	vld.idx.msk [tilespmem:v48+s16+$0x0], $0xffff  }
0xc8: {  	[tilespmem:v43+s11+$0x0] =	vst.idx.add.f32.msk $0xffff, v8;
	v8 =	vmul.f32 v29, v7  }
0xc9: {  	[tilespmem:v44+s11+$0x0] =	vst.idx.add.f32.msk $0xffff, v11;
	v11 =	vmul.f32 v30, v9  }
0xca: {  	[tilespmem:v45+s11+$0x0] =	vst.idx.add.f32.msk $0xffff, v8;
	v8 =	vmul.f32 v33, v10  }
0xcb: {  	[tilespmem:v46+s11+$0x0] =	vst.idx.add.f32.msk $0xffff, v11  }
0xcc: {  	[tilespmem:v49+s11+$0x0] =	vst.idx.add.f32.msk $0xffff, v8  }
0xcd: {  	v8 =	vmul.f32 v23, v4;
	v11 =	vld.idx.msk [tilespmem:v51+s16+$0x0], $0xffff  }
0xce: {  	v23 =	vld.idx.msk [tilespmem:v52+s16+$0x0], $0xffff  }
0xcf: {  	v25 =	vld.idx.msk [tilespmem:v53+s16+$0x0], $0xffff  }
0xd0: {  	v29 =	vld.idx.msk [tilespmem:v32+s16+$0x0], $0xffff  }
0xd1: {  	v30 =	vld.idx.msk [tilespmem:v34+s16+$0x0], $0xffff  }
0xd2: {  	v32 =	vld.idx.msk [tilespmem:v54+s16+$0x0], $0xffff  }
0xd3: {  	[tilespmem:v55+s11+$0x0] =	vst.idx.add.f32.msk $0xffff, v8;
	v8 =	vmul.f32 v11, v3  }
0xd4: {  	v11 =	vld.idx.msk [tilespmem:v13+s16+$0x0], $0xffff;
	v13 =	vmul.f32 v23, v5  }
0xd5: {  	[tilespmem:v56+s11+$0x0] =	vst.idx.add.f32.msk $0xffff, v8;
	v8 =	vmul.f32 v25, v6  }
0xd6: {  	[tilespmem:v35+s11+$0x0] =	vst.idx.add.f32.msk $0xffff, v13;
	v13 =	vmul.f32 v29, v7  }
0xd7: {  	[tilespmem:v47+s11+$0x0] =	vst.idx.add.f32.msk $0xffff, v8;
	v8 =	vmul.f32 v30, v9  }
0xd8: {  	[tilespmem:v26+s11+$0x0] =	vst.idx.add.f32.msk $0xffff, v13;
	v13 =	vmul.f32 v32, v10  }
0xd9: {  	[tilespmem:v57+s11+$0x0] =	vst.idx.add.f32.msk $0xffff, v8  }
0xda: {  	v4 =	vmul.f32 v11, v4;
	[tilespmem:v31+s11+$0x0] =	vst.idx.add.f32.msk $0xffff, v13  }
0xdb: {  	v8 =	vld.idx.msk [tilespmem:v14+s16+$0x0], $0xffff  }
0xdc: {  	v11 =	vld.idx.msk [tilespmem:v15+s16+$0x0], $0xffff  }
0xdd: {  	v13 =	vld.idx.msk [tilespmem:v16+s16+$0x0], $0xffff  }
0xde: {  	v14 =	vld.idx.msk [tilespmem:v17+s16+$0x0], $0xffff  }
0xdf: {  	v12 =	vld.idx.msk [tilespmem:v12+s16+$0x0], $0xffff  }
0xe0: {  	v15 =	vld.idx.msk [tilespmem:v18+s16+$0x0], $0xffff  }
0xe1: {  	v3 =	vmul.f32 v8, v3;
	[tilespmem:v19+s11+$0x0] =	vst.idx.add.f32.msk $0xffff, v4  }
0xe2: {  	v4 =	vmul.f32 v11, v5;
	[tilespmem:v1+s11+$0x0] =	vst.idx.add.f32.msk $0xffff, v2;
	v1 =	vmov v28  }
.Ltmp1:
0xe3: {  	v2 =	vmul.f32 v13, v6;
	[tilespmem:v20+s11+$0x0] =	vst.idx.add.f32.msk $0xffff, v3;
	(pc) =	sbr.rel @p0 .LBB2_5-.Ltmp1, $4  }
0xe4: {  	v3 =	vmul.f32 v14, v7;
	[tilespmem:v21+s11+$0x0] =	vst.idx.add.f32.msk $0xffff, v4  }
0xe5: {  	v4 =	vmul.f32 v12, v9;
	[tilespmem:v22+s11+$0x0] =	vst.idx.add.f32.msk $0xffff, v2  }
0xe6: {  	v2 =	vmul.f32 v15, v10;
	[tilespmem:v24+s11+$0x0] =	vst.idx.add.f32.msk $0xffff, v3  }
0xe7: {  	s22 =	sadd.s32 $0x80, s22;
	[tilespmem:v27+s11+$0x0] =	vst.idx.add.f32.msk $0xffff, v4  }
0xe8: {  	s18 =	sadd.s32 $0x1, s18  }
0xe9: {  	p0 =	sne.s32 s18, $0x4F  }
.Ltmp2:
0xea: {  	_ = 	snop;
	(pc) =	sbr.rel @p0 .LBB2_4-.Ltmp2, $2  }
0xeb: {  	_ =	sdelay $0x2  }
0xec: {  	[tilespmem:v1+s11+$0x0] =	vst.idx.add.f32.msk $0xffff, v2  }
0xed: {  	s17 =	sadd.s32 $0x1, s17  }
0xee: {  	p0 =	sne.s32 s17, s8  }
.Ltmp3:
0xef: {  	_ = 	snop;
	(pc) =	sbr.rel @p0 .LBB2_1-.Ltmp3, $4  }
0xf0: {  	[hbm4b:s7+s9] =	stream.strided.scatter [tilespmem:s11], [sflag:$0x2], $0xA000, s10, s9, $0x38;
	[tilespmem:$0x17000] =	vst v63  }
0xf1: {  	_ =	swait.ge [sflag:s13], $0xA000  }
0xf2: {  	[sflag:s13] =	ssyncset.done $0x0  }
0xf3: {  	[sflag:s13] =	ssyncadd.s32 $0xFFFF6000  }
0xf4: {  	_ =	sfence.sel $0x180000  }
0xf5: {  	[bflag:$0x0] =	sbarrier.arrive $0xFFFF  }
0xf6: {  	p0 =	sne.s32 s0, $0x0;
	_ =	strace $0x9000005C  }
0xf7: {  	s0 =	sadd.s32 @!p0 $0x100000, s1;
	[bflag:$0x2] =	sbarrier.arrive $0xFFFF  }
0xf8: {  	[sflag:s0] =	ssyncadd.tile.s32 @!p0 $0x1;
	_ =	shalt  }
.Lfunc_end2:
_tile_overlayer_lowered:
.L_overlay_start_2:
0xf9: {  	(tag) =	ssettag $0x2  }
0xfa: {  	s0 =	rddreg [dreg:$0x0];
	s2 =	stileid.u32  }
0xfb: {  	s1 =	rddreg [dreg:$0x1];
	p0 =	sne.s32 s2, $0x0  }
0xfc: {  	s3 =	rddreg [dreg:$0x2];
	[bflag:$0x3] =	sbarrier.arrive $0xFFFF;
	s2 =	simm.s32 @!p0 $0x1C02  }
0xfd: {  	[timem:s3], [sflag:s2] =	dma.local @!p0 [hbm:s0], s1  }
0xfe: {  	s0 =	simm.s32 @!p0 $0x2  }
0xff: {  	_ =	swait.ge @!p0 [sflag:s0], s1  }
0x100: {  	s1 =	ssub.s32 @!p0 $0x0, s1;
	[sflag:s0] =	ssyncset.done @!p0 $0x0  }
0x101: {  	[sflag:s0] =	ssyncadd.s32 @!p0 s1  }
0x102: {  	[bflag:$0x3] =	sbarrier.arrive $0xFFFF  }
0x103: {  	_ =	shalt  }

// kernel: kernel.38.cloned.1.call-start
scs
__scs_entry_jumppad:
0x0: {  	(pc) =	sbr.rel $0x88, $3  }
0x1: {  	(tag) =	ssettag $0x0;
	lr =	simm.s32 $0x1  }
0x2: {  	[smem:$0x3F97] =	sst lr;
	_ =	strace $0xD0000000  }
0x3: {  	_ = 	snop  }
0x4: {  	_ = 	snop  }
0x5: {  	_ = 	snop  }
0x6: {  	_ = 	snop  }
0x7: {  	_ = 	snop  }
__scs_overlays_trampoline_lowered:
0x8: {  	[smem:$0x3FA6] =	sst s0  }
0x9: {  	[smem:$0x3FA7] =	sst s1  }
0xa: {  	[smem:$0x3FA8] =	sst s2  }
0xb: {  	[smem:$0x3FA9] =	sst s3  }
0xc: {  	[smem:$0x3FAA] =	sst s4  }
0xd: {  	[smem:$0x3FAB] =	sst s5  }
0xe: {  	[smem:$0x3FAC] =	sst s6  }
0xf: {  	[smem:$0x3FAD] =	sst s7  }
0x10: {  	[smem:$0x3FAE] =	sst s8  }
0x11: {  	[smem:$0x3FAF] =	sst s9;
	s0 =	simm.s32 @!p0 $0x0  }
0x12: {  	s1 =	sld [smem:$0x3F95];
	s0 =	simm.s32 @p0 $0x1  }
0x13: {  	[smem:$0x3FB0] =	sst s0;
	s0 =	simm.s32 @!p1 $0x0  }
0x14: {  	s2 =	sld [smem:$0x3F94];
	s0 =	simm.s32 @p1 $0x1  }
0x15: {  	[smem:$0x3FB1] =	sst s0;
	s0 =	simm.s32 @!p2 $0x0  }
0x16: {  	s3 =	sld [smem:$0x3FDB];
	s0 =	simm.s32 @p2 $0x1  }
0x17: {  	s4 =	simm.s32 $0x1BF5;
	[smem:$0x3FB3] =	sst s0  }
0x18: {  	s0 =	sld [smem:$0x3F96];
	_ =	swait.ge [sflag:s4], $0x0  }
0x19: {  	s7 =	sld [smem:$0x3F97]  }
0x1a: {  	s8 =	sadd.s32 $0xFFFFE003, lr  }
0x1b: {  	s9 =	sadd.s32 $0xFFFFFEF7, lr;
	s5 =	simm.s32 $0xFFFFFFFF;
	p2 =	slt.u32 s8, $0xFFFFF086  }
0x1c: {  	p1 =	slt.u32 s9, $0xF7A;
	s5 =	simm.s32 @!p2 $0x0  }
0x1d: {  	s5 =	simm.s32 @p1 $0x1;
	p0 =	seq.s32 s7, s2  }
0x1e: {  	s7 =	smul.u32 @!p0 $0xF7A, s2;
	p2 =	seq.s32 @!p0 s5, $0x0  }
0x1f: {  	s9 =	smul.u32 $0xF7A, s1;
	s8 =	simm.s32 @!p0 $0x1BF5;
	p2 =	por !p2, p0  }
0x20: {  	[sflag:s8] =	ssyncset.s32 @!p0 $0xFFFFF086;
	s6 =	sadd.s32 @!p0 s3, s7;
	s7 =	simm.s32 @!p0 $0x108  }
0x21: {  	s3 =	sadd.s32 s3, s9;
	s6 =	sadd.s32 @!p0 $0x88, s6;
	s7 =	simm.s32 @p2 $0x1082  }
0x22: {  	[simem:s7], [sflag:s8] =	dma.local @!p0 [hbm:s6], $0xF7A  }
0x23: {  	s9 =	sor.u32 $0xD0000000, s2;
	s6 =	simm.s32 $0x108;
	_ =	swait.ge @!p0 [sflag:s8], $0x0  }
0x24: {  	s3 =	sadd.s32 $0x88, s3;
	s6 =	simm.s32 @!p1 $0x1082;
	[sflag:s4] =	ssyncset.s32 $0xFFFFF086  }
0x25: {  	[simem:s6], [sflag:s4] =	dma.local [hbm:s3], $0xF7A  }
0x26: {  	[smem:$0x3F97] =	sst s1;
	(tag) =	ssettag s2;
	_ =	strace s9  }
0x27: {  	s1 =	sld [smem:$0x3FA7]  }
0x28: {  	s2 =	sld [smem:$0x3FA8]  }
0x29: {  	s4 =	sld [smem:$0x3FAA]  }
0x2a: {  	p0 =	seq.s32 s5, $0x0;
	s5 =	sld [smem:$0x3FAB]  }
0x2b: {  	s6 =	sld [smem:$0x3FAC]  }
0x2c: {  	s7 =	sld [smem:$0x3FAD]  }
0x2d: {  	s3 =	simm.s32 $0x108;
	s8 =	sld [smem:$0x3FAE]  }
0x2e: {  	s3 =	simm.s32 @!p0 $0x1082;
	s9 =	sld [smem:$0x3FAF]  }
0x2f: {  	lr =	sadd.s32 s0, s3;
	s0 =	sld [smem:$0x3FA6]  }
0x30: {  	s3 =	sld [smem:$0x3FA9]  }
0x31: {  	[smem:$0x3FB2] =	sst s10  }
0x32: {  	s10 =	sld [smem:$0x3FB0];
	_ =	sdelay $0x3  }
0x33: {  	p0 =	seq.s32 s10, $0x1;
	s10 =	sld [smem:$0x3FB2];
	_ =	sdelay $0x3  }
0x34: {  	[smem:$0x3FB2] =	sst s10  }
0x35: {  	s10 =	sld [smem:$0x3FB1];
	_ =	sdelay $0x3  }
0x36: {  	p1 =	seq.s32 s10, $0x1;
	s10 =	sld [smem:$0x3FB2];
	_ =	sdelay $0x3  }
0x37: {  	[smem:$0x3FB2] =	sst s10  }
0x38: {  	s10 =	sld [smem:$0x3FB3]  }
0x39: {  	_ = 	snop;
	(pc) =	sbr.ind lr, $3  }
0x3a: {  	_ = 	snop  }
0x3b: {  	_ = 	snop  }
0x3c: {  	p2 =	seq.s32 s10, $0x1;
	s10 =	sld [smem:$0x3FB2]  }
0x3d: {  	_ =	shalt  }
0x3e: {  	_ =	shalt  }
0x3f: {  	_ =	shalt  }
0x40: {  	_ =	shalt  }
0x41: {  	_ =	shalt  }
0x42: {  	_ =	shalt  }
0x43: {  	_ =	shalt  }
0x44: {  	_ =	shalt  }
0x45: {  	_ =	shalt  }
0x46: {  	_ =	shalt  }
0x47: {  	_ =	shalt  }
0x48: {  	_ =	shalt  }
0x49: {  	_ =	shalt  }
0x4a: {  	_ =	shalt  }
0x4b: {  	_ =	shalt  }
0x4c: {  	_ =	shalt  }
0x4d: {  	_ =	shalt  }
0x4e: {  	_ =	shalt  }
0x4f: {  	_ =	shalt  }
0x50: {  	_ =	shalt  }
0x51: {  	_ =	shalt  }
0x52: {  	_ =	shalt  }
0x53: {  	_ =	shalt  }
0x54: {  	_ =	shalt  }
0x55: {  	_ =	shalt  }
0x56: {  	_ =	shalt  }
0x57: {  	_ =	shalt  }
0x58: {  	_ =	shalt  }
0x59: {  	_ =	shalt  }
0x5a: {  	_ =	shalt  }
0x5b: {  	_ =	shalt  }
0x5c: {  	_ =	shalt  }
0x5d: {  	_ =	shalt  }
0x5e: {  	_ =	shalt  }
0x5f: {  	_ =	shalt  }
0x60: {  	_ =	shalt  }
0x61: {  	_ =	shalt  }
0x62: {  	_ =	shalt  }
0x63: {  	_ =	shalt  }
0x64: {  	_ =	shalt  }
0x65: {  	_ =	shalt  }
0x66: {  	_ =	shalt  }
0x67: {  	_ =	shalt  }
0x68: {  	_ =	shalt  }
0x69: {  	_ =	shalt  }
0x6a: {  	_ =	shalt  }
0x6b: {  	_ =	shalt  }
0x6c: {  	_ =	shalt  }
0x6d: {  	_ =	shalt  }
0x6e: {  	_ =	shalt  }
0x6f: {  	_ =	shalt  }
0x70: {  	_ =	shalt  }
0x71: {  	_ =	shalt  }
0x72: {  	_ =	shalt  }
0x73: {  	_ =	shalt  }
0x74: {  	_ =	shalt  }
0x75: {  	_ =	shalt  }
0x76: {  	_ =	shalt  }
0x77: {  	_ =	shalt  }
0x78: {  	_ =	shalt  }
0x79: {  	_ =	shalt  }
0x7a: {  	_ =	shalt  }
0x7b: {  	_ =	shalt  }
0x7c: {  	_ =	shalt  }
0x7d: {  	_ =	shalt  }
0x7e: {  	_ =	shalt  }
0x7f: {  	_ =	shalt  }
0x80: {  	_ =	shalt  }
0x81: {  	_ =	shalt  }
0x82: {  	_ =	shalt  }
0x83: {  	_ =	shalt  }
0x84: {  	_ =	shalt  }
0x85: {  	_ =	shalt  }
0x86: {  	_ =	shalt  }
0x87: {  	_ =	shalt  }
.Lfunc_end0:
.L_simem_size_0:
called_computation.7_lowered:
.L_overlay_start_0:
0x88: {  	s2 =	sld [smem:$0x3FD9]  }
0x89: {  	s3 =	sld [smem:$0x3FFE];
	_ =	sdelay $0x1  }
0x8a: {  	s1 =	srdreg.scid  }
0x8b: {  	s0 =	sand.u32 $0x1, s1  }
0x8c: {  	s17 =	sshll.u32 s0, $0xA;
	s2 =	sadd.s32 s3, s2  }
0x8d: {  	s2 =	sadd.s32 s2, s17  }
0x8e: {  	[smem:$0x3FBE] =	sst s2  }
0x8f: {  	_ = 	snop  }
0x90: {  	s2 =	sld [smem:$0x3FD0];
	(tm) =	ssettm $0x1  }
0x91: {  	s18 =	sld [smem:$0x3FFB];
	_ =	sdelay $0x3  }
0x92: {  	_ =	strace s18  }
0x93: {  	s3 =	sld [smem:$0x3FFC];
	_ =	sdelay $0x3  }
0x94: {  	_ =	strace s3  }
0x95: {  	s3 =	sld [smem:$0x3FFD];
	_ =	sdelay $0x3  }
0x96: {  	_ =	strace s3  }
0x97: {  	_ =	strace $0x8FFFFFFF  }
0x98: {  	s19 =	sld [smem:$0x3FDB];
	_ =	sdelay $0x1  }
0x99: {  	s4 =	simm.s32 $_scs_section_size  }
0x9a: {  	s5 =	simm.s32 $_size__tile_overlayer_lowered;
	s6 =	simm.s32 $_tile_overlayer_lowered  }
0x9b: {  	s22 =	simm.s32 $0x1BFF;
	s21 =	sshll.u32 s6, $0x1;
	s3 =	sadd.s32 s4, s19  }
0x9c: {  	s7 =	simm.s32 $0x0;
	s20 =	sshll.u32 s5, $0x1;
	s5 =	sadd.s32 s21, s3  }
0x9d: {  	[timem:s7], [sflag:s22] =	dma.local [hbm:s5], s20  }
0x9e: {  	_ =	swait.ge [sflag:s22], s20  }
0x9f: {  	s4 =	ssub.s32 $0x0, s20;
	[sflag:s22] =	ssyncset.done $0x0  }
0xa0: {  	[sflag:s22] =	ssyncadd.s32 s4;
	_ =	sdelay $0x1  }
0xa1: {  	s23 =	simm.s32 $0x1B8B  }
0xa2: {  	_ =	swait.ge [sflag:s23], $0x1  }
0xa3: {  	[sflag:s23] =	ssyncset.done $0x0  }
0xa4: {  	s25 =	simm.s32 $0x1B8E;
	s24 =	sld [smem:$0x3FFE];
	[sflag:s23] =	ssyncadd.s32 $0xFFFFFFFF  }
0xa5: {  	s26 =	simm.s32 $execute0_lowered;
	[smem:$0x3FD2] =	sst s25  }
0xa6: {  	s5 =	sshll.u32 s26, $0x1;
	_ =	strace $0x80000058;
	[dreg:$0x1] =	wrdreg $0xFFFFFFFF  }
0xa7: {  	s28 =	simm.s32 $_size_execute0_lowered;
	s3 =	sadd.s32 s3, s5;
	[dreg:$0x0] =	wrdreg $0x0  }
0xa8: {  	s5 =	sshll.u32 s28, $0x1;
	[dreg:$0x2] =	wrdreg s3  }
0xa9: {  	[dreg:$0x3] =	wrdreg s5  }
0xaa: {  	[dreg:$0x4] =	wrdreg $0xC0  }
0xab: {  	_ =	task [dreg:s7], $0x5FFFF  }
0xac: {  	[dreg:$0x1] =	wrdreg $0xFFFFFFFF  }
0xad: {  	[dreg:$0x0] =	wrdreg $0x60  }
0xae: {  	[dreg:$0x2] =	wrdreg s24  }
0xaf: {  	[dreg:$0x3] =	wrdreg s2  }
0xb0: {  	[dreg:$0x4] =	wrdreg $0xA  }
0xb1: {  	_ =	task.clear_ibuf [dreg:s7], $0x5FFFF;
	_ =	strace $0x90000058  }
0xb2: {  	s29 =	simm.s32 $0xA;
	_ =	strace $0x8000005A  }
0xb3: {  	_ =	swait.ge [sflag:s29], $0x1  }
0xb4: {  	[sflag:s29] =	ssyncadd.s32 $0xFFFFFFFF  }
0xb5: {  	_ =	strace $0x9000005A  }
0xb6: {  	_ =	sfence  }
0xb7: {  	s30 =	sld [smem:$0x0];
	_ =	sdelay $0x2  }
0xb8: {  	s31 =	sshll.u32 s1, $0xD;
	s1 =	sshrl.u32 s1, $0x2  }
0xb9: {  	s3 =	sand.u32 $0x4000, s31;
	s1 =	sadd.s32 s1, s30  }
0xba: {  	s0 =	sor.u32 s3, s0;
	s1 =	sshll.u32 s1, $0x11  }
0xbb: {  	s0 =	sor.u32 s1, s0  }
0xbc: {  	s0 =	sadd.s32 $0x8F2B, s0  }
0xbd: {  	[sflag:s0] =	ssyncadd.remote.s32 $0x1  }
0xbe: {  	_ =	sfence.sel $0xFFFF  }
0xbf: {  	[dreg:$0x0] =	wrdreg $0xFFFFFFFF;
	(pc) =	sbr.abs _section_cstart, $3  }
0xc0: {  	[dreg:$0x1] =	wrdreg $0xFFFFFFFF  }
0xc1: {  	_ =	task.clear_ibuf [dreg:s7], $0x2FFFF;
	_ =	strace $0x9FFFFFFF  }
0xc2: {  	(tm) =	ssettm $0x7FFFFFFF  }
0xc3: {  	_ =	shalt  }
tec
execute0_lowered:
.L_overlay_start_1:
0x0: {  	(tag) =	ssettag $0x1  }
0x1: {  	s4 =	rddreg [dreg:$0x0]  }
0x2: {  	s0 =	srdreg.scid;
	s5 =	rddreg [dreg:$0x1];
	s2 =	simm.s32 $0x0  }
0x3: {  	s10 =	simm.s32 $0x80;
	s11 =	simm.s32 $0x400;
	s3 =	sand.u32 $0x1, s0  }
0x4: {  	s0 =	stileid.u32;
	[smem:$0x7FF] =	sst s2;
	s1 =	sshll.u32 s3, $0x4  }
0x5: {  	s8 =	sshll.u32 s0, $0x7;
	s3 =	ssub.s32 $0x2, s3;
	s6 =	sor.u32 s0, s1  }
0x6: {  	s1 =	rddreg [dreg:$0x2];
	s7 =	sshrl.u32 s6, $0x3;
	s6 =	smul.u32 $0x4F0, s6  }
0x7: {  	s8 =	sand.u32 $0x380, s8;
	s9 =	sshrl.u32 s3, $0x1;
	s7 =	smul.u32 $0x14000, s7  }
0x8: {  	_ =	strace $0x80000059;
	s31 =	ssub.s32 s3, s9;
	s9 =	simm.s32 $0x4F00  }
0x9: {  	s4 =	sadd.s32 s6, s4;
	s6 =	smax.u32 s31, $0x1;
	s7 =	sor.u32 s8, s7  }
0xa: {  	s3 =	sadd.s32 $0x5800, s4;
	s4 =	sadd.s32 $0x19400, s4;
	s7 =	sshrl.u32 s7, $0x3  }
0xb: {  	v0 =	vimm.f32 $0.0e+00;
	s8 =	simm.s32 $0x2780;
	s5 =	sadd.s32 s5, s7;
	s7 =	simm.s32 $0x1  }
.LBB2_1:
0xc: {  	s12 =	simm.s32 $0x40;
	s13 =	simm.s32 $0x0  }
.LBB2_2:
0xd: {  	p0 =	sne.s32 s12, $0x9FC0;
	[tilespmem:s13+$0x4F00] =	vst v0;
	s13 =	smov.u32 s12;
	s12 =	sadd.s32 $0x40, s12  }
.Ltmp0:
0xe: {  	(pc) =	sbr.rel @p0 .LBB2_2-.Ltmp0, $2  }
0xf: {  	_ =	sdelay $0x2  }
0x10: {  	s13 =	sshra.s32 s13, $0x2  }
0x11: {  	[tilespmem:s13+$0x4F00] =	vst v0;
	s12 =	simm.s32 $0x0  }
0x12: {  	[tilespmem:s12], [sflag:$0x1] =	stream.linear.gather [hbm4b:s3+s12], $0x2780, $0x38;
	[tilespmem:$0x7700] =	vst v63  }
0x13: {  	_ =	swait.ge [sflag:s7], $0x2780  }
0x14: {  	[sflag:s7] =	ssyncset.done $0x0  }
0x15: {  	[sflag:s7] =	ssyncadd.s32 $0xFFFFD880  }
0x16: {  	[tilespmem:s8], [sflag:$0x1] =	stream.linear.gather [hbm4b:s4+s12], $0x2780, $0x38;
	[tilespmem:$0x7700] =	vst v63  }
0x17: {  	_ =	swait.ge [sflag:s7], $0x2780  }
0x18: {  	[sflag:s7] =	ssyncset.done $0x0  }
0x19: {  	s13 =	simm.s32 $0x0;
	s12 =	simm.s32 $0x40;
	[sflag:s7] =	ssyncadd.s32 $0xFFFFD880  }
.LBB2_4:
0x1a: {  	p0 =	sne.s32 s12, $0x9DC0;
	v1 =	vld [tilespmem:s13+$0x0];
	_ =	sdelay $0x2  }
0x1b: {  	v2 =	vld [tilespmem:s13+$0x2780]  }
.Ltmp1:
0x1c: {  	(pc) =	sbr.rel @p0 .LBB2_4-.Ltmp1, $2  }
0x1d: {  	_ =	sdelay $0x2  }
0x1e: {  	s13 =	sshra.s32 s12, $0x2;
	s12 =	sadd.s32 $0x40, s12;
	[tilespmem:v1+s9+$0x0] =	vst.idx.add.f32.msk $0xffff, v2  }
0x1f: {  	v1 =	vld [tilespmem:s13+$0x0];
	_ =	sdelay $0x2  }
0x20: {  	v2 =	vld [tilespmem:s13+$0x2780];
	_ =	sdelay $0x2  }
0x21: {  	s2 =	sadd.s32 $0x1, s2  }
0x22: {  	p0 =	sne.s32 s2, s6  }
.Ltmp2:
0x23: {  	[tilespmem:v1+s9+$0x0] =	vst.idx.add.f32.msk $0xffff, v2;
	(pc) =	sbr.rel @p0 .LBB2_1-.Ltmp2, $4  }
0x24: {  	[hbm4b:s5+s10] =	stream.strided.scatter [tilespmem:s9], [sflag:$0x1], $0x2800, s11, s10, $0x38;
	[tilespmem:$0x7700] =	vst v63  }
0x25: {  	_ =	swait.ge [sflag:s7], $0x2800  }
0x26: {  	[sflag:s7] =	ssyncset.done $0x0  }
0x27: {  	[sflag:s7] =	ssyncadd.s32 $0xFFFFD800  }
0x28: {  	_ =	sfence.sel $0x180000  }
0x29: {  	[bflag:$0x0] =	sbarrier.arrive $0xFFFF  }
0x2a: {  	p0 =	sne.s32 s0, $0x0;
	_ =	strace $0x90000059  }
0x2b: {  	s0 =	sadd.s32 @!p0 $0x100000, s1;
	[bflag:$0x2] =	sbarrier.arrive $0xFFFF  }
0x2c: {  	[sflag:s0] =	ssyncadd.tile.s32 @!p0 $0x1;
	_ =	shalt  }
.Lfunc_end2:
_tile_overlayer_lowered:
.L_overlay_start_2:
0x2d: {  	(tag) =	ssettag $0x2  }
0x2e: {  	s0 =	rddreg [dreg:$0x0];
	s2 =	stileid.u32  }
0x2f: {  	s1 =	rddreg [dreg:$0x1];
	p0 =	sne.s32 s2, $0x0  }
0x30: {  	s3 =	rddreg [dreg:$0x2];
	[bflag:$0x3] =	sbarrier.arrive $0xFFFF;
	s2 =	simm.s32 @!p0 $0x1C01  }
0x31: {  	[timem:s3], [sflag:s2] =	dma.local @!p0 [hbm:s0], s1  }
0x32: {  	s0 =	simm.s32 @!p0 $0x1  }
0x33: {  	_ =	swait.ge @!p0 [sflag:s0], s1  }
0x34: {  	s1 =	ssub.s32 @!p0 $0x0, s1;
	[sflag:s0] =	ssyncset.done @!p0 $0x0  }
0x35: {  	[sflag:s0] =	ssyncadd.s32 @!p0 s1  }
0x36: {  	[bflag:$0x3] =	sbarrier.arrive $0xFFFF  }
0x37: {  	_ =	shalt  }

</sc_bundles>
